<compile_context>
chip_gen: v7x
topology: tpu7x:2x2x1
jax: 0.10.2.dev20260603
libtpu: 0.0.44.dev20260713+nightly
codegen_flags: <defaults>
</compile_context>

<pallas_src>
import functools

import jax
import jax.numpy as jnp
from jax import lax
from jax.experimental import pallas as pl
from jax.experimental.pallas import tpu as pltpu
from jax.experimental.pallas import tpu_sc as plsc

N = 10000
E = 320000
D_IN = 128
D_HID = 128
D_OUT = 64
K = 10
ALPHA = 0.1
BN_EPS = 1e-5

NC = 2
NS = 16
L = 16

HD = D_OUT // NC
CHUNK = 128

NBUF = 4
NCH = 160
EPT = NCH * CHUNK
E_PAD_PROP = NS * EPT
NGRP = NCH // NBUF

DCH = -(-E // (NC * NS * CHUNK))
DPT = DCH * CHUNK
E_PAD_DEG = NC * NS * DPT

NP_ = 10240
RPT = NP_ // NS
UCH = 128
USUB = RPT // UCH
DHW = 3 * L

@functools.cache
def _sc_kernels():
    mesh = plsc.VectorSubcoreMesh(core_axis_name="c", subcore_axis_name="s",
                                  num_cores=NC)

    deg_kernel = functools.partial(
        pl.kernel,
        out_type=jax.ShapeDtypeStruct((NC, NP_, L), jnp.float32),
        mesh=mesh,
        compiler_params=pltpu.CompilerParams(use_tc_tiling_on_sc=False),
        scratch_types=[
            pltpu.VMEM_SHARED((NP_, L), jnp.float32),
            pltpu.VMEM((DCH, CHUNK), jnp.int32),
            pltpu.VMEM((CHUNK, L), jnp.float32),
            pltpu.VMEM((RPT, L), jnp.float32),
        ],
    )(_deg_body)

    prop_kernel = functools.partial(
        pl.kernel,
        out_type=[jax.ShapeDtypeStruct((NC * NP_, HD), jnp.float32),
                  jax.ShapeDtypeStruct((NC * NP_, DHW), jnp.float32)],
        mesh=mesh,
        compiler_params=pltpu.CompilerParams(use_tc_tiling_on_sc=False,
                                             needs_layout_passes=False),
        scratch_types=[
            pltpu.VMEM_SHARED((NP_, HD), jnp.float32),
            pltpu.VMEM_SHARED((NP_, HD), jnp.float32),
            pltpu.VMEM((NCH, CHUNK), jnp.int32),
            pltpu.VMEM((NCH, CHUNK), jnp.int32),
            pltpu.VMEM((2 * NBUF, CHUNK, HD), jnp.float32),
            pltpu.VMEM((UCH, DHW), jnp.float32),
            pltpu.VMEM((UCH, L), jnp.float32),
            pltpu.VMEM((UCH, L), jnp.float32),
            pltpu.SemaphoreType.DMA((2 * NBUF,)),
            pltpu.SemaphoreType.DMA((2 * NBUF,)),
        ],
    )(_prop_body)

    return deg_kernel, prop_kernel


def _deg_body(dst_hbm, deg_out, cnt_sh, idx_v, ones_v, zero_v):
    c = lax.axis_index("c")
    s = lax.axis_index("s")
    row0 = s * RPT

    pltpu.sync_copy(dst_hbm.at[c, s], idx_v)

    def fill(r, _):
        ones_v[r, pl.ds(0, L)] = jnp.full((L,), 1.0, jnp.float32)
        return 0
    lax.fori_loop(0, CHUNK, fill, 0)

    def zfill(r, _):
        zero_v[r, pl.ds(0, L)] = jnp.zeros((L,), jnp.float32)
        return 0
    lax.fori_loop(0, RPT, zfill, 0)

    pltpu.sync_copy(zero_v, cnt_sh.at[pl.ds(row0, RPT)])
    plsc.subcore_barrier()

    def body(j, _):
        pltpu.sync_copy(ones_v, cnt_sh.at[idx_v.at[j]], add=True)
        return 0
    lax.fori_loop(0, DCH, body, 0)

    plsc.subcore_barrier()
    pltpu.sync_copy(cnt_sh.at[pl.ds(row0, RPT)],
                    deg_out.at[c, pl.ds(row0, RPT)])


def _mlp_body(x_ref, w1_ref, b1_ref, g_ref, bt_ref, mu_ref, var_ref,
              w2_ref, b2_ref, h_ref):
    x = x_ref[...]
    h = jnp.dot(x, w1_ref[...], preferred_element_type=jnp.float32)
    h = h + b1_ref[...][None, :]
    scale = g_ref[...] * lax.rsqrt(var_ref[...] + BN_EPS)
    h = (h - mu_ref[...][None, :]) * scale[None, :] + bt_ref[...][None, :]
    h = jnp.maximum(h, 0.0)
    h = jnp.dot(h, w2_ref[...], preferred_element_type=jnp.float32)
    h = h + b2_ref[...][None, :]
    for c in range(NC):
        h_ref[c] = h[:, c * HD:(c + 1) * HD]


_mlp = pl.pallas_call(
    _mlp_body,
    out_shape=jax.ShapeDtypeStruct((NC, NP_, HD), jnp.float32),
    compiler_params=pltpu.CompilerParams(vmem_limit_bytes=100 * 1024 * 1024),
)


def _prop_body(h_hbm, degc_hbm, src_hbm, dst_hbm, u_hbm, dh_hbm,
               agg_sh, u_sh, src_v, dst_v, gbuf, dhbuf, deg0, deg1,
               gsem, ssem):
    c = lax.axis_index("c")
    s = lax.axis_index("s")
    row0 = s * RPT
    gbase = c * NP_

    pltpu.sync_copy(src_hbm.at[s], src_v)
    pltpu.sync_copy(dst_hbm.at[s], dst_v)

    abuf = gbuf.at[1]
    ubuf = gbuf.at[2]
    zbuf = gbuf.at[3]

    def zfill(r, _):
        zbuf[r, pl.ds(0, L)] = jnp.zeros((L,), jnp.float32)
        zbuf[r, pl.ds(L, L)] = jnp.zeros((L,), jnp.float32)
        return 0
    lax.fori_loop(0, UCH, zfill, 0)

    magic = jnp.full((L,), 0x5F3759DF, jnp.int32)
    half3 = jnp.full((L,), 1.5, jnp.float32)
    for t in range(USUB):
        r0 = row0 + t * UCH
        pltpu.sync_copy(degc_hbm.at[0, pl.ds(r0, UCH)], deg0)
        pltpu.sync_copy(degc_hbm.at[1, pl.ds(r0, UCH)], deg1)
        pltpu.sync_copy(h_hbm.at[pl.ds(gbase + r0, UCH)], ubuf)

        def prow(r, _):
            deg = deg0[r, pl.ds(0, L)] + deg1[r, pl.ds(0, L)] + 1.0
            yi = magic - lax.shift_right_arithmetic(
                plsc.bitcast(deg, jnp.int32), 1)
            y = plsc.bitcast(yi, jnp.float32)
            hdeg = 0.5 * deg
            for _ in range(4):
                y = y * (half3 - hdeg * y * y)
            dhbuf[r, pl.ds(0, L)] = (1.0 - ALPHA) / deg
            for h0 in (0, L):
                hv = ubuf[r, pl.ds(h0, L)]
                dhbuf[r, pl.ds(L + h0, L)] = ALPHA * y * hv
                ubuf[r, pl.ds(h0, L)] = y * hv
            return 0
        lax.fori_loop(0, UCH, prow, 0)

        pltpu.sync_copy(ubuf, u_sh.at[pl.ds(r0, UCH)])
        pltpu.sync_copy(dhbuf, dh_hbm.at[pl.ds(gbase + r0, UCH)])
        pltpu.sync_copy(zbuf, agg_sh.at[pl.ds(r0, UCH)])
    plsc.subcore_barrier()

    def g_start(i, j):
        pltpu.async_copy(u_sh.at[src_v.at[j]], gbuf.at[i], gsem.at[i])

    def g_wait(i, j):
        pltpu.make_async_copy(u_sh.at[src_v.at[j]], gbuf.at[i],
                              gsem.at[i]).wait()

    def s_start(i, j):
        pltpu.async_copy(gbuf.at[i], agg_sh.at[dst_v.at[j]], ssem.at[i],
                         add=True)

    def s_wait(i, j):
        pltpu.make_async_copy(gbuf.at[i], agg_sh.at[dst_v.at[j]],
                              ssem.at[i]).wait()

    def run_group(g, p, fire_next):
        if fire_next:
            for b in range(NBUF):
                g_start((1 - p) * NBUF + b, (g + 1) * NBUF + b)
        for b in range(NBUF):
            g_wait(p * NBUF + b, g * NBUF + b)
            s_start(p * NBUF + b, g * NBUF + b)
        for b in range(NBUF):
            s_wait(p * NBUF + b, g * NBUF + b)

    def iter_body(k, _):
        for b in range(NBUF):
            g_start(b, b)
        def dgroup(t, _):
            run_group(2 * t, 0, True)
            run_group(2 * t + 1, 1, True)
            return 0
        lax.fori_loop(0, NGRP // 2 - 1, dgroup, 0)
        run_group(NGRP - 2, 0, True)
        run_group(NGRP - 1, 1, False)
        plsc.subcore_barrier()

        lax.fori_loop(0, UCH, zfill, 0)
        for t in range(USUB):
            r0 = row0 + t * UCH
            pltpu.sync_copy(agg_sh.at[pl.ds(r0, UCH)], abuf)
            pltpu.sync_copy(u_sh.at[pl.ds(r0, UCH)], ubuf)
            pltpu.sync_copy(dh_hbm.at[pl.ds(gbase + r0, UCH)], dhbuf)

            def row_body(r, _):
                d = dhbuf[r, pl.ds(0, L)]
                for h0 in (0, L):
                    a = abuf[r, pl.ds(h0, L)]
                    uu = ubuf[r, pl.ds(h0, L)]
                    hv = dhbuf[r, pl.ds(L + h0, L)]
                    ubuf[r, pl.ds(h0, L)] = d * (a + uu) + hv
                return 0
            lax.fori_loop(0, UCH, row_body, 0)

            pltpu.sync_copy(ubuf, u_sh.at[pl.ds(r0, UCH)])
            pltpu.sync_copy(zbuf, agg_sh.at[pl.ds(r0, UCH)])
        plsc.subcore_barrier()
        return 0
    lax.fori_loop(0, K, iter_body, 0)

    for t in range(USUB):
        r0 = row0 + t * UCH
        pltpu.sync_copy(u_sh.at[pl.ds(r0, UCH)],
                        u_hbm.at[pl.ds(gbase + r0, UCH)])


def _final_body(u_ref, degc_ref, out_ref):
    z = jnp.concatenate([u_ref[0, 0:N, :], u_ref[1, 0:N, :]], axis=1)
    deg = degc_ref[0, 0:N, 0:1] + degc_ref[1, 0:N, 0:1] + 1.0
    z = z * jnp.sqrt(deg)
    m = jnp.max(z, axis=1, keepdims=True)
    e = jnp.exp(z - m)
    ssum = jnp.sum(e, axis=1, keepdims=True)
    out_ref[...] = z - m - jnp.log(ssum)


_final = pl.pallas_call(
    _final_body,
    out_shape=jax.ShapeDtypeStruct((N, D_OUT), jnp.float32),
)


def kernel(x, edge_index, W1, b1, bn_gamma, bn_beta, bn_mean, bn_var, W2, b2):
    src = edge_index[0].astype(jnp.int32)
    dst = edge_index[1].astype(jnp.int32)

    pad_d = jnp.full((E_PAD_DEG - E,), N, jnp.int32)
    dsti = jnp.concatenate([dst, pad_d]).reshape(NC, NS, DCH, CHUNK)

    pad_p = jnp.full((E_PAD_PROP - E,), N, jnp.int32)
    srcp = jnp.concatenate([src, pad_p]).reshape(NS, NCH, CHUNK)
    dstp = jnp.concatenate([dst, pad_p]).reshape(NS, NCH, CHUNK)

    x_pad = jnp.pad(x, ((0, NP_ - N), (0, 0)))

    deg_kernel, prop_kernel = _sc_kernels()
    degc = deg_kernel(dsti)
    h2 = _mlp(x_pad, W1, b1, bn_gamma, bn_beta, bn_mean, bn_var, W2, b2)
    u, _ = prop_kernel(h2.reshape(NC * NP_, HD), degc, srcp, dstp)
    return _final(u.reshape(NC, NP_, HD), degc)

# --- scband reference (transcript-rebuilt; emitter-appended) ---
"""Pipeline reference for scband-gprgnnnet1-22694607192493 (READ-ONLY COPY).

The authoritative reference and input builder live on the scoring server;
editing this copy changes nothing except your own understanding.
"""

import jax, jax.numpy as jnp
import numpy as np

N = 10000
E = 320000
D_IN = 128
D_HID = 128
D_OUT = 64
K = 10
ALPHA = 0.1
BN_EPS = 1e-5


def setup_inputs(seed: int = 0) -> dict:
    key = jax.random.key(seed)
    ks = jax.random.split(key, 8)
    x = jax.random.normal(ks[0], (N, D_IN), dtype=jnp.float32)
    edge_index = jax.random.randint(ks[1], (2, E), 0, N, dtype=jnp.int32)
    W1 = jax.random.normal(ks[2], (D_IN, D_HID), dtype=jnp.float32) * (1.0 / np.sqrt(D_IN))
    b1 = jnp.zeros((D_HID,), dtype=jnp.float32)
    bn_gamma = jnp.ones((D_HID,), dtype=jnp.float32)
    bn_beta = jnp.zeros((D_HID,), dtype=jnp.float32)
    bn_mean = jnp.zeros((D_HID,), dtype=jnp.float32)
    bn_var = jnp.ones((D_HID,), dtype=jnp.float32)
    W2 = jax.random.normal(ks[3], (D_HID, D_OUT), dtype=jnp.float32) * (1.0 / np.sqrt(D_HID))
    b2 = jnp.zeros((D_OUT,), dtype=jnp.float32)
    return {"x": x, "edge_index": edge_index, "W1": W1, "b1": b1, "bn_gamma": bn_gamma, "bn_beta": bn_beta, "bn_mean": bn_mean, "bn_var": bn_var, "W2": W2, "b2": b2}


def reference(x, edge_index, W1, b1, bn_gamma, bn_beta, bn_mean, bn_var, W2, b2):
    # eval mode: dropout layers are identity, BatchNorm uses running stats
    h = x @ W1 + b1
    h = (h - bn_mean) / jnp.sqrt(bn_var + BN_EPS) * bn_gamma + bn_beta
    h = jax.nn.relu(h)
    h = h @ W2 + b2
    # APPNP propagation with gcn_norm (symmetric normalization + self loops)
    loop = jnp.arange(N, dtype=edge_index.dtype)
    src = jnp.concatenate([edge_index[0], loop])
    dst = jnp.concatenate([edge_index[1], loop])
    w = jnp.ones((E + N,), dtype=jnp.float32)
    deg = jnp.zeros((N,), dtype=jnp.float32).at[dst].add(w)
    deg_inv_sqrt = jnp.where(deg > 0, deg ** -0.5, 0.0)
    norm = deg_inv_sqrt[src] * w * deg_inv_sqrt[dst]
    out = h
    for _ in range(K):
        msg = norm[:, None] * out[src]
        out = jnp.zeros_like(out).at[dst].add(msg)
        out = (1.0 - ALPHA) * out + ALPHA * h
    return jax.nn.log_softmax(out, axis=1)

if __name__ == "__main__":
    import jax
    _d = setup_inputs()
    print(jax.jit(kernel)(*tuple(_d.values())))

</pallas_src>

<mosaic_0001>
#map = affine_map<(d0, d1) -> (0, 0, 0, 0)>
#map1 = affine_map<(d0, d1) -> (0, 0, 0)>
module attributes {stable_mosaic.version = 14 : i64} {
  func.func @_deg_body(%arg0: i32, %arg1: i32, %arg2: memref<2x16x79x128xi32, #tpu.memory_space<hbm>>, %arg3: memref<2x10240x16xf32, #tpu.memory_space<hbm>>, %arg4: memref<10240x16xf32, #tpu.memory_space<vmem_shared>>, %arg5: memref<79x128xi32, #tpu.memory_space<vmem>>, %arg6: memref<128x16xf32, #tpu.memory_space<vmem>>, %arg7: memref<640x16xf32, #tpu.memory_space<vmem>>) attributes {dimension_semantics = [#tpu.dimension_semantics<core_parallel>, #tpu.dimension_semantics<subcore_parallel>], iteration_bounds = array<i64: 2, 16>, scalar_prefetch = 0 : i64, scratch_operands = 4 : i64, tpu.core_type = #tpu.core_type<sc_vector_subcore>, window_params = [{transform_indices = #map}, {transform_indices = #map1}]} {
    %mul3A = arith.constant 640 : i32
    %mul3A_0 = arith.muli %arg1, %mul3A : i32
    "tpu.region"() ({
      %run_scoped3A = tpu.sem_alloc : memref<!tpu.dma_semaphore, #tpu.memory_space<semaphore_mem>>
      %dma_start3A = arith.constant 0 : i32
      %dma_start3A_22 = arith.constant 0 : i32
      %dma_start3A_23 = tpu.memref_slice %arg2[%arg0, %arg1, %dma_start3A, %dma_start3A_22] : memref<2x16x79x128xi32, #tpu.memory_space<hbm>> -> memref<1x1x79x128xi32, #tpu.memory_space<hbm>>
      %dma_start3A_24 = tpu.memref_squeeze %dma_start3A_23 : memref<1x1x79x128xi32, #tpu.memory_space<hbm>> -> memref<79x128xi32, #tpu.memory_space<hbm>>
      %dma_start3A_25 = arith.constant 0 : i32
      %dma_start3A_26 = arith.constant 0 : i32
      %dma_start3A_27 = tpu.memref_slice %arg2[%arg0, %arg1, %dma_start3A_25, %dma_start3A_26] : memref<2x16x79x128xi32, #tpu.memory_space<hbm>> -> memref<1x1x79x128xi32, #tpu.memory_space<hbm>>
      %dma_start3A_28 = tpu.memref_squeeze %dma_start3A_27 : memref<1x1x79x128xi32, #tpu.memory_space<hbm>> -> memref<79x128xi32, #tpu.memory_space<hbm>>
      tpu.enqueue_dma source(%dma_start3A_28 : memref<79x128xi32, #tpu.memory_space<hbm>>) target(%arg5 : memref<79x128xi32, #tpu.memory_space<vmem>>) target_semaphore(%run_scoped3A : memref<!tpu.dma_semaphore, #tpu.memory_space<semaphore_mem>>)
      %dma_wait3A = arith.constant 0 : i32
      %dma_wait3A_29 = arith.constant 0 : i32
      %dma_wait3A_30 = tpu.memref_slice %arg2[%arg0, %arg1, %dma_wait3A, %dma_wait3A_29] : memref<2x16x79x128xi32, #tpu.memory_space<hbm>> -> memref<1x1x79x128xi32, #tpu.memory_space<hbm>>
      %dma_wait3A_31 = tpu.memref_squeeze %dma_wait3A_30 : memref<1x1x79x128xi32, #tpu.memory_space<hbm>> -> memref<79x128xi32, #tpu.memory_space<hbm>>
      %dma_wait3A_32 = arith.constant 0 : i32
      %dma_wait3A_33 = arith.constant 0 : i32
      %dma_wait3A_34 = tpu.memref_slice %arg2[%arg0, %arg1, %dma_wait3A_32, %dma_wait3A_33] : memref<2x16x79x128xi32, #tpu.memory_space<hbm>> -> memref<1x1x79x128xi32, #tpu.memory_space<hbm>>
      %dma_wait3A_35 = tpu.memref_squeeze %dma_wait3A_34 : memref<1x1x79x128xi32, #tpu.memory_space<hbm>> -> memref<79x128xi32, #tpu.memory_space<hbm>>
      tpu.wait_dma2 semaphore(%run_scoped3A : memref<!tpu.dma_semaphore, #tpu.memory_space<semaphore_mem>>) src(%dma_wait3A_35 : memref<79x128xi32, #tpu.memory_space<hbm>>) dst(%arg5 : memref<79x128xi32, #tpu.memory_space<vmem>>)
      tpu.yield
    }) : () -> ()
    %scan3A = arith.constant 0 : i32
    %scan3A_1 = arith.constant 0 : i32
    %scan3A_2 = arith.constant 128 : i32
    %scan3A_3 = arith.addi %scan3A_1, %scan3A_2 : i32
    %scan3A_4 = arith.constant 1 : i32
    %scan3A_5 = scf.for %scan3A_22 = %scan3A_1 to %scan3A_3 step %scan3A_4 iter_args(%scan3A_23 = %scan3A) -> (i32)  : i32 {
      %broadcast_in_dim3A = arith.constant 1.000000e+00 : f32
      %broadcast_in_dim3A_24 = vector.broadcast %broadcast_in_dim3A : f32 to vector<16xf32>
      %swap3A = arith.index_cast %scan3A_22 : i32 to index
      %swap3A_25 = arith.constant 0 : index
      %swap3A_26 = tpu.vector_load %arg6[%swap3A, %swap3A_25] {strides = array<i32>} : memref<128x16xf32, #tpu.memory_space<vmem>>, vector<1x16xf32>,
      %swap3A_27 = vector.shape_cast %swap3A_26 : vector<1x16xf32> to vector<16xf32>
      %swap3A_28 = vector.shape_cast %broadcast_in_dim3A_24 : vector<16xf32> to vector<1x16xf32>
      tpu.vector_store %arg6[%swap3A, %swap3A_25], %swap3A_28 {strides = array<i32>} : memref<128x16xf32, #tpu.memory_space<vmem>>, vector<1x16xf32>,
      %scan3A_29 = arith.constant 0 : i32
      scf.yield %scan3A_29 : i32
    }
    %scan3A_6 = arith.constant 128 : i32
    %scan3A_7 = arith.constant 0 : i32
    %scan3A_8 = arith.constant 0 : i32
    %scan3A_9 = arith.constant 640 : i32
    %scan3A_10 = arith.addi %scan3A_8, %scan3A_9 : i32
    %scan3A_11 = arith.constant 1 : i32
    %scan3A_12 = scf.for %scan3A_22 = %scan3A_8 to %scan3A_10 step %scan3A_11 iter_args(%scan3A_23 = %scan3A_7) -> (i32)  : i32 {
      %broadcast_in_dim3A = arith.constant 0.000000e+00 : f32
      %broadcast_in_dim3A_24 = vector.broadcast %broadcast_in_dim3A : f32 to vector<16xf32>
      %swap3A = arith.index_cast %scan3A_22 : i32 to index
      %swap3A_25 = arith.constant 0 : index
      %swap3A_26 = tpu.vector_load %arg7[%swap3A, %swap3A_25] {strides = array<i32>} : memref<640x16xf32, #tpu.memory_space<vmem>>, vector<1x16xf32>,
      %swap3A_27 = vector.shape_cast %swap3A_26 : vector<1x16xf32> to vector<16xf32>
      %swap3A_28 = vector.shape_cast %broadcast_in_dim3A_24 : vector<16xf32> to vector<1x16xf32>
      tpu.vector_store %arg7[%swap3A, %swap3A_25], %swap3A_28 {strides = array<i32>} : memref<640x16xf32, #tpu.memory_space<vmem>>, vector<1x16xf32>,
      %scan3A_29 = arith.constant 0 : i32
      scf.yield %scan3A_29 : i32
    }
    %scan3A_13 = arith.constant 640 : i32
    "tpu.region"() ({
      %run_scoped3A = tpu.sem_alloc : memref<!tpu.dma_semaphore, #tpu.memory_space<semaphore_mem>>
      %dma_start3A = arith.constant 0 : i32
      %dma_start3A_22 = tpu.memref_slice %arg4[%mul3A_0, %dma_start3A] : memref<10240x16xf32, #tpu.memory_space<vmem_shared>> -> memref<640x16xf32, #tpu.memory_space<vmem_shared>>
      %dma_start3A_23 = arith.constant 0 : i32
      %dma_start3A_24 = tpu.memref_slice %arg4[%mul3A_0, %dma_start3A_23] : memref<10240x16xf32, #tpu.memory_space<vmem_shared>> -> memref<640x16xf32, #tpu.memory_space<vmem_shared>>
      tpu.enqueue_dma source(%arg7 : memref<640x16xf32, #tpu.memory_space<vmem>>) target(%dma_start3A_24 : memref<640x16xf32, #tpu.memory_space<vmem_shared>>) target_semaphore(%run_scoped3A : memref<!tpu.dma_semaphore, #tpu.memory_space<semaphore_mem>>)
      %dma_wait3A = arith.constant 0 : i32
      %dma_wait3A_25 = tpu.memref_slice %arg4[%mul3A_0, %dma_wait3A] : memref<10240x16xf32, #tpu.memory_space<vmem_shared>> -> memref<640x16xf32, #tpu.memory_space<vmem_shared>>
      %dma_wait3A_26 = arith.constant 0 : i32
      %dma_wait3A_27 = tpu.memref_slice %arg4[%mul3A_0, %dma_wait3A_26] : memref<10240x16xf32, #tpu.memory_space<vmem_shared>> -> memref<640x16xf32, #tpu.memory_space<vmem_shared>>
      tpu.wait_dma2 semaphore(%run_scoped3A : memref<!tpu.dma_semaphore, #tpu.memory_space<semaphore_mem>>) src(%arg7 : memref<640x16xf32, #tpu.memory_space<vmem>>) dst(%dma_wait3A_27 : memref<640x16xf32, #tpu.memory_space<vmem_shared>>)
      tpu.yield
    }) : () -> ()
    %barrier3A = arith.constant 0 : index
    tpu.barrier barrier_id(%barrier3A)
    %scan3A_14 = arith.constant 0 : i32
    %scan3A_15 = arith.constant 0 : i32
    %scan3A_16 = arith.constant 79 : i32
    %scan3A_17 = arith.addi %scan3A_15, %scan3A_16 : i32
    %scan3A_18 = arith.constant 1 : i32
    %scan3A_19 = scf.for %scan3A_22 = %scan3A_15 to %scan3A_17 step %scan3A_18 iter_args(%scan3A_23 = %scan3A_14) -> (i32)  : i32 {
      "tpu.region"() ({
        %run_scoped3A = tpu.sem_alloc : memref<!tpu.dma_semaphore, #tpu.memory_space<semaphore_mem>>
        %dma_start3A = arith.constant 0 : i32
        %dma_start3A_25 = tpu.memref_slice %arg5[%scan3A_22, %dma_start3A] : memref<79x128xi32, #tpu.memory_space<vmem>> -> memref<1x128xi32, #tpu.memory_space<vmem>>
        %dma_start3A_26 = tpu.memref_squeeze %dma_start3A_25 : memref<1x128xi32, #tpu.memory_space<vmem>> -> memref<128xi32, #tpu.memory_space<vmem>>
        %dma_start3A_27 = arith.constant 0 : i32
        %dma_start3A_28 = arith.constant 0 : i32
        %dma_start3A_29 = tpu.memref_slice %arg4[%dma_start3A_27, %dma_start3A_28] : memref<10240x16xf32, #tpu.memory_space<vmem_shared>> -> memref<10240x16xf32, #tpu.memory_space<vmem_shared>>
        tpu.enqueue_indirect_dma source(%arg6 : memref<128x16xf32, #tpu.memory_space<vmem>>) target(%dma_start3A_29 : memref<10240x16xf32, #tpu.memory_space<vmem_shared>>) offsets(%dma_start3A_26 : memref<128xi32, #tpu.memory_space<vmem>>) semaphore(%run_scoped3A : memref<!tpu.dma_semaphore, #tpu.memory_space<semaphore_mem>>) {add = true}
        %dma_wait3A = arith.constant 0 : i32
        %dma_wait3A_30 = tpu.memref_slice %arg5[%scan3A_22, %dma_wait3A] : memref<79x128xi32, #tpu.memory_space<vmem>> -> memref<1x128xi32, #tpu.memory_space<vmem>>
        %dma_wait3A_31 = tpu.memref_squeeze %dma_wait3A_30 : memref<1x128xi32, #tpu.memory_space<vmem>> -> memref<128xi32, #tpu.memory_space<vmem>>
        %dma_wait3A_32 = arith.constant 0 : i32
        %dma_wait3A_33 = arith.constant 0 : i32
        %dma_wait3A_34 = tpu.memref_slice %arg4[%dma_wait3A_32, %dma_wait3A_33] : memref<10240x16xf32, #tpu.memory_space<vmem_shared>> -> memref<10240x16xf32, #tpu.memory_space<vmem_shared>>
        tpu.wait_indirect_dma semaphore(%run_scoped3A : memref<!tpu.dma_semaphore, #tpu.memory_space<semaphore_mem>>) src(%arg6 : memref<128x16xf32, #tpu.memory_space<vmem>>) dst(%dma_wait3A_34 : memref<10240x16xf32, #tpu.memory_space<vmem_shared>>)
        tpu.yield
      }) : () -> ()
      %scan3A_24 = arith.constant 0 : i32
      scf.yield %scan3A_24 : i32
    }
    %scan3A_20 = arith.constant 79 : i32
    %barrier3A_21 = arith.constant 0 : index
    tpu.barrier barrier_id(%barrier3A_21)
    "tpu.region"() ({
      %run_scoped3A = tpu.sem_alloc : memref<!tpu.dma_semaphore, #tpu.memory_space<semaphore_mem>>
      %dma_start3A = arith.constant 0 : i32
      %dma_start3A_22 = tpu.memref_slice %arg3[%arg0, %mul3A_0, %dma_start3A] : memref<2x10240x16xf32, #tpu.memory_space<hbm>> -> memref<1x640x16xf32, #tpu.memory_space<hbm>>
      %dma_start3A_23 = tpu.memref_squeeze %dma_start3A_22 : memref<1x640x16xf32, #tpu.memory_space<hbm>> -> memref<640x16xf32, #tpu.memory_space<hbm>>
      %dma_start3A_24 = arith.constant 0 : i32
      %dma_start3A_25 = tpu.memref_slice %arg4[%mul3A_0, %dma_start3A_24] : memref<10240x16xf32, #tpu.memory_space<vmem_shared>> -> memref<640x16xf32, #tpu.memory_space<vmem_shared>>
      tpu.enqueue_dma source(%dma_start3A_25 : memref<640x16xf32, #tpu.memory_space<vmem_shared>>) target(%dma_start3A_23 : memref<640x16xf32, #tpu.memory_space<hbm>>) target_semaphore(%run_scoped3A : memref<!tpu.dma_semaphore, #tpu.memory_space<semaphore_mem>>)
      %dma_wait3A = arith.constant 0 : i32
      %dma_wait3A_26 = tpu.memref_slice %arg3[%arg0, %mul3A_0, %dma_wait3A] : memref<2x10240x16xf32, #tpu.memory_space<hbm>> -> memref<1x640x16xf32, #tpu.memory_space<hbm>>
      %dma_wait3A_27 = tpu.memref_squeeze %dma_wait3A_26 : memref<1x640x16xf32, #tpu.memory_space<hbm>> -> memref<640x16xf32, #tpu.memory_space<hbm>>
      %dma_wait3A_28 = arith.constant 0 : i32
      %dma_wait3A_29 = tpu.memref_slice %arg4[%mul3A_0, %dma_wait3A_28] : memref<10240x16xf32, #tpu.memory_space<vmem_shared>> -> memref<640x16xf32, #tpu.memory_space<vmem_shared>>
      tpu.wait_dma2 semaphore(%run_scoped3A : memref<!tpu.dma_semaphore, #tpu.memory_space<semaphore_mem>>) src(%dma_wait3A_29 : memref<640x16xf32, #tpu.memory_space<vmem_shared>>) dst(%dma_wait3A_27 : memref<640x16xf32, #tpu.memory_space<hbm>>)
      tpu.yield
    }) : () -> ()
    return
  }
}

#map = affine_map<(d0, d1) -> (0, 0)>
#map1 = affine_map<(d0, d1) -> (0, 0, 0)>
module attributes {stable_mosaic.version = 14 : i64} {
  func.func @_prop_body(%arg0: i32, %arg1: i32, %arg2: memref<20480x32xf32, #tpu.memory_space<hbm>>, %arg3: memref<2x10240x16xf32, #tpu.memory_space<hbm>>, %arg4: memref<16x160x128xi32, #tpu.memory_space<hbm>>, %arg5: memref<16x160x128xi32, #tpu.memory_space<hbm>>, %arg6: memref<20480x32xf32, #tpu.memory_space<hbm>>, %arg7: memref<20480x48xf32, #tpu.memory_space<hbm>>, %arg8: memref<10240x32xf32, #tpu.memory_space<vmem_shared>>, %arg9: memref<10240x32xf32, #tpu.memory_space<vmem_shared>>, %arg10: memref<160x128xi32, #tpu.memory_space<vmem>>, %arg11: memref<160x128xi32, #tpu.memory_space<vmem>>, %arg12: memref<8x128x32xf32, #tpu.memory_space<vmem>>, %arg13: memref<128x48xf32, #tpu.memory_space<vmem>>, %arg14: memref<128x16xf32, #tpu.memory_space<vmem>>, %arg15: memref<128x16xf32, #tpu.memory_space<vmem>>, %arg16: memref<8x!tpu.dma_semaphore, #tpu.memory_space<semaphore_mem>>, %arg17: memref<8x!tpu.dma_semaphore, #tpu.memory_space<semaphore_mem>>) attributes {dimension_semantics = [#tpu.dimension_semantics<core_parallel>, #tpu.dimension_semantics<subcore_parallel>], iteration_bounds = array<i64: 2, 16>, scalar_prefetch = 0 : i64, scratch_operands = 10 : i64, tpu.core_type = #tpu.core_type<sc_vector_subcore>, window_params = [{transform_indices = #map}, {transform_indices = #map1}, {transform_indices = #map1}, {transform_indices = #map1}, {transform_indices = #map}, {transform_indices = #map}]} {
    %mul3A = arith.constant 640 : i32
    %mul3A_0 = arith.muli %arg1, %mul3A : i32
    %mul3A_1 = arith.constant 10240 : i32
    %mul3A_2 = arith.muli %arg0, %mul3A_1 : i32
    "tpu.region"() ({
      %run_scoped3A_121 = tpu.sem_alloc : memref<!tpu.dma_semaphore, #tpu.memory_space<semaphore_mem>>
      %dma_start3A = arith.constant 0 : i32
      %dma_start3A_122 = arith.constant 0 : i32
      %dma_start3A_123 = tpu.memref_slice %arg4[%arg1, %dma_start3A, %dma_start3A_122] : memref<16x160x128xi32, #tpu.memory_space<hbm>> -> memref<1x160x128xi32, #tpu.memory_space<hbm>>
      %dma_start3A_124 = tpu.memref_squeeze %dma_start3A_123 : memref<1x160x128xi32, #tpu.memory_space<hbm>> -> memref<160x128xi32, #tpu.memory_space<hbm>>
      %dma_start3A_125 = arith.constant 0 : i32
      %dma_start3A_126 = arith.constant 0 : i32
      %dma_start3A_127 = tpu.memref_slice %arg4[%arg1, %dma_start3A_125, %dma_start3A_126] : memref<16x160x128xi32, #tpu.memory_space<hbm>> -> memref<1x160x128xi32, #tpu.memory_space<hbm>>
      %dma_start3A_128 = tpu.memref_squeeze %dma_start3A_127 : memref<1x160x128xi32, #tpu.memory_space<hbm>> -> memref<160x128xi32, #tpu.memory_space<hbm>>
      tpu.enqueue_dma source(%dma_start3A_128 : memref<160x128xi32, #tpu.memory_space<hbm>>) target(%arg10 : memref<160x128xi32, #tpu.memory_space<vmem>>) target_semaphore(%run_scoped3A_121 : memref<!tpu.dma_semaphore, #tpu.memory_space<semaphore_mem>>)
      %dma_wait3A = arith.constant 0 : i32
      %dma_wait3A_129 = arith.constant 0 : i32
      %dma_wait3A_130 = tpu.memref_slice %arg4[%arg1, %dma_wait3A, %dma_wait3A_129] : memref<16x160x128xi32, #tpu.memory_space<hbm>> -> memref<1x160x128xi32, #tpu.memory_space<hbm>>
      %dma_wait3A_131 = tpu.memref_squeeze %dma_wait3A_130 : memref<1x160x128xi32, #tpu.memory_space<hbm>> -> memref<160x128xi32, #tpu.memory_space<hbm>>
      %dma_wait3A_132 = arith.constant 0 : i32
      %dma_wait3A_133 = arith.constant 0 : i32
      %dma_wait3A_134 = tpu.memref_slice %arg4[%arg1, %dma_wait3A_132, %dma_wait3A_133] : memref<16x160x128xi32, #tpu.memory_space<hbm>> -> memref<1x160x128xi32, #tpu.memory_space<hbm>>
      %dma_wait3A_135 = tpu.memref_squeeze %dma_wait3A_134 : memref<1x160x128xi32, #tpu.memory_space<hbm>> -> memref<160x128xi32, #tpu.memory_space<hbm>>
      tpu.wait_dma2 semaphore(%run_scoped3A_121 : memref<!tpu.dma_semaphore, #tpu.memory_space<semaphore_mem>>) src(%dma_wait3A_135 : memref<160x128xi32, #tpu.memory_space<hbm>>) dst(%arg10 : memref<160x128xi32, #tpu.memory_space<vmem>>)
      tpu.yield
    }) : () -> ()
    "tpu.region"() ({
      %run_scoped3A_121 = tpu.sem_alloc : memref<!tpu.dma_semaphore, #tpu.memory_space<semaphore_mem>>
      %dma_start3A = arith.constant 0 : i32
      %dma_start3A_122 = arith.constant 0 : i32
      %dma_start3A_123 = tpu.memref_slice %arg5[%arg1, %dma_start3A, %dma_start3A_122] : memref<16x160x128xi32, #tpu.memory_space<hbm>> -> memref<1x160x128xi32, #tpu.memory_space<hbm>>
      %dma_start3A_124 = tpu.memref_squeeze %dma_start3A_123 : memref<1x160x128xi32, #tpu.memory_space<hbm>> -> memref<160x128xi32, #tpu.memory_space<hbm>>
      %dma_start3A_125 = arith.constant 0 : i32
      %dma_start3A_126 = arith.constant 0 : i32
      %dma_start3A_127 = tpu.memref_slice %arg5[%arg1, %dma_start3A_125, %dma_start3A_126] : memref<16x160x128xi32, #tpu.memory_space<hbm>> -> memref<1x160x128xi32, #tpu.memory_space<hbm>>
      %dma_start3A_128 = tpu.memref_squeeze %dma_start3A_127 : memref<1x160x128xi32, #tpu.memory_space<hbm>> -> memref<160x128xi32, #tpu.memory_space<hbm>>
      tpu.enqueue_dma source(%dma_start3A_128 : memref<160x128xi32, #tpu.memory_space<hbm>>) target(%arg11 : memref<160x128xi32, #tpu.memory_space<vmem>>) target_semaphore(%run_scoped3A_121 : memref<!tpu.dma_semaphore, #tpu.memory_space<semaphore_mem>>)
      %dma_wait3A = arith.constant 0 : i32
      %dma_wait3A_129 = arith.constant 0 : i32
      %dma_wait3A_130 = tpu.memref_slice %arg5[%arg1, %dma_wait3A, %dma_wait3A_129] : memref<16x160x128xi32, #tpu.memory_space<hbm>> -> memref<1x160x128xi32, #tpu.memory_space<hbm>>
      %dma_wait3A_131 = tpu.memref_squeeze %dma_wait3A_130 : memref<1x160x128xi32, #tpu.memory_space<hbm>> -> memref<160x128xi32, #tpu.memory_space<hbm>>
      %dma_wait3A_132 = arith.constant 0 : i32
      %dma_wait3A_133 = arith.constant 0 : i32
      %dma_wait3A_134 = tpu.memref_slice %arg5[%arg1, %dma_wait3A_132, %dma_wait3A_133] : memref<16x160x128xi32, #tpu.memory_space<hbm>> -> memref<1x160x128xi32, #tpu.memory_space<hbm>>
      %dma_wait3A_135 = tpu.memref_squeeze %dma_wait3A_134 : memref<1x160x128xi32, #tpu.memory_space<hbm>> -> memref<160x128xi32, #tpu.memory_space<hbm>>
      tpu.wait_dma2 semaphore(%run_scoped3A_121 : memref<!tpu.dma_semaphore, #tpu.memory_space<semaphore_mem>>) src(%dma_wait3A_135 : memref<160x128xi32, #tpu.memory_space<hbm>>) dst(%arg11 : memref<160x128xi32, #tpu.memory_space<vmem>>)
      tpu.yield
    }) : () -> ()
    %scan3A = arith.constant 3 : i32
    %scan3A_3 = arith.constant 0 : i32
    %scan3A_4 = arith.constant 0 : i32
    %scan3A_5 = arith.constant 128 : i32
    %scan3A_6 = arith.addi %scan3A_4, %scan3A_5 : i32
    %scan3A_7 = arith.constant 1 : i32
    %scan3A_8 = scf.for %scan3A_121 = %scan3A_4 to %scan3A_6 step %scan3A_7 iter_args(%scan3A_122 = %scan3A_3) -> (i32)  : i32 {
      %broadcast_in_dim3A_123 = arith.constant 0.000000e+00 : f32
      %broadcast_in_dim3A_124 = vector.broadcast %broadcast_in_dim3A_123 : f32 to vector<16xf32>
      %swap3A = arith.constant 0 : i32
      %swap3A_125 = arith.constant 0 : i32
      %swap3A_126 = tpu.memref_slice %arg12[%scan3A, %swap3A, %swap3A_125] : memref<8x128x32xf32, #tpu.memory_space<vmem>> -> memref<1x128x32xf32, #tpu.memory_space<vmem>>
      %swap3A_127 = tpu.memref_squeeze %swap3A_126 : memref<1x128x32xf32, #tpu.memory_space<vmem>> -> memref<128x32xf32, #tpu.memory_space<vmem>>
      %swap3A_128 = arith.index_cast %scan3A_121 : i32 to index
      %swap3A_129 = arith.constant 0 : index
      %swap3A_130 = tpu.vector_load %swap3A_127[%swap3A_128, %swap3A_129] {strides = array<i32>} : memref<128x32xf32, #tpu.memory_space<vmem>>, vector<16xf32>,
      tpu.vector_store %swap3A_127[%swap3A_128, %swap3A_129], %broadcast_in_dim3A_124 {strides = array<i32>} : memref<128x32xf32, #tpu.memory_space<vmem>>, vector<16xf32>,
      %broadcast_in_dim3A_131 = arith.constant 0.000000e+00 : f32
      %broadcast_in_dim3A_132 = vector.broadcast %broadcast_in_dim3A_131 : f32 to vector<16xf32>
      %swap3A_133 = arith.constant 0 : i32
      %swap3A_134 = arith.constant 0 : i32
      %swap3A_135 = tpu.memref_slice %arg12[%scan3A, %swap3A_133, %swap3A_134] : memref<8x128x32xf32, #tpu.memory_space<vmem>> -> memref<1x128x32xf32, #tpu.memory_space<vmem>>
      %swap3A_136 = tpu.memref_squeeze %swap3A_135 : memref<1x128x32xf32, #tpu.memory_space<vmem>> -> memref<128x32xf32, #tpu.memory_space<vmem>>
      %swap3A_137 = arith.index_cast %scan3A_121 : i32 to index
      %swap3A_138 = arith.constant 16 : index
      %swap3A_139 = tpu.vector_load %swap3A_136[%swap3A_137, %swap3A_138] {strides = array<i32>} : memref<128x32xf32, #tpu.memory_space<vmem>>, vector<16xf32>,
      tpu.vector_store %swap3A_136[%swap3A_137, %swap3A_138], %broadcast_in_dim3A_132 {strides = array<i32>} : memref<128x32xf32, #tpu.memory_space<vmem>>, vector<16xf32>,
      %scan3A_140 = arith.constant 0 : i32
      scf.yield %scan3A_140 : i32
    }
    %scan3A_9 = arith.constant 128 : i32
    %broadcast_in_dim3A = arith.constant 1597463007 : i32
    %broadcast_in_dim3A_10 = vector.broadcast %broadcast_in_dim3A : i32 to vector<16xi32>
    %broadcast_in_dim3A_11 = arith.constant 1.500000e+00 : f32
    %broadcast_in_dim3A_12 = vector.broadcast %broadcast_in_dim3A_11 : f32 to vector<16xf32>
    %add3A = arith.constant 0 : i32
    %add3A_13 = arith.addi %mul3A_0, %add3A : i32
    %run_scoped3A = arith.constant 0 : i32
    "tpu.region"() ({
      %run_scoped3A_121 = tpu.sem_alloc : memref<!tpu.dma_semaphore, #tpu.memory_space<semaphore_mem>>
      %dma_start3A = arith.constant 0 : i32
      %dma_start3A_122 = tpu.memref_slice %arg3[%run_scoped3A, %add3A_13, %dma_start3A] : memref<2x10240x16xf32, #tpu.memory_space<hbm>> -> memref<1x128x16xf32, #tpu.memory_space<hbm>>
      %dma_start3A_123 = tpu.memref_squeeze %dma_start3A_122 : memref<1x128x16xf32, #tpu.memory_space<hbm>> -> memref<128x16xf32, #tpu.memory_space<hbm>>
      %dma_start3A_124 = arith.constant 0 : i32
      %dma_start3A_125 = tpu.memref_slice %arg3[%run_scoped3A, %add3A_13, %dma_start3A_124] : memref<2x10240x16xf32, #tpu.memory_space<hbm>> -> memref<1x128x16xf32, #tpu.memory_space<hbm>>
      %dma_start3A_126 = tpu.memref_squeeze %dma_start3A_125 : memref<1x128x16xf32, #tpu.memory_space<hbm>> -> memref<128x16xf32, #tpu.memory_space<hbm>>
      tpu.enqueue_dma source(%dma_start3A_126 : memref<128x16xf32, #tpu.memory_space<hbm>>) target(%arg14 : memref<128x16xf32, #tpu.memory_space<vmem>>) target_semaphore(%run_scoped3A_121 : memref<!tpu.dma_semaphore, #tpu.memory_space<semaphore_mem>>)
      %dma_wait3A = arith.constant 0 : i32
      %dma_wait3A_127 = tpu.memref_slice %arg3[%run_scoped3A, %add3A_13, %dma_wait3A] : memref<2x10240x16xf32, #tpu.memory_space<hbm>> -> memref<1x128x16xf32, #tpu.memory_space<hbm>>
      %dma_wait3A_128 = tpu.memref_squeeze %dma_wait3A_127 : memref<1x128x16xf32, #tpu.memory_space<hbm>> -> memref<128x16xf32, #tpu.memory_space<hbm>>
      %dma_wait3A_129 = arith.constant 0 : i32
      %dma_wait3A_130 = tpu.memref_slice %arg3[%run_scoped3A, %add3A_13, %dma_wait3A_129] : memref<2x10240x16xf32, #tpu.memory_space<hbm>> -> memref<1x128x16xf32, #tpu.memory_space<hbm>>
      %dma_wait3A_131 = tpu.memref_squeeze %dma_wait3A_130 : memref<1x128x16xf32, #tpu.memory_space<hbm>> -> memref<128x16xf32, #tpu.memory_space<hbm>>
      tpu.wait_dma2 semaphore(%run_scoped3A_121 : memref<!tpu.dma_semaphore, #tpu.memory_space<semaphore_mem>>) src(%dma_wait3A_131 : memref<128x16xf32, #tpu.memory_space<hbm>>) dst(%arg14 : memref<128x16xf32, #tpu.memory_space<vmem>>)
      tpu.yield
    }) : () -> ()
    %run_scoped3A_14 = arith.constant 1 : i32
    "tpu.region"() ({
      %run_scoped3A_121 = tpu.sem_alloc : memref<!tpu.dma_semaphore, #tpu.memory_space<semaphore_mem>>
      %dma_start3A = arith.constant 0 : i32
      %dma_start3A_122 = tpu.memref_slice %arg3[%run_scoped3A_14, %add3A_13, %dma_start3A] : memref<2x10240x16xf32, #tpu.memory_space<hbm>> -> memref<1x128x16xf32, #tpu.memory_space<hbm>>
      %dma_start3A_123 = tpu.memref_squeeze %dma_start3A_122 : memref<1x128x16xf32, #tpu.memory_space<hbm>> -> memref<128x16xf32, #tpu.memory_space<hbm>>
      %dma_start3A_124 = arith.constant 0 : i32
      %dma_start3A_125 = tpu.memref_slice %arg3[%run_scoped3A_14, %add3A_13, %dma_start3A_124] : memref<2x10240x16xf32, #tpu.memory_space<hbm>> -> memref<1x128x16xf32, #tpu.memory_space<hbm>>
      %dma_start3A_126 = tpu.memref_squeeze %dma_start3A_125 : memref<1x128x16xf32, #tpu.memory_space<hbm>> -> memref<128x16xf32, #tpu.memory_space<hbm>>
      tpu.enqueue_dma source(%dma_start3A_126 : memref<128x16xf32, #tpu.memory_space<hbm>>) target(%arg15 : memref<128x16xf32, #tpu.memory_space<vmem>>) target_semaphore(%run_scoped3A_121 : memref<!tpu.dma_semaphore, #tpu.memory_space<semaphore_mem>>)
      %dma_wait3A = arith.constant 0 : i32
      %dma_wait3A_127 = tpu.memref_slice %arg3[%run_scoped3A_14, %add3A_13, %dma_wait3A] : memref<2x10240x16xf32, #tpu.memory_space<hbm>> -> memref<1x128x16xf32, #tpu.memory_space<hbm>>
      %dma_wait3A_128 = tpu.memref_squeeze %dma_wait3A_127 : memref<1x128x16xf32, #tpu.memory_space<hbm>> -> memref<128x16xf32, #tpu.memory_space<hbm>>
      %dma_wait3A_129 = arith.constant 0 : i32
      %dma_wait3A_130 = tpu.memref_slice %arg3[%run_scoped3A_14, %add3A_13, %dma_wait3A_129] : memref<2x10240x16xf32, #tpu.memory_space<hbm>> -> memref<1x128x16xf32, #tpu.memory_space<hbm>>
      %dma_wait3A_131 = tpu.memref_squeeze %dma_wait3A_130 : memref<1x128x16xf32, #tpu.memory_space<hbm>> -> memref<128x16xf32, #tpu.memory_space<hbm>>
      tpu.wait_dma2 semaphore(%run_scoped3A_121 : memref<!tpu.dma_semaphore, #tpu.memory_space<semaphore_mem>>) src(%dma_wait3A_131 : memref<128x16xf32, #tpu.memory_space<hbm>>) dst(%arg15 : memref<128x16xf32, #tpu.memory_space<vmem>>)
      tpu.yield
    }) : () -> ()
    %add3A_15 = arith.addi %mul3A_2, %add3A_13 : i32
    %run_scoped3A_16 = arith.constant 2 : i32
    "tpu.region"() ({
      %run_scoped3A_121 = tpu.sem_alloc : memref<!tpu.dma_semaphore, #tpu.memory_space<semaphore_mem>>
      %dma_start3A = arith.constant 0 : i32
      %dma_start3A_122 = arith.constant 0 : i32
      %dma_start3A_123 = tpu.memref_slice %arg12[%run_scoped3A_16, %dma_start3A, %dma_start3A_122] : memref<8x128x32xf32, #tpu.memory_space<vmem>> -> memref<1x128x32xf32, #tpu.memory_space<vmem>>
      %dma_start3A_124 = tpu.memref_squeeze %dma_start3A_123 : memref<1x128x32xf32, #tpu.memory_space<vmem>> -> memref<128x32xf32, #tpu.memory_space<vmem>>
      %dma_start3A_125 = arith.constant 0 : i32
      %dma_start3A_126 = tpu.memref_slice %arg2[%add3A_15, %dma_start3A_125] : memref<20480x32xf32, #tpu.memory_space<hbm>> -> memref<128x32xf32, #tpu.memory_space<hbm>>
      %dma_start3A_127 = arith.constant 0 : i32
      %dma_start3A_128 = arith.constant 0 : i32
      %dma_start3A_129 = tpu.memref_slice %arg12[%run_scoped3A_16, %dma_start3A_127, %dma_start3A_128] : memref<8x128x32xf32, #tpu.memory_space<vmem>> -> memref<1x128x32xf32, #tpu.memory_space<vmem>>
      %dma_start3A_130 = tpu.memref_squeeze %dma_start3A_129 : memref<1x128x32xf32, #tpu.memory_space<vmem>> -> memref<128x32xf32, #tpu.memory_space<vmem>>
      %dma_start3A_131 = arith.constant 0 : i32
      %dma_start3A_132 = tpu.memref_slice %arg2[%add3A_15, %dma_start3A_131] : memref<20480x32xf32, #tpu.memory_space<hbm>> -> memref<128x32xf32, #tpu.memory_space<hbm>>
      tpu.enqueue_dma source(%dma_start3A_132 : memref<128x32xf32, #tpu.memory_space<hbm>>) target(%dma_start3A_130 : memref<128x32xf32, #tpu.memory_space<vmem>>) target_semaphore(%run_scoped3A_121 : memref<!tpu.dma_semaphore, #tpu.memory_space<semaphore_mem>>)
      %dma_wait3A = arith.constant 0 : i32
      %dma_wait3A_133 = arith.constant 0 : i32
      %dma_wait3A_134 = tpu.memref_slice %arg12[%run_scoped3A_16, %dma_wait3A, %dma_wait3A_133] : memref<8x128x32xf32, #tpu.memory_space<vmem>> -> memref<1x128x32xf32, #tpu.memory_space<vmem>>
      %dma_wait3A_135 = tpu.memref_squeeze %dma_wait3A_134 : memref<1x128x32xf32, #tpu.memory_space<vmem>> -> memref<128x32xf32, #tpu.memory_space<vmem>>
      %dma_wait3A_136 = arith.constant 0 : i32
      %dma_wait3A_137 = tpu.memref_slice %arg2[%add3A_15, %dma_wait3A_136] : memref<20480x32xf32, #tpu.memory_space<hbm>> -> memref<128x32xf32, #tpu.memory_space<hbm>>
      %dma_wait3A_138 = arith.constant 0 : i32
      %dma_wait3A_139 = arith.constant 0 : i32
      %dma_wait3A_140 = tpu.memref_slice %arg12[%run_scoped3A_16, %dma_wait3A_138, %dma_wait3A_139] : memref<8x128x32xf32, #tpu.memory_space<vmem>> -> memref<1x128x32xf32, #tpu.memory_space<vmem>>
      %dma_wait3A_141 = tpu.memref_squeeze %dma_wait3A_140 : memref<1x128x32xf32, #tpu.memory_space<vmem>> -> memref<128x32xf32, #tpu.memory_space<vmem>>
      %dma_wait3A_142 = arith.constant 0 : i32
      %dma_wait3A_143 = tpu.memref_slice %arg2[%add3A_15, %dma_wait3A_142] : memref<20480x32xf32, #tpu.memory_space<hbm>> -> memref<128x32xf32, #tpu.memory_space<hbm>>
      tpu.wait_dma2 semaphore(%run_scoped3A_121 : memref<!tpu.dma_semaphore, #tpu.memory_space<semaphore_mem>>) src(%dma_wait3A_143 : memref<128x32xf32, #tpu.memory_space<hbm>>) dst(%dma_wait3A_141 : memref<128x32xf32, #tpu.memory_space<vmem>>)
      tpu.yield
    }) : () -> ()
    %scan3A_17 = arith.constant 2 : i32
    %scan3A_18 = arith.constant 0 : i32
    %scan3A_19 = arith.constant 0 : i32
    %scan3A_20 = arith.constant 128 : i32
    %scan3A_21 = arith.addi %scan3A_19, %scan3A_20 : i32
    %scan3A_22 = arith.constant 1 : i32
    %scan3A_23 = scf.for %scan3A_121 = %scan3A_19 to %scan3A_21 step %scan3A_22 iter_args(%scan3A_122 = %scan3A_18) -> (i32)  : i32 {
      %get3A = arith.index_cast %scan3A_121 : i32 to index
      %get3A_123 = arith.constant 0 : index
      %get3A_124 = tpu.vector_load %arg14[%get3A, %get3A_123] {strides = array<i32>} : memref<128x16xf32, #tpu.memory_space<vmem>>, vector<16xf32>,
      %get3A_125 = arith.index_cast %scan3A_121 : i32 to index
      %get3A_126 = arith.constant 0 : index
      %get3A_127 = tpu.vector_load %arg15[%get3A_125, %get3A_126] {strides = array<i32>} : memref<128x16xf32, #tpu.memory_space<vmem>>, vector<16xf32>,
      %add3A_128 = arith.addf %get3A_124, %get3A_127 : vector<16xf32>
      %add3A_129 = arith.constant 1.000000e+00 : f32
      %add3A_130 = vector.broadcast %add3A_129 : f32 to vector<16xf32>
      %add3A_131 = arith.addf %add3A_128, %add3A_130 : vector<16xf32>
      %bitcast3A = vector.bitcast %add3A_131 : vector<16xf32> to vector<16xi32>
      %shift_right_arithmetic3A = arith.constant 1 : i32
      %shift_right_arithmetic3A_132 = vector.broadcast %shift_right_arithmetic3A : i32 to vector<16xi32>
      %shift_right_arithmetic3A_133 = arith.shrsi %bitcast3A, %shift_right_arithmetic3A_132 : vector<16xi32>
      %sub3A = arith.subi %broadcast_in_dim3A_10, %shift_right_arithmetic3A_133 : vector<16xi32>
      %bitcast3A_134 = vector.bitcast %sub3A : vector<16xi32> to vector<16xf32>
      %mul3A_135 = arith.constant 5.000000e-01 : f32
      %mul3A_136 = vector.broadcast %mul3A_135 : f32 to vector<16xf32>
      %mul3A_137 = arith.mulf %mul3A_136, %add3A_131 : vector<16xf32>
      %mul3A_138 = arith.mulf %mul3A_137, %bitcast3A_134 : vector<16xf32>
      %mul3A_139 = arith.mulf %mul3A_138, %bitcast3A_134 : vector<16xf32>
      %sub3A_140 = arith.subf %broadcast_in_dim3A_12, %mul3A_139 : vector<16xf32>
      %mul3A_141 = arith.mulf %bitcast3A_134, %sub3A_140 : vector<16xf32>
      %mul3A_142 = arith.mulf %mul3A_137, %mul3A_141 : vector<16xf32>
      %mul3A_143 = arith.mulf %mul3A_142, %mul3A_141 : vector<16xf32>
      %sub3A_144 = arith.subf %broadcast_in_dim3A_12, %mul3A_143 : vector<16xf32>
      %mul3A_145 = arith.mulf %mul3A_141, %sub3A_144 : vector<16xf32>
      %mul3A_146 = arith.mulf %mul3A_137, %mul3A_145 : vector<16xf32>
      %mul3A_147 = arith.mulf %mul3A_146, %mul3A_145 : vector<16xf32>
      %sub3A_148 = arith.subf %broadcast_in_dim3A_12, %mul3A_147 : vector<16xf32>
      %mul3A_149 = arith.mulf %mul3A_145, %sub3A_148 : vector<16xf32>
      %mul3A_150 = arith.mulf %mul3A_137, %mul3A_149 : vector<16xf32>
      %mul3A_151 = arith.mulf %mul3A_150, %mul3A_149 : vector<16xf32>
      %sub3A_152 = arith.subf %broadcast_in_dim3A_12, %mul3A_151 : vector<16xf32>
      %mul3A_153 = arith.mulf %mul3A_149, %sub3A_152 : vector<16xf32>
      %div3A = arith.constant 0.899999976 : f32
      %div3A_154 = vector.broadcast %div3A : f32 to vector<16xf32>
      %div3A_155 = arith.divf %div3A_154, %add3A_131 : vector<16xf32>
      %swap3A = arith.index_cast %scan3A_121 : i32 to index
      %swap3A_156 = arith.constant 0 : index
      %swap3A_157 = tpu.vector_load %arg13[%swap3A, %swap3A_156] {strides = array<i32>} : memref<128x48xf32, #tpu.memory_space<vmem>>, vector<16xf32>,
      tpu.vector_store %arg13[%swap3A, %swap3A_156], %div3A_155 {strides = array<i32>} : memref<128x48xf32, #tpu.memory_space<vmem>>, vector<16xf32>,
      %get3A_158 = arith.constant 0 : i32
      %get3A_159 = arith.constant 0 : i32
      %get3A_160 = tpu.memref_slice %arg12[%scan3A_17, %get3A_158, %get3A_159] : memref<8x128x32xf32, #tpu.memory_space<vmem>> -> memref<1x128x32xf32, #tpu.memory_space<vmem>>
      %get3A_161 = tpu.memref_squeeze %get3A_160 : memref<1x128x32xf32, #tpu.memory_space<vmem>> -> memref<128x32xf32, #tpu.memory_space<vmem>>
      %get3A_162 = arith.index_cast %scan3A_121 : i32 to index
      %get3A_163 = arith.constant 0 : index
      %get3A_164 = tpu.vector_load %get3A_161[%get3A_162, %get3A_163] {strides = array<i32>} : memref<128x32xf32, #tpu.memory_space<vmem>>, vector<16xf32>,
      %mul3A_165 = arith.constant 1.000000e-01 : f32
      %mul3A_166 = vector.broadcast %mul3A_165 : f32 to vector<16xf32>
      %mul3A_167 = arith.mulf %mul3A_166, %mul3A_153 : vector<16xf32>
      %mul3A_168 = arith.mulf %mul3A_167, %get3A_164 : vector<16xf32>
      %swap3A_169 = arith.index_cast %scan3A_121 : i32 to index
      %swap3A_170 = arith.constant 16 : index
      %swap3A_171 = tpu.vector_load %arg13[%swap3A_169, %swap3A_170] {strides = array<i32>} : memref<128x48xf32, #tpu.memory_space<vmem>>, vector<16xf32>,
      tpu.vector_store %arg13[%swap3A_169, %swap3A_170], %mul3A_168 {strides = array<i32>} : memref<128x48xf32, #tpu.memory_space<vmem>>, vector<16xf32>,
      %mul3A_172 = arith.mulf %mul3A_153, %get3A_164 : vector<16xf32>
      %swap3A_173 = arith.constant 0 : i32
      %swap3A_174 = arith.constant 0 : i32
      %swap3A_175 = tpu.memref_slice %arg12[%scan3A_17, %swap3A_173, %swap3A_174] : memref<8x128x32xf32, #tpu.memory_space<vmem>> -> memref<1x128x32xf32, #tpu.memory_space<vmem>>
      %swap3A_176 = tpu.memref_squeeze %swap3A_175 : memref<1x128x32xf32, #tpu.memory_space<vmem>> -> memref<128x32xf32, #tpu.memory_space<vmem>>
      %swap3A_177 = arith.index_cast %scan3A_121 : i32 to index
      %swap3A_178 = arith.constant 0 : index
      %swap3A_179 = tpu.vector_load %swap3A_176[%swap3A_177, %swap3A_178] {strides = array<i32>} : memref<128x32xf32, #tpu.memory_space<vmem>>, vector<16xf32>,
      tpu.vector_store %swap3A_176[%swap3A_177, %swap3A_178], %mul3A_172 {strides = array<i32>} : memref<128x32xf32, #tpu.memory_space<vmem>>, vector<16xf32>,
      %get3A_180 = arith.constant 0 : i32
      %get3A_181 = arith.constant 0 : i32
      %get3A_182 = tpu.memref_slice %arg12[%scan3A_17, %get3A_180, %get3A_181] : memref<8x128x32xf32, #tpu.memory_space<vmem>> -> memref<1x128x32xf32, #tpu.memory_space<vmem>>
      %get3A_183 = tpu.memref_squeeze %get3A_182 : memref<1x128x32xf32, #tpu.memory_space<vmem>> -> memref<128x32xf32, #tpu.memory_space<vmem>>
      %get3A_184 = arith.index_cast %scan3A_121 : i32 to index
      %get3A_185 = arith.constant 16 : index
      %get3A_186 = tpu.vector_load %get3A_183[%get3A_184, %get3A_185] {strides = array<i32>} : memref<128x32xf32, #tpu.memory_space<vmem>>, vector<16xf32>,
      %mul3A_187 = arith.constant 1.000000e-01 : f32
      %mul3A_188 = vector.broadcast %mul3A_187 : f32 to vector<16xf32>
      %mul3A_189 = arith.mulf %mul3A_188, %mul3A_153 : vector<16xf32>
      %mul3A_190 = arith.mulf %mul3A_189, %get3A_186 : vector<16xf32>
      %swap3A_191 = arith.index_cast %scan3A_121 : i32 to index
      %swap3A_192 = arith.constant 32 : index
      %swap3A_193 = tpu.vector_load %arg13[%swap3A_191, %swap3A_192] {strides = array<i32>} : memref<128x48xf32, #tpu.memory_space<vmem>>, vector<16xf32>,
      tpu.vector_store %arg13[%swap3A_191, %swap3A_192], %mul3A_190 {strides = array<i32>} : memref<128x48xf32, #tpu.memory_space<vmem>>, vector<16xf32>,
      %mul3A_194 = arith.mulf %mul3A_153, %get3A_186 : vector<16xf32>
      %swap3A_195 = arith.constant 0 : i32
      %swap3A_196 = arith.constant 0 : i32
      %swap3A_197 = tpu.memref_slice %arg12[%scan3A_17, %swap3A_195, %swap3A_196] : memref<8x128x32xf32, #tpu.memory_space<vmem>> -> memref<1x128x32xf32, #tpu.memory_space<vmem>>
      %swap3A_198 = tpu.memref_squeeze %swap3A_197 : memref<1x128x32xf32, #tpu.memory_space<vmem>> -> memref<128x32xf32, #tpu.memory_space<vmem>>
      %swap3A_199 = arith.index_cast %scan3A_121 : i32 to index
      %swap3A_200 = arith.constant 16 : index
      %swap3A_201 = tpu.vector_load %swap3A_198[%swap3A_199, %swap3A_200] {strides = array<i32>} : memref<128x32xf32, #tpu.memory_space<vmem>>, vector<16xf32>,
      tpu.vector_store %swap3A_198[%swap3A_199, %swap3A_200], %mul3A_194 {strides = array<i32>} : memref<128x32xf32, #tpu.memory_space<vmem>>, vector<16xf32>,
      %scan3A_202 = arith.constant 0 : i32
      scf.yield %scan3A_202 : i32
    }
    %scan3A_24 = arith.constant 128 : i32
    %run_scoped3A_25 = arith.constant 2 : i32
    "tpu.region"() ({
      %run_scoped3A_121 = tpu.sem_alloc : memref<!tpu.dma_semaphore, #tpu.memory_space<semaphore_mem>>
      %dma_start3A = arith.constant 0 : i32
      %dma_start3A_122 = arith.constant 0 : i32
      %dma_start3A_123 = tpu.memref_slice %arg12[%run_scoped3A_25, %dma_start3A, %dma_start3A_122] : memref<8x128x32xf32, #tpu.memory_space<vmem>> -> memref<1x128x32xf32, #tpu.memory_space<vmem>>
      %dma_start3A_124 = tpu.memref_squeeze %dma_start3A_123 : memref<1x128x32xf32, #tpu.memory_space<vmem>> -> memref<128x32xf32, #tpu.memory_space<vmem>>
      %dma_start3A_125 = arith.constant 0 : i32
      %dma_start3A_126 = tpu.memref_slice %arg9[%add3A_13, %dma_start3A_125] : memref<10240x32xf32, #tpu.memory_space<vmem_shared>> -> memref<128x32xf32, #tpu.memory_space<vmem_shared>>
      %dma_start3A_127 = arith.constant 0 : i32
      %dma_start3A_128 = tpu.memref_slice %arg9[%add3A_13, %dma_start3A_127] : memref<10240x32xf32, #tpu.memory_space<vmem_shared>> -> memref<128x32xf32, #tpu.memory_space<vmem_shared>>
      %dma_start3A_129 = arith.constant 0 : i32
      %dma_start3A_130 = arith.constant 0 : i32
      %dma_start3A_131 = tpu.memref_slice %arg12[%run_scoped3A_25, %dma_start3A_129, %dma_start3A_130] : memref<8x128x32xf32, #tpu.memory_space<vmem>> -> memref<1x128x32xf32, #tpu.memory_space<vmem>>
      %dma_start3A_132 = tpu.memref_squeeze %dma_start3A_131 : memref<1x128x32xf32, #tpu.memory_space<vmem>> -> memref<128x32xf32, #tpu.memory_space<vmem>>
      tpu.enqueue_dma source(%dma_start3A_132 : memref<128x32xf32, #tpu.memory_space<vmem>>) target(%dma_start3A_128 : memref<128x32xf32, #tpu.memory_space<vmem_shared>>) target_semaphore(%run_scoped3A_121 : memref<!tpu.dma_semaphore, #tpu.memory_space<semaphore_mem>>)
      %dma_wait3A = arith.constant 0 : i32
      %dma_wait3A_133 = arith.constant 0 : i32
      %dma_wait3A_134 = tpu.memref_slice %arg12[%run_scoped3A_25, %dma_wait3A, %dma_wait3A_133] : memref<8x128x32xf32, #tpu.memory_space<vmem>> -> memref<1x128x32xf32, #tpu.memory_space<vmem>>
      %dma_wait3A_135 = tpu.memref_squeeze %dma_wait3A_134 : memref<1x128x32xf32, #tpu.memory_space<vmem>> -> memref<128x32xf32, #tpu.memory_space<vmem>>
      %dma_wait3A_136 = arith.constant 0 : i32
      %dma_wait3A_137 = tpu.memref_slice %arg9[%add3A_13, %dma_wait3A_136] : memref<10240x32xf32, #tpu.memory_space<vmem_shared>> -> memref<128x32xf32, #tpu.memory_space<vmem_shared>>
      %dma_wait3A_138 = arith.constant 0 : i32
      %dma_wait3A_139 = tpu.memref_slice %arg9[%add3A_13, %dma_wait3A_138] : memref<10240x32xf32, #tpu.memory_space<vmem_shared>> -> memref<128x32xf32, #tpu.memory_space<vmem_shared>>
      %dma_wait3A_140 = arith.constant 0 : i32
      %dma_wait3A_141 = arith.constant 0 : i32
      %dma_wait3A_142 = tpu.memref_slice %arg12[%run_scoped3A_25, %dma_wait3A_140, %dma_wait3A_141] : memref<8x128x32xf32, #tpu.memory_space<vmem>> -> memref<1x128x32xf32, #tpu.memory_space<vmem>>
      %dma_wait3A_143 = tpu.memref_squeeze %dma_wait3A_142 : memref<1x128x32xf32, #tpu.memory_space<vmem>> -> memref<128x32xf32, #tpu.memory_space<vmem>>
      tpu.wait_dma2 semaphore(%run_scoped3A_121 : memref<!tpu.dma_semaphore, #tpu.memory_space<semaphore_mem>>) src(%dma_wait3A_143 : memref<128x32xf32, #tpu.memory_space<vmem>>) dst(%dma_wait3A_139 : memref<128x32xf32, #tpu.memory_space<vmem_shared>>)
      tpu.yield
    }) : () -> ()
    %add3A_26 = arith.addi %mul3A_2, %add3A_13 : i32
    "tpu.region"() ({
      %run_scoped3A_121 = tpu.sem_alloc : memref<!tpu.dma_semaphore, #tpu.memory_space<semaphore_mem>>
      %dma_start3A = arith.constant 0 : i32
      %dma_start3A_122 = tpu.memref_slice %arg7[%add3A_26, %dma_start3A] : memref<20480x48xf32, #tpu.memory_space<hbm>> -> memref<128x48xf32, #tpu.memory_space<hbm>>
      %dma_start3A_123 = arith.constant 0 : i32
      %dma_start3A_124 = tpu.memref_slice %arg7[%add3A_26, %dma_start3A_123] : memref<20480x48xf32, #tpu.memory_space<hbm>> -> memref<128x48xf32, #tpu.memory_space<hbm>>
      tpu.enqueue_dma source(%arg13 : memref<128x48xf32, #tpu.memory_space<vmem>>) target(%dma_start3A_124 : memref<128x48xf32, #tpu.memory_space<hbm>>) target_semaphore(%run_scoped3A_121 : memref<!tpu.dma_semaphore, #tpu.memory_space<semaphore_mem>>)
      %dma_wait3A = arith.constant 0 : i32
      %dma_wait3A_125 = tpu.memref_slice %arg7[%add3A_26, %dma_wait3A] : memref<20480x48xf32, #tpu.memory_space<hbm>> -> memref<128x48xf32, #tpu.memory_space<hbm>>
      %dma_wait3A_126 = arith.constant 0 : i32
      %dma_wait3A_127 = tpu.memref_slice %arg7[%add3A_26, %dma_wait3A_126] : memref<20480x48xf32, #tpu.memory_space<hbm>> -> memref<128x48xf32, #tpu.memory_space<hbm>>
      tpu.wait_dma2 semaphore(%run_scoped3A_121 : memref<!tpu.dma_semaphore, #tpu.memory_space<semaphore_mem>>) src(%arg13 : memref<128x48xf32, #tpu.memory_space<vmem>>) dst(%dma_wait3A_127 : memref<128x48xf32, #tpu.memory_space<hbm>>)
      tpu.yield
    }) : () -> ()
    %run_scoped3A_27 = arith.constant 3 : i32
    "tpu.region"() ({
      %run_scoped3A_121 = tpu.sem_alloc : memref<!tpu.dma_semaphore, #tpu.memory_space<semaphore_mem>>
      %dma_start3A = arith.constant 0 : i32
      %dma_start3A_122 = arith.constant 0 : i32
      %dma_start3A_123 = tpu.memref_slice %arg12[%run_scoped3A_27, %dma_start3A, %dma_start3A_122] : memref<8x128x32xf32, #tpu.memory_space<vmem>> -> memref<1x128x32xf32, #tpu.memory_space<vmem>>
      %dma_start3A_124 = tpu.memref_squeeze %dma_start3A_123 : memref<1x128x32xf32, #tpu.memory_space<vmem>> -> memref<128x32xf32, #tpu.memory_space<vmem>>
      %dma_start3A_125 = arith.constant 0 : i32
      %dma_start3A_126 = tpu.memref_slice %arg8[%add3A_13, %dma_start3A_125] : memref<10240x32xf32, #tpu.memory_space<vmem_shared>> -> memref<128x32xf32, #tpu.memory_space<vmem_shared>>
      %dma_start3A_127 = arith.constant 0 : i32
      %dma_start3A_128 = tpu.memref_slice %arg8[%add3A_13, %dma_start3A_127] : memref<10240x32xf32, #tpu.memory_space<vmem_shared>> -> memref<128x32xf32, #tpu.memory_space<vmem_shared>>
      %dma_start3A_129 = arith.constant 0 : i32
      %dma_start3A_130 = arith.constant 0 : i32
      %dma_start3A_131 = tpu.memref_slice %arg12[%run_scoped3A_27, %dma_start3A_129, %dma_start3A_130] : memref<8x128x32xf32, #tpu.memory_space<vmem>> -> memref<1x128x32xf32, #tpu.memory_space<vmem>>
      %dma_start3A_132 = tpu.memref_squeeze %dma_start3A_131 : memref<1x128x32xf32, #tpu.memory_space<vmem>> -> memref<128x32xf32, #tpu.memory_space<vmem>>
      tpu.enqueue_dma source(%dma_start3A_132 : memref<128x32xf32, #tpu.memory_space<vmem>>) target(%dma_start3A_128 : memref<128x32xf32, #tpu.memory_space<vmem_shared>>) target_semaphore(%run_scoped3A_121 : memref<!tpu.dma_semaphore, #tpu.memory_space<semaphore_mem>>)
      %dma_wait3A = arith.constant 0 : i32
      %dma_wait3A_133 = arith.constant 0 : i32
      %dma_wait3A_134 = tpu.memref_slice %arg12[%run_scoped3A_27, %dma_wait3A, %dma_wait3A_133] : memref<8x128x32xf32, #tpu.memory_space<vmem>> -> memref<1x128x32xf32, #tpu.memory_space<vmem>>
      %dma_wait3A_135 = tpu.memref_squeeze %dma_wait3A_134 : memref<1x128x32xf32, #tpu.memory_space<vmem>> -> memref<128x32xf32, #tpu.memory_space<vmem>>
      %dma_wait3A_136 = arith.constant 0 : i32
      %dma_wait3A_137 = tpu.memref_slice %arg8[%add3A_13, %dma_wait3A_136] : memref<10240x32xf32, #tpu.memory_space<vmem_shared>> -> memref<128x32xf32, #tpu.memory_space<vmem_shared>>
      %dma_wait3A_138 = arith.constant 0 : i32
      %dma_wait3A_139 = tpu.memref_slice %arg8[%add3A_13, %dma_wait3A_138] : memref<10240x32xf32, #tpu.memory_space<vmem_shared>> -> memref<128x32xf32, #tpu.memory_space<vmem_shared>>
      %dma_wait3A_140 = arith.constant 0 : i32
      %dma_wait3A_141 = arith.constant 0 : i32
      %dma_wait3A_142 = tpu.memref_slice %arg12[%run_scoped3A_27, %dma_wait3A_140, %dma_wait3A_141] : memref<8x128x32xf32, #tpu.memory_space<vmem>> -> memref<1x128x32xf32, #tpu.memory_space<vmem>>
      %dma_wait3A_143 = tpu.memref_squeeze %dma_wait3A_142 : memref<1x128x32xf32, #tpu.memory_space<vmem>> -> memref<128x32xf32, #tpu.memory_space<vmem>>
      tpu.wait_dma2 semaphore(%run_scoped3A_121 : memref<!tpu.dma_semaphore, #tpu.memory_space<semaphore_mem>>) src(%dma_wait3A_143 : memref<128x32xf32, #tpu.memory_space<vmem>>) dst(%dma_wait3A_139 : memref<128x32xf32, #tpu.memory_space<vmem_shared>>)
      tpu.yield
    }) : () -> ()
    %add3A_28 = arith.constant 128 : i32
    %add3A_29 = arith.addi %mul3A_0, %add3A_28 : i32
    %run_scoped3A_30 = arith.constant 0 : i32
    "tpu.region"() ({
      %run_scoped3A_121 = tpu.sem_alloc : memref<!tpu.dma_semaphore, #tpu.memory_space<semaphore_mem>>
      %dma_start3A = arith.constant 0 : i32
      %dma_start3A_122 = tpu.memref_slice %arg3[%run_scoped3A_30, %add3A_29, %dma_start3A] : memref<2x10240x16xf32, #tpu.memory_space<hbm>> -> memref<1x128x16xf32, #tpu.memory_space<hbm>>
      %dma_start3A_123 = tpu.memref_squeeze %dma_start3A_122 : memref<1x128x16xf32, #tpu.memory_space<hbm>> -> memref<128x16xf32, #tpu.memory_space<hbm>>
      %dma_start3A_124 = arith.constant 0 : i32
      %dma_start3A_125 = tpu.memref_slice %arg3[%run_scoped3A_30, %add3A_29, %dma_start3A_124] : memref<2x10240x16xf32, #tpu.memory_space<hbm>> -> memref<1x128x16xf32, #tpu.memory_space<hbm>>
      %dma_start3A_126 = tpu.memref_squeeze %dma_start3A_125 : memref<1x128x16xf32, #tpu.memory_space<hbm>> -> memref<128x16xf32, #tpu.memory_space<hbm>>
      tpu.enqueue_dma source(%dma_start3A_126 : memref<128x16xf32, #tpu.memory_space<hbm>>) target(%arg14 : memref<128x16xf32, #tpu.memory_space<vmem>>) target_semaphore(%run_scoped3A_121 : memref<!tpu.dma_semaphore, #tpu.memory_space<semaphore_mem>>)
      %dma_wait3A = arith.constant 0 : i32
      %dma_wait3A_127 = tpu.memref_slice %arg3[%run_scoped3A_30, %add3A_29, %dma_wait3A] : memref<2x10240x16xf32, #tpu.memory_space<hbm>> -> memref<1x128x16xf32, #tpu.memory_space<hbm>>
      %dma_wait3A_128 = tpu.memref_squeeze %dma_wait3A_127 : memref<1x128x16xf32, #tpu.memory_space<hbm>> -> memref<128x16xf32, #tpu.memory_space<hbm>>
      %dma_wait3A_129 = arith.constant 0 : i32
      %dma_wait3A_130 = tpu.memref_slice %arg3[%run_scoped3A_30, %add3A_29, %dma_wait3A_129] : memref<2x10240x16xf32, #tpu.memory_space<hbm>> -> memref<1x128x16xf32, #tpu.memory_space<hbm>>
      %dma_wait3A_131 = tpu.memref_squeeze %dma_wait3A_130 : memref<1x128x16xf32, #tpu.memory_space<hbm>> -> memref<128x16xf32, #tpu.memory_space<hbm>>
      tpu.wait_dma2 semaphore(%run_scoped3A_121 : memref<!tpu.dma_semaphore, #tpu.memory_space<semaphore_mem>>) src(%dma_wait3A_131 : memref<128x16xf32, #tpu.memory_space<hbm>>) dst(%arg14 : memref<128x16xf32, #tpu.memory_space<vmem>>)
      tpu.yield
    }) : () -> ()
    %run_scoped3A_31 = arith.constant 1 : i32
    "tpu.region"() ({
      %run_scoped3A_121 = tpu.sem_alloc : memref<!tpu.dma_semaphore, #tpu.memory_space<semaphore_mem>>
      %dma_start3A = arith.constant 0 : i32
      %dma_start3A_122 = tpu.memref_slice %arg3[%run_scoped3A_31, %add3A_29, %dma_start3A] : memref<2x10240x16xf32, #tpu.memory_space<hbm>> -> memref<1x128x16xf32, #tpu.memory_space<hbm>>
      %dma_start3A_123 = tpu.memref_squeeze %dma_start3A_122 : memref<1x128x16xf32, #tpu.memory_space<hbm>> -> memref<128x16xf32, #tpu.memory_space<hbm>>
      %dma_start3A_124 = arith.constant 0 : i32
      %dma_start3A_125 = tpu.memref_slice %arg3[%run_scoped3A_31, %add3A_29, %dma_start3A_124] : memref<2x10240x16xf32, #tpu.memory_space<hbm>> -> memref<1x128x16xf32, #tpu.memory_space<hbm>>
      %dma_start3A_126 = tpu.memref_squeeze %dma_start3A_125 : memref<1x128x16xf32, #tpu.memory_space<hbm>> -> memref<128x16xf32, #tpu.memory_space<hbm>>
      tpu.enqueue_dma source(%dma_start3A_126 : memref<128x16xf32, #tpu.memory_space<hbm>>) target(%arg15 : memref<128x16xf32, #tpu.memory_space<vmem>>) target_semaphore(%run_scoped3A_121 : memref<!tpu.dma_semaphore, #tpu.memory_space<semaphore_mem>>)
      %dma_wait3A = arith.constant 0 : i32
      %dma_wait3A_127 = tpu.memref_slice %arg3[%run_scoped3A_31, %add3A_29, %dma_wait3A] : memref<2x10240x16xf32, #tpu.memory_space<hbm>> -> memref<1x128x16xf32, #tpu.memory_space<hbm>>
      %dma_wait3A_128 = tpu.memref_squeeze %dma_wait3A_127 : memref<1x128x16xf32, #tpu.memory_space<hbm>> -> memref<128x16xf32, #tpu.memory_space<hbm>>
      %dma_wait3A_129 = arith.constant 0 : i32
      %dma_wait3A_130 = tpu.memref_slice %arg3[%run_scoped3A_31, %add3A_29, %dma_wait3A_129] : memref<2x10240x16xf32, #tpu.memory_space<hbm>> -> memref<1x128x16xf32, #tpu.memory_space<hbm>>
      %dma_wait3A_131 = tpu.memref_squeeze %dma_wait3A_130 : memref<1x128x16xf32, #tpu.memory_space<hbm>> -> memref<128x16xf32, #tpu.memory_space<hbm>>
      tpu.wait_dma2 semaphore(%run_scoped3A_121 : memref<!tpu.dma_semaphore, #tpu.memory_space<semaphore_mem>>) src(%dma_wait3A_131 : memref<128x16xf32, #tpu.memory_space<hbm>>) dst(%arg15 : memref<128x16xf32, #tpu.memory_space<vmem>>)
      tpu.yield
    }) : () -> ()
    %add3A_32 = arith.addi %mul3A_2, %add3A_29 : i32
    %run_scoped3A_33 = arith.constant 2 : i32
    "tpu.region"() ({
      %run_scoped3A_121 = tpu.sem_alloc : memref<!tpu.dma_semaphore, #tpu.memory_space<semaphore_mem>>
      %dma_start3A = arith.constant 0 : i32
      %dma_start3A_122 = arith.constant 0 : i32
      %dma_start3A_123 = tpu.memref_slice %arg12[%run_scoped3A_33, %dma_start3A, %dma_start3A_122] : memref<8x128x32xf32, #tpu.memory_space<vmem>> -> memref<1x128x32xf32, #tpu.memory_space<vmem>>
      %dma_start3A_124 = tpu.memref_squeeze %dma_start3A_123 : memref<1x128x32xf32, #tpu.memory_space<vmem>> -> memref<128x32xf32, #tpu.memory_space<vmem>>
      %dma_start3A_125 = arith.constant 0 : i32
      %dma_start3A_126 = tpu.memref_slice %arg2[%add3A_32, %dma_start3A_125] : memref<20480x32xf32, #tpu.memory_space<hbm>> -> memref<128x32xf32, #tpu.memory_space<hbm>>
      %dma_start3A_127 = arith.constant 0 : i32
      %dma_start3A_128 = arith.constant 0 : i32
      %dma_start3A_129 = tpu.memref_slice %arg12[%run_scoped3A_33, %dma_start3A_127, %dma_start3A_128] : memref<8x128x32xf32, #tpu.memory_space<vmem>> -> memref<1x128x32xf32, #tpu.memory_space<vmem>>
      %dma_start3A_130 = tpu.memref_squeeze %dma_start3A_129 : memref<1x128x32xf32, #tpu.memory_space<vmem>> -> memref<128x32xf32, #tpu.memory_space<vmem>>
      %dma_start3A_131 = arith.constant 0 : i32
      %dma_start3A_132 = tpu.memref_slice %arg2[%add3A_32, %dma_start3A_131] : memref<20480x32xf32, #tpu.memory_space<hbm>> -> memref<128x32xf32, #tpu.memory_space<hbm>>
      tpu.enqueue_dma source(%dma_start3A_132 : memref<128x32xf32, #tpu.memory_space<hbm>>) target(%dma_start3A_130 : memref<128x32xf32, #tpu.memory_space<vmem>>) target_semaphore(%run_scoped3A_121 : memref<!tpu.dma_semaphore, #tpu.memory_space<semaphore_mem>>)
      %dma_wait3A = arith.constant 0 : i32
      %dma_wait3A_133 = arith.constant 0 : i32
      %dma_wait3A_134 = tpu.memref_slice %arg12[%run_scoped3A_33, %dma_wait3A, %dma_wait3A_133] : memref<8x128x32xf32, #tpu.memory_space<vmem>> -> memref<1x128x32xf32, #tpu.memory_space<vmem>>
      %dma_wait3A_135 = tpu.memref_squeeze %dma_wait3A_134 : memref<1x128x32xf32, #tpu.memory_space<vmem>> -> memref<128x32xf32, #tpu.memory_space<vmem>>
      %dma_wait3A_136 = arith.constant 0 : i32
      %dma_wait3A_137 = tpu.memref_slice %arg2[%add3A_32, %dma_wait3A_136] : memref<20480x32xf32, #tpu.memory_space<hbm>> -> memref<128x32xf32, #tpu.memory_space<hbm>>
      %dma_wait3A_138 = arith.constant 0 : i32
      %dma_wait3A_139 = arith.constant 0 : i32
      %dma_wait3A_140 = tpu.memref_slice %arg12[%run_scoped3A_33, %dma_wait3A_138, %dma_wait3A_139] : memref<8x128x32xf32, #tpu.memory_space<vmem>> -> memref<1x128x32xf32, #tpu.memory_space<vmem>>
      %dma_wait3A_141 = tpu.memref_squeeze %dma_wait3A_140 : memref<1x128x32xf32, #tpu.memory_space<vmem>> -> memref<128x32xf32, #tpu.memory_space<vmem>>
      %dma_wait3A_142 = arith.constant 0 : i32
      %dma_wait3A_143 = tpu.memref_slice %arg2[%add3A_32, %dma_wait3A_142] : memref<20480x32xf32, #tpu.memory_space<hbm>> -> memref<128x32xf32, #tpu.memory_space<hbm>>
      tpu.wait_dma2 semaphore(%run_scoped3A_121 : memref<!tpu.dma_semaphore, #tpu.memory_space<semaphore_mem>>) src(%dma_wait3A_143 : memref<128x32xf32, #tpu.memory_space<hbm>>) dst(%dma_wait3A_141 : memref<128x32xf32, #tpu.memory_space<vmem>>)
      tpu.yield
    }) : () -> ()
    %scan3A_34 = arith.constant 2 : i32
    %scan3A_35 = arith.constant 0 : i32
    %scan3A_36 = arith.constant 0 : i32
    %scan3A_37 = arith.constant 128 : i32
    %scan3A_38 = arith.addi %scan3A_36, %scan3A_37 : i32
    %scan3A_39 = arith.constant 1 : i32
    %scan3A_40 = scf.for %scan3A_121 = %scan3A_36 to %scan3A_38 step %scan3A_39 iter_args(%scan3A_122 = %scan3A_35) -> (i32)  : i32 {
      %get3A = arith.index_cast %scan3A_121 : i32 to index
      %get3A_123 = arith.constant 0 : index
      %get3A_124 = tpu.vector_load %arg14[%get3A, %get3A_123] {strides = array<i32>} : memref<128x16xf32, #tpu.memory_space<vmem>>, vector<16xf32>,
      %get3A_125 = arith.index_cast %scan3A_121 : i32 to index
      %get3A_126 = arith.constant 0 : index
      %get3A_127 = tpu.vector_load %arg15[%get3A_125, %get3A_126] {strides = array<i32>} : memref<128x16xf32, #tpu.memory_space<vmem>>, vector<16xf32>,
      %add3A_128 = arith.addf %get3A_124, %get3A_127 : vector<16xf32>
      %add3A_129 = arith.constant 1.000000e+00 : f32
      %add3A_130 = vector.broadcast %add3A_129 : f32 to vector<16xf32>
      %add3A_131 = arith.addf %add3A_128, %add3A_130 : vector<16xf32>
      %bitcast3A = vector.bitcast %add3A_131 : vector<16xf32> to vector<16xi32>
      %shift_right_arithmetic3A = arith.constant 1 : i32
      %shift_right_arithmetic3A_132 = vector.broadcast %shift_right_arithmetic3A : i32 to vector<16xi32>
      %shift_right_arithmetic3A_133 = arith.shrsi %bitcast3A, %shift_right_arithmetic3A_132 : vector<16xi32>
      %sub3A = arith.subi %broadcast_in_dim3A_10, %shift_right_arithmetic3A_133 : vector<16xi32>
      %bitcast3A_134 = vector.bitcast %sub3A : vector<16xi32> to vector<16xf32>
      %mul3A_135 = arith.constant 5.000000e-01 : f32
      %mul3A_136 = vector.broadcast %mul3A_135 : f32 to vector<16xf32>
      %mul3A_137 = arith.mulf %mul3A_136, %add3A_131 : vector<16xf32>
      %mul3A_138 = arith.mulf %mul3A_137, %bitcast3A_134 : vector<16xf32>
      %mul3A_139 = arith.mulf %mul3A_138, %bitcast3A_134 : vector<16xf32>
      %sub3A_140 = arith.subf %broadcast_in_dim3A_12, %mul3A_139 : vector<16xf32>
      %mul3A_141 = arith.mulf %bitcast3A_134, %sub3A_140 : vector<16xf32>
      %mul3A_142 = arith.mulf %mul3A_137, %mul3A_141 : vector<16xf32>
      %mul3A_143 = arith.mulf %mul3A_142, %mul3A_141 : vector<16xf32>
      %sub3A_144 = arith.subf %broadcast_in_dim3A_12, %mul3A_143 : vector<16xf32>
      %mul3A_145 = arith.mulf %mul3A_141, %sub3A_144 : vector<16xf32>
      %mul3A_146 = arith.mulf %mul3A_137, %mul3A_145 : vector<16xf32>
      %mul3A_147 = arith.mulf %mul3A_146, %mul3A_145 : vector<16xf32>
      %sub3A_148 = arith.subf %broadcast_in_dim3A_12, %mul3A_147 : vector<16xf32>
      %mul3A_149 = arith.mulf %mul3A_145, %sub3A_148 : vector<16xf32>
      %mul3A_150 = arith.mulf %mul3A_137, %mul3A_149 : vector<16xf32>
      %mul3A_151 = arith.mulf %mul3A_150, %mul3A_149 : vector<16xf32>
      %sub3A_152 = arith.subf %broadcast_in_dim3A_12, %mul3A_151 : vector<16xf32>
      %mul3A_153 = arith.mulf %mul3A_149, %sub3A_152 : vector<16xf32>
      %div3A = arith.constant 0.899999976 : f32
      %div3A_154 = vector.broadcast %div3A : f32 to vector<16xf32>
      %div3A_155 = arith.divf %div3A_154, %add3A_131 : vector<16xf32>
      %swap3A = arith.index_cast %scan3A_121 : i32 to index
      %swap3A_156 = arith.constant 0 : index
      %swap3A_157 = tpu.vector_load %arg13[%swap3A, %swap3A_156] {strides = array<i32>} : memref<128x48xf32, #tpu.memory_space<vmem>>, vector<16xf32>,
      tpu.vector_store %arg13[%swap3A, %swap3A_156], %div3A_155 {strides = array<i32>} : memref<128x48xf32, #tpu.memory_space<vmem>>, vector<16xf32>,
      %get3A_158 = arith.constant 0 : i32
      %get3A_159 = arith.constant 0 : i32
      %get3A_160 = tpu.memref_slice %arg12[%scan3A_34, %get3A_158, %get3A_159] : memref<8x128x32xf32, #tpu.memory_space<vmem>> -> memref<1x128x32xf32, #tpu.memory_space<vmem>>
      %get3A_161 = tpu.memref_squeeze %get3A_160 : memref<1x128x32xf32, #tpu.memory_space<vmem>> -> memref<128x32xf32, #tpu.memory_space<vmem>>
      %get3A_162 = arith.index_cast %scan3A_121 : i32 to index
      %get3A_163 = arith.constant 0 : index
      %get3A_164 = tpu.vector_load %get3A_161[%get3A_162, %get3A_163] {strides = array<i32>} : memref<128x32xf32, #tpu.memory_space<vmem>>, vector<16xf32>,
      %mul3A_165 = arith.constant 1.000000e-01 : f32
      %mul3A_166 = vector.broadcast %mul3A_165 : f32 to vector<16xf32>
      %mul3A_167 = arith.mulf %mul3A_166, %mul3A_153 : vector<16xf32>
      %mul3A_168 = arith.mulf %mul3A_167, %get3A_164 : vector<16xf32>
      %swap3A_169 = arith.index_cast %scan3A_121 : i32 to index
      %swap3A_170 = arith.constant 16 : index
      %swap3A_171 = tpu.vector_load %arg13[%swap3A_169, %swap3A_170] {strides = array<i32>} : memref<128x48xf32, #tpu.memory_space<vmem>>, vector<16xf32>,
      tpu.vector_store %arg13[%swap3A_169, %swap3A_170], %mul3A_168 {strides = array<i32>} : memref<128x48xf32, #tpu.memory_space<vmem>>, vector<16xf32>,
      %mul3A_172 = arith.mulf %mul3A_153, %get3A_164 : vector<16xf32>
      %swap3A_173 = arith.constant 0 : i32
      %swap3A_174 = arith.constant 0 : i32
      %swap3A_175 = tpu.memref_slice %arg12[%scan3A_34, %swap3A_173, %swap3A_174] : memref<8x128x32xf32, #tpu.memory_space<vmem>> -> memref<1x128x32xf32, #tpu.memory_space<vmem>>
      %swap3A_176 = tpu.memref_squeeze %swap3A_175 : memref<1x128x32xf32, #tpu.memory_space<vmem>> -> memref<128x32xf32, #tpu.memory_space<vmem>>
      %swap3A_177 = arith.index_cast %scan3A_121 : i32 to index
      %swap3A_178 = arith.constant 0 : index
      %swap3A_179 = tpu.vector_load %swap3A_176[%swap3A_177, %swap3A_178] {strides = array<i32>} : memref<128x32xf32, #tpu.memory_space<vmem>>, vector<16xf32>,
      tpu.vector_store %swap3A_176[%swap3A_177, %swap3A_178], %mul3A_172 {strides = array<i32>} : memref<128x32xf32, #tpu.memory_space<vmem>>, vector<16xf32>,
      %get3A_180 = arith.constant 0 : i32
      %get3A_181 = arith.constant 0 : i32
      %get3A_182 = tpu.memref_slice %arg12[%scan3A_34, %get3A_180, %get3A_181] : memref<8x128x32xf32, #tpu.memory_space<vmem>> -> memref<1x128x32xf32, #tpu.memory_space<vmem>>
      %get3A_183 = tpu.memref_squeeze %get3A_182 : memref<1x128x32xf32, #tpu.memory_space<vmem>> -> memref<128x32xf32, #tpu.memory_space<vmem>>
      %get3A_184 = arith.index_cast %scan3A_121 : i32 to index
      %get3A_185 = arith.constant 16 : index
      %get3A_186 = tpu.vector_load %get3A_183[%get3A_184, %get3A_185] {strides = array<i32>} : memref<128x32xf32, #tpu.memory_space<vmem>>, vector<16xf32>,
      %mul3A_187 = arith.constant 1.000000e-01 : f32
      %mul3A_188 = vector.broadcast %mul3A_187 : f32 to vector<16xf32>
      %mul3A_189 = arith.mulf %mul3A_188, %mul3A_153 : vector<16xf32>
      %mul3A_190 = arith.mulf %mul3A_189, %get3A_186 : vector<16xf32>
      %swap3A_191 = arith.index_cast %scan3A_121 : i32 to index
      %swap3A_192 = arith.constant 32 : index
      %swap3A_193 = tpu.vector_load %arg13[%swap3A_191, %swap3A_192] {strides = array<i32>} : memref<128x48xf32, #tpu.memory_space<vmem>>, vector<16xf32>,
      tpu.vector_store %arg13[%swap3A_191, %swap3A_192], %mul3A_190 {strides = array<i32>} : memref<128x48xf32, #tpu.memory_space<vmem>>, vector<16xf32>,
      %mul3A_194 = arith.mulf %mul3A_153, %get3A_186 : vector<16xf32>
      %swap3A_195 = arith.constant 0 : i32
      %swap3A_196 = arith.constant 0 : i32
      %swap3A_197 = tpu.memref_slice %arg12[%scan3A_34, %swap3A_195, %swap3A_196] : memref<8x128x32xf32, #tpu.memory_space<vmem>> -> memref<1x128x32xf32, #tpu.memory_space<vmem>>
      %swap3A_198 = tpu.memref_squeeze %swap3A_197 : memref<1x128x32xf32, #tpu.memory_space<vmem>> -> memref<128x32xf32, #tpu.memory_space<vmem>>
      %swap3A_199 = arith.index_cast %scan3A_121 : i32 to index
      %swap3A_200 = arith.constant 16 : index
      %swap3A_201 = tpu.vector_load %swap3A_198[%swap3A_199, %swap3A_200] {strides = array<i32>} : memref<128x32xf32, #tpu.memory_space<vmem>>, vector<16xf32>,
      tpu.vector_store %swap3A_198[%swap3A_199, %swap3A_200], %mul3A_194 {strides = array<i32>} : memref<128x32xf32, #tpu.memory_space<vmem>>, vector<16xf32>,
      %scan3A_202 = arith.constant 0 : i32
      scf.yield %scan3A_202 : i32
    }
    %scan3A_41 = arith.constant 128 : i32
    %run_scoped3A_42 = arith.constant 2 : i32
    "tpu.region"() ({
      %run_scoped3A_121 = tpu.sem_alloc : memref<!tpu.dma_semaphore, #tpu.memory_space<semaphore_mem>>
      %dma_start3A = arith.constant 0 : i32
      %dma_start3A_122 = arith.constant 0 : i32
      %dma_start3A_123 = tpu.memref_slice %arg12[%run_scoped3A_42, %dma_start3A, %dma_start3A_122] : memref<8x128x32xf32, #tpu.memory_space<vmem>> -> memref<1x128x32xf32, #tpu.memory_space<vmem>>
      %dma_start3A_124 = tpu.memref_squeeze %dma_start3A_123 : memref<1x128x32xf32, #tpu.memory_space<vmem>> -> memref<128x32xf32, #tpu.memory_space<vmem>>
      %dma_start3A_125 = arith.constant 0 : i32
      %dma_start3A_126 = tpu.memref_slice %arg9[%add3A_29, %dma_start3A_125] : memref<10240x32xf32, #tpu.memory_space<vmem_shared>> -> memref<128x32xf32, #tpu.memory_space<vmem_shared>>
      %dma_start3A_127 = arith.constant 0 : i32
      %dma_start3A_128 = tpu.memref_slice %arg9[%add3A_29, %dma_start3A_127] : memref<10240x32xf32, #tpu.memory_space<vmem_shared>> -> memref<128x32xf32, #tpu.memory_space<vmem_shared>>
      %dma_start3A_129 = arith.constant 0 : i32
      %dma_start3A_130 = arith.constant 0 : i32
      %dma_start3A_131 = tpu.memref_slice %arg12[%run_scoped3A_42, %dma_start3A_129, %dma_start3A_130] : memref<8x128x32xf32, #tpu.memory_space<vmem>> -> memref<1x128x32xf32, #tpu.memory_space<vmem>>
      %dma_start3A_132 = tpu.memref_squeeze %dma_start3A_131 : memref<1x128x32xf32, #tpu.memory_space<vmem>> -> memref<128x32xf32, #tpu.memory_space<vmem>>
      tpu.enqueue_dma source(%dma_start3A_132 : memref<128x32xf32, #tpu.memory_space<vmem>>) target(%dma_start3A_128 : memref<128x32xf32, #tpu.memory_space<vmem_shared>>) target_semaphore(%run_scoped3A_121 : memref<!tpu.dma_semaphore, #tpu.memory_space<semaphore_mem>>)
      %dma_wait3A = arith.constant 0 : i32
      %dma_wait3A_133 = arith.constant 0 : i32
      %dma_wait3A_134 = tpu.memref_slice %arg12[%run_scoped3A_42, %dma_wait3A, %dma_wait3A_133] : memref<8x128x32xf32, #tpu.memory_space<vmem>> -> memref<1x128x32xf32, #tpu.memory_space<vmem>>
      %dma_wait3A_135 = tpu.memref_squeeze %dma_wait3A_134 : memref<1x128x32xf32, #tpu.memory_space<vmem>> -> memref<128x32xf32, #tpu.memory_space<vmem>>
      %dma_wait3A_136 = arith.constant 0 : i32
      %dma_wait3A_137 = tpu.memref_slice %arg9[%add3A_29, %dma_wait3A_136] : memref<10240x32xf32, #tpu.memory_space<vmem_shared>> -> memref<128x32xf32, #tpu.memory_space<vmem_shared>>
      %dma_wait3A_138 = arith.constant 0 : i32
      %dma_wait3A_139 = tpu.memref_slice %arg9[%add3A_29, %dma_wait3A_138] : memref<10240x32xf32, #tpu.memory_space<vmem_shared>> -> memref<128x32xf32, #tpu.memory_space<vmem_shared>>
      %dma_wait3A_140 = arith.constant 0 : i32
      %dma_wait3A_141 = arith.constant 0 : i32
      %dma_wait3A_142 = tpu.memref_slice %arg12[%run_scoped3A_42, %dma_wait3A_140, %dma_wait3A_141] : memref<8x128x32xf32, #tpu.memory_space<vmem>> -> memref<1x128x32xf32, #tpu.memory_space<vmem>>
      %dma_wait3A_143 = tpu.memref_squeeze %dma_wait3A_142 : memref<1x128x32xf32, #tpu.memory_space<vmem>> -> memref<128x32xf32, #tpu.memory_space<vmem>>
      tpu.wait_dma2 semaphore(%run_scoped3A_121 : memref<!tpu.dma_semaphore, #tpu.memory_space<semaphore_mem>>) src(%dma_wait3A_143 : memref<128x32xf32, #tpu.memory_space<vmem>>) dst(%dma_wait3A_139 : memref<128x32xf32, #tpu.memory_space<vmem_shared>>)
      tpu.yield
    }) : () -> ()
    %add3A_43 = arith.addi %mul3A_2, %add3A_29 : i32
    "tpu.region"() ({
      %run_scoped3A_121 = tpu.sem_alloc : memref<!tpu.dma_semaphore, #tpu.memory_space<semaphore_mem>>
      %dma_start3A = arith.constant 0 : i32
      %dma_start3A_122 = tpu.memref_slice %arg7[%add3A_43, %dma_start3A] : memref<20480x48xf32, #tpu.memory_space<hbm>> -> memref<128x48xf32, #tpu.memory_space<hbm>>
      %dma_start3A_123 = arith.constant 0 : i32
      %dma_start3A_124 = tpu.memref_slice %arg7[%add3A_43, %dma_start3A_123] : memref<20480x48xf32, #tpu.memory_space<hbm>> -> memref<128x48xf32, #tpu.memory_space<hbm>>
      tpu.enqueue_dma source(%arg13 : memref<128x48xf32, #tpu.memory_space<vmem>>) target(%dma_start3A_124 : memref<128x48xf32, #tpu.memory_space<hbm>>) target_semaphore(%run_scoped3A_121 : memref<!tpu.dma_semaphore, #tpu.memory_space<semaphore_mem>>)
      %dma_wait3A = arith.constant 0 : i32
      %dma_wait3A_125 = tpu.memref_slice %arg7[%add3A_43, %dma_wait3A] : memref<20480x48xf32, #tpu.memory_space<hbm>> -> memref<128x48xf32, #tpu.memory_space<hbm>>
      %dma_wait3A_126 = arith.constant 0 : i32
      %dma_wait3A_127 = tpu.memref_slice %arg7[%add3A_43, %dma_wait3A_126] : memref<20480x48xf32, #tpu.memory_space<hbm>> -> memref<128x48xf32, #tpu.memory_space<hbm>>
      tpu.wait_dma2 semaphore(%run_scoped3A_121 : memref<!tpu.dma_semaphore, #tpu.memory_space<semaphore_mem>>) src(%arg13 : memref<128x48xf32, #tpu.memory_space<vmem>>) dst(%dma_wait3A_127 : memref<128x48xf32, #tpu.memory_space<hbm>>)
      tpu.yield
    }) : () -> ()
    %run_scoped3A_44 = arith.constant 3 : i32
    "tpu.region"() ({
      %run_scoped3A_121 = tpu.sem_alloc : memref<!tpu.dma_semaphore, #tpu.memory_space<semaphore_mem>>
      %dma_start3A = arith.constant 0 : i32
      %dma_start3A_122 = arith.constant 0 : i32
      %dma_start3A_123 = tpu.memref_slice %arg12[%run_scoped3A_44, %dma_start3A, %dma_start3A_122] : memref<8x128x32xf32, #tpu.memory_space<vmem>> -> memref<1x128x32xf32, #tpu.memory_space<vmem>>
      %dma_start3A_124 = tpu.memref_squeeze %dma_start3A_123 : memref<1x128x32xf32, #tpu.memory_space<vmem>> -> memref<128x32xf32, #tpu.memory_space<vmem>>
      %dma_start3A_125 = arith.constant 0 : i32
      %dma_start3A_126 = tpu.memref_slice %arg8[%add3A_29, %dma_start3A_125] : memref<10240x32xf32, #tpu.memory_space<vmem_shared>> -> memref<128x32xf32, #tpu.memory_space<vmem_shared>>
      %dma_start3A_127 = arith.constant 0 : i32
      %dma_start3A_128 = tpu.memref_slice %arg8[%add3A_29, %dma_start3A_127] : memref<10240x32xf32, #tpu.memory_space<vmem_shared>> -> memref<128x32xf32, #tpu.memory_space<vmem_shared>>
      %dma_start3A_129 = arith.constant 0 : i32
      %dma_start3A_130 = arith.constant 0 : i32
      %dma_start3A_131 = tpu.memref_slice %arg12[%run_scoped3A_44, %dma_start3A_129, %dma_start3A_130] : memref<8x128x32xf32, #tpu.memory_space<vmem>> -> memref<1x128x32xf32, #tpu.memory_space<vmem>>
      %dma_start3A_132 = tpu.memref_squeeze %dma_start3A_131 : memref<1x128x32xf32, #tpu.memory_space<vmem>> -> memref<128x32xf32, #tpu.memory_space<vmem>>
      tpu.enqueue_dma source(%dma_start3A_132 : memref<128x32xf32, #tpu.memory_space<vmem>>) target(%dma_start3A_128 : memref<128x32xf32, #tpu.memory_space<vmem_shared>>) target_semaphore(%run_scoped3A_121 : memref<!tpu.dma_semaphore, #tpu.memory_space<semaphore_mem>>)
      %dma_wait3A = arith.constant 0 : i32
      %dma_wait3A_133 = arith.constant 0 : i32
      %dma_wait3A_134 = tpu.memref_slice %arg12[%run_scoped3A_44, %dma_wait3A, %dma_wait3A_133] : memref<8x128x32xf32, #tpu.memory_space<vmem>> -> memref<1x128x32xf32, #tpu.memory_space<vmem>>
      %dma_wait3A_135 = tpu.memref_squeeze %dma_wait3A_134 : memref<1x128x32xf32, #tpu.memory_space<vmem>> -> memref<128x32xf32, #tpu.memory_space<vmem>>
      %dma_wait3A_136 = arith.constant 0 : i32
      %dma_wait3A_137 = tpu.memref_slice %arg8[%add3A_29, %dma_wait3A_136] : memref<10240x32xf32, #tpu.memory_space<vmem_shared>> -> memref<128x32xf32, #tpu.memory_space<vmem_shared>>
      %dma_wait3A_138 = arith.constant 0 : i32
      %dma_wait3A_139 = tpu.memref_slice %arg8[%add3A_29, %dma_wait3A_138] : memref<10240x32xf32, #tpu.memory_space<vmem_shared>> -> memref<128x32xf32, #tpu.memory_space<vmem_shared>>
      %dma_wait3A_140 = arith.constant 0 : i32
      %dma_wait3A_141 = arith.constant 0 : i32
      %dma_wait3A_142 = tpu.memref_slice %arg12[%run_scoped3A_44, %dma_wait3A_140, %dma_wait3A_141] : memref<8x128x32xf32, #tpu.memory_space<vmem>> -> memref<1x128x32xf32, #tpu.memory_space<vmem>>
      %dma_wait3A_143 = tpu.memref_squeeze %dma_wait3A_142 : memref<1x128x32xf32, #tpu.memory_space<vmem>> -> memref<128x32xf32, #tpu.memory_space<vmem>>
      tpu.wait_dma2 semaphore(%run_scoped3A_121 : memref<!tpu.dma_semaphore, #tpu.memory_space<semaphore_mem>>) src(%dma_wait3A_143 : memref<128x32xf32, #tpu.memory_space<vmem>>) dst(%dma_wait3A_139 : memref<128x32xf32, #tpu.memory_space<vmem_shared>>)
      tpu.yield
    }) : () -> ()
    %add3A_45 = arith.constant 256 : i32
    %add3A_46 = arith.addi %mul3A_0, %add3A_45 : i32
    %run_scoped3A_47 = arith.constant 0 : i32
    "tpu.region"() ({
      %run_scoped3A_121 = tpu.sem_alloc : memref<!tpu.dma_semaphore, #tpu.memory_space<semaphore_mem>>
      %dma_start3A = arith.constant 0 : i32
      %dma_start3A_122 = tpu.memref_slice %arg3[%run_scoped3A_47, %add3A_46, %dma_start3A] : memref<2x10240x16xf32, #tpu.memory_space<hbm>> -> memref<1x128x16xf32, #tpu.memory_space<hbm>>
      %dma_start3A_123 = tpu.memref_squeeze %dma_start3A_122 : memref<1x128x16xf32, #tpu.memory_space<hbm>> -> memref<128x16xf32, #tpu.memory_space<hbm>>
      %dma_start3A_124 = arith.constant 0 : i32
      %dma_start3A_125 = tpu.memref_slice %arg3[%run_scoped3A_47, %add3A_46, %dma_start3A_124] : memref<2x10240x16xf32, #tpu.memory_space<hbm>> -> memref<1x128x16xf32, #tpu.memory_space<hbm>>
      %dma_start3A_126 = tpu.memref_squeeze %dma_start3A_125 : memref<1x128x16xf32, #tpu.memory_space<hbm>> -> memref<128x16xf32, #tpu.memory_space<hbm>>
      tpu.enqueue_dma source(%dma_start3A_126 : memref<128x16xf32, #tpu.memory_space<hbm>>) target(%arg14 : memref<128x16xf32, #tpu.memory_space<vmem>>) target_semaphore(%run_scoped3A_121 : memref<!tpu.dma_semaphore, #tpu.memory_space<semaphore_mem>>)
      %dma_wait3A = arith.constant 0 : i32
      %dma_wait3A_127 = tpu.memref_slice %arg3[%run_scoped3A_47, %add3A_46, %dma_wait3A] : memref<2x10240x16xf32, #tpu.memory_space<hbm>> -> memref<1x128x16xf32, #tpu.memory_space<hbm>>
      %dma_wait3A_128 = tpu.memref_squeeze %dma_wait3A_127 : memref<1x128x16xf32, #tpu.memory_space<hbm>> -> memref<128x16xf32, #tpu.memory_space<hbm>>
      %dma_wait3A_129 = arith.constant 0 : i32
      %dma_wait3A_130 = tpu.memref_slice %arg3[%run_scoped3A_47, %add3A_46, %dma_wait3A_129] : memref<2x10240x16xf32, #tpu.memory_space<hbm>> -> memref<1x128x16xf32, #tpu.memory_space<hbm>>
      %dma_wait3A_131 = tpu.memref_squeeze %dma_wait3A_130 : memref<1x128x16xf32, #tpu.memory_space<hbm>> -> memref<128x16xf32, #tpu.memory_space<hbm>>
      tpu.wait_dma2 semaphore(%run_scoped3A_121 : memref<!tpu.dma_semaphore, #tpu.memory_space<semaphore_mem>>) src(%dma_wait3A_131 : memref<128x16xf32, #tpu.memory_space<hbm>>) dst(%arg14 : memref<128x16xf32, #tpu.memory_space<vmem>>)
      tpu.yield
    }) : () -> ()
    %run_scoped3A_48 = arith.constant 1 : i32
    "tpu.region"() ({
      %run_scoped3A_121 = tpu.sem_alloc : memref<!tpu.dma_semaphore, #tpu.memory_space<semaphore_mem>>
      %dma_start3A = arith.constant 0 : i32
      %dma_start3A_122 = tpu.memref_slice %arg3[%run_scoped3A_48, %add3A_46, %dma_start3A] : memref<2x10240x16xf32, #tpu.memory_space<hbm>> -> memref<1x128x16xf32, #tpu.memory_space<hbm>>
      %dma_start3A_123 = tpu.memref_squeeze %dma_start3A_122 : memref<1x128x16xf32, #tpu.memory_space<hbm>> -> memref<128x16xf32, #tpu.memory_space<hbm>>
      %dma_start3A_124 = arith.constant 0 : i32
      %dma_start3A_125 = tpu.memref_slice %arg3[%run_scoped3A_48, %add3A_46, %dma_start3A_124] : memref<2x10240x16xf32, #tpu.memory_space<hbm>> -> memref<1x128x16xf32, #tpu.memory_space<hbm>>
      %dma_start3A_126 = tpu.memref_squeeze %dma_start3A_125 : memref<1x128x16xf32, #tpu.memory_space<hbm>> -> memref<128x16xf32, #tpu.memory_space<hbm>>
      tpu.enqueue_dma source(%dma_start3A_126 : memref<128x16xf32, #tpu.memory_space<hbm>>) target(%arg15 : memref<128x16xf32, #tpu.memory_space<vmem>>) target_semaphore(%run_scoped3A_121 : memref<!tpu.dma_semaphore, #tpu.memory_space<semaphore_mem>>)
      %dma_wait3A = arith.constant 0 : i32
      %dma_wait3A_127 = tpu.memref_slice %arg3[%run_scoped3A_48, %add3A_46, %dma_wait3A] : memref<2x10240x16xf32, #tpu.memory_space<hbm>> -> memref<1x128x16xf32, #tpu.memory_space<hbm>>
      %dma_wait3A_128 = tpu.memref_squeeze %dma_wait3A_127 : memref<1x128x16xf32, #tpu.memory_space<hbm>> -> memref<128x16xf32, #tpu.memory_space<hbm>>
      %dma_wait3A_129 = arith.constant 0 : i32
      %dma_wait3A_130 = tpu.memref_slice %arg3[%run_scoped3A_48, %add3A_46, %dma_wait3A_129] : memref<2x10240x16xf32, #tpu.memory_space<hbm>> -> memref<1x128x16xf32, #tpu.memory_space<hbm>>
      %dma_wait3A_131 = tpu.memref_squeeze %dma_wait3A_130 : memref<1x128x16xf32, #tpu.memory_space<hbm>> -> memref<128x16xf32, #tpu.memory_space<hbm>>
      tpu.wait_dma2 semaphore(%run_scoped3A_121 : memref<!tpu.dma_semaphore, #tpu.memory_space<semaphore_mem>>) src(%dma_wait3A_131 : memref<128x16xf32, #tpu.memory_space<hbm>>) dst(%arg15 : memref<128x16xf32, #tpu.memory_space<vmem>>)
      tpu.yield
    }) : () -> ()
    %add3A_49 = arith.addi %mul3A_2, %add3A_46 : i32
    %run_scoped3A_50 = arith.constant 2 : i32
    "tpu.region"() ({
      %run_scoped3A_121 = tpu.sem_alloc : memref<!tpu.dma_semaphore, #tpu.memory_space<semaphore_mem>>
      %dma_start3A = arith.constant 0 : i32
      %dma_start3A_122 = arith.constant 0 : i32
      %dma_start3A_123 = tpu.memref_slice %arg12[%run_scoped3A_50, %dma_start3A, %dma_start3A_122] : memref<8x128x32xf32, #tpu.memory_space<vmem>> -> memref<1x128x32xf32, #tpu.memory_space<vmem>>
      %dma_start3A_124 = tpu.memref_squeeze %dma_start3A_123 : memref<1x128x32xf32, #tpu.memory_space<vmem>> -> memref<128x32xf32, #tpu.memory_space<vmem>>
      %dma_start3A_125 = arith.constant 0 : i32
      %dma_start3A_126 = tpu.memref_slice %arg2[%add3A_49, %dma_start3A_125] : memref<20480x32xf32, #tpu.memory_space<hbm>> -> memref<128x32xf32, #tpu.memory_space<hbm>>
      %dma_start3A_127 = arith.constant 0 : i32
      %dma_start3A_128 = arith.constant 0 : i32
      %dma_start3A_129 = tpu.memref_slice %arg12[%run_scoped3A_50, %dma_start3A_127, %dma_start3A_128] : memref<8x128x32xf32, #tpu.memory_space<vmem>> -> memref<1x128x32xf32, #tpu.memory_space<vmem>>
      %dma_start3A_130 = tpu.memref_squeeze %dma_start3A_129 : memref<1x128x32xf32, #tpu.memory_space<vmem>> -> memref<128x32xf32, #tpu.memory_space<vmem>>
      %dma_start3A_131 = arith.constant 0 : i32
      %dma_start3A_132 = tpu.memref_slice %arg2[%add3A_49, %dma_start3A_131] : memref<20480x32xf32, #tpu.memory_space<hbm>> -> memref<128x32xf32, #tpu.memory_space<hbm>>
      tpu.enqueue_dma source(%dma_start3A_132 : memref<128x32xf32, #tpu.memory_space<hbm>>) target(%dma_start3A_130 : memref<128x32xf32, #tpu.memory_space<vmem>>) target_semaphore(%run_scoped3A_121 : memref<!tpu.dma_semaphore, #tpu.memory_space<semaphore_mem>>)
      %dma_wait3A = arith.constant 0 : i32
      %dma_wait3A_133 = arith.constant 0 : i32
      %dma_wait3A_134 = tpu.memref_slice %arg12[%run_scoped3A_50, %dma_wait3A, %dma_wait3A_133] : memref<8x128x32xf32, #tpu.memory_space<vmem>> -> memref<1x128x32xf32, #tpu.memory_space<vmem>>
      %dma_wait3A_135 = tpu.memref_squeeze %dma_wait3A_134 : memref<1x128x32xf32, #tpu.memory_space<vmem>> -> memref<128x32xf32, #tpu.memory_space<vmem>>
      %dma_wait3A_136 = arith.constant 0 : i32
      %dma_wait3A_137 = tpu.memref_slice %arg2[%add3A_49, %dma_wait3A_136] : memref<20480x32xf32, #tpu.memory_space<hbm>> -> memref<128x32xf32, #tpu.memory_space<hbm>>
      %dma_wait3A_138 = arith.constant 0 : i32
      %dma_wait3A_139 = arith.constant 0 : i32
      %dma_wait3A_140 = tpu.memref_slice %arg12[%run_scoped3A_50, %dma_wait3A_138, %dma_wait3A_139] : memref<8x128x32xf32, #tpu.memory_space<vmem>> -> memref<1x128x32xf32, #tpu.memory_space<vmem>>
      %dma_wait3A_141 = tpu.memref_squeeze %dma_wait3A_140 : memref<1x128x32xf32, #tpu.memory_space<vmem>> -> memref<128x32xf32, #tpu.memory_space<vmem>>
      %dma_wait3A_142 = arith.constant 0 : i32
      %dma_wait3A_143 = tpu.memref_slice %arg2[%add3A_49, %dma_wait3A_142] : memref<20480x32xf32, #tpu.memory_space<hbm>> -> memref<128x32xf32, #tpu.memory_space<hbm>>
      tpu.wait_dma2 semaphore(%run_scoped3A_121 : memref<!tpu.dma_semaphore, #tpu.memory_space<semaphore_mem>>) src(%dma_wait3A_143 : memref<128x32xf32, #tpu.memory_space<hbm>>) dst(%dma_wait3A_141 : memref<128x32xf32, #tpu.memory_space<vmem>>)
      tpu.yield
    }) : () -> ()
    %scan3A_51 = arith.constant 2 : i32
    %scan3A_52 = arith.constant 0 : i32
    %scan3A_53 = arith.constant 0 : i32
    %scan3A_54 = arith.constant 128 : i32
    %scan3A_55 = arith.addi %scan3A_53, %scan3A_54 : i32
    %scan3A_56 = arith.constant 1 : i32
    %scan3A_57 = scf.for %scan3A_121 = %scan3A_53 to %scan3A_55 step %scan3A_56 iter_args(%scan3A_122 = %scan3A_52) -> (i32)  : i32 {
      %get3A = arith.index_cast %scan3A_121 : i32 to index
      %get3A_123 = arith.constant 0 : index
      %get3A_124 = tpu.vector_load %arg14[%get3A, %get3A_123] {strides = array<i32>} : memref<128x16xf32, #tpu.memory_space<vmem>>, vector<16xf32>,
      %get3A_125 = arith.index_cast %scan3A_121 : i32 to index
      %get3A_126 = arith.constant 0 : index
      %get3A_127 = tpu.vector_load %arg15[%get3A_125, %get3A_126] {strides = array<i32>} : memref<128x16xf32, #tpu.memory_space<vmem>>, vector<16xf32>,
      %add3A_128 = arith.addf %get3A_124, %get3A_127 : vector<16xf32>
      %add3A_129 = arith.constant 1.000000e+00 : f32
      %add3A_130 = vector.broadcast %add3A_129 : f32 to vector<16xf32>
      %add3A_131 = arith.addf %add3A_128, %add3A_130 : vector<16xf32>
      %bitcast3A = vector.bitcast %add3A_131 : vector<16xf32> to vector<16xi32>
      %shift_right_arithmetic3A = arith.constant 1 : i32
      %shift_right_arithmetic3A_132 = vector.broadcast %shift_right_arithmetic3A : i32 to vector<16xi32>
      %shift_right_arithmetic3A_133 = arith.shrsi %bitcast3A, %shift_right_arithmetic3A_132 : vector<16xi32>
      %sub3A = arith.subi %broadcast_in_dim3A_10, %shift_right_arithmetic3A_133 : vector<16xi32>
      %bitcast3A_134 = vector.bitcast %sub3A : vector<16xi32> to vector<16xf32>
      %mul3A_135 = arith.constant 5.000000e-01 : f32
      %mul3A_136 = vector.broadcast %mul3A_135 : f32 to vector<16xf32>
      %mul3A_137 = arith.mulf %mul3A_136, %add3A_131 : vector<16xf32>
      %mul3A_138 = arith.mulf %mul3A_137, %bitcast3A_134 : vector<16xf32>
      %mul3A_139 = arith.mulf %mul3A_138, %bitcast3A_134 : vector<16xf32>
      %sub3A_140 = arith.subf %broadcast_in_dim3A_12, %mul3A_139 : vector<16xf32>
      %mul3A_141 = arith.mulf %bitcast3A_134, %sub3A_140 : vector<16xf32>
      %mul3A_142 = arith.mulf %mul3A_137, %mul3A_141 : vector<16xf32>
      %mul3A_143 = arith.mulf %mul3A_142, %mul3A_141 : vector<16xf32>
      %sub3A_144 = arith.subf %broadcast_in_dim3A_12, %mul3A_143 : vector<16xf32>
      %mul3A_145 = arith.mulf %mul3A_141, %sub3A_144 : vector<16xf32>
      %mul3A_146 = arith.mulf %mul3A_137, %mul3A_145 : vector<16xf32>
      %mul3A_147 = arith.mulf %mul3A_146, %mul3A_145 : vector<16xf32>
      %sub3A_148 = arith.subf %broadcast_in_dim3A_12, %mul3A_147 : vector<16xf32>
      %mul3A_149 = arith.mulf %mul3A_145, %sub3A_148 : vector<16xf32>
      %mul3A_150 = arith.mulf %mul3A_137, %mul3A_149 : vector<16xf32>
      %mul3A_151 = arith.mulf %mul3A_150, %mul3A_149 : vector<16xf32>
      %sub3A_152 = arith.subf %broadcast_in_dim3A_12, %mul3A_151 : vector<16xf32>
      %mul3A_153 = arith.mulf %mul3A_149, %sub3A_152 : vector<16xf32>
      %div3A = arith.constant 0.899999976 : f32
      %div3A_154 = vector.broadcast %div3A : f32 to vector<16xf32>
      %div3A_155 = arith.divf %div3A_154, %add3A_131 : vector<16xf32>
      %swap3A = arith.index_cast %scan3A_121 : i32 to index
      %swap3A_156 = arith.constant 0 : index
      %swap3A_157 = tpu.vector_load %arg13[%swap3A, %swap3A_156] {strides = array<i32>} : memref<128x48xf32, #tpu.memory_space<vmem>>, vector<16xf32>,
      tpu.vector_store %arg13[%swap3A, %swap3A_156], %div3A_155 {strides = array<i32>} : memref<128x48xf32, #tpu.memory_space<vmem>>, vector<16xf32>,
      %get3A_158 = arith.constant 0 : i32
      %get3A_159 = arith.constant 0 : i32
      %get3A_160 = tpu.memref_slice %arg12[%scan3A_51, %get3A_158, %get3A_159] : memref<8x128x32xf32, #tpu.memory_space<vmem>> -> memref<1x128x32xf32, #tpu.memory_space<vmem>>
      %get3A_161 = tpu.memref_squeeze %get3A_160 : memref<1x128x32xf32, #tpu.memory_space<vmem>> -> memref<128x32xf32, #tpu.memory_space<vmem>>
      %get3A_162 = arith.index_cast %scan3A_121 : i32 to index
      %get3A_163 = arith.constant 0 : index
      %get3A_164 = tpu.vector_load %get3A_161[%get3A_162, %get3A_163] {strides = array<i32>} : memref<128x32xf32, #tpu.memory_space<vmem>>, vector<16xf32>,
      %mul3A_165 = arith.constant 1.000000e-01 : f32
      %mul3A_166 = vector.broadcast %mul3A_165 : f32 to vector<16xf32>
      %mul3A_167 = arith.mulf %mul3A_166, %mul3A_153 : vector<16xf32>
      %mul3A_168 = arith.mulf %mul3A_167, %get3A_164 : vector<16xf32>
      %swap3A_169 = arith.index_cast %scan3A_121 : i32 to index
      %swap3A_170 = arith.constant 16 : index
      %swap3A_171 = tpu.vector_load %arg13[%swap3A_169, %swap3A_170] {strides = array<i32>} : memref<128x48xf32, #tpu.memory_space<vmem>>, vector<16xf32>,
      tpu.vector_store %arg13[%swap3A_169, %swap3A_170], %mul3A_168 {strides = array<i32>} : memref<128x48xf32, #tpu.memory_space<vmem>>, vector<16xf32>,
      %mul3A_172 = arith.mulf %mul3A_153, %get3A_164 : vector<16xf32>
      %swap3A_173 = arith.constant 0 : i32
      %swap3A_174 = arith.constant 0 : i32
      %swap3A_175 = tpu.memref_slice %arg12[%scan3A_51, %swap3A_173, %swap3A_174] : memref<8x128x32xf32, #tpu.memory_space<vmem>> -> memref<1x128x32xf32, #tpu.memory_space<vmem>>
      %swap3A_176 = tpu.memref_squeeze %swap3A_175 : memref<1x128x32xf32, #tpu.memory_space<vmem>> -> memref<128x32xf32, #tpu.memory_space<vmem>>
      %swap3A_177 = arith.index_cast %scan3A_121 : i32 to index
      %swap3A_178 = arith.constant 0 : index
      %swap3A_179 = tpu.vector_load %swap3A_176[%swap3A_177, %swap3A_178] {strides = array<i32>} : memref<128x32xf32, #tpu.memory_space<vmem>>, vector<16xf32>,
      tpu.vector_store %swap3A_176[%swap3A_177, %swap3A_178], %mul3A_172 {strides = array<i32>} : memref<128x32xf32, #tpu.memory_space<vmem>>, vector<16xf32>,
      %get3A_180 = arith.constant 0 : i32
      %get3A_181 = arith.constant 0 : i32
      %get3A_182 = tpu.memref_slice %arg12[%scan3A_51, %get3A_180, %get3A_181] : memref<8x128x32xf32, #tpu.memory_space<vmem>> -> memref<1x128x32xf32, #tpu.memory_space<vmem>>
      %get3A_183 = tpu.memref_squeeze %get3A_182 : memref<1x128x32xf32, #tpu.memory_space<vmem>> -> memref<128x32xf32, #tpu.memory_space<vmem>>
      %get3A_184 = arith.index_cast %scan3A_121 : i32 to index
      %get3A_185 = arith.constant 16 : index
      %get3A_186 = tpu.vector_load %get3A_183[%get3A_184, %get3A_185] {strides = array<i32>} : memref<128x32xf32, #tpu.memory_space<vmem>>, vector<16xf32>,
      %mul3A_187 = arith.constant 1.000000e-01 : f32
      %mul3A_188 = vector.broadcast %mul3A_187 : f32 to vector<16xf32>
      %mul3A_189 = arith.mulf %mul3A_188, %mul3A_153 : vector<16xf32>
      %mul3A_190 = arith.mulf %mul3A_189, %get3A_186 : vector<16xf32>
      %swap3A_191 = arith.index_cast %scan3A_121 : i32 to index
      %swap3A_192 = arith.constant 32 : index
      %swap3A_193 = tpu.vector_load %arg13[%swap3A_191, %swap3A_192] {strides = array<i32>} : memref<128x48xf32, #tpu.memory_space<vmem>>, vector<16xf32>,
      tpu.vector_store %arg13[%swap3A_191, %swap3A_192], %mul3A_190 {strides = array<i32>} : memref<128x48xf32, #tpu.memory_space<vmem>>, vector<16xf32>,
      %mul3A_194 = arith.mulf %mul3A_153, %get3A_186 : vector<16xf32>
      %swap3A_195 = arith.constant 0 : i32
      %swap3A_196 = arith.constant 0 : i32
      %swap3A_197 = tpu.memref_slice %arg12[%scan3A_51, %swap3A_195, %swap3A_196] : memref<8x128x32xf32, #tpu.memory_space<vmem>> -> memref<1x128x32xf32, #tpu.memory_space<vmem>>
      %swap3A_198 = tpu.memref_squeeze %swap3A_197 : memref<1x128x32xf32, #tpu.memory_space<vmem>> -> memref<128x32xf32, #tpu.memory_space<vmem>>
      %swap3A_199 = arith.index_cast %scan3A_121 : i32 to index
      %swap3A_200 = arith.constant 16 : index
      %swap3A_201 = tpu.vector_load %swap3A_198[%swap3A_199, %swap3A_200] {strides = array<i32>} : memref<128x32xf32, #tpu.memory_space<vmem>>, vector<16xf32>,
      tpu.vector_store %swap3A_198[%swap3A_199, %swap3A_200], %mul3A_194 {strides = array<i32>} : memref<128x32xf32, #tpu.memory_space<vmem>>, vector<16xf32>,
      %scan3A_202 = arith.constant 0 : i32
      scf.yield %scan3A_202 : i32
    }
    %scan3A_58 = arith.constant 128 : i32
    %run_scoped3A_59 = arith.constant 2 : i32
    "tpu.region"() ({
      %run_scoped3A_121 = tpu.sem_alloc : memref<!tpu.dma_semaphore, #tpu.memory_space<semaphore_mem>>
      %dma_start3A = arith.constant 0 : i32
      %dma_start3A_122 = arith.constant 0 : i32
      %dma_start3A_123 = tpu.memref_slice %arg12[%run_scoped3A_59, %dma_start3A, %dma_start3A_122] : memref<8x128x32xf32, #tpu.memory_space<vmem>> -> memref<1x128x32xf32, #tpu.memory_space<vmem>>
      %dma_start3A_124 = tpu.memref_squeeze %dma_start3A_123 : memref<1x128x32xf32, #tpu.memory_space<vmem>> -> memref<128x32xf32, #tpu.memory_space<vmem>>
      %dma_start3A_125 = arith.constant 0 : i32
      %dma_start3A_126 = tpu.memref_slice %arg9[%add3A_46, %dma_start3A_125] : memref<10240x32xf32, #tpu.memory_space<vmem_shared>> -> memref<128x32xf32, #tpu.memory_space<vmem_shared>>
      %dma_start3A_127 = arith.constant 0 : i32
      %dma_start3A_128 = tpu.memref_slice %arg9[%add3A_46, %dma_start3A_127] : memref<10240x32xf32, #tpu.memory_space<vmem_shared>> -> memref<128x32xf32, #tpu.memory_space<vmem_shared>>
      %dma_start3A_129 = arith.constant 0 : i32
      %dma_start3A_130 = arith.constant 0 : i32
      %dma_start3A_131 = tpu.memref_slice %arg12[%run_scoped3A_59, %dma_start3A_129, %dma_start3A_130] : memref<8x128x32xf32, #tpu.memory_space<vmem>> -> memref<1x128x32xf32, #tpu.memory_space<vmem>>
      %dma_start3A_132 = tpu.memref_squeeze %dma_start3A_131 : memref<1x128x32xf32, #tpu.memory_space<vmem>> -> memref<128x32xf32, #tpu.memory_space<vmem>>
      tpu.enqueue_dma source(%dma_start3A_132 : memref<128x32xf32, #tpu.memory_space<vmem>>) target(%dma_start3A_128 : memref<128x32xf32, #tpu.memory_space<vmem_shared>>) target_semaphore(%run_scoped3A_121 : memref<!tpu.dma_semaphore, #tpu.memory_space<semaphore_mem>>)
      %dma_wait3A = arith.constant 0 : i32
      %dma_wait3A_133 = arith.constant 0 : i32
      %dma_wait3A_134 = tpu.memref_slice %arg12[%run_scoped3A_59, %dma_wait3A, %dma_wait3A_133] : memref<8x128x32xf32, #tpu.memory_space<vmem>> -> memref<1x128x32xf32, #tpu.memory_space<vmem>>
      %dma_wait3A_135 = tpu.memref_squeeze %dma_wait3A_134 : memref<1x128x32xf32, #tpu.memory_space<vmem>> -> memref<128x32xf32, #tpu.memory_space<vmem>>
      %dma_wait3A_136 = arith.constant 0 : i32
      %dma_wait3A_137 = tpu.memref_slice %arg9[%add3A_46, %dma_wait3A_136] : memref<10240x32xf32, #tpu.memory_space<vmem_shared>> -> memref<128x32xf32, #tpu.memory_space<vmem_shared>>
      %dma_wait3A_138 = arith.constant 0 : i32
      %dma_wait3A_139 = tpu.memref_slice %arg9[%add3A_46, %dma_wait3A_138] : memref<10240x32xf32, #tpu.memory_space<vmem_shared>> -> memref<128x32xf32, #tpu.memory_space<vmem_shared>>
      %dma_wait3A_140 = arith.constant 0 : i32
      %dma_wait3A_141 = arith.constant 0 : i32
      %dma_wait3A_142 = tpu.memref_slice %arg12[%run_scoped3A_59, %dma_wait3A_140, %dma_wait3A_141] : memref<8x128x32xf32, #tpu.memory_space<vmem>> -> memref<1x128x32xf32, #tpu.memory_space<vmem>>
      %dma_wait3A_143 = tpu.memref_squeeze %dma_wait3A_142 : memref<1x128x32xf32, #tpu.memory_space<vmem>> -> memref<128x32xf32, #tpu.memory_space<vmem>>
      tpu.wait_dma2 semaphore(%run_scoped3A_121 : memref<!tpu.dma_semaphore, #tpu.memory_space<semaphore_mem>>) src(%dma_wait3A_143 : memref<128x32xf32, #tpu.memory_space<vmem>>) dst(%dma_wait3A_139 : memref<128x32xf32, #tpu.memory_space<vmem_shared>>)
      tpu.yield
    }) : () -> ()
    %add3A_60 = arith.addi %mul3A_2, %add3A_46 : i32
    "tpu.region"() ({
      %run_scoped3A_121 = tpu.sem_alloc : memref<!tpu.dma_semaphore, #tpu.memory_space<semaphore_mem>>
      %dma_start3A = arith.constant 0 : i32
      %dma_start3A_122 = tpu.memref_slice %arg7[%add3A_60, %dma_start3A] : memref<20480x48xf32, #tpu.memory_space<hbm>> -> memref<128x48xf32, #tpu.memory_space<hbm>>
      %dma_start3A_123 = arith.constant 0 : i32
      %dma_start3A_124 = tpu.memref_slice %arg7[%add3A_60, %dma_start3A_123] : memref<20480x48xf32, #tpu.memory_space<hbm>> -> memref<128x48xf32, #tpu.memory_space<hbm>>
      tpu.enqueue_dma source(%arg13 : memref<128x48xf32, #tpu.memory_space<vmem>>) target(%dma_start3A_124 : memref<128x48xf32, #tpu.memory_space<hbm>>) target_semaphore(%run_scoped3A_121 : memref<!tpu.dma_semaphore, #tpu.memory_space<semaphore_mem>>)
      %dma_wait3A = arith.constant 0 : i32
      %dma_wait3A_125 = tpu.memref_slice %arg7[%add3A_60, %dma_wait3A] : memref<20480x48xf32, #tpu.memory_space<hbm>> -> memref<128x48xf32, #tpu.memory_space<hbm>>
      %dma_wait3A_126 = arith.constant 0 : i32
      %dma_wait3A_127 = tpu.memref_slice %arg7[%add3A_60, %dma_wait3A_126] : memref<20480x48xf32, #tpu.memory_space<hbm>> -> memref<128x48xf32, #tpu.memory_space<hbm>>
      tpu.wait_dma2 semaphore(%run_scoped3A_121 : memref<!tpu.dma_semaphore, #tpu.memory_space<semaphore_mem>>) src(%arg13 : memref<128x48xf32, #tpu.memory_space<vmem>>) dst(%dma_wait3A_127 : memref<128x48xf32, #tpu.memory_space<hbm>>)
      tpu.yield
    }) : () -> ()
    %run_scoped3A_61 = arith.constant 3 : i32
    "tpu.region"() ({
      %run_scoped3A_121 = tpu.sem_alloc : memref<!tpu.dma_semaphore, #tpu.memory_space<semaphore_mem>>
      %dma_start3A = arith.constant 0 : i32
      %dma_start3A_122 = arith.constant 0 : i32
      %dma_start3A_123 = tpu.memref_slice %arg12[%run_scoped3A_61, %dma_start3A, %dma_start3A_122] : memref<8x128x32xf32, #tpu.memory_space<vmem>> -> memref<1x128x32xf32, #tpu.memory_space<vmem>>
      %dma_start3A_124 = tpu.memref_squeeze %dma_start3A_123 : memref<1x128x32xf32, #tpu.memory_space<vmem>> -> memref<128x32xf32, #tpu.memory_space<vmem>>
      %dma_start3A_125 = arith.constant 0 : i32
      %dma_start3A_126 = tpu.memref_slice %arg8[%add3A_46, %dma_start3A_125] : memref<10240x32xf32, #tpu.memory_space<vmem_shared>> -> memref<128x32xf32, #tpu.memory_space<vmem_shared>>
      %dma_start3A_127 = arith.constant 0 : i32
      %dma_start3A_128 = tpu.memref_slice %arg8[%add3A_46, %dma_start3A_127] : memref<10240x32xf32, #tpu.memory_space<vmem_shared>> -> memref<128x32xf32, #tpu.memory_space<vmem_shared>>
      %dma_start3A_129 = arith.constant 0 : i32
      %dma_start3A_130 = arith.constant 0 : i32
      %dma_start3A_131 = tpu.memref_slice %arg12[%run_scoped3A_61, %dma_start3A_129, %dma_start3A_130] : memref<8x128x32xf32, #tpu.memory_space<vmem>> -> memref<1x128x32xf32, #tpu.memory_space<vmem>>
      %dma_start3A_132 = tpu.memref_squeeze %dma_start3A_131 : memref<1x128x32xf32, #tpu.memory_space<vmem>> -> memref<128x32xf32, #tpu.memory_space<vmem>>
      tpu.enqueue_dma source(%dma_start3A_132 : memref<128x32xf32, #tpu.memory_space<vmem>>) target(%dma_start3A_128 : memref<128x32xf32, #tpu.memory_space<vmem_shared>>) target_semaphore(%run_scoped3A_121 : memref<!tpu.dma_semaphore, #tpu.memory_space<semaphore_mem>>)
      %dma_wait3A = arith.constant 0 : i32
      %dma_wait3A_133 = arith.constant 0 : i32
      %dma_wait3A_134 = tpu.memref_slice %arg12[%run_scoped3A_61, %dma_wait3A, %dma_wait3A_133] : memref<8x128x32xf32, #tpu.memory_space<vmem>> -> memref<1x128x32xf32, #tpu.memory_space<vmem>>
      %dma_wait3A_135 = tpu.memref_squeeze %dma_wait3A_134 : memref<1x128x32xf32, #tpu.memory_space<vmem>> -> memref<128x32xf32, #tpu.memory_space<vmem>>
      %dma_wait3A_136 = arith.constant 0 : i32
      %dma_wait3A_137 = tpu.memref_slice %arg8[%add3A_46, %dma_wait3A_136] : memref<10240x32xf32, #tpu.memory_space<vmem_shared>> -> memref<128x32xf32, #tpu.memory_space<vmem_shared>>
      %dma_wait3A_138 = arith.constant 0 : i32
      %dma_wait3A_139 = tpu.memref_slice %arg8[%add3A_46, %dma_wait3A_138] : memref<10240x32xf32, #tpu.memory_space<vmem_shared>> -> memref<128x32xf32, #tpu.memory_space<vmem_shared>>
      %dma_wait3A_140 = arith.constant 0 : i32
      %dma_wait3A_141 = arith.constant 0 : i32
      %dma_wait3A_142 = tpu.memref_slice %arg12[%run_scoped3A_61, %dma_wait3A_140, %dma_wait3A_141] : memref<8x128x32xf32, #tpu.memory_space<vmem>> -> memref<1x128x32xf32, #tpu.memory_space<vmem>>
      %dma_wait3A_143 = tpu.memref_squeeze %dma_wait3A_142 : memref<1x128x32xf32, #tpu.memory_space<vmem>> -> memref<128x32xf32, #tpu.memory_space<vmem>>
      tpu.wait_dma2 semaphore(%run_scoped3A_121 : memref<!tpu.dma_semaphore, #tpu.memory_space<semaphore_mem>>) src(%dma_wait3A_143 : memref<128x32xf32, #tpu.memory_space<vmem>>) dst(%dma_wait3A_139 : memref<128x32xf32, #tpu.memory_space<vmem_shared>>)
      tpu.yield
    }) : () -> ()
    %add3A_62 = arith.constant 384 : i32
    %add3A_63 = arith.addi %mul3A_0, %add3A_62 : i32
    %run_scoped3A_64 = arith.constant 0 : i32
    "tpu.region"() ({
      %run_scoped3A_121 = tpu.sem_alloc : memref<!tpu.dma_semaphore, #tpu.memory_space<semaphore_mem>>
      %dma_start3A = arith.constant 0 : i32
      %dma_start3A_122 = tpu.memref_slice %arg3[%run_scoped3A_64, %add3A_63, %dma_start3A] : memref<2x10240x16xf32, #tpu.memory_space<hbm>> -> memref<1x128x16xf32, #tpu.memory_space<hbm>>
      %dma_start3A_123 = tpu.memref_squeeze %dma_start3A_122 : memref<1x128x16xf32, #tpu.memory_space<hbm>> -> memref<128x16xf32, #tpu.memory_space<hbm>>
      %dma_start3A_124 = arith.constant 0 : i32
      %dma_start3A_125 = tpu.memref_slice %arg3[%run_scoped3A_64, %add3A_63, %dma_start3A_124] : memref<2x10240x16xf32, #tpu.memory_space<hbm>> -> memref<1x128x16xf32, #tpu.memory_space<hbm>>
      %dma_start3A_126 = tpu.memref_squeeze %dma_start3A_125 : memref<1x128x16xf32, #tpu.memory_space<hbm>> -> memref<128x16xf32, #tpu.memory_space<hbm>>
      tpu.enqueue_dma source(%dma_start3A_126 : memref<128x16xf32, #tpu.memory_space<hbm>>) target(%arg14 : memref<128x16xf32, #tpu.memory_space<vmem>>) target_semaphore(%run_scoped3A_121 : memref<!tpu.dma_semaphore, #tpu.memory_space<semaphore_mem>>)
      %dma_wait3A = arith.constant 0 : i32
      %dma_wait3A_127 = tpu.memref_slice %arg3[%run_scoped3A_64, %add3A_63, %dma_wait3A] : memref<2x10240x16xf32, #tpu.memory_space<hbm>> -> memref<1x128x16xf32, #tpu.memory_space<hbm>>
      %dma_wait3A_128 = tpu.memref_squeeze %dma_wait3A_127 : memref<1x128x16xf32, #tpu.memory_space<hbm>> -> memref<128x16xf32, #tpu.memory_space<hbm>>
      %dma_wait3A_129 = arith.constant 0 : i32
      %dma_wait3A_130 = tpu.memref_slice %arg3[%run_scoped3A_64, %add3A_63, %dma_wait3A_129] : memref<2x10240x16xf32, #tpu.memory_space<hbm>> -> memref<1x128x16xf32, #tpu.memory_space<hbm>>
      %dma_wait3A_131 = tpu.memref_squeeze %dma_wait3A_130 : memref<1x128x16xf32, #tpu.memory_space<hbm>> -> memref<128x16xf32, #tpu.memory_space<hbm>>
      tpu.wait_dma2 semaphore(%run_scoped3A_121 : memref<!tpu.dma_semaphore, #tpu.memory_space<semaphore_mem>>) src(%dma_wait3A_131 : memref<128x16xf32, #tpu.memory_space<hbm>>) dst(%arg14 : memref<128x16xf32, #tpu.memory_space<vmem>>)
      tpu.yield
    }) : () -> ()
    %run_scoped3A_65 = arith.constant 1 : i32
    "tpu.region"() ({
      %run_scoped3A_121 = tpu.sem_alloc : memref<!tpu.dma_semaphore, #tpu.memory_space<semaphore_mem>>
      %dma_start3A = arith.constant 0 : i32
      %dma_start3A_122 = tpu.memref_slice %arg3[%run_scoped3A_65, %add3A_63, %dma_start3A] : memref<2x10240x16xf32, #tpu.memory_space<hbm>> -> memref<1x128x16xf32, #tpu.memory_space<hbm>>
      %dma_start3A_123 = tpu.memref_squeeze %dma_start3A_122 : memref<1x128x16xf32, #tpu.memory_space<hbm>> -> memref<128x16xf32, #tpu.memory_space<hbm>>
      %dma_start3A_124 = arith.constant 0 : i32
      %dma_start3A_125 = tpu.memref_slice %arg3[%run_scoped3A_65, %add3A_63, %dma_start3A_124] : memref<2x10240x16xf32, #tpu.memory_space<hbm>> -> memref<1x128x16xf32, #tpu.memory_space<hbm>>
      %dma_start3A_126 = tpu.memref_squeeze %dma_start3A_125 : memref<1x128x16xf32, #tpu.memory_space<hbm>> -> memref<128x16xf32, #tpu.memory_space<hbm>>
      tpu.enqueue_dma source(%dma_start3A_126 : memref<128x16xf32, #tpu.memory_space<hbm>>) target(%arg15 : memref<128x16xf32, #tpu.memory_space<vmem>>) target_semaphore(%run_scoped3A_121 : memref<!tpu.dma_semaphore, #tpu.memory_space<semaphore_mem>>)
      %dma_wait3A = arith.constant 0 : i32
      %dma_wait3A_127 = tpu.memref_slice %arg3[%run_scoped3A_65, %add3A_63, %dma_wait3A] : memref<2x10240x16xf32, #tpu.memory_space<hbm>> -> memref<1x128x16xf32, #tpu.memory_space<hbm>>
      %dma_wait3A_128 = tpu.memref_squeeze %dma_wait3A_127 : memref<1x128x16xf32, #tpu.memory_space<hbm>> -> memref<128x16xf32, #tpu.memory_space<hbm>>
      %dma_wait3A_129 = arith.constant 0 : i32
      %dma_wait3A_130 = tpu.memref_slice %arg3[%run_scoped3A_65, %add3A_63, %dma_wait3A_129] : memref<2x10240x16xf32, #tpu.memory_space<hbm>> -> memref<1x128x16xf32, #tpu.memory_space<hbm>>
      %dma_wait3A_131 = tpu.memref_squeeze %dma_wait3A_130 : memref<1x128x16xf32, #tpu.memory_space<hbm>> -> memref<128x16xf32, #tpu.memory_space<hbm>>
      tpu.wait_dma2 semaphore(%run_scoped3A_121 : memref<!tpu.dma_semaphore, #tpu.memory_space<semaphore_mem>>) src(%dma_wait3A_131 : memref<128x16xf32, #tpu.memory_space<hbm>>) dst(%arg15 : memref<128x16xf32, #tpu.memory_space<vmem>>)
      tpu.yield
    }) : () -> ()
    %add3A_66 = arith.addi %mul3A_2, %add3A_63 : i32
    %run_scoped3A_67 = arith.constant 2 : i32
    "tpu.region"() ({
      %run_scoped3A_121 = tpu.sem_alloc : memref<!tpu.dma_semaphore, #tpu.memory_space<semaphore_mem>>
      %dma_start3A = arith.constant 0 : i32
      %dma_start3A_122 = arith.constant 0 : i32
      %dma_start3A_123 = tpu.memref_slice %arg12[%run_scoped3A_67, %dma_start3A, %dma_start3A_122] : memref<8x128x32xf32, #tpu.memory_space<vmem>> -> memref<1x128x32xf32, #tpu.memory_space<vmem>>
      %dma_start3A_124 = tpu.memref_squeeze %dma_start3A_123 : memref<1x128x32xf32, #tpu.memory_space<vmem>> -> memref<128x32xf32, #tpu.memory_space<vmem>>
      %dma_start3A_125 = arith.constant 0 : i32
      %dma_start3A_126 = tpu.memref_slice %arg2[%add3A_66, %dma_start3A_125] : memref<20480x32xf32, #tpu.memory_space<hbm>> -> memref<128x32xf32, #tpu.memory_space<hbm>>
      %dma_start3A_127 = arith.constant 0 : i32
      %dma_start3A_128 = arith.constant 0 : i32
      %dma_start3A_129 = tpu.memref_slice %arg12[%run_scoped3A_67, %dma_start3A_127, %dma_start3A_128] : memref<8x128x32xf32, #tpu.memory_space<vmem>> -> memref<1x128x32xf32, #tpu.memory_space<vmem>>
      %dma_start3A_130 = tpu.memref_squeeze %dma_start3A_129 : memref<1x128x32xf32, #tpu.memory_space<vmem>> -> memref<128x32xf32, #tpu.memory_space<vmem>>
      %dma_start3A_131 = arith.constant 0 : i32
      %dma_start3A_132 = tpu.memref_slice %arg2[%add3A_66, %dma_start3A_131] : memref<20480x32xf32, #tpu.memory_space<hbm>> -> memref<128x32xf32, #tpu.memory_space<hbm>>
      tpu.enqueue_dma source(%dma_start3A_132 : memref<128x32xf32, #tpu.memory_space<hbm>>) target(%dma_start3A_130 : memref<128x32xf32, #tpu.memory_space<vmem>>) target_semaphore(%run_scoped3A_121 : memref<!tpu.dma_semaphore, #tpu.memory_space<semaphore_mem>>)
      %dma_wait3A = arith.constant 0 : i32
      %dma_wait3A_133 = arith.constant 0 : i32
      %dma_wait3A_134 = tpu.memref_slice %arg12[%run_scoped3A_67, %dma_wait3A, %dma_wait3A_133] : memref<8x128x32xf32, #tpu.memory_space<vmem>> -> memref<1x128x32xf32, #tpu.memory_space<vmem>>
      %dma_wait3A_135 = tpu.memref_squeeze %dma_wait3A_134 : memref<1x128x32xf32, #tpu.memory_space<vmem>> -> memref<128x32xf32, #tpu.memory_space<vmem>>
      %dma_wait3A_136 = arith.constant 0 : i32
      %dma_wait3A_137 = tpu.memref_slice %arg2[%add3A_66, %dma_wait3A_136] : memref<20480x32xf32, #tpu.memory_space<hbm>> -> memref<128x32xf32, #tpu.memory_space<hbm>>
      %dma_wait3A_138 = arith.constant 0 : i32
      %dma_wait3A_139 = arith.constant 0 : i32
      %dma_wait3A_140 = tpu.memref_slice %arg12[%run_scoped3A_67, %dma_wait3A_138, %dma_wait3A_139] : memref<8x128x32xf32, #tpu.memory_space<vmem>> -> memref<1x128x32xf32, #tpu.memory_space<vmem>>
      %dma_wait3A_141 = tpu.memref_squeeze %dma_wait3A_140 : memref<1x128x32xf32, #tpu.memory_space<vmem>> -> memref<128x32xf32, #tpu.memory_space<vmem>>
      %dma_wait3A_142 = arith.constant 0 : i32
      %dma_wait3A_143 = tpu.memref_slice %arg2[%add3A_66, %dma_wait3A_142] : memref<20480x32xf32, #tpu.memory_space<hbm>> -> memref<128x32xf32, #tpu.memory_space<hbm>>
      tpu.wait_dma2 semaphore(%run_scoped3A_121 : memref<!tpu.dma_semaphore, #tpu.memory_space<semaphore_mem>>) src(%dma_wait3A_143 : memref<128x32xf32, #tpu.memory_space<hbm>>) dst(%dma_wait3A_141 : memref<128x32xf32, #tpu.memory_space<vmem>>)
      tpu.yield
    }) : () -> ()
    %scan3A_68 = arith.constant 2 : i32
    %scan3A_69 = arith.constant 0 : i32
    %scan3A_70 = arith.constant 0 : i32
    %scan3A_71 = arith.constant 128 : i32
    %scan3A_72 = arith.addi %scan3A_70, %scan3A_71 : i32
    %scan3A_73 = arith.constant 1 : i32
    %scan3A_74 = scf.for %scan3A_121 = %scan3A_70 to %scan3A_72 step %scan3A_73 iter_args(%scan3A_122 = %scan3A_69) -> (i32)  : i32 {
      %get3A = arith.index_cast %scan3A_121 : i32 to index
      %get3A_123 = arith.constant 0 : index
      %get3A_124 = tpu.vector_load %arg14[%get3A, %get3A_123] {strides = array<i32>} : memref<128x16xf32, #tpu.memory_space<vmem>>, vector<16xf32>,
      %get3A_125 = arith.index_cast %scan3A_121 : i32 to index
      %get3A_126 = arith.constant 0 : index
      %get3A_127 = tpu.vector_load %arg15[%get3A_125, %get3A_126] {strides = array<i32>} : memref<128x16xf32, #tpu.memory_space<vmem>>, vector<16xf32>,
      %add3A_128 = arith.addf %get3A_124, %get3A_127 : vector<16xf32>
      %add3A_129 = arith.constant 1.000000e+00 : f32
      %add3A_130 = vector.broadcast %add3A_129 : f32 to vector<16xf32>
      %add3A_131 = arith.addf %add3A_128, %add3A_130 : vector<16xf32>
      %bitcast3A = vector.bitcast %add3A_131 : vector<16xf32> to vector<16xi32>
      %shift_right_arithmetic3A = arith.constant 1 : i32
      %shift_right_arithmetic3A_132 = vector.broadcast %shift_right_arithmetic3A : i32 to vector<16xi32>
      %shift_right_arithmetic3A_133 = arith.shrsi %bitcast3A, %shift_right_arithmetic3A_132 : vector<16xi32>
      %sub3A = arith.subi %broadcast_in_dim3A_10, %shift_right_arithmetic3A_133 : vector<16xi32>
      %bitcast3A_134 = vector.bitcast %sub3A : vector<16xi32> to vector<16xf32>
      %mul3A_135 = arith.constant 5.000000e-01 : f32
      %mul3A_136 = vector.broadcast %mul3A_135 : f32 to vector<16xf32>
      %mul3A_137 = arith.mulf %mul3A_136, %add3A_131 : vector<16xf32>
      %mul3A_138 = arith.mulf %mul3A_137, %bitcast3A_134 : vector<16xf32>
      %mul3A_139 = arith.mulf %mul3A_138, %bitcast3A_134 : vector<16xf32>
      %sub3A_140 = arith.subf %broadcast_in_dim3A_12, %mul3A_139 : vector<16xf32>
      %mul3A_141 = arith.mulf %bitcast3A_134, %sub3A_140 : vector<16xf32>
      %mul3A_142 = arith.mulf %mul3A_137, %mul3A_141 : vector<16xf32>
      %mul3A_143 = arith.mulf %mul3A_142, %mul3A_141 : vector<16xf32>
      %sub3A_144 = arith.subf %broadcast_in_dim3A_12, %mul3A_143 : vector<16xf32>
      %mul3A_145 = arith.mulf %mul3A_141, %sub3A_144 : vector<16xf32>
      %mul3A_146 = arith.mulf %mul3A_137, %mul3A_145 : vector<16xf32>
      %mul3A_147 = arith.mulf %mul3A_146, %mul3A_145 : vector<16xf32>
      %sub3A_148 = arith.subf %broadcast_in_dim3A_12, %mul3A_147 : vector<16xf32>
      %mul3A_149 = arith.mulf %mul3A_145, %sub3A_148 : vector<16xf32>
      %mul3A_150 = arith.mulf %mul3A_137, %mul3A_149 : vector<16xf32>
      %mul3A_151 = arith.mulf %mul3A_150, %mul3A_149 : vector<16xf32>
      %sub3A_152 = arith.subf %broadcast_in_dim3A_12, %mul3A_151 : vector<16xf32>
      %mul3A_153 = arith.mulf %mul3A_149, %sub3A_152 : vector<16xf32>
      %div3A = arith.constant 0.899999976 : f32
      %div3A_154 = vector.broadcast %div3A : f32 to vector<16xf32>
      %div3A_155 = arith.divf %div3A_154, %add3A_131 : vector<16xf32>
      %swap3A = arith.index_cast %scan3A_121 : i32 to index
      %swap3A_156 = arith.constant 0 : index
      %swap3A_157 = tpu.vector_load %arg13[%swap3A, %swap3A_156] {strides = array<i32>} : memref<128x48xf32, #tpu.memory_space<vmem>>, vector<16xf32>,
      tpu.vector_store %arg13[%swap3A, %swap3A_156], %div3A_155 {strides = array<i32>} : memref<128x48xf32, #tpu.memory_space<vmem>>, vector<16xf32>,
      %get3A_158 = arith.constant 0 : i32
      %get3A_159 = arith.constant 0 : i32
      %get3A_160 = tpu.memref_slice %arg12[%scan3A_68, %get3A_158, %get3A_159] : memref<8x128x32xf32, #tpu.memory_space<vmem>> -> memref<1x128x32xf32, #tpu.memory_space<vmem>>
      %get3A_161 = tpu.memref_squeeze %get3A_160 : memref<1x128x32xf32, #tpu.memory_space<vmem>> -> memref<128x32xf32, #tpu.memory_space<vmem>>
      %get3A_162 = arith.index_cast %scan3A_121 : i32 to index
      %get3A_163 = arith.constant 0 : index
      %get3A_164 = tpu.vector_load %get3A_161[%get3A_162, %get3A_163] {strides = array<i32>} : memref<128x32xf32, #tpu.memory_space<vmem>>, vector<16xf32>,
      %mul3A_165 = arith.constant 1.000000e-01 : f32
      %mul3A_166 = vector.broadcast %mul3A_165 : f32 to vector<16xf32>
      %mul3A_167 = arith.mulf %mul3A_166, %mul3A_153 : vector<16xf32>
      %mul3A_168 = arith.mulf %mul3A_167, %get3A_164 : vector<16xf32>
      %swap3A_169 = arith.index_cast %scan3A_121 : i32 to index
      %swap3A_170 = arith.constant 16 : index
      %swap3A_171 = tpu.vector_load %arg13[%swap3A_169, %swap3A_170] {strides = array<i32>} : memref<128x48xf32, #tpu.memory_space<vmem>>, vector<16xf32>,
      tpu.vector_store %arg13[%swap3A_169, %swap3A_170], %mul3A_168 {strides = array<i32>} : memref<128x48xf32, #tpu.memory_space<vmem>>, vector<16xf32>,
      %mul3A_172 = arith.mulf %mul3A_153, %get3A_164 : vector<16xf32>
      %swap3A_173 = arith.constant 0 : i32
      %swap3A_174 = arith.constant 0 : i32
      %swap3A_175 = tpu.memref_slice %arg12[%scan3A_68, %swap3A_173, %swap3A_174] : memref<8x128x32xf32, #tpu.memory_space<vmem>> -> memref<1x128x32xf32, #tpu.memory_space<vmem>>
      %swap3A_176 = tpu.memref_squeeze %swap3A_175 : memref<1x128x32xf32, #tpu.memory_space<vmem>> -> memref<128x32xf32, #tpu.memory_space<vmem>>
      %swap3A_177 = arith.index_cast %scan3A_121 : i32 to index
      %swap3A_178 = arith.constant 0 : index
      %swap3A_179 = tpu.vector_load %swap3A_176[%swap3A_177, %swap3A_178] {strides = array<i32>} : memref<128x32xf32, #tpu.memory_space<vmem>>, vector<16xf32>,
      tpu.vector_store %swap3A_176[%swap3A_177, %swap3A_178], %mul3A_172 {strides = array<i32>} : memref<128x32xf32, #tpu.memory_space<vmem>>, vector<16xf32>,
      %get3A_180 = arith.constant 0 : i32
      %get3A_181 = arith.constant 0 : i32
      %get3A_182 = tpu.memref_slice %arg12[%scan3A_68, %get3A_180, %get3A_181] : memref<8x128x32xf32, #tpu.memory_space<vmem>> -> memref<1x128x32xf32, #tpu.memory_space<vmem>>
      %get3A_183 = tpu.memref_squeeze %get3A_182 : memref<1x128x32xf32, #tpu.memory_space<vmem>> -> memref<128x32xf32, #tpu.memory_space<vmem>>
      %get3A_184 = arith.index_cast %scan3A_121 : i32 to index
      %get3A_185 = arith.constant 16 : index
      %get3A_186 = tpu.vector_load %get3A_183[%get3A_184, %get3A_185] {strides = array<i32>} : memref<128x32xf32, #tpu.memory_space<vmem>>, vector<16xf32>,
      %mul3A_187 = arith.constant 1.000000e-01 : f32
      %mul3A_188 = vector.broadcast %mul3A_187 : f32 to vector<16xf32>
      %mul3A_189 = arith.mulf %mul3A_188, %mul3A_153 : vector<16xf32>
      %mul3A_190 = arith.mulf %mul3A_189, %get3A_186 : vector<16xf32>
      %swap3A_191 = arith.index_cast %scan3A_121 : i32 to index
      %swap3A_192 = arith.constant 32 : index
      %swap3A_193 = tpu.vector_load %arg13[%swap3A_191, %swap3A_192] {strides = array<i32>} : memref<128x48xf32, #tpu.memory_space<vmem>>, vector<16xf32>,
      tpu.vector_store %arg13[%swap3A_191, %swap3A_192], %mul3A_190 {strides = array<i32>} : memref<128x48xf32, #tpu.memory_space<vmem>>, vector<16xf32>,
      %mul3A_194 = arith.mulf %mul3A_153, %get3A_186 : vector<16xf32>
      %swap3A_195 = arith.constant 0 : i32
      %swap3A_196 = arith.constant 0 : i32
      %swap3A_197 = tpu.memref_slice %arg12[%scan3A_68, %swap3A_195, %swap3A_196] : memref<8x128x32xf32, #tpu.memory_space<vmem>> -> memref<1x128x32xf32, #tpu.memory_space<vmem>>
      %swap3A_198 = tpu.memref_squeeze %swap3A_197 : memref<1x128x32xf32, #tpu.memory_space<vmem>> -> memref<128x32xf32, #tpu.memory_space<vmem>>
      %swap3A_199 = arith.index_cast %scan3A_121 : i32 to index
      %swap3A_200 = arith.constant 16 : index
      %swap3A_201 = tpu.vector_load %swap3A_198[%swap3A_199, %swap3A_200] {strides = array<i32>} : memref<128x32xf32, #tpu.memory_space<vmem>>, vector<16xf32>,
      tpu.vector_store %swap3A_198[%swap3A_199, %swap3A_200], %mul3A_194 {strides = array<i32>} : memref<128x32xf32, #tpu.memory_space<vmem>>, vector<16xf32>,
      %scan3A_202 = arith.constant 0 : i32
      scf.yield %scan3A_202 : i32
    }
    %scan3A_75 = arith.constant 128 : i32
    %run_scoped3A_76 = arith.constant 2 : i32
    "tpu.region"() ({
      %run_scoped3A_121 = tpu.sem_alloc : memref<!tpu.dma_semaphore, #tpu.memory_space<semaphore_mem>>
      %dma_start3A = arith.constant 0 : i32
      %dma_start3A_122 = arith.constant 0 : i32
      %dma_start3A_123 = tpu.memref_slice %arg12[%run_scoped3A_76, %dma_start3A, %dma_start3A_122] : memref<8x128x32xf32, #tpu.memory_space<vmem>> -> memref<1x128x32xf32, #tpu.memory_space<vmem>>
      %dma_start3A_124 = tpu.memref_squeeze %dma_start3A_123 : memref<1x128x32xf32, #tpu.memory_space<vmem>> -> memref<128x32xf32, #tpu.memory_space<vmem>>
      %dma_start3A_125 = arith.constant 0 : i32
      %dma_start3A_126 = tpu.memref_slice %arg9[%add3A_63, %dma_start3A_125] : memref<10240x32xf32, #tpu.memory_space<vmem_shared>> -> memref<128x32xf32, #tpu.memory_space<vmem_shared>>
      %dma_start3A_127 = arith.constant 0 : i32
      %dma_start3A_128 = tpu.memref_slice %arg9[%add3A_63, %dma_start3A_127] : memref<10240x32xf32, #tpu.memory_space<vmem_shared>> -> memref<128x32xf32, #tpu.memory_space<vmem_shared>>
      %dma_start3A_129 = arith.constant 0 : i32
      %dma_start3A_130 = arith.constant 0 : i32
      %dma_start3A_131 = tpu.memref_slice %arg12[%run_scoped3A_76, %dma_start3A_129, %dma_start3A_130] : memref<8x128x32xf32, #tpu.memory_space<vmem>> -> memref<1x128x32xf32, #tpu.memory_space<vmem>>
      %dma_start3A_132 = tpu.memref_squeeze %dma_start3A_131 : memref<1x128x32xf32, #tpu.memory_space<vmem>> -> memref<128x32xf32, #tpu.memory_space<vmem>>
      tpu.enqueue_dma source(%dma_start3A_132 : memref<128x32xf32, #tpu.memory_space<vmem>>) target(%dma_start3A_128 : memref<128x32xf32, #tpu.memory_space<vmem_shared>>) target_semaphore(%run_scoped3A_121 : memref<!tpu.dma_semaphore, #tpu.memory_space<semaphore_mem>>)
      %dma_wait3A = arith.constant 0 : i32
      %dma_wait3A_133 = arith.constant 0 : i32
      %dma_wait3A_134 = tpu.memref_slice %arg12[%run_scoped3A_76, %dma_wait3A, %dma_wait3A_133] : memref<8x128x32xf32, #tpu.memory_space<vmem>> -> memref<1x128x32xf32, #tpu.memory_space<vmem>>
      %dma_wait3A_135 = tpu.memref_squeeze %dma_wait3A_134 : memref<1x128x32xf32, #tpu.memory_space<vmem>> -> memref<128x32xf32, #tpu.memory_space<vmem>>
      %dma_wait3A_136 = arith.constant 0 : i32
      %dma_wait3A_137 = tpu.memref_slice %arg9[%add3A_63, %dma_wait3A_136] : memref<10240x32xf32, #tpu.memory_space<vmem_shared>> -> memref<128x32xf32, #tpu.memory_space<vmem_shared>>
      %dma_wait3A_138 = arith.constant 0 : i32
      %dma_wait3A_139 = tpu.memref_slice %arg9[%add3A_63, %dma_wait3A_138] : memref<10240x32xf32, #tpu.memory_space<vmem_shared>> -> memref<128x32xf32, #tpu.memory_space<vmem_shared>>
      %dma_wait3A_140 = arith.constant 0 : i32
      %dma_wait3A_141 = arith.constant 0 : i32
      %dma_wait3A_142 = tpu.memref_slice %arg12[%run_scoped3A_76, %dma_wait3A_140, %dma_wait3A_141] : memref<8x128x32xf32, #tpu.memory_space<vmem>> -> memref<1x128x32xf32, #tpu.memory_space<vmem>>
      %dma_wait3A_143 = tpu.memref_squeeze %dma_wait3A_142 : memref<1x128x32xf32, #tpu.memory_space<vmem>> -> memref<128x32xf32, #tpu.memory_space<vmem>>
      tpu.wait_dma2 semaphore(%run_scoped3A_121 : memref<!tpu.dma_semaphore, #tpu.memory_space<semaphore_mem>>) src(%dma_wait3A_143 : memref<128x32xf32, #tpu.memory_space<vmem>>) dst(%dma_wait3A_139 : memref<128x32xf32, #tpu.memory_space<vmem_shared>>)
      tpu.yield
    }) : () -> ()
    %add3A_77 = arith.addi %mul3A_2, %add3A_63 : i32
    "tpu.region"() ({
      %run_scoped3A_121 = tpu.sem_alloc : memref<!tpu.dma_semaphore, #tpu.memory_space<semaphore_mem>>
      %dma_start3A = arith.constant 0 : i32
      %dma_start3A_122 = tpu.memref_slice %arg7[%add3A_77, %dma_start3A] : memref<20480x48xf32, #tpu.memory_space<hbm>> -> memref<128x48xf32, #tpu.memory_space<hbm>>
      %dma_start3A_123 = arith.constant 0 : i32
      %dma_start3A_124 = tpu.memref_slice %arg7[%add3A_77, %dma_start3A_123] : memref<20480x48xf32, #tpu.memory_space<hbm>> -> memref<128x48xf32, #tpu.memory_space<hbm>>
      tpu.enqueue_dma source(%arg13 : memref<128x48xf32, #tpu.memory_space<vmem>>) target(%dma_start3A_124 : memref<128x48xf32, #tpu.memory_space<hbm>>) target_semaphore(%run_scoped3A_121 : memref<!tpu.dma_semaphore, #tpu.memory_space<semaphore_mem>>)
      %dma_wait3A = arith.constant 0 : i32
      %dma_wait3A_125 = tpu.memref_slice %arg7[%add3A_77, %dma_wait3A] : memref<20480x48xf32, #tpu.memory_space<hbm>> -> memref<128x48xf32, #tpu.memory_space<hbm>>
      %dma_wait3A_126 = arith.constant 0 : i32
      %dma_wait3A_127 = tpu.memref_slice %arg7[%add3A_77, %dma_wait3A_126] : memref<20480x48xf32, #tpu.memory_space<hbm>> -> memref<128x48xf32, #tpu.memory_space<hbm>>
      tpu.wait_dma2 semaphore(%run_scoped3A_121 : memref<!tpu.dma_semaphore, #tpu.memory_space<semaphore_mem>>) src(%arg13 : memref<128x48xf32, #tpu.memory_space<vmem>>) dst(%dma_wait3A_127 : memref<128x48xf32, #tpu.memory_space<hbm>>)
      tpu.yield
    }) : () -> ()
    %run_scoped3A_78 = arith.constant 3 : i32
    "tpu.region"() ({
      %run_scoped3A_121 = tpu.sem_alloc : memref<!tpu.dma_semaphore, #tpu.memory_space<semaphore_mem>>
      %dma_start3A = arith.constant 0 : i32
      %dma_start3A_122 = arith.constant 0 : i32
      %dma_start3A_123 = tpu.memref_slice %arg12[%run_scoped3A_78, %dma_start3A, %dma_start3A_122] : memref<8x128x32xf32, #tpu.memory_space<vmem>> -> memref<1x128x32xf32, #tpu.memory_space<vmem>>
      %dma_start3A_124 = tpu.memref_squeeze %dma_start3A_123 : memref<1x128x32xf32, #tpu.memory_space<vmem>> -> memref<128x32xf32, #tpu.memory_space<vmem>>
      %dma_start3A_125 = arith.constant 0 : i32
      %dma_start3A_126 = tpu.memref_slice %arg8[%add3A_63, %dma_start3A_125] : memref<10240x32xf32, #tpu.memory_space<vmem_shared>> -> memref<128x32xf32, #tpu.memory_space<vmem_shared>>
      %dma_start3A_127 = arith.constant 0 : i32
      %dma_start3A_128 = tpu.memref_slice %arg8[%add3A_63, %dma_start3A_127] : memref<10240x32xf32, #tpu.memory_space<vmem_shared>> -> memref<128x32xf32, #tpu.memory_space<vmem_shared>>
      %dma_start3A_129 = arith.constant 0 : i32
      %dma_start3A_130 = arith.constant 0 : i32
      %dma_start3A_131 = tpu.memref_slice %arg12[%run_scoped3A_78, %dma_start3A_129, %dma_start3A_130] : memref<8x128x32xf32, #tpu.memory_space<vmem>> -> memref<1x128x32xf32, #tpu.memory_space<vmem>>
      %dma_start3A_132 = tpu.memref_squeeze %dma_start3A_131 : memref<1x128x32xf32, #tpu.memory_space<vmem>> -> memref<128x32xf32, #tpu.memory_space<vmem>>
      tpu.enqueue_dma source(%dma_start3A_132 : memref<128x32xf32, #tpu.memory_space<vmem>>) target(%dma_start3A_128 : memref<128x32xf32, #tpu.memory_space<vmem_shared>>) target_semaphore(%run_scoped3A_121 : memref<!tpu.dma_semaphore, #tpu.memory_space<semaphore_mem>>)
      %dma_wait3A = arith.constant 0 : i32
      %dma_wait3A_133 = arith.constant 0 : i32
      %dma_wait3A_134 = tpu.memref_slice %arg12[%run_scoped3A_78, %dma_wait3A, %dma_wait3A_133] : memref<8x128x32xf32, #tpu.memory_space<vmem>> -> memref<1x128x32xf32, #tpu.memory_space<vmem>>
      %dma_wait3A_135 = tpu.memref_squeeze %dma_wait3A_134 : memref<1x128x32xf32, #tpu.memory_space<vmem>> -> memref<128x32xf32, #tpu.memory_space<vmem>>
      %dma_wait3A_136 = arith.constant 0 : i32
      %dma_wait3A_137 = tpu.memref_slice %arg8[%add3A_63, %dma_wait3A_136] : memref<10240x32xf32, #tpu.memory_space<vmem_shared>> -> memref<128x32xf32, #tpu.memory_space<vmem_shared>>
      %dma_wait3A_138 = arith.constant 0 : i32
      %dma_wait3A_139 = tpu.memref_slice %arg8[%add3A_63, %dma_wait3A_138] : memref<10240x32xf32, #tpu.memory_space<vmem_shared>> -> memref<128x32xf32, #tpu.memory_space<vmem_shared>>
      %dma_wait3A_140 = arith.constant 0 : i32
      %dma_wait3A_141 = arith.constant 0 : i32
      %dma_wait3A_142 = tpu.memref_slice %arg12[%run_scoped3A_78, %dma_wait3A_140, %dma_wait3A_141] : memref<8x128x32xf32, #tpu.memory_space<vmem>> -> memref<1x128x32xf32, #tpu.memory_space<vmem>>
      %dma_wait3A_143 = tpu.memref_squeeze %dma_wait3A_142 : memref<1x128x32xf32, #tpu.memory_space<vmem>> -> memref<128x32xf32, #tpu.memory_space<vmem>>
      tpu.wait_dma2 semaphore(%run_scoped3A_121 : memref<!tpu.dma_semaphore, #tpu.memory_space<semaphore_mem>>) src(%dma_wait3A_143 : memref<128x32xf32, #tpu.memory_space<vmem>>) dst(%dma_wait3A_139 : memref<128x32xf32, #tpu.memory_space<vmem_shared>>)
      tpu.yield
    }) : () -> ()
    %add3A_79 = arith.constant 512 : i32
    %add3A_80 = arith.addi %mul3A_0, %add3A_79 : i32
    %run_scoped3A_81 = arith.constant 0 : i32
    "tpu.region"() ({
      %run_scoped3A_121 = tpu.sem_alloc : memref<!tpu.dma_semaphore, #tpu.memory_space<semaphore_mem>>
      %dma_start3A = arith.constant 0 : i32
      %dma_start3A_122 = tpu.memref_slice %arg3[%run_scoped3A_81, %add3A_80, %dma_start3A] : memref<2x10240x16xf32, #tpu.memory_space<hbm>> -> memref<1x128x16xf32, #tpu.memory_space<hbm>>
      %dma_start3A_123 = tpu.memref_squeeze %dma_start3A_122 : memref<1x128x16xf32, #tpu.memory_space<hbm>> -> memref<128x16xf32, #tpu.memory_space<hbm>>
      %dma_start3A_124 = arith.constant 0 : i32
      %dma_start3A_125 = tpu.memref_slice %arg3[%run_scoped3A_81, %add3A_80, %dma_start3A_124] : memref<2x10240x16xf32, #tpu.memory_space<hbm>> -> memref<1x128x16xf32, #tpu.memory_space<hbm>>
      %dma_start3A_126 = tpu.memref_squeeze %dma_start3A_125 : memref<1x128x16xf32, #tpu.memory_space<hbm>> -> memref<128x16xf32, #tpu.memory_space<hbm>>
      tpu.enqueue_dma source(%dma_start3A_126 : memref<128x16xf32, #tpu.memory_space<hbm>>) target(%arg14 : memref<128x16xf32, #tpu.memory_space<vmem>>) target_semaphore(%run_scoped3A_121 : memref<!tpu.dma_semaphore, #tpu.memory_space<semaphore_mem>>)
      %dma_wait3A = arith.constant 0 : i32
      %dma_wait3A_127 = tpu.memref_slice %arg3[%run_scoped3A_81, %add3A_80, %dma_wait3A] : memref<2x10240x16xf32, #tpu.memory_space<hbm>> -> memref<1x128x16xf32, #tpu.memory_space<hbm>>
      %dma_wait3A_128 = tpu.memref_squeeze %dma_wait3A_127 : memref<1x128x16xf32, #tpu.memory_space<hbm>> -> memref<128x16xf32, #tpu.memory_space<hbm>>
      %dma_wait3A_129 = arith.constant 0 : i32
      %dma_wait3A_130 = tpu.memref_slice %arg3[%run_scoped3A_81, %add3A_80, %dma_wait3A_129] : memref<2x10240x16xf32, #tpu.memory_space<hbm>> -> memref<1x128x16xf32, #tpu.memory_space<hbm>>
      %dma_wait3A_131 = tpu.memref_squeeze %dma_wait3A_130 : memref<1x128x16xf32, #tpu.memory_space<hbm>> -> memref<128x16xf32, #tpu.memory_space<hbm>>
      tpu.wait_dma2 semaphore(%run_scoped3A_121 : memref<!tpu.dma_semaphore, #tpu.memory_space<semaphore_mem>>) src(%dma_wait3A_131 : memref<128x16xf32, #tpu.memory_space<hbm>>) dst(%arg14 : memref<128x16xf32, #tpu.memory_space<vmem>>)
      tpu.yield
    }) : () -> ()
    %run_scoped3A_82 = arith.constant 1 : i32
    "tpu.region"() ({
      %run_scoped3A_121 = tpu.sem_alloc : memref<!tpu.dma_semaphore, #tpu.memory_space<semaphore_mem>>
      %dma_start3A = arith.constant 0 : i32
      %dma_start3A_122 = tpu.memref_slice %arg3[%run_scoped3A_82, %add3A_80, %dma_start3A] : memref<2x10240x16xf32, #tpu.memory_space<hbm>> -> memref<1x128x16xf32, #tpu.memory_space<hbm>>
      %dma_start3A_123 = tpu.memref_squeeze %dma_start3A_122 : memref<1x128x16xf32, #tpu.memory_space<hbm>> -> memref<128x16xf32, #tpu.memory_space<hbm>>
      %dma_start3A_124 = arith.constant 0 : i32
      %dma_start3A_125 = tpu.memref_slice %arg3[%run_scoped3A_82, %add3A_80, %dma_start3A_124] : memref<2x10240x16xf32, #tpu.memory_space<hbm>> -> memref<1x128x16xf32, #tpu.memory_space<hbm>>
      %dma_start3A_126 = tpu.memref_squeeze %dma_start3A_125 : memref<1x128x16xf32, #tpu.memory_space<hbm>> -> memref<128x16xf32, #tpu.memory_space<hbm>>
      tpu.enqueue_dma source(%dma_start3A_126 : memref<128x16xf32, #tpu.memory_space<hbm>>) target(%arg15 : memref<128x16xf32, #tpu.memory_space<vmem>>) target_semaphore(%run_scoped3A_121 : memref<!tpu.dma_semaphore, #tpu.memory_space<semaphore_mem>>)
      %dma_wait3A = arith.constant 0 : i32
      %dma_wait3A_127 = tpu.memref_slice %arg3[%run_scoped3A_82, %add3A_80, %dma_wait3A] : memref<2x10240x16xf32, #tpu.memory_space<hbm>> -> memref<1x128x16xf32, #tpu.memory_space<hbm>>
      %dma_wait3A_128 = tpu.memref_squeeze %dma_wait3A_127 : memref<1x128x16xf32, #tpu.memory_space<hbm>> -> memref<128x16xf32, #tpu.memory_space<hbm>>
      %dma_wait3A_129 = arith.constant 0 : i32
      %dma_wait3A_130 = tpu.memref_slice %arg3[%run_scoped3A_82, %add3A_80, %dma_wait3A_129] : memref<2x10240x16xf32, #tpu.memory_space<hbm>> -> memref<1x128x16xf32, #tpu.memory_space<hbm>>
      %dma_wait3A_131 = tpu.memref_squeeze %dma_wait3A_130 : memref<1x128x16xf32, #tpu.memory_space<hbm>> -> memref<128x16xf32, #tpu.memory_space<hbm>>
      tpu.wait_dma2 semaphore(%run_scoped3A_121 : memref<!tpu.dma_semaphore, #tpu.memory_space<semaphore_mem>>) src(%dma_wait3A_131 : memref<128x16xf32, #tpu.memory_space<hbm>>) dst(%arg15 : memref<128x16xf32, #tpu.memory_space<vmem>>)
      tpu.yield
    }) : () -> ()
    %add3A_83 = arith.addi %mul3A_2, %add3A_80 : i32
    %run_scoped3A_84 = arith.constant 2 : i32
    "tpu.region"() ({
      %run_scoped3A_121 = tpu.sem_alloc : memref<!tpu.dma_semaphore, #tpu.memory_space<semaphore_mem>>
      %dma_start3A = arith.constant 0 : i32
      %dma_start3A_122 = arith.constant 0 : i32
      %dma_start3A_123 = tpu.memref_slice %arg12[%run_scoped3A_84, %dma_start3A, %dma_start3A_122] : memref<8x128x32xf32, #tpu.memory_space<vmem>> -> memref<1x128x32xf32, #tpu.memory_space<vmem>>
      %dma_start3A_124 = tpu.memref_squeeze %dma_start3A_123 : memref<1x128x32xf32, #tpu.memory_space<vmem>> -> memref<128x32xf32, #tpu.memory_space<vmem>>
      %dma_start3A_125 = arith.constant 0 : i32
      %dma_start3A_126 = tpu.memref_slice %arg2[%add3A_83, %dma_start3A_125] : memref<20480x32xf32, #tpu.memory_space<hbm>> -> memref<128x32xf32, #tpu.memory_space<hbm>>
      %dma_start3A_127 = arith.constant 0 : i32
      %dma_start3A_128 = arith.constant 0 : i32
      %dma_start3A_129 = tpu.memref_slice %arg12[%run_scoped3A_84, %dma_start3A_127, %dma_start3A_128] : memref<8x128x32xf32, #tpu.memory_space<vmem>> -> memref<1x128x32xf32, #tpu.memory_space<vmem>>
      %dma_start3A_130 = tpu.memref_squeeze %dma_start3A_129 : memref<1x128x32xf32, #tpu.memory_space<vmem>> -> memref<128x32xf32, #tpu.memory_space<vmem>>
      %dma_start3A_131 = arith.constant 0 : i32
      %dma_start3A_132 = tpu.memref_slice %arg2[%add3A_83, %dma_start3A_131] : memref<20480x32xf32, #tpu.memory_space<hbm>> -> memref<128x32xf32, #tpu.memory_space<hbm>>
      tpu.enqueue_dma source(%dma_start3A_132 : memref<128x32xf32, #tpu.memory_space<hbm>>) target(%dma_start3A_130 : memref<128x32xf32, #tpu.memory_space<vmem>>) target_semaphore(%run_scoped3A_121 : memref<!tpu.dma_semaphore, #tpu.memory_space<semaphore_mem>>)
      %dma_wait3A = arith.constant 0 : i32
      %dma_wait3A_133 = arith.constant 0 : i32
      %dma_wait3A_134 = tpu.memref_slice %arg12[%run_scoped3A_84, %dma_wait3A, %dma_wait3A_133] : memref<8x128x32xf32, #tpu.memory_space<vmem>> -> memref<1x128x32xf32, #tpu.memory_space<vmem>>
      %dma_wait3A_135 = tpu.memref_squeeze %dma_wait3A_134 : memref<1x128x32xf32, #tpu.memory_space<vmem>> -> memref<128x32xf32, #tpu.memory_space<vmem>>
      %dma_wait3A_136 = arith.constant 0 : i32
      %dma_wait3A_137 = tpu.memref_slice %arg2[%add3A_83, %dma_wait3A_136] : memref<20480x32xf32, #tpu.memory_space<hbm>> -> memref<128x32xf32, #tpu.memory_space<hbm>>
      %dma_wait3A_138 = arith.constant 0 : i32
      %dma_wait3A_139 = arith.constant 0 : i32
      %dma_wait3A_140 = tpu.memref_slice %arg12[%run_scoped3A_84, %dma_wait3A_138, %dma_wait3A_139] : memref<8x128x32xf32, #tpu.memory_space<vmem>> -> memref<1x128x32xf32, #tpu.memory_space<vmem>>
      %dma_wait3A_141 = tpu.memref_squeeze %dma_wait3A_140 : memref<1x128x32xf32, #tpu.memory_space<vmem>> -> memref<128x32xf32, #tpu.memory_space<vmem>>
      %dma_wait3A_142 = arith.constant 0 : i32
      %dma_wait3A_143 = tpu.memref_slice %arg2[%add3A_83, %dma_wait3A_142] : memref<20480x32xf32, #tpu.memory_space<hbm>> -> memref<128x32xf32, #tpu.memory_space<hbm>>
      tpu.wait_dma2 semaphore(%run_scoped3A_121 : memref<!tpu.dma_semaphore, #tpu.memory_space<semaphore_mem>>) src(%dma_wait3A_143 : memref<128x32xf32, #tpu.memory_space<hbm>>) dst(%dma_wait3A_141 : memref<128x32xf32, #tpu.memory_space<vmem>>)
      tpu.yield
    }) : () -> ()
    %scan3A_85 = arith.constant 2 : i32
    %scan3A_86 = arith.constant 0 : i32
    %scan3A_87 = arith.constant 0 : i32
    %scan3A_88 = arith.constant 128 : i32
    %scan3A_89 = arith.addi %scan3A_87, %scan3A_88 : i32
    %scan3A_90 = arith.constant 1 : i32
    %scan3A_91 = scf.for %scan3A_121 = %scan3A_87 to %scan3A_89 step %scan3A_90 iter_args(%scan3A_122 = %scan3A_86) -> (i32)  : i32 {
      %get3A = arith.index_cast %scan3A_121 : i32 to index
      %get3A_123 = arith.constant 0 : index
      %get3A_124 = tpu.vector_load %arg14[%get3A, %get3A_123] {strides = array<i32>} : memref<128x16xf32, #tpu.memory_space<vmem>>, vector<16xf32>,
      %get3A_125 = arith.index_cast %scan3A_121 : i32 to index
      %get3A_126 = arith.constant 0 : index
      %get3A_127 = tpu.vector_load %arg15[%get3A_125, %get3A_126] {strides = array<i32>} : memref<128x16xf32, #tpu.memory_space<vmem>>, vector<16xf32>,
      %add3A_128 = arith.addf %get3A_124, %get3A_127 : vector<16xf32>
      %add3A_129 = arith.constant 1.000000e+00 : f32
      %add3A_130 = vector.broadcast %add3A_129 : f32 to vector<16xf32>
      %add3A_131 = arith.addf %add3A_128, %add3A_130 : vector<16xf32>
      %bitcast3A = vector.bitcast %add3A_131 : vector<16xf32> to vector<16xi32>
      %shift_right_arithmetic3A = arith.constant 1 : i32
      %shift_right_arithmetic3A_132 = vector.broadcast %shift_right_arithmetic3A : i32 to vector<16xi32>
      %shift_right_arithmetic3A_133 = arith.shrsi %bitcast3A, %shift_right_arithmetic3A_132 : vector<16xi32>
      %sub3A = arith.subi %broadcast_in_dim3A_10, %shift_right_arithmetic3A_133 : vector<16xi32>
      %bitcast3A_134 = vector.bitcast %sub3A : vector<16xi32> to vector<16xf32>
      %mul3A_135 = arith.constant 5.000000e-01 : f32
      %mul3A_136 = vector.broadcast %mul3A_135 : f32 to vector<16xf32>
      %mul3A_137 = arith.mulf %mul3A_136, %add3A_131 : vector<16xf32>
      %mul3A_138 = arith.mulf %mul3A_137, %bitcast3A_134 : vector<16xf32>
      %mul3A_139 = arith.mulf %mul3A_138, %bitcast3A_134 : vector<16xf32>
      %sub3A_140 = arith.subf %broadcast_in_dim3A_12, %mul3A_139 : vector<16xf32>
      %mul3A_141 = arith.mulf %bitcast3A_134, %sub3A_140 : vector<16xf32>
      %mul3A_142 = arith.mulf %mul3A_137, %mul3A_141 : vector<16xf32>
      %mul3A_143 = arith.mulf %mul3A_142, %mul3A_141 : vector<16xf32>
      %sub3A_144 = arith.subf %broadcast_in_dim3A_12, %mul3A_143 : vector<16xf32>
      %mul3A_145 = arith.mulf %mul3A_141, %sub3A_144 : vector<16xf32>
      %mul3A_146 = arith.mulf %mul3A_137, %mul3A_145 : vector<16xf32>
      %mul3A_147 = arith.mulf %mul3A_146, %mul3A_145 : vector<16xf32>
      %sub3A_148 = arith.subf %broadcast_in_dim3A_12, %mul3A_147 : vector<16xf32>
      %mul3A_149 = arith.mulf %mul3A_145, %sub3A_148 : vector<16xf32>
      %mul3A_150 = arith.mulf %mul3A_137, %mul3A_149 : vector<16xf32>
      %mul3A_151 = arith.mulf %mul3A_150, %mul3A_149 : vector<16xf32>
      %sub3A_152 = arith.subf %broadcast_in_dim3A_12, %mul3A_151 : vector<16xf32>
      %mul3A_153 = arith.mulf %mul3A_149, %sub3A_152 : vector<16xf32>
      %div3A = arith.constant 0.899999976 : f32
      %div3A_154 = vector.broadcast %div3A : f32 to vector<16xf32>
      %div3A_155 = arith.divf %div3A_154, %add3A_131 : vector<16xf32>
      %swap3A = arith.index_cast %scan3A_121 : i32 to index
      %swap3A_156 = arith.constant 0 : index
      %swap3A_157 = tpu.vector_load %arg13[%swap3A, %swap3A_156] {strides = array<i32>} : memref<128x48xf32, #tpu.memory_space<vmem>>, vector<16xf32>,
      tpu.vector_store %arg13[%swap3A, %swap3A_156], %div3A_155 {strides = array<i32>} : memref<128x48xf32, #tpu.memory_space<vmem>>, vector<16xf32>,
      %get3A_158 = arith.constant 0 : i32
      %get3A_159 = arith.constant 0 : i32
      %get3A_160 = tpu.memref_slice %arg12[%scan3A_85, %get3A_158, %get3A_159] : memref<8x128x32xf32, #tpu.memory_space<vmem>> -> memref<1x128x32xf32, #tpu.memory_space<vmem>>
      %get3A_161 = tpu.memref_squeeze %get3A_160 : memref<1x128x32xf32, #tpu.memory_space<vmem>> -> memref<128x32xf32, #tpu.memory_space<vmem>>
      %get3A_162 = arith.index_cast %scan3A_121 : i32 to index
      %get3A_163 = arith.constant 0 : index
      %get3A_164 = tpu.vector_load %get3A_161[%get3A_162, %get3A_163] {strides = array<i32>} : memref<128x32xf32, #tpu.memory_space<vmem>>, vector<16xf32>,
      %mul3A_165 = arith.constant 1.000000e-01 : f32
      %mul3A_166 = vector.broadcast %mul3A_165 : f32 to vector<16xf32>
      %mul3A_167 = arith.mulf %mul3A_166, %mul3A_153 : vector<16xf32>
      %mul3A_168 = arith.mulf %mul3A_167, %get3A_164 : vector<16xf32>
      %swap3A_169 = arith.index_cast %scan3A_121 : i32 to index
      %swap3A_170 = arith.constant 16 : index
      %swap3A_171 = tpu.vector_load %arg13[%swap3A_169, %swap3A_170] {strides = array<i32>} : memref<128x48xf32, #tpu.memory_space<vmem>>, vector<16xf32>,
      tpu.vector_store %arg13[%swap3A_169, %swap3A_170], %mul3A_168 {strides = array<i32>} : memref<128x48xf32, #tpu.memory_space<vmem>>, vector<16xf32>,
      %mul3A_172 = arith.mulf %mul3A_153, %get3A_164 : vector<16xf32>
      %swap3A_173 = arith.constant 0 : i32
      %swap3A_174 = arith.constant 0 : i32
      %swap3A_175 = tpu.memref_slice %arg12[%scan3A_85, %swap3A_173, %swap3A_174] : memref<8x128x32xf32, #tpu.memory_space<vmem>> -> memref<1x128x32xf32, #tpu.memory_space<vmem>>
      %swap3A_176 = tpu.memref_squeeze %swap3A_175 : memref<1x128x32xf32, #tpu.memory_space<vmem>> -> memref<128x32xf32, #tpu.memory_space<vmem>>
      %swap3A_177 = arith.index_cast %scan3A_121 : i32 to index
      %swap3A_178 = arith.constant 0 : index
      %swap3A_179 = tpu.vector_load %swap3A_176[%swap3A_177, %swap3A_178] {strides = array<i32>} : memref<128x32xf32, #tpu.memory_space<vmem>>, vector<16xf32>,
      tpu.vector_store %swap3A_176[%swap3A_177, %swap3A_178], %mul3A_172 {strides = array<i32>} : memref<128x32xf32, #tpu.memory_space<vmem>>, vector<16xf32>,
      %get3A_180 = arith.constant 0 : i32
      %get3A_181 = arith.constant 0 : i32
      %get3A_182 = tpu.memref_slice %arg12[%scan3A_85, %get3A_180, %get3A_181] : memref<8x128x32xf32, #tpu.memory_space<vmem>> -> memref<1x128x32xf32, #tpu.memory_space<vmem>>
      %get3A_183 = tpu.memref_squeeze %get3A_182 : memref<1x128x32xf32, #tpu.memory_space<vmem>> -> memref<128x32xf32, #tpu.memory_space<vmem>>
      %get3A_184 = arith.index_cast %scan3A_121 : i32 to index
      %get3A_185 = arith.constant 16 : index
      %get3A_186 = tpu.vector_load %get3A_183[%get3A_184, %get3A_185] {strides = array<i32>} : memref<128x32xf32, #tpu.memory_space<vmem>>, vector<16xf32>,
      %mul3A_187 = arith.constant 1.000000e-01 : f32
      %mul3A_188 = vector.broadcast %mul3A_187 : f32 to vector<16xf32>
      %mul3A_189 = arith.mulf %mul3A_188, %mul3A_153 : vector<16xf32>
      %mul3A_190 = arith.mulf %mul3A_189, %get3A_186 : vector<16xf32>
      %swap3A_191 = arith.index_cast %scan3A_121 : i32 to index
      %swap3A_192 = arith.constant 32 : index
      %swap3A_193 = tpu.vector_load %arg13[%swap3A_191, %swap3A_192] {strides = array<i32>} : memref<128x48xf32, #tpu.memory_space<vmem>>, vector<16xf32>,
      tpu.vector_store %arg13[%swap3A_191, %swap3A_192], %mul3A_190 {strides = array<i32>} : memref<128x48xf32, #tpu.memory_space<vmem>>, vector<16xf32>,
      %mul3A_194 = arith.mulf %mul3A_153, %get3A_186 : vector<16xf32>
      %swap3A_195 = arith.constant 0 : i32
      %swap3A_196 = arith.constant 0 : i32
      %swap3A_197 = tpu.memref_slice %arg12[%scan3A_85, %swap3A_195, %swap3A_196] : memref<8x128x32xf32, #tpu.memory_space<vmem>> -> memref<1x128x32xf32, #tpu.memory_space<vmem>>
      %swap3A_198 = tpu.memref_squeeze %swap3A_197 : memref<1x128x32xf32, #tpu.memory_space<vmem>> -> memref<128x32xf32, #tpu.memory_space<vmem>>
      %swap3A_199 = arith.index_cast %scan3A_121 : i32 to index
      %swap3A_200 = arith.constant 16 : index
      %swap3A_201 = tpu.vector_load %swap3A_198[%swap3A_199, %swap3A_200] {strides = array<i32>} : memref<128x32xf32, #tpu.memory_space<vmem>>, vector<16xf32>,
      tpu.vector_store %swap3A_198[%swap3A_199, %swap3A_200], %mul3A_194 {strides = array<i32>} : memref<128x32xf32, #tpu.memory_space<vmem>>, vector<16xf32>,
      %scan3A_202 = arith.constant 0 : i32
      scf.yield %scan3A_202 : i32
    }
    %scan3A_92 = arith.constant 128 : i32
    %run_scoped3A_93 = arith.constant 2 : i32
    "tpu.region"() ({
      %run_scoped3A_121 = tpu.sem_alloc : memref<!tpu.dma_semaphore, #tpu.memory_space<semaphore_mem>>
      %dma_start3A = arith.constant 0 : i32
      %dma_start3A_122 = arith.constant 0 : i32
      %dma_start3A_123 = tpu.memref_slice %arg12[%run_scoped3A_93, %dma_start3A, %dma_start3A_122] : memref<8x128x32xf32, #tpu.memory_space<vmem>> -> memref<1x128x32xf32, #tpu.memory_space<vmem>>
      %dma_start3A_124 = tpu.memref_squeeze %dma_start3A_123 : memref<1x128x32xf32, #tpu.memory_space<vmem>> -> memref<128x32xf32, #tpu.memory_space<vmem>>
      %dma_start3A_125 = arith.constant 0 : i32
      %dma_start3A_126 = tpu.memref_slice %arg9[%add3A_80, %dma_start3A_125] : memref<10240x32xf32, #tpu.memory_space<vmem_shared>> -> memref<128x32xf32, #tpu.memory_space<vmem_shared>>
      %dma_start3A_127 = arith.constant 0 : i32
      %dma_start3A_128 = tpu.memref_slice %arg9[%add3A_80, %dma_start3A_127] : memref<10240x32xf32, #tpu.memory_space<vmem_shared>> -> memref<128x32xf32, #tpu.memory_space<vmem_shared>>
      %dma_start3A_129 = arith.constant 0 : i32
      %dma_start3A_130 = arith.constant 0 : i32
      %dma_start3A_131 = tpu.memref_slice %arg12[%run_scoped3A_93, %dma_start3A_129, %dma_start3A_130] : memref<8x128x32xf32, #tpu.memory_space<vmem>> -> memref<1x128x32xf32, #tpu.memory_space<vmem>>
      %dma_start3A_132 = tpu.memref_squeeze %dma_start3A_131 : memref<1x128x32xf32, #tpu.memory_space<vmem>> -> memref<128x32xf32, #tpu.memory_space<vmem>>
      tpu.enqueue_dma source(%dma_start3A_132 : memref<128x32xf32, #tpu.memory_space<vmem>>) target(%dma_start3A_128 : memref<128x32xf32, #tpu.memory_space<vmem_shared>>) target_semaphore(%run_scoped3A_121 : memref<!tpu.dma_semaphore, #tpu.memory_space<semaphore_mem>>)
      %dma_wait3A = arith.constant 0 : i32
      %dma_wait3A_133 = arith.constant 0 : i32
      %dma_wait3A_134 = tpu.memref_slice %arg12[%run_scoped3A_93, %dma_wait3A, %dma_wait3A_133] : memref<8x128x32xf32, #tpu.memory_space<vmem>> -> memref<1x128x32xf32, #tpu.memory_space<vmem>>
      %dma_wait3A_135 = tpu.memref_squeeze %dma_wait3A_134 : memref<1x128x32xf32, #tpu.memory_space<vmem>> -> memref<128x32xf32, #tpu.memory_space<vmem>>
      %dma_wait3A_136 = arith.constant 0 : i32
      %dma_wait3A_137 = tpu.memref_slice %arg9[%add3A_80, %dma_wait3A_136] : memref<10240x32xf32, #tpu.memory_space<vmem_shared>> -> memref<128x32xf32, #tpu.memory_space<vmem_shared>>
      %dma_wait3A_138 = arith.constant 0 : i32
      %dma_wait3A_139 = tpu.memref_slice %arg9[%add3A_80, %dma_wait3A_138] : memref<10240x32xf32, #tpu.memory_space<vmem_shared>> -> memref<128x32xf32, #tpu.memory_space<vmem_shared>>
      %dma_wait3A_140 = arith.constant 0 : i32
      %dma_wait3A_141 = arith.constant 0 : i32
      %dma_wait3A_142 = tpu.memref_slice %arg12[%run_scoped3A_93, %dma_wait3A_140, %dma_wait3A_141] : memref<8x128x32xf32, #tpu.memory_space<vmem>> -> memref<1x128x32xf32, #tpu.memory_space<vmem>>
      %dma_wait3A_143 = tpu.memref_squeeze %dma_wait3A_142 : memref<1x128x32xf32, #tpu.memory_space<vmem>> -> memref<128x32xf32, #tpu.memory_space<vmem>>
      tpu.wait_dma2 semaphore(%run_scoped3A_121 : memref<!tpu.dma_semaphore, #tpu.memory_space<semaphore_mem>>) src(%dma_wait3A_143 : memref<128x32xf32, #tpu.memory_space<vmem>>) dst(%dma_wait3A_139 : memref<128x32xf32, #tpu.memory_space<vmem_shared>>)
      tpu.yield
    }) : () -> ()
    %add3A_94 = arith.addi %mul3A_2, %add3A_80 : i32
    "tpu.region"() ({
      %run_scoped3A_121 = tpu.sem_alloc : memref<!tpu.dma_semaphore, #tpu.memory_space<semaphore_mem>>
      %dma_start3A = arith.constant 0 : i32
      %dma_start3A_122 = tpu.memref_slice %arg7[%add3A_94, %dma_start3A] : memref<20480x48xf32, #tpu.memory_space<hbm>> -> memref<128x48xf32, #tpu.memory_space<hbm>>
      %dma_start3A_123 = arith.constant 0 : i32
      %dma_start3A_124 = tpu.memref_slice %arg7[%add3A_94, %dma_start3A_123] : memref<20480x48xf32, #tpu.memory_space<hbm>> -> memref<128x48xf32, #tpu.memory_space<hbm>>
      tpu.enqueue_dma source(%arg13 : memref<128x48xf32, #tpu.memory_space<vmem>>) target(%dma_start3A_124 : memref<128x48xf32, #tpu.memory_space<hbm>>) target_semaphore(%run_scoped3A_121 : memref<!tpu.dma_semaphore, #tpu.memory_space<semaphore_mem>>)
      %dma_wait3A = arith.constant 0 : i32
      %dma_wait3A_125 = tpu.memref_slice %arg7[%add3A_94, %dma_wait3A] : memref<20480x48xf32, #tpu.memory_space<hbm>> -> memref<128x48xf32, #tpu.memory_space<hbm>>
      %dma_wait3A_126 = arith.constant 0 : i32
      %dma_wait3A_127 = tpu.memref_slice %arg7[%add3A_94, %dma_wait3A_126] : memref<20480x48xf32, #tpu.memory_space<hbm>> -> memref<128x48xf32, #tpu.memory_space<hbm>>
      tpu.wait_dma2 semaphore(%run_scoped3A_121 : memref<!tpu.dma_semaphore, #tpu.memory_space<semaphore_mem>>) src(%arg13 : memref<128x48xf32, #tpu.memory_space<vmem>>) dst(%dma_wait3A_127 : memref<128x48xf32, #tpu.memory_space<hbm>>)
      tpu.yield
    }) : () -> ()
    %run_scoped3A_95 = arith.constant 3 : i32
    "tpu.region"() ({
      %run_scoped3A_121 = tpu.sem_alloc : memref<!tpu.dma_semaphore, #tpu.memory_space<semaphore_mem>>
      %dma_start3A = arith.constant 0 : i32
      %dma_start3A_122 = arith.constant 0 : i32
      %dma_start3A_123 = tpu.memref_slice %arg12[%run_scoped3A_95, %dma_start3A, %dma_start3A_122] : memref<8x128x32xf32, #tpu.memory_space<vmem>> -> memref<1x128x32xf32, #tpu.memory_space<vmem>>
      %dma_start3A_124 = tpu.memref_squeeze %dma_start3A_123 : memref<1x128x32xf32, #tpu.memory_space<vmem>> -> memref<128x32xf32, #tpu.memory_space<vmem>>
      %dma_start3A_125 = arith.constant 0 : i32
      %dma_start3A_126 = tpu.memref_slice %arg8[%add3A_80, %dma_start3A_125] : memref<10240x32xf32, #tpu.memory_space<vmem_shared>> -> memref<128x32xf32, #tpu.memory_space<vmem_shared>>
      %dma_start3A_127 = arith.constant 0 : i32
      %dma_start3A_128 = tpu.memref_slice %arg8[%add3A_80, %dma_start3A_127] : memref<10240x32xf32, #tpu.memory_space<vmem_shared>> -> memref<128x32xf32, #tpu.memory_space<vmem_shared>>
      %dma_start3A_129 = arith.constant 0 : i32
      %dma_start3A_130 = arith.constant 0 : i32
      %dma_start3A_131 = tpu.memref_slice %arg12[%run_scoped3A_95, %dma_start3A_129, %dma_start3A_130] : memref<8x128x32xf32, #tpu.memory_space<vmem>> -> memref<1x128x32xf32, #tpu.memory_space<vmem>>
      %dma_start3A_132 = tpu.memref_squeeze %dma_start3A_131 : memref<1x128x32xf32, #tpu.memory_space<vmem>> -> memref<128x32xf32, #tpu.memory_space<vmem>>
      tpu.enqueue_dma source(%dma_start3A_132 : memref<128x32xf32, #tpu.memory_space<vmem>>) target(%dma_start3A_128 : memref<128x32xf32, #tpu.memory_space<vmem_shared>>) target_semaphore(%run_scoped3A_121 : memref<!tpu.dma_semaphore, #tpu.memory_space<semaphore_mem>>)
      %dma_wait3A = arith.constant 0 : i32
      %dma_wait3A_133 = arith.constant 0 : i32
      %dma_wait3A_134 = tpu.memref_slice %arg12[%run_scoped3A_95, %dma_wait3A, %dma_wait3A_133] : memref<8x128x32xf32, #tpu.memory_space<vmem>> -> memref<1x128x32xf32, #tpu.memory_space<vmem>>
      %dma_wait3A_135 = tpu.memref_squeeze %dma_wait3A_134 : memref<1x128x32xf32, #tpu.memory_space<vmem>> -> memref<128x32xf32, #tpu.memory_space<vmem>>
      %dma_wait3A_136 = arith.constant 0 : i32
      %dma_wait3A_137 = tpu.memref_slice %arg8[%add3A_80, %dma_wait3A_136] : memref<10240x32xf32, #tpu.memory_space<vmem_shared>> -> memref<128x32xf32, #tpu.memory_space<vmem_shared>>
      %dma_wait3A_138 = arith.constant 0 : i32
      %dma_wait3A_139 = tpu.memref_slice %arg8[%add3A_80, %dma_wait3A_138] : memref<10240x32xf32, #tpu.memory_space<vmem_shared>> -> memref<128x32xf32, #tpu.memory_space<vmem_shared>>
      %dma_wait3A_140 = arith.constant 0 : i32
      %dma_wait3A_141 = arith.constant 0 : i32
      %dma_wait3A_142 = tpu.memref_slice %arg12[%run_scoped3A_95, %dma_wait3A_140, %dma_wait3A_141] : memref<8x128x32xf32, #tpu.memory_space<vmem>> -> memref<1x128x32xf32, #tpu.memory_space<vmem>>
      %dma_wait3A_143 = tpu.memref_squeeze %dma_wait3A_142 : memref<1x128x32xf32, #tpu.memory_space<vmem>> -> memref<128x32xf32, #tpu.memory_space<vmem>>
      tpu.wait_dma2 semaphore(%run_scoped3A_121 : memref<!tpu.dma_semaphore, #tpu.memory_space<semaphore_mem>>) src(%dma_wait3A_143 : memref<128x32xf32, #tpu.memory_space<vmem>>) dst(%dma_wait3A_139 : memref<128x32xf32, #tpu.memory_space<vmem_shared>>)
      tpu.yield
    }) : () -> ()
    %barrier3A = arith.constant 0 : index
    tpu.barrier barrier_id(%barrier3A)
    %scan3A_96 = arith.constant 3 : i32
    %scan3A_97 = arith.constant 1 : i32
    %scan3A_98 = arith.constant 2 : i32
    %scan3A_99 = arith.constant 0 : i32
    %scan3A_100 = arith.constant 0 : i32
    %scan3A_101 = arith.constant 10 : i32
    %scan3A_102 = arith.addi %scan3A_100, %scan3A_101 : i32
    %scan3A_103 = arith.constant 1 : i32
    %scan3A_104 = scf.for %scan3A_121 = %scan3A_100 to %scan3A_102 step %scan3A_103 iter_args(%scan3A_122 = %scan3A_99) -> (i32)  : i32 {
      %dma_start3A = arith.constant 0 : i32
      %dma_start3A_123 = arith.constant 0 : i32
      %dma_start3A_124 = arith.constant 0 : i32
      %dma_start3A_125 = arith.constant 0 : i32
      %dma_start3A_126 = arith.constant 0 : i32
      %dma_start3A_127 = tpu.memref_slice %arg12[%dma_start3A_123, %dma_start3A_125, %dma_start3A_126] : memref<8x128x32xf32, #tpu.memory_space<vmem>> -> memref<1x128x32xf32, #tpu.memory_space<vmem>>
      %dma_start3A_128 = tpu.memref_squeeze %dma_start3A_127 : memref<1x128x32xf32, #tpu.memory_space<vmem>> -> memref<128x32xf32, #tpu.memory_space<vmem>>
      %dma_start3A_129 = arith.constant 0 : i32
      %dma_start3A_130 = tpu.memref_slice %arg10[%dma_start3A, %dma_start3A_129] : memref<160x128xi32, #tpu.memory_space<vmem>> -> memref<1x128xi32, #tpu.memory_space<vmem>>
      %dma_start3A_131 = tpu.memref_squeeze %dma_start3A_130 : memref<1x128xi32, #tpu.memory_space<vmem>> -> memref<128xi32, #tpu.memory_space<vmem>>
      %dma_start3A_132 = arith.constant 0 : i32
      %dma_start3A_133 = arith.constant 0 : i32
      %dma_start3A_134 = tpu.memref_slice %arg9[%dma_start3A_132, %dma_start3A_133] : memref<10240x32xf32, #tpu.memory_space<vmem_shared>> -> memref<10240x32xf32, #tpu.memory_space<vmem_shared>>
      %dma_start3A_135 = tpu.memref_slice %arg16[%dma_start3A_124] : memref<8x!tpu.dma_semaphore, #tpu.memory_space<semaphore_mem>> -> memref<1x!tpu.dma_semaphore, #tpu.memory_space<semaphore_mem>>
      %dma_start3A_136 = tpu.memref_squeeze %dma_start3A_135 : memref<1x!tpu.dma_semaphore, #tpu.memory_space<semaphore_mem>> -> memref<!tpu.dma_semaphore, #tpu.memory_space<semaphore_mem>>
      tpu.enqueue_indirect_dma source(%dma_start3A_134 : memref<10240x32xf32, #tpu.memory_space<vmem_shared>>) target(%dma_start3A_128 : memref<128x32xf32, #tpu.memory_space<vmem>>) offsets(%dma_start3A_131 : memref<128xi32, #tpu.memory_space<vmem>>) semaphore(%dma_start3A_136 : memref<!tpu.dma_semaphore, #tpu.memory_space<semaphore_mem>>)
      %dma_start3A_137 = arith.constant 1 : i32
      %dma_start3A_138 = arith.constant 1 : i32
      %dma_start3A_139 = arith.constant 1 : i32
      %dma_start3A_140 = arith.constant 0 : i32
      %dma_start3A_141 = arith.constant 0 : i32
      %dma_start3A_142 = tpu.memref_slice %arg12[%dma_start3A_138, %dma_start3A_140, %dma_start3A_141] : memref<8x128x32xf32, #tpu.memory_space<vmem>> -> memref<1x128x32xf32, #tpu.memory_space<vmem>>
      %dma_start3A_143 = tpu.memref_squeeze %dma_start3A_142 : memref<1x128x32xf32, #tpu.memory_space<vmem>> -> memref<128x32xf32, #tpu.memory_space<vmem>>
      %dma_start3A_144 = arith.constant 0 : i32
      %dma_start3A_145 = tpu.memref_slice %arg10[%dma_start3A_137, %dma_start3A_144] : memref<160x128xi32, #tpu.memory_space<vmem>> -> memref<1x128xi32, #tpu.memory_space<vmem>>
      %dma_start3A_146 = tpu.memref_squeeze %dma_start3A_145 : memref<1x128xi32, #tpu.memory_space<vmem>> -> memref<128xi32, #tpu.memory_space<vmem>>
      %dma_start3A_147 = arith.constant 0 : i32
      %dma_start3A_148 = arith.constant 0 : i32
      %dma_start3A_149 = tpu.memref_slice %arg9[%dma_start3A_147, %dma_start3A_148] : memref<10240x32xf32, #tpu.memory_space<vmem_shared>> -> memref<10240x32xf32, #tpu.memory_space<vmem_shared>>
      %dma_start3A_150 = tpu.memref_slice %arg16[%dma_start3A_139] : memref<8x!tpu.dma_semaphore, #tpu.memory_space<semaphore_mem>> -> memref<1x!tpu.dma_semaphore, #tpu.memory_space<semaphore_mem>>
      %dma_start3A_151 = tpu.memref_squeeze %dma_start3A_150 : memref<1x!tpu.dma_semaphore, #tpu.memory_space<semaphore_mem>> -> memref<!tpu.dma_semaphore, #tpu.memory_space<semaphore_mem>>
      tpu.enqueue_indirect_dma source(%dma_start3A_149 : memref<10240x32xf32, #tpu.memory_space<vmem_shared>>) target(%dma_start3A_143 : memref<128x32xf32, #tpu.memory_space<vmem>>) offsets(%dma_start3A_146 : memref<128xi32, #tpu.memory_space<vmem>>) semaphore(%dma_start3A_151 : memref<!tpu.dma_semaphore, #tpu.memory_space<semaphore_mem>>)
      %dma_start3A_152 = arith.constant 2 : i32
      %dma_start3A_153 = arith.constant 2 : i32
      %dma_start3A_154 = arith.constant 2 : i32
      %dma_start3A_155 = arith.constant 0 : i32
      %dma_start3A_156 = arith.constant 0 : i32
      %dma_start3A_157 = tpu.memref_slice %arg12[%dma_start3A_153, %dma_start3A_155, %dma_start3A_156] : memref<8x128x32xf32, #tpu.memory_space<vmem>> -> memref<1x128x32xf32, #tpu.memory_space<vmem>>
      %dma_start3A_158 = tpu.memref_squeeze %dma_start3A_157 : memref<1x128x32xf32, #tpu.memory_space<vmem>> -> memref<128x32xf32, #tpu.memory_space<vmem>>
      %dma_start3A_159 = arith.constant 0 : i32
      %dma_start3A_160 = tpu.memref_slice %arg10[%dma_start3A_152, %dma_start3A_159] : memref<160x128xi32, #tpu.memory_space<vmem>> -> memref<1x128xi32, #tpu.memory_space<vmem>>
      %dma_start3A_161 = tpu.memref_squeeze %dma_start3A_160 : memref<1x128xi32, #tpu.memory_space<vmem>> -> memref<128xi32, #tpu.memory_space<vmem>>
      %dma_start3A_162 = arith.constant 0 : i32
      %dma_start3A_163 = arith.constant 0 : i32
      %dma_start3A_164 = tpu.memref_slice %arg9[%dma_start3A_162, %dma_start3A_163] : memref<10240x32xf32, #tpu.memory_space<vmem_shared>> -> memref<10240x32xf32, #tpu.memory_space<vmem_shared>>
      %dma_start3A_165 = tpu.memref_slice %arg16[%dma_start3A_154] : memref<8x!tpu.dma_semaphore, #tpu.memory_space<semaphore_mem>> -> memref<1x!tpu.dma_semaphore, #tpu.memory_space<semaphore_mem>>
      %dma_start3A_166 = tpu.memref_squeeze %dma_start3A_165 : memref<1x!tpu.dma_semaphore, #tpu.memory_space<semaphore_mem>> -> memref<!tpu.dma_semaphore, #tpu.memory_space<semaphore_mem>>
      tpu.enqueue_indirect_dma source(%dma_start3A_164 : memref<10240x32xf32, #tpu.memory_space<vmem_shared>>) target(%dma_start3A_158 : memref<128x32xf32, #tpu.memory_space<vmem>>) offsets(%dma_start3A_161 : memref<128xi32, #tpu.memory_space<vmem>>) semaphore(%dma_start3A_166 : memref<!tpu.dma_semaphore, #tpu.memory_space<semaphore_mem>>)
      %dma_start3A_167 = arith.constant 3 : i32
      %dma_start3A_168 = arith.constant 3 : i32
      %dma_start3A_169 = arith.constant 3 : i32
      %dma_start3A_170 = arith.constant 0 : i32
      %dma_start3A_171 = arith.constant 0 : i32
      %dma_start3A_172 = tpu.memref_slice %arg12[%dma_start3A_168, %dma_start3A_170, %dma_start3A_171] : memref<8x128x32xf32, #tpu.memory_space<vmem>> -> memref<1x128x32xf32, #tpu.memory_space<vmem>>
      %dma_start3A_173 = tpu.memref_squeeze %dma_start3A_172 : memref<1x128x32xf32, #tpu.memory_space<vmem>> -> memref<128x32xf32, #tpu.memory_space<vmem>>
      %dma_start3A_174 = arith.constant 0 : i32
      %dma_start3A_175 = tpu.memref_slice %arg10[%dma_start3A_167, %dma_start3A_174] : memref<160x128xi32, #tpu.memory_space<vmem>> -> memref<1x128xi32, #tpu.memory_space<vmem>>
      %dma_start3A_176 = tpu.memref_squeeze %dma_start3A_175 : memref<1x128xi32, #tpu.memory_space<vmem>> -> memref<128xi32, #tpu.memory_space<vmem>>
      %dma_start3A_177 = arith.constant 0 : i32
      %dma_start3A_178 = arith.constant 0 : i32
      %dma_start3A_179 = tpu.memref_slice %arg9[%dma_start3A_177, %dma_start3A_178] : memref<10240x32xf32, #tpu.memory_space<vmem_shared>> -> memref<10240x32xf32, #tpu.memory_space<vmem_shared>>
      %dma_start3A_180 = tpu.memref_slice %arg16[%dma_start3A_169] : memref<8x!tpu.dma_semaphore, #tpu.memory_space<semaphore_mem>> -> memref<1x!tpu.dma_semaphore, #tpu.memory_space<semaphore_mem>>
      %dma_start3A_181 = tpu.memref_squeeze %dma_start3A_180 : memref<1x!tpu.dma_semaphore, #tpu.memory_space<semaphore_mem>> -> memref<!tpu.dma_semaphore, #tpu.memory_space<semaphore_mem>>
      tpu.enqueue_indirect_dma source(%dma_start3A_179 : memref<10240x32xf32, #tpu.memory_space<vmem_shared>>) target(%dma_start3A_173 : memref<128x32xf32, #tpu.memory_space<vmem>>) offsets(%dma_start3A_176 : memref<128xi32, #tpu.memory_space<vmem>>) semaphore(%dma_start3A_181 : memref<!tpu.dma_semaphore, #tpu.memory_space<semaphore_mem>>)
      %scan3A_182 = arith.constant 0 : i32
      %scan3A_183 = arith.constant 0 : i32
      %scan3A_184 = arith.constant 19 : i32
      %scan3A_185 = arith.addi %scan3A_183, %scan3A_184 : i32
      %scan3A_186 = arith.constant 1 : i32
      %scan3A_187 = scf.for %scan3A_668 = %scan3A_183 to %scan3A_185 step %scan3A_186 iter_args(%scan3A_669 = %scan3A_182) -> (i32)  : i32 {
        %mul3A_670 = arith.constant 2 : i32
        %mul3A_671 = arith.muli %mul3A_670, %scan3A_668 : i32
        %add3A_672 = arith.constant 1 : i32
        %add3A_673 = arith.addi %mul3A_671, %add3A_672 : i32
        %mul3A_674 = arith.constant 4 : i32
        %mul3A_675 = arith.muli %add3A_673, %mul3A_674 : i32
        %add3A_676 = arith.constant 0 : i32
        %add3A_677 = arith.addi %mul3A_675, %add3A_676 : i32
        %dma_start3A_678 = arith.constant 4 : i32
        %dma_start3A_679 = arith.constant 4 : i32
        %dma_start3A_680 = arith.constant 0 : i32
        %dma_start3A_681 = arith.constant 0 : i32
        %dma_start3A_682 = tpu.memref_slice %arg12[%dma_start3A_678, %dma_start3A_680, %dma_start3A_681] : memref<8x128x32xf32, #tpu.memory_space<vmem>> -> memref<1x128x32xf32, #tpu.memory_space<vmem>>
        %dma_start3A_683 = tpu.memref_squeeze %dma_start3A_682 : memref<1x128x32xf32, #tpu.memory_space<vmem>> -> memref<128x32xf32, #tpu.memory_space<vmem>>
        %dma_start3A_684 = arith.constant 0 : i32
        %dma_start3A_685 = tpu.memref_slice %arg10[%add3A_677, %dma_start3A_684] : memref<160x128xi32, #tpu.memory_space<vmem>> -> memref<1x128xi32, #tpu.memory_space<vmem>>
        %dma_start3A_686 = tpu.memref_squeeze %dma_start3A_685 : memref<1x128xi32, #tpu.memory_space<vmem>> -> memref<128xi32, #tpu.memory_space<vmem>>
        %dma_start3A_687 = arith.constant 0 : i32
        %dma_start3A_688 = arith.constant 0 : i32
        %dma_start3A_689 = tpu.memref_slice %arg9[%dma_start3A_687, %dma_start3A_688] : memref<10240x32xf32, #tpu.memory_space<vmem_shared>> -> memref<10240x32xf32, #tpu.memory_space<vmem_shared>>
        %dma_start3A_690 = tpu.memref_slice %arg16[%dma_start3A_679] : memref<8x!tpu.dma_semaphore, #tpu.memory_space<semaphore_mem>> -> memref<1x!tpu.dma_semaphore, #tpu.memory_space<semaphore_mem>>
        %dma_start3A_691 = tpu.memref_squeeze %dma_start3A_690 : memref<1x!tpu.dma_semaphore, #tpu.memory_space<semaphore_mem>> -> memref<!tpu.dma_semaphore, #tpu.memory_space<semaphore_mem>>
        tpu.enqueue_indirect_dma source(%dma_start3A_689 : memref<10240x32xf32, #tpu.memory_space<vmem_shared>>) target(%dma_start3A_683 : memref<128x32xf32, #tpu.memory_space<vmem>>) offsets(%dma_start3A_686 : memref<128xi32, #tpu.memory_space<vmem>>) semaphore(%dma_start3A_691 : memref<!tpu.dma_semaphore, #tpu.memory_space<semaphore_mem>>)
        %add3A_692 = arith.constant 1 : i32
        %add3A_693 = arith.addi %mul3A_671, %add3A_692 : i32
        %mul3A_694 = arith.constant 4 : i32
        %mul3A_695 = arith.muli %add3A_693, %mul3A_694 : i32
        %add3A_696 = arith.constant 1 : i32
        %add3A_697 = arith.addi %mul3A_695, %add3A_696 : i32
        %dma_start3A_698 = arith.constant 5 : i32
        %dma_start3A_699 = arith.constant 5 : i32
        %dma_start3A_700 = arith.constant 0 : i32
        %dma_start3A_701 = arith.constant 0 : i32
        %dma_start3A_702 = tpu.memref_slice %arg12[%dma_start3A_698, %dma_start3A_700, %dma_start3A_701] : memref<8x128x32xf32, #tpu.memory_space<vmem>> -> memref<1x128x32xf32, #tpu.memory_space<vmem>>
        %dma_start3A_703 = tpu.memref_squeeze %dma_start3A_702 : memref<1x128x32xf32, #tpu.memory_space<vmem>> -> memref<128x32xf32, #tpu.memory_space<vmem>>
        %dma_start3A_704 = arith.constant 0 : i32
        %dma_start3A_705 = tpu.memref_slice %arg10[%add3A_697, %dma_start3A_704] : memref<160x128xi32, #tpu.memory_space<vmem>> -> memref<1x128xi32, #tpu.memory_space<vmem>>
        %dma_start3A_706 = tpu.memref_squeeze %dma_start3A_705 : memref<1x128xi32, #tpu.memory_space<vmem>> -> memref<128xi32, #tpu.memory_space<vmem>>
        %dma_start3A_707 = arith.constant 0 : i32
        %dma_start3A_708 = arith.constant 0 : i32
        %dma_start3A_709 = tpu.memref_slice %arg9[%dma_start3A_707, %dma_start3A_708] : memref<10240x32xf32, #tpu.memory_space<vmem_shared>> -> memref<10240x32xf32, #tpu.memory_space<vmem_shared>>
        %dma_start3A_710 = tpu.memref_slice %arg16[%dma_start3A_699] : memref<8x!tpu.dma_semaphore, #tpu.memory_space<semaphore_mem>> -> memref<1x!tpu.dma_semaphore, #tpu.memory_space<semaphore_mem>>
        %dma_start3A_711 = tpu.memref_squeeze %dma_start3A_710 : memref<1x!tpu.dma_semaphore, #tpu.memory_space<semaphore_mem>> -> memref<!tpu.dma_semaphore, #tpu.memory_space<semaphore_mem>>
        tpu.enqueue_indirect_dma source(%dma_start3A_709 : memref<10240x32xf32, #tpu.memory_space<vmem_shared>>) target(%dma_start3A_703 : memref<128x32xf32, #tpu.memory_space<vmem>>) offsets(%dma_start3A_706 : memref<128xi32, #tpu.memory_space<vmem>>) semaphore(%dma_start3A_711 : memref<!tpu.dma_semaphore, #tpu.memory_space<semaphore_mem>>)
        %add3A_712 = arith.constant 1 : i32
        %add3A_713 = arith.addi %mul3A_671, %add3A_712 : i32
        %mul3A_714 = arith.constant 4 : i32
        %mul3A_715 = arith.muli %add3A_713, %mul3A_714 : i32
        %add3A_716 = arith.constant 2 : i32
        %add3A_717 = arith.addi %mul3A_715, %add3A_716 : i32
        %dma_start3A_718 = arith.constant 6 : i32
        %dma_start3A_719 = arith.constant 6 : i32
        %dma_start3A_720 = arith.constant 0 : i32
        %dma_start3A_721 = arith.constant 0 : i32
        %dma_start3A_722 = tpu.memref_slice %arg12[%dma_start3A_718, %dma_start3A_720, %dma_start3A_721] : memref<8x128x32xf32, #tpu.memory_space<vmem>> -> memref<1x128x32xf32, #tpu.memory_space<vmem>>
        %dma_start3A_723 = tpu.memref_squeeze %dma_start3A_722 : memref<1x128x32xf32, #tpu.memory_space<vmem>> -> memref<128x32xf32, #tpu.memory_space<vmem>>
        %dma_start3A_724 = arith.constant 0 : i32
        %dma_start3A_725 = tpu.memref_slice %arg10[%add3A_717, %dma_start3A_724] : memref<160x128xi32, #tpu.memory_space<vmem>> -> memref<1x128xi32, #tpu.memory_space<vmem>>
        %dma_start3A_726 = tpu.memref_squeeze %dma_start3A_725 : memref<1x128xi32, #tpu.memory_space<vmem>> -> memref<128xi32, #tpu.memory_space<vmem>>
        %dma_start3A_727 = arith.constant 0 : i32
        %dma_start3A_728 = arith.constant 0 : i32
        %dma_start3A_729 = tpu.memref_slice %arg9[%dma_start3A_727, %dma_start3A_728] : memref<10240x32xf32, #tpu.memory_space<vmem_shared>> -> memref<10240x32xf32, #tpu.memory_space<vmem_shared>>
        %dma_start3A_730 = tpu.memref_slice %arg16[%dma_start3A_719] : memref<8x!tpu.dma_semaphore, #tpu.memory_space<semaphore_mem>> -> memref<1x!tpu.dma_semaphore, #tpu.memory_space<semaphore_mem>>
        %dma_start3A_731 = tpu.memref_squeeze %dma_start3A_730 : memref<1x!tpu.dma_semaphore, #tpu.memory_space<semaphore_mem>> -> memref<!tpu.dma_semaphore, #tpu.memory_space<semaphore_mem>>
        tpu.enqueue_indirect_dma source(%dma_start3A_729 : memref<10240x32xf32, #tpu.memory_space<vmem_shared>>) target(%dma_start3A_723 : memref<128x32xf32, #tpu.memory_space<vmem>>) offsets(%dma_start3A_726 : memref<128xi32, #tpu.memory_space<vmem>>) semaphore(%dma_start3A_731 : memref<!tpu.dma_semaphore, #tpu.memory_space<semaphore_mem>>)
        %add3A_732 = arith.constant 1 : i32
        %add3A_733 = arith.addi %mul3A_671, %add3A_732 : i32
        %mul3A_734 = arith.constant 4 : i32
        %mul3A_735 = arith.muli %add3A_733, %mul3A_734 : i32
        %add3A_736 = arith.constant 3 : i32
        %add3A_737 = arith.addi %mul3A_735, %add3A_736 : i32
        %dma_start3A_738 = arith.constant 7 : i32
        %dma_start3A_739 = arith.constant 7 : i32
        %dma_start3A_740 = arith.constant 0 : i32
        %dma_start3A_741 = arith.constant 0 : i32
        %dma_start3A_742 = tpu.memref_slice %arg12[%dma_start3A_738, %dma_start3A_740, %dma_start3A_741] : memref<8x128x32xf32, #tpu.memory_space<vmem>> -> memref<1x128x32xf32, #tpu.memory_space<vmem>>
        %dma_start3A_743 = tpu.memref_squeeze %dma_start3A_742 : memref<1x128x32xf32, #tpu.memory_space<vmem>> -> memref<128x32xf32, #tpu.memory_space<vmem>>
        %dma_start3A_744 = arith.constant 0 : i32
        %dma_start3A_745 = tpu.memref_slice %arg10[%add3A_737, %dma_start3A_744] : memref<160x128xi32, #tpu.memory_space<vmem>> -> memref<1x128xi32, #tpu.memory_space<vmem>>
        %dma_start3A_746 = tpu.memref_squeeze %dma_start3A_745 : memref<1x128xi32, #tpu.memory_space<vmem>> -> memref<128xi32, #tpu.memory_space<vmem>>
        %dma_start3A_747 = arith.constant 0 : i32
        %dma_start3A_748 = arith.constant 0 : i32
        %dma_start3A_749 = tpu.memref_slice %arg9[%dma_start3A_747, %dma_start3A_748] : memref<10240x32xf32, #tpu.memory_space<vmem_shared>> -> memref<10240x32xf32, #tpu.memory_space<vmem_shared>>
        %dma_start3A_750 = tpu.memref_slice %arg16[%dma_start3A_739] : memref<8x!tpu.dma_semaphore, #tpu.memory_space<semaphore_mem>> -> memref<1x!tpu.dma_semaphore, #tpu.memory_space<semaphore_mem>>
        %dma_start3A_751 = tpu.memref_squeeze %dma_start3A_750 : memref<1x!tpu.dma_semaphore, #tpu.memory_space<semaphore_mem>> -> memref<!tpu.dma_semaphore, #tpu.memory_space<semaphore_mem>>
        tpu.enqueue_indirect_dma source(%dma_start3A_749 : memref<10240x32xf32, #tpu.memory_space<vmem_shared>>) target(%dma_start3A_743 : memref<128x32xf32, #tpu.memory_space<vmem>>) offsets(%dma_start3A_746 : memref<128xi32, #tpu.memory_space<vmem>>) semaphore(%dma_start3A_751 : memref<!tpu.dma_semaphore, #tpu.memory_space<semaphore_mem>>)
        %mul3A_752 = arith.constant 4 : i32
        %mul3A_753 = arith.muli %mul3A_671, %mul3A_752 : i32
        %add3A_754 = arith.constant 0 : i32
        %add3A_755 = arith.addi %mul3A_753, %add3A_754 : i32
        %dma_wait3A_756 = arith.constant 0 : i32
        %dma_wait3A_757 = arith.constant 0 : i32
        %dma_wait3A_758 = arith.constant 0 : i32
        %dma_wait3A_759 = arith.constant 0 : i32
        %dma_wait3A_760 = tpu.memref_slice %arg12[%dma_wait3A_756, %dma_wait3A_758, %dma_wait3A_759] : memref<8x128x32xf32, #tpu.memory_space<vmem>> -> memref<1x128x32xf32, #tpu.memory_space<vmem>>
        %dma_wait3A_761 = tpu.memref_squeeze %dma_wait3A_760 : memref<1x128x32xf32, #tpu.memory_space<vmem>> -> memref<128x32xf32, #tpu.memory_space<vmem>>
        %dma_wait3A_762 = arith.constant 0 : i32
        %dma_wait3A_763 = tpu.memref_slice %arg10[%add3A_755, %dma_wait3A_762] : memref<160x128xi32, #tpu.memory_space<vmem>> -> memref<1x128xi32, #tpu.memory_space<vmem>>
        %dma_wait3A_764 = tpu.memref_squeeze %dma_wait3A_763 : memref<1x128xi32, #tpu.memory_space<vmem>> -> memref<128xi32, #tpu.memory_space<vmem>>
        %dma_wait3A_765 = arith.constant 0 : i32
        %dma_wait3A_766 = arith.constant 0 : i32
        %dma_wait3A_767 = tpu.memref_slice %arg9[%dma_wait3A_765, %dma_wait3A_766] : memref<10240x32xf32, #tpu.memory_space<vmem_shared>> -> memref<10240x32xf32, #tpu.memory_space<vmem_shared>>
        %dma_wait3A_768 = tpu.memref_slice %arg16[%dma_wait3A_757] : memref<8x!tpu.dma_semaphore, #tpu.memory_space<semaphore_mem>> -> memref<1x!tpu.dma_semaphore, #tpu.memory_space<semaphore_mem>>
        %dma_wait3A_769 = tpu.memref_squeeze %dma_wait3A_768 : memref<1x!tpu.dma_semaphore, #tpu.memory_space<semaphore_mem>> -> memref<!tpu.dma_semaphore, #tpu.memory_space<semaphore_mem>>
        tpu.wait_indirect_dma semaphore(%dma_wait3A_769 : memref<!tpu.dma_semaphore, #tpu.memory_space<semaphore_mem>>) src(%dma_wait3A_767 : memref<10240x32xf32, #tpu.memory_space<vmem_shared>>) dst(%dma_wait3A_761 : memref<128x32xf32, #tpu.memory_space<vmem>>)
        %mul3A_770 = arith.constant 4 : i32
        %mul3A_771 = arith.muli %mul3A_671, %mul3A_770 : i32
        %add3A_772 = arith.constant 0 : i32
        %add3A_773 = arith.addi %mul3A_771, %add3A_772 : i32
        %dma_start3A_774 = arith.constant 0 : i32
        %dma_start3A_775 = arith.constant 0 : i32
        %dma_start3A_776 = arith.constant 0 : i32
        %dma_start3A_777 = arith.constant 0 : i32
        %dma_start3A_778 = tpu.memref_slice %arg12[%dma_start3A_774, %dma_start3A_776, %dma_start3A_777] : memref<8x128x32xf32, #tpu.memory_space<vmem>> -> memref<1x128x32xf32, #tpu.memory_space<vmem>>
        %dma_start3A_779 = tpu.memref_squeeze %dma_start3A_778 : memref<1x128x32xf32, #tpu.memory_space<vmem>> -> memref<128x32xf32, #tpu.memory_space<vmem>>
        %dma_start3A_780 = arith.constant 0 : i32
        %dma_start3A_781 = tpu.memref_slice %arg11[%add3A_773, %dma_start3A_780] : memref<160x128xi32, #tpu.memory_space<vmem>> -> memref<1x128xi32, #tpu.memory_space<vmem>>
        %dma_start3A_782 = tpu.memref_squeeze %dma_start3A_781 : memref<1x128xi32, #tpu.memory_space<vmem>> -> memref<128xi32, #tpu.memory_space<vmem>>
        %dma_start3A_783 = arith.constant 0 : i32
        %dma_start3A_784 = arith.constant 0 : i32
        %dma_start3A_785 = tpu.memref_slice %arg8[%dma_start3A_783, %dma_start3A_784] : memref<10240x32xf32, #tpu.memory_space<vmem_shared>> -> memref<10240x32xf32, #tpu.memory_space<vmem_shared>>
        %dma_start3A_786 = tpu.memref_slice %arg17[%dma_start3A_775] : memref<8x!tpu.dma_semaphore, #tpu.memory_space<semaphore_mem>> -> memref<1x!tpu.dma_semaphore, #tpu.memory_space<semaphore_mem>>
        %dma_start3A_787 = tpu.memref_squeeze %dma_start3A_786 : memref<1x!tpu.dma_semaphore, #tpu.memory_space<semaphore_mem>> -> memref<!tpu.dma_semaphore, #tpu.memory_space<semaphore_mem>>
        tpu.enqueue_indirect_dma source(%dma_start3A_779 : memref<128x32xf32, #tpu.memory_space<vmem>>) target(%dma_start3A_785 : memref<10240x32xf32, #tpu.memory_space<vmem_shared>>) offsets(%dma_start3A_782 : memref<128xi32, #tpu.memory_space<vmem>>) semaphore(%dma_start3A_787 : memref<!tpu.dma_semaphore, #tpu.memory_space<semaphore_mem>>) {add = true}
        %mul3A_788 = arith.constant 4 : i32
        %mul3A_789 = arith.muli %mul3A_671, %mul3A_788 : i32
        %add3A_790 = arith.constant 1 : i32
        %add3A_791 = arith.addi %mul3A_789, %add3A_790 : i32
        %dma_wait3A_792 = arith.constant 1 : i32
        %dma_wait3A_793 = arith.constant 1 : i32
        %dma_wait3A_794 = arith.constant 0 : i32
        %dma_wait3A_795 = arith.constant 0 : i32
        %dma_wait3A_796 = tpu.memref_slice %arg12[%dma_wait3A_792, %dma_wait3A_794, %dma_wait3A_795] : memref<8x128x32xf32, #tpu.memory_space<vmem>> -> memref<1x128x32xf32, #tpu.memory_space<vmem>>
        %dma_wait3A_797 = tpu.memref_squeeze %dma_wait3A_796 : memref<1x128x32xf32, #tpu.memory_space<vmem>> -> memref<128x32xf32, #tpu.memory_space<vmem>>
        %dma_wait3A_798 = arith.constant 0 : i32
        %dma_wait3A_799 = tpu.memref_slice %arg10[%add3A_791, %dma_wait3A_798] : memref<160x128xi32, #tpu.memory_space<vmem>> -> memref<1x128xi32, #tpu.memory_space<vmem>>
        %dma_wait3A_800 = tpu.memref_squeeze %dma_wait3A_799 : memref<1x128xi32, #tpu.memory_space<vmem>> -> memref<128xi32, #tpu.memory_space<vmem>>
        %dma_wait3A_801 = arith.constant 0 : i32
        %dma_wait3A_802 = arith.constant 0 : i32
        %dma_wait3A_803 = tpu.memref_slice %arg9[%dma_wait3A_801, %dma_wait3A_802] : memref<10240x32xf32, #tpu.memory_space<vmem_shared>> -> memref<10240x32xf32, #tpu.memory_space<vmem_shared>>
        %dma_wait3A_804 = tpu.memref_slice %arg16[%dma_wait3A_793] : memref<8x!tpu.dma_semaphore, #tpu.memory_space<semaphore_mem>> -> memref<1x!tpu.dma_semaphore, #tpu.memory_space<semaphore_mem>>
        %dma_wait3A_805 = tpu.memref_squeeze %dma_wait3A_804 : memref<1x!tpu.dma_semaphore, #tpu.memory_space<semaphore_mem>> -> memref<!tpu.dma_semaphore, #tpu.memory_space<semaphore_mem>>
        tpu.wait_indirect_dma semaphore(%dma_wait3A_805 : memref<!tpu.dma_semaphore, #tpu.memory_space<semaphore_mem>>) src(%dma_wait3A_803 : memref<10240x32xf32, #tpu.memory_space<vmem_shared>>) dst(%dma_wait3A_797 : memref<128x32xf32, #tpu.memory_space<vmem>>)
        %mul3A_806 = arith.constant 4 : i32
        %mul3A_807 = arith.muli %mul3A_671, %mul3A_806 : i32
        %add3A_808 = arith.constant 1 : i32
        %add3A_809 = arith.addi %mul3A_807, %add3A_808 : i32
        %dma_start3A_810 = arith.constant 1 : i32
        %dma_start3A_811 = arith.constant 1 : i32
        %dma_start3A_812 = arith.constant 0 : i32
        %dma_start3A_813 = arith.constant 0 : i32
        %dma_start3A_814 = tpu.memref_slice %arg12[%dma_start3A_810, %dma_start3A_812, %dma_start3A_813] : memref<8x128x32xf32, #tpu.memory_space<vmem>> -> memref<1x128x32xf32, #tpu.memory_space<vmem>>
        %dma_start3A_815 = tpu.memref_squeeze %dma_start3A_814 : memref<1x128x32xf32, #tpu.memory_space<vmem>> -> memref<128x32xf32, #tpu.memory_space<vmem>>
        %dma_start3A_816 = arith.constant 0 : i32
        %dma_start3A_817 = tpu.memref_slice %arg11[%add3A_809, %dma_start3A_816] : memref<160x128xi32, #tpu.memory_space<vmem>> -> memref<1x128xi32, #tpu.memory_space<vmem>>
        %dma_start3A_818 = tpu.memref_squeeze %dma_start3A_817 : memref<1x128xi32, #tpu.memory_space<vmem>> -> memref<128xi32, #tpu.memory_space<vmem>>
        %dma_start3A_819 = arith.constant 0 : i32
        %dma_start3A_820 = arith.constant 0 : i32
        %dma_start3A_821 = tpu.memref_slice %arg8[%dma_start3A_819, %dma_start3A_820] : memref<10240x32xf32, #tpu.memory_space<vmem_shared>> -> memref<10240x32xf32, #tpu.memory_space<vmem_shared>>
        %dma_start3A_822 = tpu.memref_slice %arg17[%dma_start3A_811] : memref<8x!tpu.dma_semaphore, #tpu.memory_space<semaphore_mem>> -> memref<1x!tpu.dma_semaphore, #tpu.memory_space<semaphore_mem>>
        %dma_start3A_823 = tpu.memref_squeeze %dma_start3A_822 : memref<1x!tpu.dma_semaphore, #tpu.memory_space<semaphore_mem>> -> memref<!tpu.dma_semaphore, #tpu.memory_space<semaphore_mem>>
        tpu.enqueue_indirect_dma source(%dma_start3A_815 : memref<128x32xf32, #tpu.memory_space<vmem>>) target(%dma_start3A_821 : memref<10240x32xf32, #tpu.memory_space<vmem_shared>>) offsets(%dma_start3A_818 : memref<128xi32, #tpu.memory_space<vmem>>) semaphore(%dma_start3A_823 : memref<!tpu.dma_semaphore, #tpu.memory_space<semaphore_mem>>) {add = true}
        %mul3A_824 = arith.constant 4 : i32
        %mul3A_825 = arith.muli %mul3A_671, %mul3A_824 : i32
        %add3A_826 = arith.constant 2 : i32
        %add3A_827 = arith.addi %mul3A_825, %add3A_826 : i32
        %dma_wait3A_828 = arith.constant 2 : i32
        %dma_wait3A_829 = arith.constant 2 : i32
        %dma_wait3A_830 = arith.constant 0 : i32
        %dma_wait3A_831 = arith.constant 0 : i32
        %dma_wait3A_832 = tpu.memref_slice %arg12[%dma_wait3A_828, %dma_wait3A_830, %dma_wait3A_831] : memref<8x128x32xf32, #tpu.memory_space<vmem>> -> memref<1x128x32xf32, #tpu.memory_space<vmem>>
        %dma_wait3A_833 = tpu.memref_squeeze %dma_wait3A_832 : memref<1x128x32xf32, #tpu.memory_space<vmem>> -> memref<128x32xf32, #tpu.memory_space<vmem>>
        %dma_wait3A_834 = arith.constant 0 : i32
        %dma_wait3A_835 = tpu.memref_slice %arg10[%add3A_827, %dma_wait3A_834] : memref<160x128xi32, #tpu.memory_space<vmem>> -> memref<1x128xi32, #tpu.memory_space<vmem>>
        %dma_wait3A_836 = tpu.memref_squeeze %dma_wait3A_835 : memref<1x128xi32, #tpu.memory_space<vmem>> -> memref<128xi32, #tpu.memory_space<vmem>>
        %dma_wait3A_837 = arith.constant 0 : i32
        %dma_wait3A_838 = arith.constant 0 : i32
        %dma_wait3A_839 = tpu.memref_slice %arg9[%dma_wait3A_837, %dma_wait3A_838] : memref<10240x32xf32, #tpu.memory_space<vmem_shared>> -> memref<10240x32xf32, #tpu.memory_space<vmem_shared>>
        %dma_wait3A_840 = tpu.memref_slice %arg16[%dma_wait3A_829] : memref<8x!tpu.dma_semaphore, #tpu.memory_space<semaphore_mem>> -> memref<1x!tpu.dma_semaphore, #tpu.memory_space<semaphore_mem>>
        %dma_wait3A_841 = tpu.memref_squeeze %dma_wait3A_840 : memref<1x!tpu.dma_semaphore, #tpu.memory_space<semaphore_mem>> -> memref<!tpu.dma_semaphore, #tpu.memory_space<semaphore_mem>>
        tpu.wait_indirect_dma semaphore(%dma_wait3A_841 : memref<!tpu.dma_semaphore, #tpu.memory_space<semaphore_mem>>) src(%dma_wait3A_839 : memref<10240x32xf32, #tpu.memory_space<vmem_shared>>) dst(%dma_wait3A_833 : memref<128x32xf32, #tpu.memory_space<vmem>>)
        %mul3A_842 = arith.constant 4 : i32
        %mul3A_843 = arith.muli %mul3A_671, %mul3A_842 : i32
        %add3A_844 = arith.constant 2 : i32
        %add3A_845 = arith.addi %mul3A_843, %add3A_844 : i32
        %dma_start3A_846 = arith.constant 2 : i32
        %dma_start3A_847 = arith.constant 2 : i32
        %dma_start3A_848 = arith.constant 0 : i32
        %dma_start3A_849 = arith.constant 0 : i32
        %dma_start3A_850 = tpu.memref_slice %arg12[%dma_start3A_846, %dma_start3A_848, %dma_start3A_849] : memref<8x128x32xf32, #tpu.memory_space<vmem>> -> memref<1x128x32xf32, #tpu.memory_space<vmem>>
        %dma_start3A_851 = tpu.memref_squeeze %dma_start3A_850 : memref<1x128x32xf32, #tpu.memory_space<vmem>> -> memref<128x32xf32, #tpu.memory_space<vmem>>
        %dma_start3A_852 = arith.constant 0 : i32
        %dma_start3A_853 = tpu.memref_slice %arg11[%add3A_845, %dma_start3A_852] : memref<160x128xi32, #tpu.memory_space<vmem>> -> memref<1x128xi32, #tpu.memory_space<vmem>>
        %dma_start3A_854 = tpu.memref_squeeze %dma_start3A_853 : memref<1x128xi32, #tpu.memory_space<vmem>> -> memref<128xi32, #tpu.memory_space<vmem>>
        %dma_start3A_855 = arith.constant 0 : i32
        %dma_start3A_856 = arith.constant 0 : i32
        %dma_start3A_857 = tpu.memref_slice %arg8[%dma_start3A_855, %dma_start3A_856] : memref<10240x32xf32, #tpu.memory_space<vmem_shared>> -> memref<10240x32xf32, #tpu.memory_space<vmem_shared>>
        %dma_start3A_858 = tpu.memref_slice %arg17[%dma_start3A_847] : memref<8x!tpu.dma_semaphore, #tpu.memory_space<semaphore_mem>> -> memref<1x!tpu.dma_semaphore, #tpu.memory_space<semaphore_mem>>
        %dma_start3A_859 = tpu.memref_squeeze %dma_start3A_858 : memref<1x!tpu.dma_semaphore, #tpu.memory_space<semaphore_mem>> -> memref<!tpu.dma_semaphore, #tpu.memory_space<semaphore_mem>>
        tpu.enqueue_indirect_dma source(%dma_start3A_851 : memref<128x32xf32, #tpu.memory_space<vmem>>) target(%dma_start3A_857 : memref<10240x32xf32, #tpu.memory_space<vmem_shared>>) offsets(%dma_start3A_854 : memref<128xi32, #tpu.memory_space<vmem>>) semaphore(%dma_start3A_859 : memref<!tpu.dma_semaphore, #tpu.memory_space<semaphore_mem>>) {add = true}
        %mul3A_860 = arith.constant 4 : i32
        %mul3A_861 = arith.muli %mul3A_671, %mul3A_860 : i32
        %add3A_862 = arith.constant 3 : i32
        %add3A_863 = arith.addi %mul3A_861, %add3A_862 : i32
        %dma_wait3A_864 = arith.constant 3 : i32
        %dma_wait3A_865 = arith.constant 3 : i32
        %dma_wait3A_866 = arith.constant 0 : i32
        %dma_wait3A_867 = arith.constant 0 : i32
        %dma_wait3A_868 = tpu.memref_slice %arg12[%dma_wait3A_864, %dma_wait3A_866, %dma_wait3A_867] : memref<8x128x32xf32, #tpu.memory_space<vmem>> -> memref<1x128x32xf32, #tpu.memory_space<vmem>>
        %dma_wait3A_869 = tpu.memref_squeeze %dma_wait3A_868 : memref<1x128x32xf32, #tpu.memory_space<vmem>> -> memref<128x32xf32, #tpu.memory_space<vmem>>
        %dma_wait3A_870 = arith.constant 0 : i32
        %dma_wait3A_871 = tpu.memref_slice %arg10[%add3A_863, %dma_wait3A_870] : memref<160x128xi32, #tpu.memory_space<vmem>> -> memref<1x128xi32, #tpu.memory_space<vmem>>
        %dma_wait3A_872 = tpu.memref_squeeze %dma_wait3A_871 : memref<1x128xi32, #tpu.memory_space<vmem>> -> memref<128xi32, #tpu.memory_space<vmem>>
        %dma_wait3A_873 = arith.constant 0 : i32
        %dma_wait3A_874 = arith.constant 0 : i32
        %dma_wait3A_875 = tpu.memref_slice %arg9[%dma_wait3A_873, %dma_wait3A_874] : memref<10240x32xf32, #tpu.memory_space<vmem_shared>> -> memref<10240x32xf32, #tpu.memory_space<vmem_shared>>
        %dma_wait3A_876 = tpu.memref_slice %arg16[%dma_wait3A_865] : memref<8x!tpu.dma_semaphore, #tpu.memory_space<semaphore_mem>> -> memref<1x!tpu.dma_semaphore, #tpu.memory_space<semaphore_mem>>
        %dma_wait3A_877 = tpu.memref_squeeze %dma_wait3A_876 : memref<1x!tpu.dma_semaphore, #tpu.memory_space<semaphore_mem>> -> memref<!tpu.dma_semaphore, #tpu.memory_space<semaphore_mem>>
        tpu.wait_indirect_dma semaphore(%dma_wait3A_877 : memref<!tpu.dma_semaphore, #tpu.memory_space<semaphore_mem>>) src(%dma_wait3A_875 : memref<10240x32xf32, #tpu.memory_space<vmem_shared>>) dst(%dma_wait3A_869 : memref<128x32xf32, #tpu.memory_space<vmem>>)
        %mul3A_878 = arith.constant 4 : i32
        %mul3A_879 = arith.muli %mul3A_671, %mul3A_878 : i32
        %add3A_880 = arith.constant 3 : i32
        %add3A_881 = arith.addi %mul3A_879, %add3A_880 : i32
        %dma_start3A_882 = arith.constant 3 : i32
        %dma_start3A_883 = arith.constant 3 : i32
        %dma_start3A_884 = arith.constant 0 : i32
        %dma_start3A_885 = arith.constant 0 : i32
        %dma_start3A_886 = tpu.memref_slice %arg12[%dma_start3A_882, %dma_start3A_884, %dma_start3A_885] : memref<8x128x32xf32, #tpu.memory_space<vmem>> -> memref<1x128x32xf32, #tpu.memory_space<vmem>>
        %dma_start3A_887 = tpu.memref_squeeze %dma_start3A_886 : memref<1x128x32xf32, #tpu.memory_space<vmem>> -> memref<128x32xf32, #tpu.memory_space<vmem>>
        %dma_start3A_888 = arith.constant 0 : i32
        %dma_start3A_889 = tpu.memref_slice %arg11[%add3A_881, %dma_start3A_888] : memref<160x128xi32, #tpu.memory_space<vmem>> -> memref<1x128xi32, #tpu.memory_space<vmem>>
        %dma_start3A_890 = tpu.memref_squeeze %dma_start3A_889 : memref<1x128xi32, #tpu.memory_space<vmem>> -> memref<128xi32, #tpu.memory_space<vmem>>
        %dma_start3A_891 = arith.constant 0 : i32
        %dma_start3A_892 = arith.constant 0 : i32
        %dma_start3A_893 = tpu.memref_slice %arg8[%dma_start3A_891, %dma_start3A_892] : memref<10240x32xf32, #tpu.memory_space<vmem_shared>> -> memref<10240x32xf32, #tpu.memory_space<vmem_shared>>
        %dma_start3A_894 = tpu.memref_slice %arg17[%dma_start3A_883] : memref<8x!tpu.dma_semaphore, #tpu.memory_space<semaphore_mem>> -> memref<1x!tpu.dma_semaphore, #tpu.memory_space<semaphore_mem>>
        %dma_start3A_895 = tpu.memref_squeeze %dma_start3A_894 : memref<1x!tpu.dma_semaphore, #tpu.memory_space<semaphore_mem>> -> memref<!tpu.dma_semaphore, #tpu.memory_space<semaphore_mem>>
        tpu.enqueue_indirect_dma source(%dma_start3A_887 : memref<128x32xf32, #tpu.memory_space<vmem>>) target(%dma_start3A_893 : memref<10240x32xf32, #tpu.memory_space<vmem_shared>>) offsets(%dma_start3A_890 : memref<128xi32, #tpu.memory_space<vmem>>) semaphore(%dma_start3A_895 : memref<!tpu.dma_semaphore, #tpu.memory_space<semaphore_mem>>) {add = true}
        %mul3A_896 = arith.constant 4 : i32
        %mul3A_897 = arith.muli %mul3A_671, %mul3A_896 : i32
        %add3A_898 = arith.constant 0 : i32
        %add3A_899 = arith.addi %mul3A_897, %add3A_898 : i32
        %dma_wait3A_900 = arith.constant 0 : i32
        %dma_wait3A_901 = arith.constant 0 : i32
        %dma_wait3A_902 = arith.constant 0 : i32
        %dma_wait3A_903 = arith.constant 0 : i32
        %dma_wait3A_904 = tpu.memref_slice %arg12[%dma_wait3A_900, %dma_wait3A_902, %dma_wait3A_903] : memref<8x128x32xf32, #tpu.memory_space<vmem>> -> memref<1x128x32xf32, #tpu.memory_space<vmem>>
        %dma_wait3A_905 = tpu.memref_squeeze %dma_wait3A_904 : memref<1x128x32xf32, #tpu.memory_space<vmem>> -> memref<128x32xf32, #tpu.memory_space<vmem>>
        %dma_wait3A_906 = arith.constant 0 : i32
        %dma_wait3A_907 = tpu.memref_slice %arg11[%add3A_899, %dma_wait3A_906] : memref<160x128xi32, #tpu.memory_space<vmem>> -> memref<1x128xi32, #tpu.memory_space<vmem>>
        %dma_wait3A_908 = tpu.memref_squeeze %dma_wait3A_907 : memref<1x128xi32, #tpu.memory_space<vmem>> -> memref<128xi32, #tpu.memory_space<vmem>>
        %dma_wait3A_909 = arith.constant 0 : i32
        %dma_wait3A_910 = arith.constant 0 : i32
        %dma_wait3A_911 = tpu.memref_slice %arg8[%dma_wait3A_909, %dma_wait3A_910] : memref<10240x32xf32, #tpu.memory_space<vmem_shared>> -> memref<10240x32xf32, #tpu.memory_space<vmem_shared>>
        %dma_wait3A_912 = tpu.memref_slice %arg17[%dma_wait3A_901] : memref<8x!tpu.dma_semaphore, #tpu.memory_space<semaphore_mem>> -> memref<1x!tpu.dma_semaphore, #tpu.memory_space<semaphore_mem>>
        %dma_wait3A_913 = tpu.memref_squeeze %dma_wait3A_912 : memref<1x!tpu.dma_semaphore, #tpu.memory_space<semaphore_mem>> -> memref<!tpu.dma_semaphore, #tpu.memory_space<semaphore_mem>>
        tpu.wait_indirect_dma semaphore(%dma_wait3A_913 : memref<!tpu.dma_semaphore, #tpu.memory_space<semaphore_mem>>) src(%dma_wait3A_905 : memref<128x32xf32, #tpu.memory_space<vmem>>) dst(%dma_wait3A_911 : memref<10240x32xf32, #tpu.memory_space<vmem_shared>>)
        %mul3A_914 = arith.constant 4 : i32
        %mul3A_915 = arith.muli %mul3A_671, %mul3A_914 : i32
        %add3A_916 = arith.constant 1 : i32
        %add3A_917 = arith.addi %mul3A_915, %add3A_916 : i32
        %dma_wait3A_918 = arith.constant 1 : i32
        %dma_wait3A_919 = arith.constant 1 : i32
        %dma_wait3A_920 = arith.constant 0 : i32
        %dma_wait3A_921 = arith.constant 0 : i32
        %dma_wait3A_922 = tpu.memref_slice %arg12[%dma_wait3A_918, %dma_wait3A_920, %dma_wait3A_921] : memref<8x128x32xf32, #tpu.memory_space<vmem>> -> memref<1x128x32xf32, #tpu.memory_space<vmem>>
        %dma_wait3A_923 = tpu.memref_squeeze %dma_wait3A_922 : memref<1x128x32xf32, #tpu.memory_space<vmem>> -> memref<128x32xf32, #tpu.memory_space<vmem>>
        %dma_wait3A_924 = arith.constant 0 : i32
        %dma_wait3A_925 = tpu.memref_slice %arg11[%add3A_917, %dma_wait3A_924] : memref<160x128xi32, #tpu.memory_space<vmem>> -> memref<1x128xi32, #tpu.memory_space<vmem>>
        %dma_wait3A_926 = tpu.memref_squeeze %dma_wait3A_925 : memref<1x128xi32, #tpu.memory_space<vmem>> -> memref<128xi32, #tpu.memory_space<vmem>>
        %dma_wait3A_927 = arith.constant 0 : i32
        %dma_wait3A_928 = arith.constant 0 : i32
        %dma_wait3A_929 = tpu.memref_slice %arg8[%dma_wait3A_927, %dma_wait3A_928] : memref<10240x32xf32, #tpu.memory_space<vmem_shared>> -> memref<10240x32xf32, #tpu.memory_space<vmem_shared>>
        %dma_wait3A_930 = tpu.memref_slice %arg17[%dma_wait3A_919] : memref<8x!tpu.dma_semaphore, #tpu.memory_space<semaphore_mem>> -> memref<1x!tpu.dma_semaphore, #tpu.memory_space<semaphore_mem>>
        %dma_wait3A_931 = tpu.memref_squeeze %dma_wait3A_930 : memref<1x!tpu.dma_semaphore, #tpu.memory_space<semaphore_mem>> -> memref<!tpu.dma_semaphore, #tpu.memory_space<semaphore_mem>>
        tpu.wait_indirect_dma semaphore(%dma_wait3A_931 : memref<!tpu.dma_semaphore, #tpu.memory_space<semaphore_mem>>) src(%dma_wait3A_923 : memref<128x32xf32, #tpu.memory_space<vmem>>) dst(%dma_wait3A_929 : memref<10240x32xf32, #tpu.memory_space<vmem_shared>>)
        %mul3A_932 = arith.constant 4 : i32
        %mul3A_933 = arith.muli %mul3A_671, %mul3A_932 : i32
        %add3A_934 = arith.constant 2 : i32
        %add3A_935 = arith.addi %mul3A_933, %add3A_934 : i32
        %dma_wait3A_936 = arith.constant 2 : i32
        %dma_wait3A_937 = arith.constant 2 : i32
        %dma_wait3A_938 = arith.constant 0 : i32
        %dma_wait3A_939 = arith.constant 0 : i32
        %dma_wait3A_940 = tpu.memref_slice %arg12[%dma_wait3A_936, %dma_wait3A_938, %dma_wait3A_939] : memref<8x128x32xf32, #tpu.memory_space<vmem>> -> memref<1x128x32xf32, #tpu.memory_space<vmem>>
        %dma_wait3A_941 = tpu.memref_squeeze %dma_wait3A_940 : memref<1x128x32xf32, #tpu.memory_space<vmem>> -> memref<128x32xf32, #tpu.memory_space<vmem>>
        %dma_wait3A_942 = arith.constant 0 : i32
        %dma_wait3A_943 = tpu.memref_slice %arg11[%add3A_935, %dma_wait3A_942] : memref<160x128xi32, #tpu.memory_space<vmem>> -> memref<1x128xi32, #tpu.memory_space<vmem>>
        %dma_wait3A_944 = tpu.memref_squeeze %dma_wait3A_943 : memref<1x128xi32, #tpu.memory_space<vmem>> -> memref<128xi32, #tpu.memory_space<vmem>>
        %dma_wait3A_945 = arith.constant 0 : i32
        %dma_wait3A_946 = arith.constant 0 : i32
        %dma_wait3A_947 = tpu.memref_slice %arg8[%dma_wait3A_945, %dma_wait3A_946] : memref<10240x32xf32, #tpu.memory_space<vmem_shared>> -> memref<10240x32xf32, #tpu.memory_space<vmem_shared>>
        %dma_wait3A_948 = tpu.memref_slice %arg17[%dma_wait3A_937] : memref<8x!tpu.dma_semaphore, #tpu.memory_space<semaphore_mem>> -> memref<1x!tpu.dma_semaphore, #tpu.memory_space<semaphore_mem>>
        %dma_wait3A_949 = tpu.memref_squeeze %dma_wait3A_948 : memref<1x!tpu.dma_semaphore, #tpu.memory_space<semaphore_mem>> -> memref<!tpu.dma_semaphore, #tpu.memory_space<semaphore_mem>>
        tpu.wait_indirect_dma semaphore(%dma_wait3A_949 : memref<!tpu.dma_semaphore, #tpu.memory_space<semaphore_mem>>) src(%dma_wait3A_941 : memref<128x32xf32, #tpu.memory_space<vmem>>) dst(%dma_wait3A_947 : memref<10240x32xf32, #tpu.memory_space<vmem_shared>>)
        %mul3A_950 = arith.constant 4 : i32
        %mul3A_951 = arith.muli %mul3A_671, %mul3A_950 : i32
        %add3A_952 = arith.constant 3 : i32
        %add3A_953 = arith.addi %mul3A_951, %add3A_952 : i32
        %dma_wait3A_954 = arith.constant 3 : i32
        %dma_wait3A_955 = arith.constant 3 : i32
        %dma_wait3A_956 = arith.constant 0 : i32
        %dma_wait3A_957 = arith.constant 0 : i32
        %dma_wait3A_958 = tpu.memref_slice %arg12[%dma_wait3A_954, %dma_wait3A_956, %dma_wait3A_957] : memref<8x128x32xf32, #tpu.memory_space<vmem>> -> memref<1x128x32xf32, #tpu.memory_space<vmem>>
        %dma_wait3A_959 = tpu.memref_squeeze %dma_wait3A_958 : memref<1x128x32xf32, #tpu.memory_space<vmem>> -> memref<128x32xf32, #tpu.memory_space<vmem>>
        %dma_wait3A_960 = arith.constant 0 : i32
        %dma_wait3A_961 = tpu.memref_slice %arg11[%add3A_953, %dma_wait3A_960] : memref<160x128xi32, #tpu.memory_space<vmem>> -> memref<1x128xi32, #tpu.memory_space<vmem>>
        %dma_wait3A_962 = tpu.memref_squeeze %dma_wait3A_961 : memref<1x128xi32, #tpu.memory_space<vmem>> -> memref<128xi32, #tpu.memory_space<vmem>>
        %dma_wait3A_963 = arith.constant 0 : i32
        %dma_wait3A_964 = arith.constant 0 : i32
        %dma_wait3A_965 = tpu.memref_slice %arg8[%dma_wait3A_963, %dma_wait3A_964] : memref<10240x32xf32, #tpu.memory_space<vmem_shared>> -> memref<10240x32xf32, #tpu.memory_space<vmem_shared>>
        %dma_wait3A_966 = tpu.memref_slice %arg17[%dma_wait3A_955] : memref<8x!tpu.dma_semaphore, #tpu.memory_space<semaphore_mem>> -> memref<1x!tpu.dma_semaphore, #tpu.memory_space<semaphore_mem>>
        %dma_wait3A_967 = tpu.memref_squeeze %dma_wait3A_966 : memref<1x!tpu.dma_semaphore, #tpu.memory_space<semaphore_mem>> -> memref<!tpu.dma_semaphore, #tpu.memory_space<semaphore_mem>>
        tpu.wait_indirect_dma semaphore(%dma_wait3A_967 : memref<!tpu.dma_semaphore, #tpu.memory_space<semaphore_mem>>) src(%dma_wait3A_959 : memref<128x32xf32, #tpu.memory_space<vmem>>) dst(%dma_wait3A_965 : memref<10240x32xf32, #tpu.memory_space<vmem_shared>>)
        %mul3A_968 = arith.constant 2 : i32
        %mul3A_969 = arith.muli %mul3A_968, %scan3A_668 : i32
        %add3A_970 = arith.constant 1 : i32
        %add3A_971 = arith.addi %mul3A_969, %add3A_970 : i32
        %add3A_972 = arith.constant 1 : i32
        %add3A_973 = arith.addi %add3A_971, %add3A_972 : i32
        %mul3A_974 = arith.constant 4 : i32
        %mul3A_975 = arith.muli %add3A_973, %mul3A_974 : i32
        %add3A_976 = arith.constant 0 : i32
        %add3A_977 = arith.addi %mul3A_975, %add3A_976 : i32
        %dma_start3A_978 = arith.constant 0 : i32
        %dma_start3A_979 = arith.constant 0 : i32
        %dma_start3A_980 = arith.constant 0 : i32
        %dma_start3A_981 = arith.constant 0 : i32
        %dma_start3A_982 = tpu.memref_slice %arg12[%dma_start3A_978, %dma_start3A_980, %dma_start3A_981] : memref<8x128x32xf32, #tpu.memory_space<vmem>> -> memref<1x128x32xf32, #tpu.memory_space<vmem>>
        %dma_start3A_983 = tpu.memref_squeeze %dma_start3A_982 : memref<1x128x32xf32, #tpu.memory_space<vmem>> -> memref<128x32xf32, #tpu.memory_space<vmem>>
        %dma_start3A_984 = arith.constant 0 : i32
        %dma_start3A_985 = tpu.memref_slice %arg10[%add3A_977, %dma_start3A_984] : memref<160x128xi32, #tpu.memory_space<vmem>> -> memref<1x128xi32, #tpu.memory_space<vmem>>
        %dma_start3A_986 = tpu.memref_squeeze %dma_start3A_985 : memref<1x128xi32, #tpu.memory_space<vmem>> -> memref<128xi32, #tpu.memory_space<vmem>>
        %dma_start3A_987 = arith.constant 0 : i32
        %dma_start3A_988 = arith.constant 0 : i32
        %dma_start3A_989 = tpu.memref_slice %arg9[%dma_start3A_987, %dma_start3A_988] : memref<10240x32xf32, #tpu.memory_space<vmem_shared>> -> memref<10240x32xf32, #tpu.memory_space<vmem_shared>>
        %dma_start3A_990 = tpu.memref_slice %arg16[%dma_start3A_979] : memref<8x!tpu.dma_semaphore, #tpu.memory_space<semaphore_mem>> -> memref<1x!tpu.dma_semaphore, #tpu.memory_space<semaphore_mem>>
        %dma_start3A_991 = tpu.memref_squeeze %dma_start3A_990 : memref<1x!tpu.dma_semaphore, #tpu.memory_space<semaphore_mem>> -> memref<!tpu.dma_semaphore, #tpu.memory_space<semaphore_mem>>
        tpu.enqueue_indirect_dma source(%dma_start3A_989 : memref<10240x32xf32, #tpu.memory_space<vmem_shared>>) target(%dma_start3A_983 : memref<128x32xf32, #tpu.memory_space<vmem>>) offsets(%dma_start3A_986 : memref<128xi32, #tpu.memory_space<vmem>>) semaphore(%dma_start3A_991 : memref<!tpu.dma_semaphore, #tpu.memory_space<semaphore_mem>>)
        %add3A_992 = arith.constant 1 : i32
        %add3A_993 = arith.addi %add3A_971, %add3A_992 : i32
        %mul3A_994 = arith.constant 4 : i32
        %mul3A_995 = arith.muli %add3A_993, %mul3A_994 : i32
        %add3A_996 = arith.constant 1 : i32
        %add3A_997 = arith.addi %mul3A_995, %add3A_996 : i32
        %dma_start3A_998 = arith.constant 1 : i32
        %dma_start3A_999 = arith.constant 1 : i32
        %dma_start3A_1000 = arith.constant 0 : i32
        %dma_start3A_1001 = arith.constant 0 : i32
        %dma_start3A_1002 = tpu.memref_slice %arg12[%dma_start3A_998, %dma_start3A_1000, %dma_start3A_1001] : memref<8x128x32xf32, #tpu.memory_space<vmem>> -> memref<1x128x32xf32, #tpu.memory_space<vmem>>
        %dma_start3A_1003 = tpu.memref_squeeze %dma_start3A_1002 : memref<1x128x32xf32, #tpu.memory_space<vmem>> -> memref<128x32xf32, #tpu.memory_space<vmem>>
        %dma_start3A_1004 = arith.constant 0 : i32
        %dma_start3A_1005 = tpu.memref_slice %arg10[%add3A_997, %dma_start3A_1004] : memref<160x128xi32, #tpu.memory_space<vmem>> -> memref<1x128xi32, #tpu.memory_space<vmem>>
        %dma_start3A_1006 = tpu.memref_squeeze %dma_start3A_1005 : memref<1x128xi32, #tpu.memory_space<vmem>> -> memref<128xi32, #tpu.memory_space<vmem>>
        %dma_start3A_1007 = arith.constant 0 : i32
        %dma_start3A_1008 = arith.constant 0 : i32
        %dma_start3A_1009 = tpu.memref_slice %arg9[%dma_start3A_1007, %dma_start3A_1008] : memref<10240x32xf32, #tpu.memory_space<vmem_shared>> -> memref<10240x32xf32, #tpu.memory_space<vmem_shared>>
        %dma_start3A_1010 = tpu.memref_slice %arg16[%dma_start3A_999] : memref<8x!tpu.dma_semaphore, #tpu.memory_space<semaphore_mem>> -> memref<1x!tpu.dma_semaphore, #tpu.memory_space<semaphore_mem>>
        %dma_start3A_1011 = tpu.memref_squeeze %dma_start3A_1010 : memref<1x!tpu.dma_semaphore, #tpu.memory_space<semaphore_mem>> -> memref<!tpu.dma_semaphore, #tpu.memory_space<semaphore_mem>>
        tpu.enqueue_indirect_dma source(%dma_start3A_1009 : memref<10240x32xf32, #tpu.memory_space<vmem_shared>>) target(%dma_start3A_1003 : memref<128x32xf32, #tpu.memory_space<vmem>>) offsets(%dma_start3A_1006 : memref<128xi32, #tpu.memory_space<vmem>>) semaphore(%dma_start3A_1011 : memref<!tpu.dma_semaphore, #tpu.memory_space<semaphore_mem>>)
        %add3A_1012 = arith.constant 1 : i32
        %add3A_1013 = arith.addi %add3A_971, %add3A_1012 : i32
        %mul3A_1014 = arith.constant 4 : i32
        %mul3A_1015 = arith.muli %add3A_1013, %mul3A_1014 : i32
        %add3A_1016 = arith.constant 2 : i32
        %add3A_1017 = arith.addi %mul3A_1015, %add3A_1016 : i32
        %dma_start3A_1018 = arith.constant 2 : i32
        %dma_start3A_1019 = arith.constant 2 : i32
        %dma_start3A_1020 = arith.constant 0 : i32
        %dma_start3A_1021 = arith.constant 0 : i32
        %dma_start3A_1022 = tpu.memref_slice %arg12[%dma_start3A_1018, %dma_start3A_1020, %dma_start3A_1021] : memref<8x128x32xf32, #tpu.memory_space<vmem>> -> memref<1x128x32xf32, #tpu.memory_space<vmem>>
        %dma_start3A_1023 = tpu.memref_squeeze %dma_start3A_1022 : memref<1x128x32xf32, #tpu.memory_space<vmem>> -> memref<128x32xf32, #tpu.memory_space<vmem>>
        %dma_start3A_1024 = arith.constant 0 : i32
        %dma_start3A_1025 = tpu.memref_slice %arg10[%add3A_1017, %dma_start3A_1024] : memref<160x128xi32, #tpu.memory_space<vmem>> -> memref<1x128xi32, #tpu.memory_space<vmem>>
        %dma_start3A_1026 = tpu.memref_squeeze %dma_start3A_1025 : memref<1x128xi32, #tpu.memory_space<vmem>> -> memref<128xi32, #tpu.memory_space<vmem>>
        %dma_start3A_1027 = arith.constant 0 : i32
        %dma_start3A_1028 = arith.constant 0 : i32
        %dma_start3A_1029 = tpu.memref_slice %arg9[%dma_start3A_1027, %dma_start3A_1028] : memref<10240x32xf32, #tpu.memory_space<vmem_shared>> -> memref<10240x32xf32, #tpu.memory_space<vmem_shared>>
        %dma_start3A_1030 = tpu.memref_slice %arg16[%dma_start3A_1019] : memref<8x!tpu.dma_semaphore, #tpu.memory_space<semaphore_mem>> -> memref<1x!tpu.dma_semaphore, #tpu.memory_space<semaphore_mem>>
        %dma_start3A_1031 = tpu.memref_squeeze %dma_start3A_1030 : memref<1x!tpu.dma_semaphore, #tpu.memory_space<semaphore_mem>> -> memref<!tpu.dma_semaphore, #tpu.memory_space<semaphore_mem>>
        tpu.enqueue_indirect_dma source(%dma_start3A_1029 : memref<10240x32xf32, #tpu.memory_space<vmem_shared>>) target(%dma_start3A_1023 : memref<128x32xf32, #tpu.memory_space<vmem>>) offsets(%dma_start3A_1026 : memref<128xi32, #tpu.memory_space<vmem>>) semaphore(%dma_start3A_1031 : memref<!tpu.dma_semaphore, #tpu.memory_space<semaphore_mem>>)
        %add3A_1032 = arith.constant 1 : i32
        %add3A_1033 = arith.addi %add3A_971, %add3A_1032 : i32
        %mul3A_1034 = arith.constant 4 : i32
        %mul3A_1035 = arith.muli %add3A_1033, %mul3A_1034 : i32
        %add3A_1036 = arith.constant 3 : i32
        %add3A_1037 = arith.addi %mul3A_1035, %add3A_1036 : i32
        %dma_start3A_1038 = arith.constant 3 : i32
        %dma_start3A_1039 = arith.constant 3 : i32
        %dma_start3A_1040 = arith.constant 0 : i32
        %dma_start3A_1041 = arith.constant 0 : i32
        %dma_start3A_1042 = tpu.memref_slice %arg12[%dma_start3A_1038, %dma_start3A_1040, %dma_start3A_1041] : memref<8x128x32xf32, #tpu.memory_space<vmem>> -> memref<1x128x32xf32, #tpu.memory_space<vmem>>
        %dma_start3A_1043 = tpu.memref_squeeze %dma_start3A_1042 : memref<1x128x32xf32, #tpu.memory_space<vmem>> -> memref<128x32xf32, #tpu.memory_space<vmem>>
        %dma_start3A_1044 = arith.constant 0 : i32
        %dma_start3A_1045 = tpu.memref_slice %arg10[%add3A_1037, %dma_start3A_1044] : memref<160x128xi32, #tpu.memory_space<vmem>> -> memref<1x128xi32, #tpu.memory_space<vmem>>
        %dma_start3A_1046 = tpu.memref_squeeze %dma_start3A_1045 : memref<1x128xi32, #tpu.memory_space<vmem>> -> memref<128xi32, #tpu.memory_space<vmem>>
        %dma_start3A_1047 = arith.constant 0 : i32
        %dma_start3A_1048 = arith.constant 0 : i32
        %dma_start3A_1049 = tpu.memref_slice %arg9[%dma_start3A_1047, %dma_start3A_1048] : memref<10240x32xf32, #tpu.memory_space<vmem_shared>> -> memref<10240x32xf32, #tpu.memory_space<vmem_shared>>
        %dma_start3A_1050 = tpu.memref_slice %arg16[%dma_start3A_1039] : memref<8x!tpu.dma_semaphore, #tpu.memory_space<semaphore_mem>> -> memref<1x!tpu.dma_semaphore, #tpu.memory_space<semaphore_mem>>
        %dma_start3A_1051 = tpu.memref_squeeze %dma_start3A_1050 : memref<1x!tpu.dma_semaphore, #tpu.memory_space<semaphore_mem>> -> memref<!tpu.dma_semaphore, #tpu.memory_space<semaphore_mem>>
        tpu.enqueue_indirect_dma source(%dma_start3A_1049 : memref<10240x32xf32, #tpu.memory_space<vmem_shared>>) target(%dma_start3A_1043 : memref<128x32xf32, #tpu.memory_space<vmem>>) offsets(%dma_start3A_1046 : memref<128xi32, #tpu.memory_space<vmem>>) semaphore(%dma_start3A_1051 : memref<!tpu.dma_semaphore, #tpu.memory_space<semaphore_mem>>)
        %mul3A_1052 = arith.constant 4 : i32
        %mul3A_1053 = arith.muli %add3A_971, %mul3A_1052 : i32
        %add3A_1054 = arith.constant 0 : i32
        %add3A_1055 = arith.addi %mul3A_1053, %add3A_1054 : i32
        %dma_wait3A_1056 = arith.constant 4 : i32
        %dma_wait3A_1057 = arith.constant 4 : i32
        %dma_wait3A_1058 = arith.constant 0 : i32
        %dma_wait3A_1059 = arith.constant 0 : i32
        %dma_wait3A_1060 = tpu.memref_slice %arg12[%dma_wait3A_1056, %dma_wait3A_1058, %dma_wait3A_1059] : memref<8x128x32xf32, #tpu.memory_space<vmem>> -> memref<1x128x32xf32, #tpu.memory_space<vmem>>
        %dma_wait3A_1061 = tpu.memref_squeeze %dma_wait3A_1060 : memref<1x128x32xf32, #tpu.memory_space<vmem>> -> memref<128x32xf32, #tpu.memory_space<vmem>>
        %dma_wait3A_1062 = arith.constant 0 : i32
        %dma_wait3A_1063 = tpu.memref_slice %arg10[%add3A_1055, %dma_wait3A_1062] : memref<160x128xi32, #tpu.memory_space<vmem>> -> memref<1x128xi32, #tpu.memory_space<vmem>>
        %dma_wait3A_1064 = tpu.memref_squeeze %dma_wait3A_1063 : memref<1x128xi32, #tpu.memory_space<vmem>> -> memref<128xi32, #tpu.memory_space<vmem>>
        %dma_wait3A_1065 = arith.constant 0 : i32
        %dma_wait3A_1066 = arith.constant 0 : i32
        %dma_wait3A_1067 = tpu.memref_slice %arg9[%dma_wait3A_1065, %dma_wait3A_1066] : memref<10240x32xf32, #tpu.memory_space<vmem_shared>> -> memref<10240x32xf32, #tpu.memory_space<vmem_shared>>
        %dma_wait3A_1068 = tpu.memref_slice %arg16[%dma_wait3A_1057] : memref<8x!tpu.dma_semaphore, #tpu.memory_space<semaphore_mem>> -> memref<1x!tpu.dma_semaphore, #tpu.memory_space<semaphore_mem>>
        %dma_wait3A_1069 = tpu.memref_squeeze %dma_wait3A_1068 : memref<1x!tpu.dma_semaphore, #tpu.memory_space<semaphore_mem>> -> memref<!tpu.dma_semaphore, #tpu.memory_space<semaphore_mem>>
        tpu.wait_indirect_dma semaphore(%dma_wait3A_1069 : memref<!tpu.dma_semaphore, #tpu.memory_space<semaphore_mem>>) src(%dma_wait3A_1067 : memref<10240x32xf32, #tpu.memory_space<vmem_shared>>) dst(%dma_wait3A_1061 : memref<128x32xf32, #tpu.memory_space<vmem>>)
        %mul3A_1070 = arith.constant 4 : i32
        %mul3A_1071 = arith.muli %add3A_971, %mul3A_1070 : i32
        %add3A_1072 = arith.constant 0 : i32
        %add3A_1073 = arith.addi %mul3A_1071, %add3A_1072 : i32
        %dma_start3A_1074 = arith.constant 4 : i32
        %dma_start3A_1075 = arith.constant 4 : i32
        %dma_start3A_1076 = arith.constant 0 : i32
        %dma_start3A_1077 = arith.constant 0 : i32
        %dma_start3A_1078 = tpu.memref_slice %arg12[%dma_start3A_1074, %dma_start3A_1076, %dma_start3A_1077] : memref<8x128x32xf32, #tpu.memory_space<vmem>> -> memref<1x128x32xf32, #tpu.memory_space<vmem>>
        %dma_start3A_1079 = tpu.memref_squeeze %dma_start3A_1078 : memref<1x128x32xf32, #tpu.memory_space<vmem>> -> memref<128x32xf32, #tpu.memory_space<vmem>>
        %dma_start3A_1080 = arith.constant 0 : i32
        %dma_start3A_1081 = tpu.memref_slice %arg11[%add3A_1073, %dma_start3A_1080] : memref<160x128xi32, #tpu.memory_space<vmem>> -> memref<1x128xi32, #tpu.memory_space<vmem>>
        %dma_start3A_1082 = tpu.memref_squeeze %dma_start3A_1081 : memref<1x128xi32, #tpu.memory_space<vmem>> -> memref<128xi32, #tpu.memory_space<vmem>>
        %dma_start3A_1083 = arith.constant 0 : i32
        %dma_start3A_1084 = arith.constant 0 : i32
        %dma_start3A_1085 = tpu.memref_slice %arg8[%dma_start3A_1083, %dma_start3A_1084] : memref<10240x32xf32, #tpu.memory_space<vmem_shared>> -> memref<10240x32xf32, #tpu.memory_space<vmem_shared>>
        %dma_start3A_1086 = tpu.memref_slice %arg17[%dma_start3A_1075] : memref<8x!tpu.dma_semaphore, #tpu.memory_space<semaphore_mem>> -> memref<1x!tpu.dma_semaphore, #tpu.memory_space<semaphore_mem>>
        %dma_start3A_1087 = tpu.memref_squeeze %dma_start3A_1086 : memref<1x!tpu.dma_semaphore, #tpu.memory_space<semaphore_mem>> -> memref<!tpu.dma_semaphore, #tpu.memory_space<semaphore_mem>>
        tpu.enqueue_indirect_dma source(%dma_start3A_1079 : memref<128x32xf32, #tpu.memory_space<vmem>>) target(%dma_start3A_1085 : memref<10240x32xf32, #tpu.memory_space<vmem_shared>>) offsets(%dma_start3A_1082 : memref<128xi32, #tpu.memory_space<vmem>>) semaphore(%dma_start3A_1087 : memref<!tpu.dma_semaphore, #tpu.memory_space<semaphore_mem>>) {add = true}
        %mul3A_1088 = arith.constant 4 : i32
        %mul3A_1089 = arith.muli %add3A_971, %mul3A_1088 : i32
        %add3A_1090 = arith.constant 1 : i32
        %add3A_1091 = arith.addi %mul3A_1089, %add3A_1090 : i32
        %dma_wait3A_1092 = arith.constant 5 : i32
        %dma_wait3A_1093 = arith.constant 5 : i32
        %dma_wait3A_1094 = arith.constant 0 : i32
        %dma_wait3A_1095 = arith.constant 0 : i32
        %dma_wait3A_1096 = tpu.memref_slice %arg12[%dma_wait3A_1092, %dma_wait3A_1094, %dma_wait3A_1095] : memref<8x128x32xf32, #tpu.memory_space<vmem>> -> memref<1x128x32xf32, #tpu.memory_space<vmem>>
        %dma_wait3A_1097 = tpu.memref_squeeze %dma_wait3A_1096 : memref<1x128x32xf32, #tpu.memory_space<vmem>> -> memref<128x32xf32, #tpu.memory_space<vmem>>
        %dma_wait3A_1098 = arith.constant 0 : i32
        %dma_wait3A_1099 = tpu.memref_slice %arg10[%add3A_1091, %dma_wait3A_1098] : memref<160x128xi32, #tpu.memory_space<vmem>> -> memref<1x128xi32, #tpu.memory_space<vmem>>
        %dma_wait3A_1100 = tpu.memref_squeeze %dma_wait3A_1099 : memref<1x128xi32, #tpu.memory_space<vmem>> -> memref<128xi32, #tpu.memory_space<vmem>>
        %dma_wait3A_1101 = arith.constant 0 : i32
        %dma_wait3A_1102 = arith.constant 0 : i32
        %dma_wait3A_1103 = tpu.memref_slice %arg9[%dma_wait3A_1101, %dma_wait3A_1102] : memref<10240x32xf32, #tpu.memory_space<vmem_shared>> -> memref<10240x32xf32, #tpu.memory_space<vmem_shared>>
        %dma_wait3A_1104 = tpu.memref_slice %arg16[%dma_wait3A_1093] : memref<8x!tpu.dma_semaphore, #tpu.memory_space<semaphore_mem>> -> memref<1x!tpu.dma_semaphore, #tpu.memory_space<semaphore_mem>>
        %dma_wait3A_1105 = tpu.memref_squeeze %dma_wait3A_1104 : memref<1x!tpu.dma_semaphore, #tpu.memory_space<semaphore_mem>> -> memref<!tpu.dma_semaphore, #tpu.memory_space<semaphore_mem>>
        tpu.wait_indirect_dma semaphore(%dma_wait3A_1105 : memref<!tpu.dma_semaphore, #tpu.memory_space<semaphore_mem>>) src(%dma_wait3A_1103 : memref<10240x32xf32, #tpu.memory_space<vmem_shared>>) dst(%dma_wait3A_1097 : memref<128x32xf32, #tpu.memory_space<vmem>>)
        %mul3A_1106 = arith.constant 4 : i32
        %mul3A_1107 = arith.muli %add3A_971, %mul3A_1106 : i32
        %add3A_1108 = arith.constant 1 : i32
        %add3A_1109 = arith.addi %mul3A_1107, %add3A_1108 : i32
        %dma_start3A_1110 = arith.constant 5 : i32
        %dma_start3A_1111 = arith.constant 5 : i32
        %dma_start3A_1112 = arith.constant 0 : i32
        %dma_start3A_1113 = arith.constant 0 : i32
        %dma_start3A_1114 = tpu.memref_slice %arg12[%dma_start3A_1110, %dma_start3A_1112, %dma_start3A_1113] : memref<8x128x32xf32, #tpu.memory_space<vmem>> -> memref<1x128x32xf32, #tpu.memory_space<vmem>>
        %dma_start3A_1115 = tpu.memref_squeeze %dma_start3A_1114 : memref<1x128x32xf32, #tpu.memory_space<vmem>> -> memref<128x32xf32, #tpu.memory_space<vmem>>
        %dma_start3A_1116 = arith.constant 0 : i32
        %dma_start3A_1117 = tpu.memref_slice %arg11[%add3A_1109, %dma_start3A_1116] : memref<160x128xi32, #tpu.memory_space<vmem>> -> memref<1x128xi32, #tpu.memory_space<vmem>>
        %dma_start3A_1118 = tpu.memref_squeeze %dma_start3A_1117 : memref<1x128xi32, #tpu.memory_space<vmem>> -> memref<128xi32, #tpu.memory_space<vmem>>
        %dma_start3A_1119 = arith.constant 0 : i32
        %dma_start3A_1120 = arith.constant 0 : i32
        %dma_start3A_1121 = tpu.memref_slice %arg8[%dma_start3A_1119, %dma_start3A_1120] : memref<10240x32xf32, #tpu.memory_space<vmem_shared>> -> memref<10240x32xf32, #tpu.memory_space<vmem_shared>>
        %dma_start3A_1122 = tpu.memref_slice %arg17[%dma_start3A_1111] : memref<8x!tpu.dma_semaphore, #tpu.memory_space<semaphore_mem>> -> memref<1x!tpu.dma_semaphore, #tpu.memory_space<semaphore_mem>>
        %dma_start3A_1123 = tpu.memref_squeeze %dma_start3A_1122 : memref<1x!tpu.dma_semaphore, #tpu.memory_space<semaphore_mem>> -> memref<!tpu.dma_semaphore, #tpu.memory_space<semaphore_mem>>
        tpu.enqueue_indirect_dma source(%dma_start3A_1115 : memref<128x32xf32, #tpu.memory_space<vmem>>) target(%dma_start3A_1121 : memref<10240x32xf32, #tpu.memory_space<vmem_shared>>) offsets(%dma_start3A_1118 : memref<128xi32, #tpu.memory_space<vmem>>) semaphore(%dma_start3A_1123 : memref<!tpu.dma_semaphore, #tpu.memory_space<semaphore_mem>>) {add = true}
        %mul3A_1124 = arith.constant 4 : i32
        %mul3A_1125 = arith.muli %add3A_971, %mul3A_1124 : i32
        %add3A_1126 = arith.constant 2 : i32
        %add3A_1127 = arith.addi %mul3A_1125, %add3A_1126 : i32
        %dma_wait3A_1128 = arith.constant 6 : i32
        %dma_wait3A_1129 = arith.constant 6 : i32
        %dma_wait3A_1130 = arith.constant 0 : i32
        %dma_wait3A_1131 = arith.constant 0 : i32
        %dma_wait3A_1132 = tpu.memref_slice %arg12[%dma_wait3A_1128, %dma_wait3A_1130, %dma_wait3A_1131] : memref<8x128x32xf32, #tpu.memory_space<vmem>> -> memref<1x128x32xf32, #tpu.memory_space<vmem>>
        %dma_wait3A_1133 = tpu.memref_squeeze %dma_wait3A_1132 : memref<1x128x32xf32, #tpu.memory_space<vmem>> -> memref<128x32xf32, #tpu.memory_space<vmem>>
        %dma_wait3A_1134 = arith.constant 0 : i32
        %dma_wait3A_1135 = tpu.memref_slice %arg10[%add3A_1127, %dma_wait3A_1134] : memref<160x128xi32, #tpu.memory_space<vmem>> -> memref<1x128xi32, #tpu.memory_space<vmem>>
        %dma_wait3A_1136 = tpu.memref_squeeze %dma_wait3A_1135 : memref<1x128xi32, #tpu.memory_space<vmem>> -> memref<128xi32, #tpu.memory_space<vmem>>
        %dma_wait3A_1137 = arith.constant 0 : i32
        %dma_wait3A_1138 = arith.constant 0 : i32
        %dma_wait3A_1139 = tpu.memref_slice %arg9[%dma_wait3A_1137, %dma_wait3A_1138] : memref<10240x32xf32, #tpu.memory_space<vmem_shared>> -> memref<10240x32xf32, #tpu.memory_space<vmem_shared>>
        %dma_wait3A_1140 = tpu.memref_slice %arg16[%dma_wait3A_1129] : memref<8x!tpu.dma_semaphore, #tpu.memory_space<semaphore_mem>> -> memref<1x!tpu.dma_semaphore, #tpu.memory_space<semaphore_mem>>
        %dma_wait3A_1141 = tpu.memref_squeeze %dma_wait3A_1140 : memref<1x!tpu.dma_semaphore, #tpu.memory_space<semaphore_mem>> -> memref<!tpu.dma_semaphore, #tpu.memory_space<semaphore_mem>>
        tpu.wait_indirect_dma semaphore(%dma_wait3A_1141 : memref<!tpu.dma_semaphore, #tpu.memory_space<semaphore_mem>>) src(%dma_wait3A_1139 : memref<10240x32xf32, #tpu.memory_space<vmem_shared>>) dst(%dma_wait3A_1133 : memref<128x32xf32, #tpu.memory_space<vmem>>)
        %mul3A_1142 = arith.constant 4 : i32
        %mul3A_1143 = arith.muli %add3A_971, %mul3A_1142 : i32
        %add3A_1144 = arith.constant 2 : i32
        %add3A_1145 = arith.addi %mul3A_1143, %add3A_1144 : i32
        %dma_start3A_1146 = arith.constant 6 : i32
        %dma_start3A_1147 = arith.constant 6 : i32
        %dma_start3A_1148 = arith.constant 0 : i32
        %dma_start3A_1149 = arith.constant 0 : i32
        %dma_start3A_1150 = tpu.memref_slice %arg12[%dma_start3A_1146, %dma_start3A_1148, %dma_start3A_1149] : memref<8x128x32xf32, #tpu.memory_space<vmem>> -> memref<1x128x32xf32, #tpu.memory_space<vmem>>
        %dma_start3A_1151 = tpu.memref_squeeze %dma_start3A_1150 : memref<1x128x32xf32, #tpu.memory_space<vmem>> -> memref<128x32xf32, #tpu.memory_space<vmem>>
        %dma_start3A_1152 = arith.constant 0 : i32
        %dma_start3A_1153 = tpu.memref_slice %arg11[%add3A_1145, %dma_start3A_1152] : memref<160x128xi32, #tpu.memory_space<vmem>> -> memref<1x128xi32, #tpu.memory_space<vmem>>
        %dma_start3A_1154 = tpu.memref_squeeze %dma_start3A_1153 : memref<1x128xi32, #tpu.memory_space<vmem>> -> memref<128xi32, #tpu.memory_space<vmem>>
        %dma_start3A_1155 = arith.constant 0 : i32
        %dma_start3A_1156 = arith.constant 0 : i32
        %dma_start3A_1157 = tpu.memref_slice %arg8[%dma_start3A_1155, %dma_start3A_1156] : memref<10240x32xf32, #tpu.memory_space<vmem_shared>> -> memref<10240x32xf32, #tpu.memory_space<vmem_shared>>
        %dma_start3A_1158 = tpu.memref_slice %arg17[%dma_start3A_1147] : memref<8x!tpu.dma_semaphore, #tpu.memory_space<semaphore_mem>> -> memref<1x!tpu.dma_semaphore, #tpu.memory_space<semaphore_mem>>
        %dma_start3A_1159 = tpu.memref_squeeze %dma_start3A_1158 : memref<1x!tpu.dma_semaphore, #tpu.memory_space<semaphore_mem>> -> memref<!tpu.dma_semaphore, #tpu.memory_space<semaphore_mem>>
        tpu.enqueue_indirect_dma source(%dma_start3A_1151 : memref<128x32xf32, #tpu.memory_space<vmem>>) target(%dma_start3A_1157 : memref<10240x32xf32, #tpu.memory_space<vmem_shared>>) offsets(%dma_start3A_1154 : memref<128xi32, #tpu.memory_space<vmem>>) semaphore(%dma_start3A_1159 : memref<!tpu.dma_semaphore, #tpu.memory_space<semaphore_mem>>) {add = true}
        %mul3A_1160 = arith.constant 4 : i32
        %mul3A_1161 = arith.muli %add3A_971, %mul3A_1160 : i32
        %add3A_1162 = arith.constant 3 : i32
        %add3A_1163 = arith.addi %mul3A_1161, %add3A_1162 : i32
        %dma_wait3A_1164 = arith.constant 7 : i32
        %dma_wait3A_1165 = arith.constant 7 : i32
        %dma_wait3A_1166 = arith.constant 0 : i32
        %dma_wait3A_1167 = arith.constant 0 : i32
        %dma_wait3A_1168 = tpu.memref_slice %arg12[%dma_wait3A_1164, %dma_wait3A_1166, %dma_wait3A_1167] : memref<8x128x32xf32, #tpu.memory_space<vmem>> -> memref<1x128x32xf32, #tpu.memory_space<vmem>>
        %dma_wait3A_1169 = tpu.memref_squeeze %dma_wait3A_1168 : memref<1x128x32xf32, #tpu.memory_space<vmem>> -> memref<128x32xf32, #tpu.memory_space<vmem>>
        %dma_wait3A_1170 = arith.constant 0 : i32
        %dma_wait3A_1171 = tpu.memref_slice %arg10[%add3A_1163, %dma_wait3A_1170] : memref<160x128xi32, #tpu.memory_space<vmem>> -> memref<1x128xi32, #tpu.memory_space<vmem>>
        %dma_wait3A_1172 = tpu.memref_squeeze %dma_wait3A_1171 : memref<1x128xi32, #tpu.memory_space<vmem>> -> memref<128xi32, #tpu.memory_space<vmem>>
        %dma_wait3A_1173 = arith.constant 0 : i32
        %dma_wait3A_1174 = arith.constant 0 : i32
        %dma_wait3A_1175 = tpu.memref_slice %arg9[%dma_wait3A_1173, %dma_wait3A_1174] : memref<10240x32xf32, #tpu.memory_space<vmem_shared>> -> memref<10240x32xf32, #tpu.memory_space<vmem_shared>>
        %dma_wait3A_1176 = tpu.memref_slice %arg16[%dma_wait3A_1165] : memref<8x!tpu.dma_semaphore, #tpu.memory_space<semaphore_mem>> -> memref<1x!tpu.dma_semaphore, #tpu.memory_space<semaphore_mem>>
        %dma_wait3A_1177 = tpu.memref_squeeze %dma_wait3A_1176 : memref<1x!tpu.dma_semaphore, #tpu.memory_space<semaphore_mem>> -> memref<!tpu.dma_semaphore, #tpu.memory_space<semaphore_mem>>
        tpu.wait_indirect_dma semaphore(%dma_wait3A_1177 : memref<!tpu.dma_semaphore, #tpu.memory_space<semaphore_mem>>) src(%dma_wait3A_1175 : memref<10240x32xf32, #tpu.memory_space<vmem_shared>>) dst(%dma_wait3A_1169 : memref<128x32xf32, #tpu.memory_space<vmem>>)
        %mul3A_1178 = arith.constant 4 : i32
        %mul3A_1179 = arith.muli %add3A_971, %mul3A_1178 : i32
        %add3A_1180 = arith.constant 3 : i32
        %add3A_1181 = arith.addi %mul3A_1179, %add3A_1180 : i32
        %dma_start3A_1182 = arith.constant 7 : i32
        %dma_start3A_1183 = arith.constant 7 : i32
        %dma_start3A_1184 = arith.constant 0 : i32
        %dma_start3A_1185 = arith.constant 0 : i32
        %dma_start3A_1186 = tpu.memref_slice %arg12[%dma_start3A_1182, %dma_start3A_1184, %dma_start3A_1185] : memref<8x128x32xf32, #tpu.memory_space<vmem>> -> memref<1x128x32xf32, #tpu.memory_space<vmem>>
        %dma_start3A_1187 = tpu.memref_squeeze %dma_start3A_1186 : memref<1x128x32xf32, #tpu.memory_space<vmem>> -> memref<128x32xf32, #tpu.memory_space<vmem>>
        %dma_start3A_1188 = arith.constant 0 : i32
        %dma_start3A_1189 = tpu.memref_slice %arg11[%add3A_1181, %dma_start3A_1188] : memref<160x128xi32, #tpu.memory_space<vmem>> -> memref<1x128xi32, #tpu.memory_space<vmem>>
        %dma_start3A_1190 = tpu.memref_squeeze %dma_start3A_1189 : memref<1x128xi32, #tpu.memory_space<vmem>> -> memref<128xi32, #tpu.memory_space<vmem>>
        %dma_start3A_1191 = arith.constant 0 : i32
        %dma_start3A_1192 = arith.constant 0 : i32
        %dma_start3A_1193 = tpu.memref_slice %arg8[%dma_start3A_1191, %dma_start3A_1192] : memref<10240x32xf32, #tpu.memory_space<vmem_shared>> -> memref<10240x32xf32, #tpu.memory_space<vmem_shared>>
        %dma_start3A_1194 = tpu.memref_slice %arg17[%dma_start3A_1183] : memref<8x!tpu.dma_semaphore, #tpu.memory_space<semaphore_mem>> -> memref<1x!tpu.dma_semaphore, #tpu.memory_space<semaphore_mem>>
        %dma_start3A_1195 = tpu.memref_squeeze %dma_start3A_1194 : memref<1x!tpu.dma_semaphore, #tpu.memory_space<semaphore_mem>> -> memref<!tpu.dma_semaphore, #tpu.memory_space<semaphore_mem>>
        tpu.enqueue_indirect_dma source(%dma_start3A_1187 : memref<128x32xf32, #tpu.memory_space<vmem>>) target(%dma_start3A_1193 : memref<10240x32xf32, #tpu.memory_space<vmem_shared>>) offsets(%dma_start3A_1190 : memref<128xi32, #tpu.memory_space<vmem>>) semaphore(%dma_start3A_1195 : memref<!tpu.dma_semaphore, #tpu.memory_space<semaphore_mem>>) {add = true}
        %mul3A_1196 = arith.constant 4 : i32
        %mul3A_1197 = arith.muli %add3A_971, %mul3A_1196 : i32
        %add3A_1198 = arith.constant 0 : i32
        %add3A_1199 = arith.addi %mul3A_1197, %add3A_1198 : i32
        %dma_wait3A_1200 = arith.constant 4 : i32
        %dma_wait3A_1201 = arith.constant 4 : i32
        %dma_wait3A_1202 = arith.constant 0 : i32
        %dma_wait3A_1203 = arith.constant 0 : i32
        %dma_wait3A_1204 = tpu.memref_slice %arg12[%dma_wait3A_1200, %dma_wait3A_1202, %dma_wait3A_1203] : memref<8x128x32xf32, #tpu.memory_space<vmem>> -> memref<1x128x32xf32, #tpu.memory_space<vmem>>
        %dma_wait3A_1205 = tpu.memref_squeeze %dma_wait3A_1204 : memref<1x128x32xf32, #tpu.memory_space<vmem>> -> memref<128x32xf32, #tpu.memory_space<vmem>>
        %dma_wait3A_1206 = arith.constant 0 : i32
        %dma_wait3A_1207 = tpu.memref_slice %arg11[%add3A_1199, %dma_wait3A_1206] : memref<160x128xi32, #tpu.memory_space<vmem>> -> memref<1x128xi32, #tpu.memory_space<vmem>>
        %dma_wait3A_1208 = tpu.memref_squeeze %dma_wait3A_1207 : memref<1x128xi32, #tpu.memory_space<vmem>> -> memref<128xi32, #tpu.memory_space<vmem>>
        %dma_wait3A_1209 = arith.constant 0 : i32
        %dma_wait3A_1210 = arith.constant 0 : i32
        %dma_wait3A_1211 = tpu.memref_slice %arg8[%dma_wait3A_1209, %dma_wait3A_1210] : memref<10240x32xf32, #tpu.memory_space<vmem_shared>> -> memref<10240x32xf32, #tpu.memory_space<vmem_shared>>
        %dma_wait3A_1212 = tpu.memref_slice %arg17[%dma_wait3A_1201] : memref<8x!tpu.dma_semaphore, #tpu.memory_space<semaphore_mem>> -> memref<1x!tpu.dma_semaphore, #tpu.memory_space<semaphore_mem>>
        %dma_wait3A_1213 = tpu.memref_squeeze %dma_wait3A_1212 : memref<1x!tpu.dma_semaphore, #tpu.memory_space<semaphore_mem>> -> memref<!tpu.dma_semaphore, #tpu.memory_space<semaphore_mem>>
        tpu.wait_indirect_dma semaphore(%dma_wait3A_1213 : memref<!tpu.dma_semaphore, #tpu.memory_space<semaphore_mem>>) src(%dma_wait3A_1205 : memref<128x32xf32, #tpu.memory_space<vmem>>) dst(%dma_wait3A_1211 : memref<10240x32xf32, #tpu.memory_space<vmem_shared>>)
        %mul3A_1214 = arith.constant 4 : i32
        %mul3A_1215 = arith.muli %add3A_971, %mul3A_1214 : i32
        %add3A_1216 = arith.constant 1 : i32
        %add3A_1217 = arith.addi %mul3A_1215, %add3A_1216 : i32
        %dma_wait3A_1218 = arith.constant 5 : i32
        %dma_wait3A_1219 = arith.constant 5 : i32
        %dma_wait3A_1220 = arith.constant 0 : i32
        %dma_wait3A_1221 = arith.constant 0 : i32
        %dma_wait3A_1222 = tpu.memref_slice %arg12[%dma_wait3A_1218, %dma_wait3A_1220, %dma_wait3A_1221] : memref<8x128x32xf32, #tpu.memory_space<vmem>> -> memref<1x128x32xf32, #tpu.memory_space<vmem>>
        %dma_wait3A_1223 = tpu.memref_squeeze %dma_wait3A_1222 : memref<1x128x32xf32, #tpu.memory_space<vmem>> -> memref<128x32xf32, #tpu.memory_space<vmem>>
        %dma_wait3A_1224 = arith.constant 0 : i32
        %dma_wait3A_1225 = tpu.memref_slice %arg11[%add3A_1217, %dma_wait3A_1224] : memref<160x128xi32, #tpu.memory_space<vmem>> -> memref<1x128xi32, #tpu.memory_space<vmem>>
        %dma_wait3A_1226 = tpu.memref_squeeze %dma_wait3A_1225 : memref<1x128xi32, #tpu.memory_space<vmem>> -> memref<128xi32, #tpu.memory_space<vmem>>
        %dma_wait3A_1227 = arith.constant 0 : i32
        %dma_wait3A_1228 = arith.constant 0 : i32
        %dma_wait3A_1229 = tpu.memref_slice %arg8[%dma_wait3A_1227, %dma_wait3A_1228] : memref<10240x32xf32, #tpu.memory_space<vmem_shared>> -> memref<10240x32xf32, #tpu.memory_space<vmem_shared>>
        %dma_wait3A_1230 = tpu.memref_slice %arg17[%dma_wait3A_1219] : memref<8x!tpu.dma_semaphore, #tpu.memory_space<semaphore_mem>> -> memref<1x!tpu.dma_semaphore, #tpu.memory_space<semaphore_mem>>
        %dma_wait3A_1231 = tpu.memref_squeeze %dma_wait3A_1230 : memref<1x!tpu.dma_semaphore, #tpu.memory_space<semaphore_mem>> -> memref<!tpu.dma_semaphore, #tpu.memory_space<semaphore_mem>>
        tpu.wait_indirect_dma semaphore(%dma_wait3A_1231 : memref<!tpu.dma_semaphore, #tpu.memory_space<semaphore_mem>>) src(%dma_wait3A_1223 : memref<128x32xf32, #tpu.memory_space<vmem>>) dst(%dma_wait3A_1229 : memref<10240x32xf32, #tpu.memory_space<vmem_shared>>)
        %mul3A_1232 = arith.constant 4 : i32
        %mul3A_1233 = arith.muli %add3A_971, %mul3A_1232 : i32
        %add3A_1234 = arith.constant 2 : i32
        %add3A_1235 = arith.addi %mul3A_1233, %add3A_1234 : i32
        %dma_wait3A_1236 = arith.constant 6 : i32
        %dma_wait3A_1237 = arith.constant 6 : i32
        %dma_wait3A_1238 = arith.constant 0 : i32
        %dma_wait3A_1239 = arith.constant 0 : i32
        %dma_wait3A_1240 = tpu.memref_slice %arg12[%dma_wait3A_1236, %dma_wait3A_1238, %dma_wait3A_1239] : memref<8x128x32xf32, #tpu.memory_space<vmem>> -> memref<1x128x32xf32, #tpu.memory_space<vmem>>
        %dma_wait3A_1241 = tpu.memref_squeeze %dma_wait3A_1240 : memref<1x128x32xf32, #tpu.memory_space<vmem>> -> memref<128x32xf32, #tpu.memory_space<vmem>>
        %dma_wait3A_1242 = arith.constant 0 : i32
        %dma_wait3A_1243 = tpu.memref_slice %arg11[%add3A_1235, %dma_wait3A_1242] : memref<160x128xi32, #tpu.memory_space<vmem>> -> memref<1x128xi32, #tpu.memory_space<vmem>>
        %dma_wait3A_1244 = tpu.memref_squeeze %dma_wait3A_1243 : memref<1x128xi32, #tpu.memory_space<vmem>> -> memref<128xi32, #tpu.memory_space<vmem>>
        %dma_wait3A_1245 = arith.constant 0 : i32
        %dma_wait3A_1246 = arith.constant 0 : i32
        %dma_wait3A_1247 = tpu.memref_slice %arg8[%dma_wait3A_1245, %dma_wait3A_1246] : memref<10240x32xf32, #tpu.memory_space<vmem_shared>> -> memref<10240x32xf32, #tpu.memory_space<vmem_shared>>
        %dma_wait3A_1248 = tpu.memref_slice %arg17[%dma_wait3A_1237] : memref<8x!tpu.dma_semaphore, #tpu.memory_space<semaphore_mem>> -> memref<1x!tpu.dma_semaphore, #tpu.memory_space<semaphore_mem>>
        %dma_wait3A_1249 = tpu.memref_squeeze %dma_wait3A_1248 : memref<1x!tpu.dma_semaphore, #tpu.memory_space<semaphore_mem>> -> memref<!tpu.dma_semaphore, #tpu.memory_space<semaphore_mem>>
        tpu.wait_indirect_dma semaphore(%dma_wait3A_1249 : memref<!tpu.dma_semaphore, #tpu.memory_space<semaphore_mem>>) src(%dma_wait3A_1241 : memref<128x32xf32, #tpu.memory_space<vmem>>) dst(%dma_wait3A_1247 : memref<10240x32xf32, #tpu.memory_space<vmem_shared>>)
        %mul3A_1250 = arith.constant 4 : i32
        %mul3A_1251 = arith.muli %add3A_971, %mul3A_1250 : i32
        %add3A_1252 = arith.constant 3 : i32
        %add3A_1253 = arith.addi %mul3A_1251, %add3A_1252 : i32
        %dma_wait3A_1254 = arith.constant 7 : i32
        %dma_wait3A_1255 = arith.constant 7 : i32
        %dma_wait3A_1256 = arith.constant 0 : i32
        %dma_wait3A_1257 = arith.constant 0 : i32
        %dma_wait3A_1258 = tpu.memref_slice %arg12[%dma_wait3A_1254, %dma_wait3A_1256, %dma_wait3A_1257] : memref<8x128x32xf32, #tpu.memory_space<vmem>> -> memref<1x128x32xf32, #tpu.memory_space<vmem>>
        %dma_wait3A_1259 = tpu.memref_squeeze %dma_wait3A_1258 : memref<1x128x32xf32, #tpu.memory_space<vmem>> -> memref<128x32xf32, #tpu.memory_space<vmem>>
        %dma_wait3A_1260 = arith.constant 0 : i32
        %dma_wait3A_1261 = tpu.memref_slice %arg11[%add3A_1253, %dma_wait3A_1260] : memref<160x128xi32, #tpu.memory_space<vmem>> -> memref<1x128xi32, #tpu.memory_space<vmem>>
        %dma_wait3A_1262 = tpu.memref_squeeze %dma_wait3A_1261 : memref<1x128xi32, #tpu.memory_space<vmem>> -> memref<128xi32, #tpu.memory_space<vmem>>
        %dma_wait3A_1263 = arith.constant 0 : i32
        %dma_wait3A_1264 = arith.constant 0 : i32
        %dma_wait3A_1265 = tpu.memref_slice %arg8[%dma_wait3A_1263, %dma_wait3A_1264] : memref<10240x32xf32, #tpu.memory_space<vmem_shared>> -> memref<10240x32xf32, #tpu.memory_space<vmem_shared>>
        %dma_wait3A_1266 = tpu.memref_slice %arg17[%dma_wait3A_1255] : memref<8x!tpu.dma_semaphore, #tpu.memory_space<semaphore_mem>> -> memref<1x!tpu.dma_semaphore, #tpu.memory_space<semaphore_mem>>
        %dma_wait3A_1267 = tpu.memref_squeeze %dma_wait3A_1266 : memref<1x!tpu.dma_semaphore, #tpu.memory_space<semaphore_mem>> -> memref<!tpu.dma_semaphore, #tpu.memory_space<semaphore_mem>>
        tpu.wait_indirect_dma semaphore(%dma_wait3A_1267 : memref<!tpu.dma_semaphore, #tpu.memory_space<semaphore_mem>>) src(%dma_wait3A_1259 : memref<128x32xf32, #tpu.memory_space<vmem>>) dst(%dma_wait3A_1265 : memref<10240x32xf32, #tpu.memory_space<vmem_shared>>)
        %scan3A_1268 = arith.constant 0 : i32
        scf.yield %scan3A_1268 : i32
      }
      %scan3A_188 = arith.constant 19 : i32
      %dma_start3A_189 = arith.constant 156 : i32
      %dma_start3A_190 = arith.constant 4 : i32
      %dma_start3A_191 = arith.constant 4 : i32
      %dma_start3A_192 = arith.constant 0 : i32
      %dma_start3A_193 = arith.constant 0 : i32
      %dma_start3A_194 = tpu.memref_slice %arg12[%dma_start3A_190, %dma_start3A_192, %dma_start3A_193] : memref<8x128x32xf32, #tpu.memory_space<vmem>> -> memref<1x128x32xf32, #tpu.memory_space<vmem>>
      %dma_start3A_195 = tpu.memref_squeeze %dma_start3A_194 : memref<1x128x32xf32, #tpu.memory_space<vmem>> -> memref<128x32xf32, #tpu.memory_space<vmem>>
      %dma_start3A_196 = arith.constant 0 : i32
      %dma_start3A_197 = tpu.memref_slice %arg10[%dma_start3A_189, %dma_start3A_196] : memref<160x128xi32, #tpu.memory_space<vmem>> -> memref<1x128xi32, #tpu.memory_space<vmem>>
      %dma_start3A_198 = tpu.memref_squeeze %dma_start3A_197 : memref<1x128xi32, #tpu.memory_space<vmem>> -> memref<128xi32, #tpu.memory_space<vmem>>
      %dma_start3A_199 = arith.constant 0 : i32
      %dma_start3A_200 = arith.constant 0 : i32
      %dma_start3A_201 = tpu.memref_slice %arg9[%dma_start3A_199, %dma_start3A_200] : memref<10240x32xf32, #tpu.memory_space<vmem_shared>> -> memref<10240x32xf32, #tpu.memory_space<vmem_shared>>
      %dma_start3A_202 = tpu.memref_slice %arg16[%dma_start3A_191] : memref<8x!tpu.dma_semaphore, #tpu.memory_space<semaphore_mem>> -> memref<1x!tpu.dma_semaphore, #tpu.memory_space<semaphore_mem>>
      %dma_start3A_203 = tpu.memref_squeeze %dma_start3A_202 : memref<1x!tpu.dma_semaphore, #tpu.memory_space<semaphore_mem>> -> memref<!tpu.dma_semaphore, #tpu.memory_space<semaphore_mem>>
      tpu.enqueue_indirect_dma source(%dma_start3A_201 : memref<10240x32xf32, #tpu.memory_space<vmem_shared>>) target(%dma_start3A_195 : memref<128x32xf32, #tpu.memory_space<vmem>>) offsets(%dma_start3A_198 : memref<128xi32, #tpu.memory_space<vmem>>) semaphore(%dma_start3A_203 : memref<!tpu.dma_semaphore, #tpu.memory_space<semaphore_mem>>)
      %dma_start3A_204 = arith.constant 157 : i32
      %dma_start3A_205 = arith.constant 5 : i32
      %dma_start3A_206 = arith.constant 5 : i32
      %dma_start3A_207 = arith.constant 0 : i32
      %dma_start3A_208 = arith.constant 0 : i32
      %dma_start3A_209 = tpu.memref_slice %arg12[%dma_start3A_205, %dma_start3A_207, %dma_start3A_208] : memref<8x128x32xf32, #tpu.memory_space<vmem>> -> memref<1x128x32xf32, #tpu.memory_space<vmem>>
      %dma_start3A_210 = tpu.memref_squeeze %dma_start3A_209 : memref<1x128x32xf32, #tpu.memory_space<vmem>> -> memref<128x32xf32, #tpu.memory_space<vmem>>
      %dma_start3A_211 = arith.constant 0 : i32
      %dma_start3A_212 = tpu.memref_slice %arg10[%dma_start3A_204, %dma_start3A_211] : memref<160x128xi32, #tpu.memory_space<vmem>> -> memref<1x128xi32, #tpu.memory_space<vmem>>
      %dma_start3A_213 = tpu.memref_squeeze %dma_start3A_212 : memref<1x128xi32, #tpu.memory_space<vmem>> -> memref<128xi32, #tpu.memory_space<vmem>>
      %dma_start3A_214 = arith.constant 0 : i32
      %dma_start3A_215 = arith.constant 0 : i32
      %dma_start3A_216 = tpu.memref_slice %arg9[%dma_start3A_214, %dma_start3A_215] : memref<10240x32xf32, #tpu.memory_space<vmem_shared>> -> memref<10240x32xf32, #tpu.memory_space<vmem_shared>>
      %dma_start3A_217 = tpu.memref_slice %arg16[%dma_start3A_206] : memref<8x!tpu.dma_semaphore, #tpu.memory_space<semaphore_mem>> -> memref<1x!tpu.dma_semaphore, #tpu.memory_space<semaphore_mem>>
      %dma_start3A_218 = tpu.memref_squeeze %dma_start3A_217 : memref<1x!tpu.dma_semaphore, #tpu.memory_space<semaphore_mem>> -> memref<!tpu.dma_semaphore, #tpu.memory_space<semaphore_mem>>
      tpu.enqueue_indirect_dma source(%dma_start3A_216 : memref<10240x32xf32, #tpu.memory_space<vmem_shared>>) target(%dma_start3A_210 : memref<128x32xf32, #tpu.memory_space<vmem>>) offsets(%dma_start3A_213 : memref<128xi32, #tpu.memory_space<vmem>>) semaphore(%dma_start3A_218 : memref<!tpu.dma_semaphore, #tpu.memory_space<semaphore_mem>>)
      %dma_start3A_219 = arith.constant 158 : i32
      %dma_start3A_220 = arith.constant 6 : i32
      %dma_start3A_221 = arith.constant 6 : i32
      %dma_start3A_222 = arith.constant 0 : i32
      %dma_start3A_223 = arith.constant 0 : i32
      %dma_start3A_224 = tpu.memref_slice %arg12[%dma_start3A_220, %dma_start3A_222, %dma_start3A_223] : memref<8x128x32xf32, #tpu.memory_space<vmem>> -> memref<1x128x32xf32, #tpu.memory_space<vmem>>
      %dma_start3A_225 = tpu.memref_squeeze %dma_start3A_224 : memref<1x128x32xf32, #tpu.memory_space<vmem>> -> memref<128x32xf32, #tpu.memory_space<vmem>>
      %dma_start3A_226 = arith.constant 0 : i32
      %dma_start3A_227 = tpu.memref_slice %arg10[%dma_start3A_219, %dma_start3A_226] : memref<160x128xi32, #tpu.memory_space<vmem>> -> memref<1x128xi32, #tpu.memory_space<vmem>>
      %dma_start3A_228 = tpu.memref_squeeze %dma_start3A_227 : memref<1x128xi32, #tpu.memory_space<vmem>> -> memref<128xi32, #tpu.memory_space<vmem>>
      %dma_start3A_229 = arith.constant 0 : i32
      %dma_start3A_230 = arith.constant 0 : i32
      %dma_start3A_231 = tpu.memref_slice %arg9[%dma_start3A_229, %dma_start3A_230] : memref<10240x32xf32, #tpu.memory_space<vmem_shared>> -> memref<10240x32xf32, #tpu.memory_space<vmem_shared>>
      %dma_start3A_232 = tpu.memref_slice %arg16[%dma_start3A_221] : memref<8x!tpu.dma_semaphore, #tpu.memory_space<semaphore_mem>> -> memref<1x!tpu.dma_semaphore, #tpu.memory_space<semaphore_mem>>
      %dma_start3A_233 = tpu.memref_squeeze %dma_start3A_232 : memref<1x!tpu.dma_semaphore, #tpu.memory_space<semaphore_mem>> -> memref<!tpu.dma_semaphore, #tpu.memory_space<semaphore_mem>>
      tpu.enqueue_indirect_dma source(%dma_start3A_231 : memref<10240x32xf32, #tpu.memory_space<vmem_shared>>) target(%dma_start3A_225 : memref<128x32xf32, #tpu.memory_space<vmem>>) offsets(%dma_start3A_228 : memref<128xi32, #tpu.memory_space<vmem>>) semaphore(%dma_start3A_233 : memref<!tpu.dma_semaphore, #tpu.memory_space<semaphore_mem>>)
      %dma_start3A_234 = arith.constant 159 : i32
      %dma_start3A_235 = arith.constant 7 : i32
      %dma_start3A_236 = arith.constant 7 : i32
      %dma_start3A_237 = arith.constant 0 : i32
      %dma_start3A_238 = arith.constant 0 : i32
      %dma_start3A_239 = tpu.memref_slice %arg12[%dma_start3A_235, %dma_start3A_237, %dma_start3A_238] : memref<8x128x32xf32, #tpu.memory_space<vmem>> -> memref<1x128x32xf32, #tpu.memory_space<vmem>>
      %dma_start3A_240 = tpu.memref_squeeze %dma_start3A_239 : memref<1x128x32xf32, #tpu.memory_space<vmem>> -> memref<128x32xf32, #tpu.memory_space<vmem>>
      %dma_start3A_241 = arith.constant 0 : i32
      %dma_start3A_242 = tpu.memref_slice %arg10[%dma_start3A_234, %dma_start3A_241] : memref<160x128xi32, #tpu.memory_space<vmem>> -> memref<1x128xi32, #tpu.memory_space<vmem>>
      %dma_start3A_243 = tpu.memref_squeeze %dma_start3A_242 : memref<1x128xi32, #tpu.memory_space<vmem>> -> memref<128xi32, #tpu.memory_space<vmem>>
      %dma_start3A_244 = arith.constant 0 : i32
      %dma_start3A_245 = arith.constant 0 : i32
      %dma_start3A_246 = tpu.memref_slice %arg9[%dma_start3A_244, %dma_start3A_245] : memref<10240x32xf32, #tpu.memory_space<vmem_shared>> -> memref<10240x32xf32, #tpu.memory_space<vmem_shared>>
      %dma_start3A_247 = tpu.memref_slice %arg16[%dma_start3A_236] : memref<8x!tpu.dma_semaphore, #tpu.memory_space<semaphore_mem>> -> memref<1x!tpu.dma_semaphore, #tpu.memory_space<semaphore_mem>>
      %dma_start3A_248 = tpu.memref_squeeze %dma_start3A_247 : memref<1x!tpu.dma_semaphore, #tpu.memory_space<semaphore_mem>> -> memref<!tpu.dma_semaphore, #tpu.memory_space<semaphore_mem>>
      tpu.enqueue_indirect_dma source(%dma_start3A_246 : memref<10240x32xf32, #tpu.memory_space<vmem_shared>>) target(%dma_start3A_240 : memref<128x32xf32, #tpu.memory_space<vmem>>) offsets(%dma_start3A_243 : memref<128xi32, #tpu.memory_space<vmem>>) semaphore(%dma_start3A_248 : memref<!tpu.dma_semaphore, #tpu.memory_space<semaphore_mem>>)
      %dma_wait3A = arith.constant 152 : i32
      %dma_wait3A_249 = arith.constant 0 : i32
      %dma_wait3A_250 = arith.constant 0 : i32
      %dma_wait3A_251 = arith.constant 0 : i32
      %dma_wait3A_252 = arith.constant 0 : i32
      %dma_wait3A_253 = tpu.memref_slice %arg12[%dma_wait3A_249, %dma_wait3A_251, %dma_wait3A_252] : memref<8x128x32xf32, #tpu.memory_space<vmem>> -> memref<1x128x32xf32, #tpu.memory_space<vmem>>
      %dma_wait3A_254 = tpu.memref_squeeze %dma_wait3A_253 : memref<1x128x32xf32, #tpu.memory_space<vmem>> -> memref<128x32xf32, #tpu.memory_space<vmem>>
      %dma_wait3A_255 = arith.constant 0 : i32
      %dma_wait3A_256 = tpu.memref_slice %arg10[%dma_wait3A, %dma_wait3A_255] : memref<160x128xi32, #tpu.memory_space<vmem>> -> memref<1x128xi32, #tpu.memory_space<vmem>>
      %dma_wait3A_257 = tpu.memref_squeeze %dma_wait3A_256 : memref<1x128xi32, #tpu.memory_space<vmem>> -> memref<128xi32, #tpu.memory_space<vmem>>
      %dma_wait3A_258 = arith.constant 0 : i32
      %dma_wait3A_259 = arith.constant 0 : i32
      %dma_wait3A_260 = tpu.memref_slice %arg9[%dma_wait3A_258, %dma_wait3A_259] : memref<10240x32xf32, #tpu.memory_space<vmem_shared>> -> memref<10240x32xf32, #tpu.memory_space<vmem_shared>>
      %dma_wait3A_261 = tpu.memref_slice %arg16[%dma_wait3A_250] : memref<8x!tpu.dma_semaphore, #tpu.memory_space<semaphore_mem>> -> memref<1x!tpu.dma_semaphore, #tpu.memory_space<semaphore_mem>>
      %dma_wait3A_262 = tpu.memref_squeeze %dma_wait3A_261 : memref<1x!tpu.dma_semaphore, #tpu.memory_space<semaphore_mem>> -> memref<!tpu.dma_semaphore, #tpu.memory_space<semaphore_mem>>
      tpu.wait_indirect_dma semaphore(%dma_wait3A_262 : memref<!tpu.dma_semaphore, #tpu.memory_space<semaphore_mem>>) src(%dma_wait3A_260 : memref<10240x32xf32, #tpu.memory_space<vmem_shared>>) dst(%dma_wait3A_254 : memref<128x32xf32, #tpu.memory_space<vmem>>)
      %dma_start3A_263 = arith.constant 0 : i32
      %dma_start3A_264 = arith.constant 152 : i32
      %dma_start3A_265 = arith.constant 0 : i32
      %dma_start3A_266 = arith.constant 0 : i32
      %dma_start3A_267 = arith.constant 0 : i32
      %dma_start3A_268 = tpu.memref_slice %arg12[%dma_start3A_263, %dma_start3A_266, %dma_start3A_267] : memref<8x128x32xf32, #tpu.memory_space<vmem>> -> memref<1x128x32xf32, #tpu.memory_space<vmem>>
      %dma_start3A_269 = tpu.memref_squeeze %dma_start3A_268 : memref<1x128x32xf32, #tpu.memory_space<vmem>> -> memref<128x32xf32, #tpu.memory_space<vmem>>
      %dma_start3A_270 = arith.constant 0 : i32
      %dma_start3A_271 = tpu.memref_slice %arg11[%dma_start3A_264, %dma_start3A_270] : memref<160x128xi32, #tpu.memory_space<vmem>> -> memref<1x128xi32, #tpu.memory_space<vmem>>
      %dma_start3A_272 = tpu.memref_squeeze %dma_start3A_271 : memref<1x128xi32, #tpu.memory_space<vmem>> -> memref<128xi32, #tpu.memory_space<vmem>>
      %dma_start3A_273 = arith.constant 0 : i32
      %dma_start3A_274 = arith.constant 0 : i32
      %dma_start3A_275 = tpu.memref_slice %arg8[%dma_start3A_273, %dma_start3A_274] : memref<10240x32xf32, #tpu.memory_space<vmem_shared>> -> memref<10240x32xf32, #tpu.memory_space<vmem_shared>>
      %dma_start3A_276 = tpu.memref_slice %arg17[%dma_start3A_265] : memref<8x!tpu.dma_semaphore, #tpu.memory_space<semaphore_mem>> -> memref<1x!tpu.dma_semaphore, #tpu.memory_space<semaphore_mem>>
      %dma_start3A_277 = tpu.memref_squeeze %dma_start3A_276 : memref<1x!tpu.dma_semaphore, #tpu.memory_space<semaphore_mem>> -> memref<!tpu.dma_semaphore, #tpu.memory_space<semaphore_mem>>
      tpu.enqueue_indirect_dma source(%dma_start3A_269 : memref<128x32xf32, #tpu.memory_space<vmem>>) target(%dma_start3A_275 : memref<10240x32xf32, #tpu.memory_space<vmem_shared>>) offsets(%dma_start3A_272 : memref<128xi32, #tpu.memory_space<vmem>>) semaphore(%dma_start3A_277 : memref<!tpu.dma_semaphore, #tpu.memory_space<semaphore_mem>>) {add = true}
      %dma_wait3A_278 = arith.constant 153 : i32
      %dma_wait3A_279 = arith.constant 1 : i32
      %dma_wait3A_280 = arith.constant 1 : i32
      %dma_wait3A_281 = arith.constant 0 : i32
      %dma_wait3A_282 = arith.constant 0 : i32
      %dma_wait3A_283 = tpu.memref_slice %arg12[%dma_wait3A_279, %dma_wait3A_281, %dma_wait3A_282] : memref<8x128x32xf32, #tpu.memory_space<vmem>> -> memref<1x128x32xf32, #tpu.memory_space<vmem>>
      %dma_wait3A_284 = tpu.memref_squeeze %dma_wait3A_283 : memref<1x128x32xf32, #tpu.memory_space<vmem>> -> memref<128x32xf32, #tpu.memory_space<vmem>>
      %dma_wait3A_285 = arith.constant 0 : i32
      %dma_wait3A_286 = tpu.memref_slice %arg10[%dma_wait3A_278, %dma_wait3A_285] : memref<160x128xi32, #tpu.memory_space<vmem>> -> memref<1x128xi32, #tpu.memory_space<vmem>>
      %dma_wait3A_287 = tpu.memref_squeeze %dma_wait3A_286 : memref<1x128xi32, #tpu.memory_space<vmem>> -> memref<128xi32, #tpu.memory_space<vmem>>
      %dma_wait3A_288 = arith.constant 0 : i32
      %dma_wait3A_289 = arith.constant 0 : i32
      %dma_wait3A_290 = tpu.memref_slice %arg9[%dma_wait3A_288, %dma_wait3A_289] : memref<10240x32xf32, #tpu.memory_space<vmem_shared>> -> memref<10240x32xf32, #tpu.memory_space<vmem_shared>>
      %dma_wait3A_291 = tpu.memref_slice %arg16[%dma_wait3A_280] : memref<8x!tpu.dma_semaphore, #tpu.memory_space<semaphore_mem>> -> memref<1x!tpu.dma_semaphore, #tpu.memory_space<semaphore_mem>>
      %dma_wait3A_292 = tpu.memref_squeeze %dma_wait3A_291 : memref<1x!tpu.dma_semaphore, #tpu.memory_space<semaphore_mem>> -> memref<!tpu.dma_semaphore, #tpu.memory_space<semaphore_mem>>
      tpu.wait_indirect_dma semaphore(%dma_wait3A_292 : memref<!tpu.dma_semaphore, #tpu.memory_space<semaphore_mem>>) src(%dma_wait3A_290 : memref<10240x32xf32, #tpu.memory_space<vmem_shared>>) dst(%dma_wait3A_284 : memref<128x32xf32, #tpu.memory_space<vmem>>)
      %dma_start3A_293 = arith.constant 1 : i32
      %dma_start3A_294 = arith.constant 153 : i32
      %dma_start3A_295 = arith.constant 1 : i32
      %dma_start3A_296 = arith.constant 0 : i32
      %dma_start3A_297 = arith.constant 0 : i32
      %dma_start3A_298 = tpu.memref_slice %arg12[%dma_start3A_293, %dma_start3A_296, %dma_start3A_297] : memref<8x128x32xf32, #tpu.memory_space<vmem>> -> memref<1x128x32xf32, #tpu.memory_space<vmem>>
      %dma_start3A_299 = tpu.memref_squeeze %dma_start3A_298 : memref<1x128x32xf32, #tpu.memory_space<vmem>> -> memref<128x32xf32, #tpu.memory_space<vmem>>
      %dma_start3A_300 = arith.constant 0 : i32
      %dma_start3A_301 = tpu.memref_slice %arg11[%dma_start3A_294, %dma_start3A_300] : memref<160x128xi32, #tpu.memory_space<vmem>> -> memref<1x128xi32, #tpu.memory_space<vmem>>
      %dma_start3A_302 = tpu.memref_squeeze %dma_start3A_301 : memref<1x128xi32, #tpu.memory_space<vmem>> -> memref<128xi32, #tpu.memory_space<vmem>>
      %dma_start3A_303 = arith.constant 0 : i32
      %dma_start3A_304 = arith.constant 0 : i32
      %dma_start3A_305 = tpu.memref_slice %arg8[%dma_start3A_303, %dma_start3A_304] : memref<10240x32xf32, #tpu.memory_space<vmem_shared>> -> memref<10240x32xf32, #tpu.memory_space<vmem_shared>>
      %dma_start3A_306 = tpu.memref_slice %arg17[%dma_start3A_295] : memref<8x!tpu.dma_semaphore, #tpu.memory_space<semaphore_mem>> -> memref<1x!tpu.dma_semaphore, #tpu.memory_space<semaphore_mem>>
      %dma_start3A_307 = tpu.memref_squeeze %dma_start3A_306 : memref<1x!tpu.dma_semaphore, #tpu.memory_space<semaphore_mem>> -> memref<!tpu.dma_semaphore, #tpu.memory_space<semaphore_mem>>
      tpu.enqueue_indirect_dma source(%dma_start3A_299 : memref<128x32xf32, #tpu.memory_space<vmem>>) target(%dma_start3A_305 : memref<10240x32xf32, #tpu.memory_space<vmem_shared>>) offsets(%dma_start3A_302 : memref<128xi32, #tpu.memory_space<vmem>>) semaphore(%dma_start3A_307 : memref<!tpu.dma_semaphore, #tpu.memory_space<semaphore_mem>>) {add = true}
      %dma_wait3A_308 = arith.constant 154 : i32
      %dma_wait3A_309 = arith.constant 2 : i32
      %dma_wait3A_310 = arith.constant 2 : i32
      %dma_wait3A_311 = arith.constant 0 : i32
      %dma_wait3A_312 = arith.constant 0 : i32
      %dma_wait3A_313 = tpu.memref_slice %arg12[%dma_wait3A_309, %dma_wait3A_311, %dma_wait3A_312] : memref<8x128x32xf32, #tpu.memory_space<vmem>> -> memref<1x128x32xf32, #tpu.memory_space<vmem>>
      %dma_wait3A_314 = tpu.memref_squeeze %dma_wait3A_313 : memref<1x128x32xf32, #tpu.memory_space<vmem>> -> memref<128x32xf32, #tpu.memory_space<vmem>>
      %dma_wait3A_315 = arith.constant 0 : i32
      %dma_wait3A_316 = tpu.memref_slice %arg10[%dma_wait3A_308, %dma_wait3A_315] : memref<160x128xi32, #tpu.memory_space<vmem>> -> memref<1x128xi32, #tpu.memory_space<vmem>>
      %dma_wait3A_317 = tpu.memref_squeeze %dma_wait3A_316 : memref<1x128xi32, #tpu.memory_space<vmem>> -> memref<128xi32, #tpu.memory_space<vmem>>
      %dma_wait3A_318 = arith.constant 0 : i32
      %dma_wait3A_319 = arith.constant 0 : i32
      %dma_wait3A_320 = tpu.memref_slice %arg9[%dma_wait3A_318, %dma_wait3A_319] : memref<10240x32xf32, #tpu.memory_space<vmem_shared>> -> memref<10240x32xf32, #tpu.memory_space<vmem_shared>>
      %dma_wait3A_321 = tpu.memref_slice %arg16[%dma_wait3A_310] : memref<8x!tpu.dma_semaphore, #tpu.memory_space<semaphore_mem>> -> memref<1x!tpu.dma_semaphore, #tpu.memory_space<semaphore_mem>>
      %dma_wait3A_322 = tpu.memref_squeeze %dma_wait3A_321 : memref<1x!tpu.dma_semaphore, #tpu.memory_space<semaphore_mem>> -> memref<!tpu.dma_semaphore, #tpu.memory_space<semaphore_mem>>
      tpu.wait_indirect_dma semaphore(%dma_wait3A_322 : memref<!tpu.dma_semaphore, #tpu.memory_space<semaphore_mem>>) src(%dma_wait3A_320 : memref<10240x32xf32, #tpu.memory_space<vmem_shared>>) dst(%dma_wait3A_314 : memref<128x32xf32, #tpu.memory_space<vmem>>)
      %dma_start3A_323 = arith.constant 2 : i32
      %dma_start3A_324 = arith.constant 154 : i32
      %dma_start3A_325 = arith.constant 2 : i32
      %dma_start3A_326 = arith.constant 0 : i32
      %dma_start3A_327 = arith.constant 0 : i32
      %dma_start3A_328 = tpu.memref_slice %arg12[%dma_start3A_323, %dma_start3A_326, %dma_start3A_327] : memref<8x128x32xf32, #tpu.memory_space<vmem>> -> memref<1x128x32xf32, #tpu.memory_space<vmem>>
      %dma_start3A_329 = tpu.memref_squeeze %dma_start3A_328 : memref<1x128x32xf32, #tpu.memory_space<vmem>> -> memref<128x32xf32, #tpu.memory_space<vmem>>
      %dma_start3A_330 = arith.constant 0 : i32
      %dma_start3A_331 = tpu.memref_slice %arg11[%dma_start3A_324, %dma_start3A_330] : memref<160x128xi32, #tpu.memory_space<vmem>> -> memref<1x128xi32, #tpu.memory_space<vmem>>
      %dma_start3A_332 = tpu.memref_squeeze %dma_start3A_331 : memref<1x128xi32, #tpu.memory_space<vmem>> -> memref<128xi32, #tpu.memory_space<vmem>>
      %dma_start3A_333 = arith.constant 0 : i32
      %dma_start3A_334 = arith.constant 0 : i32
      %dma_start3A_335 = tpu.memref_slice %arg8[%dma_start3A_333, %dma_start3A_334] : memref<10240x32xf32, #tpu.memory_space<vmem_shared>> -> memref<10240x32xf32, #tpu.memory_space<vmem_shared>>
      %dma_start3A_336 = tpu.memref_slice %arg17[%dma_start3A_325] : memref<8x!tpu.dma_semaphore, #tpu.memory_space<semaphore_mem>> -> memref<1x!tpu.dma_semaphore, #tpu.memory_space<semaphore_mem>>
      %dma_start3A_337 = tpu.memref_squeeze %dma_start3A_336 : memref<1x!tpu.dma_semaphore, #tpu.memory_space<semaphore_mem>> -> memref<!tpu.dma_semaphore, #tpu.memory_space<semaphore_mem>>
      tpu.enqueue_indirect_dma source(%dma_start3A_329 : memref<128x32xf32, #tpu.memory_space<vmem>>) target(%dma_start3A_335 : memref<10240x32xf32, #tpu.memory_space<vmem_shared>>) offsets(%dma_start3A_332 : memref<128xi32, #tpu.memory_space<vmem>>) semaphore(%dma_start3A_337 : memref<!tpu.dma_semaphore, #tpu.memory_space<semaphore_mem>>) {add = true}
      %dma_wait3A_338 = arith.constant 155 : i32
      %dma_wait3A_339 = arith.constant 3 : i32
      %dma_wait3A_340 = arith.constant 3 : i32
      %dma_wait3A_341 = arith.constant 0 : i32
      %dma_wait3A_342 = arith.constant 0 : i32
      %dma_wait3A_343 = tpu.memref_slice %arg12[%dma_wait3A_339, %dma_wait3A_341, %dma_wait3A_342] : memref<8x128x32xf32, #tpu.memory_space<vmem>> -> memref<1x128x32xf32, #tpu.memory_space<vmem>>
      %dma_wait3A_344 = tpu.memref_squeeze %dma_wait3A_343 : memref<1x128x32xf32, #tpu.memory_space<vmem>> -> memref<128x32xf32, #tpu.memory_space<vmem>>
      %dma_wait3A_345 = arith.constant 0 : i32
      %dma_wait3A_346 = tpu.memref_slice %arg10[%dma_wait3A_338, %dma_wait3A_345] : memref<160x128xi32, #tpu.memory_space<vmem>> -> memref<1x128xi32, #tpu.memory_space<vmem>>
      %dma_wait3A_347 = tpu.memref_squeeze %dma_wait3A_346 : memref<1x128xi32, #tpu.memory_space<vmem>> -> memref<128xi32, #tpu.memory_space<vmem>>
      %dma_wait3A_348 = arith.constant 0 : i32
      %dma_wait3A_349 = arith.constant 0 : i32
      %dma_wait3A_350 = tpu.memref_slice %arg9[%dma_wait3A_348, %dma_wait3A_349] : memref<10240x32xf32, #tpu.memory_space<vmem_shared>> -> memref<10240x32xf32, #tpu.memory_space<vmem_shared>>
      %dma_wait3A_351 = tpu.memref_slice %arg16[%dma_wait3A_340] : memref<8x!tpu.dma_semaphore, #tpu.memory_space<semaphore_mem>> -> memref<1x!tpu.dma_semaphore, #tpu.memory_space<semaphore_mem>>
      %dma_wait3A_352 = tpu.memref_squeeze %dma_wait3A_351 : memref<1x!tpu.dma_semaphore, #tpu.memory_space<semaphore_mem>> -> memref<!tpu.dma_semaphore, #tpu.memory_space<semaphore_mem>>
      tpu.wait_indirect_dma semaphore(%dma_wait3A_352 : memref<!tpu.dma_semaphore, #tpu.memory_space<semaphore_mem>>) src(%dma_wait3A_350 : memref<10240x32xf32, #tpu.memory_space<vmem_shared>>) dst(%dma_wait3A_344 : memref<128x32xf32, #tpu.memory_space<vmem>>)
      %dma_start3A_353 = arith.constant 3 : i32
      %dma_start3A_354 = arith.constant 155 : i32
      %dma_start3A_355 = arith.constant 3 : i32
      %dma_start3A_356 = arith.constant 0 : i32
      %dma_start3A_357 = arith.constant 0 : i32
      %dma_start3A_358 = tpu.memref_slice %arg12[%dma_start3A_353, %dma_start3A_356, %dma_start3A_357] : memref<8x128x32xf32, #tpu.memory_space<vmem>> -> memref<1x128x32xf32, #tpu.memory_space<vmem>>
      %dma_start3A_359 = tpu.memref_squeeze %dma_start3A_358 : memref<1x128x32xf32, #tpu.memory_space<vmem>> -> memref<128x32xf32, #tpu.memory_space<vmem>>
      %dma_start3A_360 = arith.constant 0 : i32
      %dma_start3A_361 = tpu.memref_slice %arg11[%dma_start3A_354, %dma_start3A_360] : memref<160x128xi32, #tpu.memory_space<vmem>> -> memref<1x128xi32, #tpu.memory_space<vmem>>
      %dma_start3A_362 = tpu.memref_squeeze %dma_start3A_361 : memref<1x128xi32, #tpu.memory_space<vmem>> -> memref<128xi32, #tpu.memory_space<vmem>>
      %dma_start3A_363 = arith.constant 0 : i32
      %dma_start3A_364 = arith.constant 0 : i32
      %dma_start3A_365 = tpu.memref_slice %arg8[%dma_start3A_363, %dma_start3A_364] : memref<10240x32xf32, #tpu.memory_space<vmem_shared>> -> memref<10240x32xf32, #tpu.memory_space<vmem_shared>>
      %dma_start3A_366 = tpu.memref_slice %arg17[%dma_start3A_355] : memref<8x!tpu.dma_semaphore, #tpu.memory_space<semaphore_mem>> -> memref<1x!tpu.dma_semaphore, #tpu.memory_space<semaphore_mem>>
      %dma_start3A_367 = tpu.memref_squeeze %dma_start3A_366 : memref<1x!tpu.dma_semaphore, #tpu.memory_space<semaphore_mem>> -> memref<!tpu.dma_semaphore, #tpu.memory_space<semaphore_mem>>
      tpu.enqueue_indirect_dma source(%dma_start3A_359 : memref<128x32xf32, #tpu.memory_space<vmem>>) target(%dma_start3A_365 : memref<10240x32xf32, #tpu.memory_space<vmem_shared>>) offsets(%dma_start3A_362 : memref<128xi32, #tpu.memory_space<vmem>>) semaphore(%dma_start3A_367 : memref<!tpu.dma_semaphore, #tpu.memory_space<semaphore_mem>>) {add = true}
      %dma_wait3A_368 = arith.constant 0 : i32
      %dma_wait3A_369 = arith.constant 152 : i32
      %dma_wait3A_370 = arith.constant 0 : i32
      %dma_wait3A_371 = arith.constant 0 : i32
      %dma_wait3A_372 = arith.constant 0 : i32
      %dma_wait3A_373 = tpu.memref_slice %arg12[%dma_wait3A_368, %dma_wait3A_371, %dma_wait3A_372] : memref<8x128x32xf32, #tpu.memory_space<vmem>> -> memref<1x128x32xf32, #tpu.memory_space<vmem>>
      %dma_wait3A_374 = tpu.memref_squeeze %dma_wait3A_373 : memref<1x128x32xf32, #tpu.memory_space<vmem>> -> memref<128x32xf32, #tpu.memory_space<vmem>>
      %dma_wait3A_375 = arith.constant 0 : i32
      %dma_wait3A_376 = tpu.memref_slice %arg11[%dma_wait3A_369, %dma_wait3A_375] : memref<160x128xi32, #tpu.memory_space<vmem>> -> memref<1x128xi32, #tpu.memory_space<vmem>>
      %dma_wait3A_377 = tpu.memref_squeeze %dma_wait3A_376 : memref<1x128xi32, #tpu.memory_space<vmem>> -> memref<128xi32, #tpu.memory_space<vmem>>
      %dma_wait3A_378 = arith.constant 0 : i32
      %dma_wait3A_379 = arith.constant 0 : i32
      %dma_wait3A_380 = tpu.memref_slice %arg8[%dma_wait3A_378, %dma_wait3A_379] : memref<10240x32xf32, #tpu.memory_space<vmem_shared>> -> memref<10240x32xf32, #tpu.memory_space<vmem_shared>>
      %dma_wait3A_381 = tpu.memref_slice %arg17[%dma_wait3A_370] : memref<8x!tpu.dma_semaphore, #tpu.memory_space<semaphore_mem>> -> memref<1x!tpu.dma_semaphore, #tpu.memory_space<semaphore_mem>>
      %dma_wait3A_382 = tpu.memref_squeeze %dma_wait3A_381 : memref<1x!tpu.dma_semaphore, #tpu.memory_space<semaphore_mem>> -> memref<!tpu.dma_semaphore, #tpu.memory_space<semaphore_mem>>
      tpu.wait_indirect_dma semaphore(%dma_wait3A_382 : memref<!tpu.dma_semaphore, #tpu.memory_space<semaphore_mem>>) src(%dma_wait3A_374 : memref<128x32xf32, #tpu.memory_space<vmem>>) dst(%dma_wait3A_380 : memref<10240x32xf32, #tpu.memory_space<vmem_shared>>)
      %dma_wait3A_383 = arith.constant 1 : i32
      %dma_wait3A_384 = arith.constant 153 : i32
      %dma_wait3A_385 = arith.constant 1 : i32
      %dma_wait3A_386 = arith.constant 0 : i32
      %dma_wait3A_387 = arith.constant 0 : i32
      %dma_wait3A_388 = tpu.memref_slice %arg12[%dma_wait3A_383, %dma_wait3A_386, %dma_wait3A_387] : memref<8x128x32xf32, #tpu.memory_space<vmem>> -> memref<1x128x32xf32, #tpu.memory_space<vmem>>
      %dma_wait3A_389 = tpu.memref_squeeze %dma_wait3A_388 : memref<1x128x32xf32, #tpu.memory_space<vmem>> -> memref<128x32xf32, #tpu.memory_space<vmem>>
      %dma_wait3A_390 = arith.constant 0 : i32
      %dma_wait3A_391 = tpu.memref_slice %arg11[%dma_wait3A_384, %dma_wait3A_390] : memref<160x128xi32, #tpu.memory_space<vmem>> -> memref<1x128xi32, #tpu.memory_space<vmem>>
      %dma_wait3A_392 = tpu.memref_squeeze %dma_wait3A_391 : memref<1x128xi32, #tpu.memory_space<vmem>> -> memref<128xi32, #tpu.memory_space<vmem>>
      %dma_wait3A_393 = arith.constant 0 : i32
      %dma_wait3A_394 = arith.constant 0 : i32
      %dma_wait3A_395 = tpu.memref_slice %arg8[%dma_wait3A_393, %dma_wait3A_394] : memref<10240x32xf32, #tpu.memory_space<vmem_shared>> -> memref<10240x32xf32, #tpu.memory_space<vmem_shared>>
      %dma_wait3A_396 = tpu.memref_slice %arg17[%dma_wait3A_385] : memref<8x!tpu.dma_semaphore, #tpu.memory_space<semaphore_mem>> -> memref<1x!tpu.dma_semaphore, #tpu.memory_space<semaphore_mem>>
      %dma_wait3A_397 = tpu.memref_squeeze %dma_wait3A_396 : memref<1x!tpu.dma_semaphore, #tpu.memory_space<semaphore_mem>> -> memref<!tpu.dma_semaphore, #tpu.memory_space<semaphore_mem>>
      tpu.wait_indirect_dma semaphore(%dma_wait3A_397 : memref<!tpu.dma_semaphore, #tpu.memory_space<semaphore_mem>>) src(%dma_wait3A_389 : memref<128x32xf32, #tpu.memory_space<vmem>>) dst(%dma_wait3A_395 : memref<10240x32xf32, #tpu.memory_space<vmem_shared>>)
      %dma_wait3A_398 = arith.constant 2 : i32
      %dma_wait3A_399 = arith.constant 154 : i32
      %dma_wait3A_400 = arith.constant 2 : i32
      %dma_wait3A_401 = arith.constant 0 : i32
      %dma_wait3A_402 = arith.constant 0 : i32
      %dma_wait3A_403 = tpu.memref_slice %arg12[%dma_wait3A_398, %dma_wait3A_401, %dma_wait3A_402] : memref<8x128x32xf32, #tpu.memory_space<vmem>> -> memref<1x128x32xf32, #tpu.memory_space<vmem>>
      %dma_wait3A_404 = tpu.memref_squeeze %dma_wait3A_403 : memref<1x128x32xf32, #tpu.memory_space<vmem>> -> memref<128x32xf32, #tpu.memory_space<vmem>>
      %dma_wait3A_405 = arith.constant 0 : i32
      %dma_wait3A_406 = tpu.memref_slice %arg11[%dma_wait3A_399, %dma_wait3A_405] : memref<160x128xi32, #tpu.memory_space<vmem>> -> memref<1x128xi32, #tpu.memory_space<vmem>>
      %dma_wait3A_407 = tpu.memref_squeeze %dma_wait3A_406 : memref<1x128xi32, #tpu.memory_space<vmem>> -> memref<128xi32, #tpu.memory_space<vmem>>
      %dma_wait3A_408 = arith.constant 0 : i32
      %dma_wait3A_409 = arith.constant 0 : i32
      %dma_wait3A_410 = tpu.memref_slice %arg8[%dma_wait3A_408, %dma_wait3A_409] : memref<10240x32xf32, #tpu.memory_space<vmem_shared>> -> memref<10240x32xf32, #tpu.memory_space<vmem_shared>>
      %dma_wait3A_411 = tpu.memref_slice %arg17[%dma_wait3A_400] : memref<8x!tpu.dma_semaphore, #tpu.memory_space<semaphore_mem>> -> memref<1x!tpu.dma_semaphore, #tpu.memory_space<semaphore_mem>>
      %dma_wait3A_412 = tpu.memref_squeeze %dma_wait3A_411 : memref<1x!tpu.dma_semaphore, #tpu.memory_space<semaphore_mem>> -> memref<!tpu.dma_semaphore, #tpu.memory_space<semaphore_mem>>
      tpu.wait_indirect_dma semaphore(%dma_wait3A_412 : memref<!tpu.dma_semaphore, #tpu.memory_space<semaphore_mem>>) src(%dma_wait3A_404 : memref<128x32xf32, #tpu.memory_space<vmem>>) dst(%dma_wait3A_410 : memref<10240x32xf32, #tpu.memory_space<vmem_shared>>)
      %dma_wait3A_413 = arith.constant 3 : i32
      %dma_wait3A_414 = arith.constant 155 : i32
      %dma_wait3A_415 = arith.constant 3 : i32
      %dma_wait3A_416 = arith.constant 0 : i32
      %dma_wait3A_417 = arith.constant 0 : i32
      %dma_wait3A_418 = tpu.memref_slice %arg12[%dma_wait3A_413, %dma_wait3A_416, %dma_wait3A_417] : memref<8x128x32xf32, #tpu.memory_space<vmem>> -> memref<1x128x32xf32, #tpu.memory_space<vmem>>
      %dma_wait3A_419 = tpu.memref_squeeze %dma_wait3A_418 : memref<1x128x32xf32, #tpu.memory_space<vmem>> -> memref<128x32xf32, #tpu.memory_space<vmem>>
      %dma_wait3A_420 = arith.constant 0 : i32
      %dma_wait3A_421 = tpu.memref_slice %arg11[%dma_wait3A_414, %dma_wait3A_420] : memref<160x128xi32, #tpu.memory_space<vmem>> -> memref<1x128xi32, #tpu.memory_space<vmem>>
      %dma_wait3A_422 = tpu.memref_squeeze %dma_wait3A_421 : memref<1x128xi32, #tpu.memory_space<vmem>> -> memref<128xi32, #tpu.memory_space<vmem>>
      %dma_wait3A_423 = arith.constant 0 : i32
      %dma_wait3A_424 = arith.constant 0 : i32
      %dma_wait3A_425 = tpu.memref_slice %arg8[%dma_wait3A_423, %dma_wait3A_424] : memref<10240x32xf32, #tpu.memory_space<vmem_shared>> -> memref<10240x32xf32, #tpu.memory_space<vmem_shared>>
      %dma_wait3A_426 = tpu.memref_slice %arg17[%dma_wait3A_415] : memref<8x!tpu.dma_semaphore, #tpu.memory_space<semaphore_mem>> -> memref<1x!tpu.dma_semaphore, #tpu.memory_space<semaphore_mem>>
      %dma_wait3A_427 = tpu.memref_squeeze %dma_wait3A_426 : memref<1x!tpu.dma_semaphore, #tpu.memory_space<semaphore_mem>> -> memref<!tpu.dma_semaphore, #tpu.memory_space<semaphore_mem>>
      tpu.wait_indirect_dma semaphore(%dma_wait3A_427 : memref<!tpu.dma_semaphore, #tpu.memory_space<semaphore_mem>>) src(%dma_wait3A_419 : memref<128x32xf32, #tpu.memory_space<vmem>>) dst(%dma_wait3A_425 : memref<10240x32xf32, #tpu.memory_space<vmem_shared>>)
      %dma_wait3A_428 = arith.constant 156 : i32
      %dma_wait3A_429 = arith.constant 4 : i32
      %dma_wait3A_430 = arith.constant 4 : i32
      %dma_wait3A_431 = arith.constant 0 : i32
      %dma_wait3A_432 = arith.constant 0 : i32
      %dma_wait3A_433 = tpu.memref_slice %arg12[%dma_wait3A_429, %dma_wait3A_431, %dma_wait3A_432] : memref<8x128x32xf32, #tpu.memory_space<vmem>> -> memref<1x128x32xf32, #tpu.memory_space<vmem>>
      %dma_wait3A_434 = tpu.memref_squeeze %dma_wait3A_433 : memref<1x128x32xf32, #tpu.memory_space<vmem>> -> memref<128x32xf32, #tpu.memory_space<vmem>>
      %dma_wait3A_435 = arith.constant 0 : i32
      %dma_wait3A_436 = tpu.memref_slice %arg10[%dma_wait3A_428, %dma_wait3A_435] : memref<160x128xi32, #tpu.memory_space<vmem>> -> memref<1x128xi32, #tpu.memory_space<vmem>>
      %dma_wait3A_437 = tpu.memref_squeeze %dma_wait3A_436 : memref<1x128xi32, #tpu.memory_space<vmem>> -> memref<128xi32, #tpu.memory_space<vmem>>
      %dma_wait3A_438 = arith.constant 0 : i32
      %dma_wait3A_439 = arith.constant 0 : i32
      %dma_wait3A_440 = tpu.memref_slice %arg9[%dma_wait3A_438, %dma_wait3A_439] : memref<10240x32xf32, #tpu.memory_space<vmem_shared>> -> memref<10240x32xf32, #tpu.memory_space<vmem_shared>>
      %dma_wait3A_441 = tpu.memref_slice %arg16[%dma_wait3A_430] : memref<8x!tpu.dma_semaphore, #tpu.memory_space<semaphore_mem>> -> memref<1x!tpu.dma_semaphore, #tpu.memory_space<semaphore_mem>>
      %dma_wait3A_442 = tpu.memref_squeeze %dma_wait3A_441 : memref<1x!tpu.dma_semaphore, #tpu.memory_space<semaphore_mem>> -> memref<!tpu.dma_semaphore, #tpu.memory_space<semaphore_mem>>
      tpu.wait_indirect_dma semaphore(%dma_wait3A_442 : memref<!tpu.dma_semaphore, #tpu.memory_space<semaphore_mem>>) src(%dma_wait3A_440 : memref<10240x32xf32, #tpu.memory_space<vmem_shared>>) dst(%dma_wait3A_434 : memref<128x32xf32, #tpu.memory_space<vmem>>)
      %dma_start3A_443 = arith.constant 4 : i32
      %dma_start3A_444 = arith.constant 156 : i32
      %dma_start3A_445 = arith.constant 4 : i32
      %dma_start3A_446 = arith.constant 0 : i32
      %dma_start3A_447 = arith.constant 0 : i32
      %dma_start3A_448 = tpu.memref_slice %arg12[%dma_start3A_443, %dma_start3A_446, %dma_start3A_447] : memref<8x128x32xf32, #tpu.memory_space<vmem>> -> memref<1x128x32xf32, #tpu.memory_space<vmem>>
      %dma_start3A_449 = tpu.memref_squeeze %dma_start3A_448 : memref<1x128x32xf32, #tpu.memory_space<vmem>> -> memref<128x32xf32, #tpu.memory_space<vmem>>
      %dma_start3A_450 = arith.constant 0 : i32
      %dma_start3A_451 = tpu.memref_slice %arg11[%dma_start3A_444, %dma_start3A_450] : memref<160x128xi32, #tpu.memory_space<vmem>> -> memref<1x128xi32, #tpu.memory_space<vmem>>
      %dma_start3A_452 = tpu.memref_squeeze %dma_start3A_451 : memref<1x128xi32, #tpu.memory_space<vmem>> -> memref<128xi32, #tpu.memory_space<vmem>>
      %dma_start3A_453 = arith.constant 0 : i32
      %dma_start3A_454 = arith.constant 0 : i32
      %dma_start3A_455 = tpu.memref_slice %arg8[%dma_start3A_453, %dma_start3A_454] : memref<10240x32xf32, #tpu.memory_space<vmem_shared>> -> memref<10240x32xf32, #tpu.memory_space<vmem_shared>>
      %dma_start3A_456 = tpu.memref_slice %arg17[%dma_start3A_445] : memref<8x!tpu.dma_semaphore, #tpu.memory_space<semaphore_mem>> -> memref<1x!tpu.dma_semaphore, #tpu.memory_space<semaphore_mem>>
      %dma_start3A_457 = tpu.memref_squeeze %dma_start3A_456 : memref<1x!tpu.dma_semaphore, #tpu.memory_space<semaphore_mem>> -> memref<!tpu.dma_semaphore, #tpu.memory_space<semaphore_mem>>
      tpu.enqueue_indirect_dma source(%dma_start3A_449 : memref<128x32xf32, #tpu.memory_space<vmem>>) target(%dma_start3A_455 : memref<10240x32xf32, #tpu.memory_space<vmem_shared>>) offsets(%dma_start3A_452 : memref<128xi32, #tpu.memory_space<vmem>>) semaphore(%dma_start3A_457 : memref<!tpu.dma_semaphore, #tpu.memory_space<semaphore_mem>>) {add = true}
      %dma_wait3A_458 = arith.constant 157 : i32
      %dma_wait3A_459 = arith.constant 5 : i32
      %dma_wait3A_460 = arith.constant 5 : i32
      %dma_wait3A_461 = arith.constant 0 : i32
      %dma_wait3A_462 = arith.constant 0 : i32
      %dma_wait3A_463 = tpu.memref_slice %arg12[%dma_wait3A_459, %dma_wait3A_461, %dma_wait3A_462] : memref<8x128x32xf32, #tpu.memory_space<vmem>> -> memref<1x128x32xf32, #tpu.memory_space<vmem>>
      %dma_wait3A_464 = tpu.memref_squeeze %dma_wait3A_463 : memref<1x128x32xf32, #tpu.memory_space<vmem>> -> memref<128x32xf32, #tpu.memory_space<vmem>>
      %dma_wait3A_465 = arith.constant 0 : i32
      %dma_wait3A_466 = tpu.memref_slice %arg10[%dma_wait3A_458, %dma_wait3A_465] : memref<160x128xi32, #tpu.memory_space<vmem>> -> memref<1x128xi32, #tpu.memory_space<vmem>>
      %dma_wait3A_467 = tpu.memref_squeeze %dma_wait3A_466 : memref<1x128xi32, #tpu.memory_space<vmem>> -> memref<128xi32, #tpu.memory_space<vmem>>
      %dma_wait3A_468 = arith.constant 0 : i32
      %dma_wait3A_469 = arith.constant 0 : i32
      %dma_wait3A_470 = tpu.memref_slice %arg9[%dma_wait3A_468, %dma_wait3A_469] : memref<10240x32xf32, #tpu.memory_space<vmem_shared>> -> memref<10240x32xf32, #tpu.memory_space<vmem_shared>>
      %dma_wait3A_471 = tpu.memref_slice %arg16[%dma_wait3A_460] : memref<8x!tpu.dma_semaphore, #tpu.memory_space<semaphore_mem>> -> memref<1x!tpu.dma_semaphore, #tpu.memory_space<semaphore_mem>>
      %dma_wait3A_472 = tpu.memref_squeeze %dma_wait3A_471 : memref<1x!tpu.dma_semaphore, #tpu.memory_space<semaphore_mem>> -> memref<!tpu.dma_semaphore, #tpu.memory_space<semaphore_mem>>
      tpu.wait_indirect_dma semaphore(%dma_wait3A_472 : memref<!tpu.dma_semaphore, #tpu.memory_space<semaphore_mem>>) src(%dma_wait3A_470 : memref<10240x32xf32, #tpu.memory_space<vmem_shared>>) dst(%dma_wait3A_464 : memref<128x32xf32, #tpu.memory_space<vmem>>)
      %dma_start3A_473 = arith.constant 5 : i32
      %dma_start3A_474 = arith.constant 157 : i32
      %dma_start3A_475 = arith.constant 5 : i32
      %dma_start3A_476 = arith.constant 0 : i32
      %dma_start3A_477 = arith.constant 0 : i32
      %dma_start3A_478 = tpu.memref_slice %arg12[%dma_start3A_473, %dma_start3A_476, %dma_start3A_477] : memref<8x128x32xf32, #tpu.memory_space<vmem>> -> memref<1x128x32xf32, #tpu.memory_space<vmem>>
      %dma_start3A_479 = tpu.memref_squeeze %dma_start3A_478 : memref<1x128x32xf32, #tpu.memory_space<vmem>> -> memref<128x32xf32, #tpu.memory_space<vmem>>
      %dma_start3A_480 = arith.constant 0 : i32
      %dma_start3A_481 = tpu.memref_slice %arg11[%dma_start3A_474, %dma_start3A_480] : memref<160x128xi32, #tpu.memory_space<vmem>> -> memref<1x128xi32, #tpu.memory_space<vmem>>
      %dma_start3A_482 = tpu.memref_squeeze %dma_start3A_481 : memref<1x128xi32, #tpu.memory_space<vmem>> -> memref<128xi32, #tpu.memory_space<vmem>>
      %dma_start3A_483 = arith.constant 0 : i32
      %dma_start3A_484 = arith.constant 0 : i32
      %dma_start3A_485 = tpu.memref_slice %arg8[%dma_start3A_483, %dma_start3A_484] : memref<10240x32xf32, #tpu.memory_space<vmem_shared>> -> memref<10240x32xf32, #tpu.memory_space<vmem_shared>>
      %dma_start3A_486 = tpu.memref_slice %arg17[%dma_start3A_475] : memref<8x!tpu.dma_semaphore, #tpu.memory_space<semaphore_mem>> -> memref<1x!tpu.dma_semaphore, #tpu.memory_space<semaphore_mem>>
      %dma_start3A_487 = tpu.memref_squeeze %dma_start3A_486 : memref<1x!tpu.dma_semaphore, #tpu.memory_space<semaphore_mem>> -> memref<!tpu.dma_semaphore, #tpu.memory_space<semaphore_mem>>
      tpu.enqueue_indirect_dma source(%dma_start3A_479 : memref<128x32xf32, #tpu.memory_space<vmem>>) target(%dma_start3A_485 : memref<10240x32xf32, #tpu.memory_space<vmem_shared>>) offsets(%dma_start3A_482 : memref<128xi32, #tpu.memory_space<vmem>>) semaphore(%dma_start3A_487 : memref<!tpu.dma_semaphore, #tpu.memory_space<semaphore_mem>>) {add = true}
      %dma_wait3A_488 = arith.constant 158 : i32
      %dma_wait3A_489 = arith.constant 6 : i32
      %dma_wait3A_490 = arith.constant 6 : i32
      %dma_wait3A_491 = arith.constant 0 : i32
      %dma_wait3A_492 = arith.constant 0 : i32
      %dma_wait3A_493 = tpu.memref_slice %arg12[%dma_wait3A_489, %dma_wait3A_491, %dma_wait3A_492] : memref<8x128x32xf32, #tpu.memory_space<vmem>> -> memref<1x128x32xf32, #tpu.memory_space<vmem>>
      %dma_wait3A_494 = tpu.memref_squeeze %dma_wait3A_493 : memref<1x128x32xf32, #tpu.memory_space<vmem>> -> memref<128x32xf32, #tpu.memory_space<vmem>>
      %dma_wait3A_495 = arith.constant 0 : i32
      %dma_wait3A_496 = tpu.memref_slice %arg10[%dma_wait3A_488, %dma_wait3A_495] : memref<160x128xi32, #tpu.memory_space<vmem>> -> memref<1x128xi32, #tpu.memory_space<vmem>>
      %dma_wait3A_497 = tpu.memref_squeeze %dma_wait3A_496 : memref<1x128xi32, #tpu.memory_space<vmem>> -> memref<128xi32, #tpu.memory_space<vmem>>
      %dma_wait3A_498 = arith.constant 0 : i32
      %dma_wait3A_499 = arith.constant 0 : i32
      %dma_wait3A_500 = tpu.memref_slice %arg9[%dma_wait3A_498, %dma_wait3A_499] : memref<10240x32xf32, #tpu.memory_space<vmem_shared>> -> memref<10240x32xf32, #tpu.memory_space<vmem_shared>>
      %dma_wait3A_501 = tpu.memref_slice %arg16[%dma_wait3A_490] : memref<8x!tpu.dma_semaphore, #tpu.memory_space<semaphore_mem>> -> memref<1x!tpu.dma_semaphore, #tpu.memory_space<semaphore_mem>>
      %dma_wait3A_502 = tpu.memref_squeeze %dma_wait3A_501 : memref<1x!tpu.dma_semaphore, #tpu.memory_space<semaphore_mem>> -> memref<!tpu.dma_semaphore, #tpu.memory_space<semaphore_mem>>
      tpu.wait_indirect_dma semaphore(%dma_wait3A_502 : memref<!tpu.dma_semaphore, #tpu.memory_space<semaphore_mem>>) src(%dma_wait3A_500 : memref<10240x32xf32, #tpu.memory_space<vmem_shared>>) dst(%dma_wait3A_494 : memref<128x32xf32, #tpu.memory_space<vmem>>)
      %dma_start3A_503 = arith.constant 6 : i32
      %dma_start3A_504 = arith.constant 158 : i32
      %dma_start3A_505 = arith.constant 6 : i32
      %dma_start3A_506 = arith.constant 0 : i32
      %dma_start3A_507 = arith.constant 0 : i32
      %dma_start3A_508 = tpu.memref_slice %arg12[%dma_start3A_503, %dma_start3A_506, %dma_start3A_507] : memref<8x128x32xf32, #tpu.memory_space<vmem>> -> memref<1x128x32xf32, #tpu.memory_space<vmem>>
      %dma_start3A_509 = tpu.memref_squeeze %dma_start3A_508 : memref<1x128x32xf32, #tpu.memory_space<vmem>> -> memref<128x32xf32, #tpu.memory_space<vmem>>
      %dma_start3A_510 = arith.constant 0 : i32
      %dma_start3A_511 = tpu.memref_slice %arg11[%dma_start3A_504, %dma_start3A_510] : memref<160x128xi32, #tpu.memory_space<vmem>> -> memref<1x128xi32, #tpu.memory_space<vmem>>
      %dma_start3A_512 = tpu.memref_squeeze %dma_start3A_511 : memref<1x128xi32, #tpu.memory_space<vmem>> -> memref<128xi32, #tpu.memory_space<vmem>>
      %dma_start3A_513 = arith.constant 0 : i32
      %dma_start3A_514 = arith.constant 0 : i32
      %dma_start3A_515 = tpu.memref_slice %arg8[%dma_start3A_513, %dma_start3A_514] : memref<10240x32xf32, #tpu.memory_space<vmem_shared>> -> memref<10240x32xf32, #tpu.memory_space<vmem_shared>>
      %dma_start3A_516 = tpu.memref_slice %arg17[%dma_start3A_505] : memref<8x!tpu.dma_semaphore, #tpu.memory_space<semaphore_mem>> -> memref<1x!tpu.dma_semaphore, #tpu.memory_space<semaphore_mem>>
      %dma_start3A_517 = tpu.memref_squeeze %dma_start3A_516 : memref<1x!tpu.dma_semaphore, #tpu.memory_space<semaphore_mem>> -> memref<!tpu.dma_semaphore, #tpu.memory_space<semaphore_mem>>
      tpu.enqueue_indirect_dma source(%dma_start3A_509 : memref<128x32xf32, #tpu.memory_space<vmem>>) target(%dma_start3A_515 : memref<10240x32xf32, #tpu.memory_space<vmem_shared>>) offsets(%dma_start3A_512 : memref<128xi32, #tpu.memory_space<vmem>>) semaphore(%dma_start3A_517 : memref<!tpu.dma_semaphore, #tpu.memory_space<semaphore_mem>>) {add = true}
      %dma_wait3A_518 = arith.constant 159 : i32
      %dma_wait3A_519 = arith.constant 7 : i32
      %dma_wait3A_520 = arith.constant 7 : i32
      %dma_wait3A_521 = arith.constant 0 : i32
      %dma_wait3A_522 = arith.constant 0 : i32
      %dma_wait3A_523 = tpu.memref_slice %arg12[%dma_wait3A_519, %dma_wait3A_521, %dma_wait3A_522] : memref<8x128x32xf32, #tpu.memory_space<vmem>> -> memref<1x128x32xf32, #tpu.memory_space<vmem>>
      %dma_wait3A_524 = tpu.memref_squeeze %dma_wait3A_523 : memref<1x128x32xf32, #tpu.memory_space<vmem>> -> memref<128x32xf32, #tpu.memory_space<vmem>>
      %dma_wait3A_525 = arith.constant 0 : i32
      %dma_wait3A_526 = tpu.memref_slice %arg10[%dma_wait3A_518, %dma_wait3A_525] : memref<160x128xi32, #tpu.memory_space<vmem>> -> memref<1x128xi32, #tpu.memory_space<vmem>>
      %dma_wait3A_527 = tpu.memref_squeeze %dma_wait3A_526 : memref<1x128xi32, #tpu.memory_space<vmem>> -> memref<128xi32, #tpu.memory_space<vmem>>
      %dma_wait3A_528 = arith.constant 0 : i32
      %dma_wait3A_529 = arith.constant 0 : i32
      %dma_wait3A_530 = tpu.memref_slice %arg9[%dma_wait3A_528, %dma_wait3A_529] : memref<10240x32xf32, #tpu.memory_space<vmem_shared>> -> memref<10240x32xf32, #tpu.memory_space<vmem_shared>>
      %dma_wait3A_531 = tpu.memref_slice %arg16[%dma_wait3A_520] : memref<8x!tpu.dma_semaphore, #tpu.memory_space<semaphore_mem>> -> memref<1x!tpu.dma_semaphore, #tpu.memory_space<semaphore_mem>>
      %dma_wait3A_532 = tpu.memref_squeeze %dma_wait3A_531 : memref<1x!tpu.dma_semaphore, #tpu.memory_space<semaphore_mem>> -> memref<!tpu.dma_semaphore, #tpu.memory_space<semaphore_mem>>
      tpu.wait_indirect_dma semaphore(%dma_wait3A_532 : memref<!tpu.dma_semaphore, #tpu.memory_space<semaphore_mem>>) src(%dma_wait3A_530 : memref<10240x32xf32, #tpu.memory_space<vmem_shared>>) dst(%dma_wait3A_524 : memref<128x32xf32, #tpu.memory_space<vmem>>)
      %dma_start3A_533 = arith.constant 7 : i32
      %dma_start3A_534 = arith.constant 159 : i32
      %dma_start3A_535 = arith.constant 7 : i32
      %dma_start3A_536 = arith.constant 0 : i32
      %dma_start3A_537 = arith.constant 0 : i32
      %dma_start3A_538 = tpu.memref_slice %arg12[%dma_start3A_533, %dma_start3A_536, %dma_start3A_537] : memref<8x128x32xf32, #tpu.memory_space<vmem>> -> memref<1x128x32xf32, #tpu.memory_space<vmem>>
      %dma_start3A_539 = tpu.memref_squeeze %dma_start3A_538 : memref<1x128x32xf32, #tpu.memory_space<vmem>> -> memref<128x32xf32, #tpu.memory_space<vmem>>
      %dma_start3A_540 = arith.constant 0 : i32
      %dma_start3A_541 = tpu.memref_slice %arg11[%dma_start3A_534, %dma_start3A_540] : memref<160x128xi32, #tpu.memory_space<vmem>> -> memref<1x128xi32, #tpu.memory_space<vmem>>
      %dma_start3A_542 = tpu.memref_squeeze %dma_start3A_541 : memref<1x128xi32, #tpu.memory_space<vmem>> -> memref<128xi32, #tpu.memory_space<vmem>>
      %dma_start3A_543 = arith.constant 0 : i32
      %dma_start3A_544 = arith.constant 0 : i32
      %dma_start3A_545 = tpu.memref_slice %arg8[%dma_start3A_543, %dma_start3A_544] : memref<10240x32xf32, #tpu.memory_space<vmem_shared>> -> memref<10240x32xf32, #tpu.memory_space<vmem_shared>>
      %dma_start3A_546 = tpu.memref_slice %arg17[%dma_start3A_535] : memref<8x!tpu.dma_semaphore, #tpu.memory_space<semaphore_mem>> -> memref<1x!tpu.dma_semaphore, #tpu.memory_space<semaphore_mem>>
      %dma_start3A_547 = tpu.memref_squeeze %dma_start3A_546 : memref<1x!tpu.dma_semaphore, #tpu.memory_space<semaphore_mem>> -> memref<!tpu.dma_semaphore, #tpu.memory_space<semaphore_mem>>
      tpu.enqueue_indirect_dma source(%dma_start3A_539 : memref<128x32xf32, #tpu.memory_space<vmem>>) target(%dma_start3A_545 : memref<10240x32xf32, #tpu.memory_space<vmem_shared>>) offsets(%dma_start3A_542 : memref<128xi32, #tpu.memory_space<vmem>>) semaphore(%dma_start3A_547 : memref<!tpu.dma_semaphore, #tpu.memory_space<semaphore_mem>>) {add = true}
      %dma_wait3A_548 = arith.constant 4 : i32
      %dma_wait3A_549 = arith.constant 156 : i32
      %dma_wait3A_550 = arith.constant 4 : i32
      %dma_wait3A_551 = arith.constant 0 : i32
      %dma_wait3A_552 = arith.constant 0 : i32
      %dma_wait3A_553 = tpu.memref_slice %arg12[%dma_wait3A_548, %dma_wait3A_551, %dma_wait3A_552] : memref<8x128x32xf32, #tpu.memory_space<vmem>> -> memref<1x128x32xf32, #tpu.memory_space<vmem>>
      %dma_wait3A_554 = tpu.memref_squeeze %dma_wait3A_553 : memref<1x128x32xf32, #tpu.memory_space<vmem>> -> memref<128x32xf32, #tpu.memory_space<vmem>>
      %dma_wait3A_555 = arith.constant 0 : i32
      %dma_wait3A_556 = tpu.memref_slice %arg11[%dma_wait3A_549, %dma_wait3A_555] : memref<160x128xi32, #tpu.memory_space<vmem>> -> memref<1x128xi32, #tpu.memory_space<vmem>>
      %dma_wait3A_557 = tpu.memref_squeeze %dma_wait3A_556 : memref<1x128xi32, #tpu.memory_space<vmem>> -> memref<128xi32, #tpu.memory_space<vmem>>
      %dma_wait3A_558 = arith.constant 0 : i32
      %dma_wait3A_559 = arith.constant 0 : i32
      %dma_wait3A_560 = tpu.memref_slice %arg8[%dma_wait3A_558, %dma_wait3A_559] : memref<10240x32xf32, #tpu.memory_space<vmem_shared>> -> memref<10240x32xf32, #tpu.memory_space<vmem_shared>>
      %dma_wait3A_561 = tpu.memref_slice %arg17[%dma_wait3A_550] : memref<8x!tpu.dma_semaphore, #tpu.memory_space<semaphore_mem>> -> memref<1x!tpu.dma_semaphore, #tpu.memory_space<semaphore_mem>>
      %dma_wait3A_562 = tpu.memref_squeeze %dma_wait3A_561 : memref<1x!tpu.dma_semaphore, #tpu.memory_space<semaphore_mem>> -> memref<!tpu.dma_semaphore, #tpu.memory_space<semaphore_mem>>
      tpu.wait_indirect_dma semaphore(%dma_wait3A_562 : memref<!tpu.dma_semaphore, #tpu.memory_space<semaphore_mem>>) src(%dma_wait3A_554 : memref<128x32xf32, #tpu.memory_space<vmem>>) dst(%dma_wait3A_560 : memref<10240x32xf32, #tpu.memory_space<vmem_shared>>)
      %dma_wait3A_563 = arith.constant 5 : i32
      %dma_wait3A_564 = arith.constant 157 : i32
      %dma_wait3A_565 = arith.constant 5 : i32
      %dma_wait3A_566 = arith.constant 0 : i32
      %dma_wait3A_567 = arith.constant 0 : i32
      %dma_wait3A_568 = tpu.memref_slice %arg12[%dma_wait3A_563, %dma_wait3A_566, %dma_wait3A_567] : memref<8x128x32xf32, #tpu.memory_space<vmem>> -> memref<1x128x32xf32, #tpu.memory_space<vmem>>
      %dma_wait3A_569 = tpu.memref_squeeze %dma_wait3A_568 : memref<1x128x32xf32, #tpu.memory_space<vmem>> -> memref<128x32xf32, #tpu.memory_space<vmem>>
      %dma_wait3A_570 = arith.constant 0 : i32
      %dma_wait3A_571 = tpu.memref_slice %arg11[%dma_wait3A_564, %dma_wait3A_570] : memref<160x128xi32, #tpu.memory_space<vmem>> -> memref<1x128xi32, #tpu.memory_space<vmem>>
      %dma_wait3A_572 = tpu.memref_squeeze %dma_wait3A_571 : memref<1x128xi32, #tpu.memory_space<vmem>> -> memref<128xi32, #tpu.memory_space<vmem>>
      %dma_wait3A_573 = arith.constant 0 : i32
      %dma_wait3A_574 = arith.constant 0 : i32
      %dma_wait3A_575 = tpu.memref_slice %arg8[%dma_wait3A_573, %dma_wait3A_574] : memref<10240x32xf32, #tpu.memory_space<vmem_shared>> -> memref<10240x32xf32, #tpu.memory_space<vmem_shared>>
      %dma_wait3A_576 = tpu.memref_slice %arg17[%dma_wait3A_565] : memref<8x!tpu.dma_semaphore, #tpu.memory_space<semaphore_mem>> -> memref<1x!tpu.dma_semaphore, #tpu.memory_space<semaphore_mem>>
      %dma_wait3A_577 = tpu.memref_squeeze %dma_wait3A_576 : memref<1x!tpu.dma_semaphore, #tpu.memory_space<semaphore_mem>> -> memref<!tpu.dma_semaphore, #tpu.memory_space<semaphore_mem>>
      tpu.wait_indirect_dma semaphore(%dma_wait3A_577 : memref<!tpu.dma_semaphore, #tpu.memory_space<semaphore_mem>>) src(%dma_wait3A_569 : memref<128x32xf32, #tpu.memory_space<vmem>>) dst(%dma_wait3A_575 : memref<10240x32xf32, #tpu.memory_space<vmem_shared>>)
      %dma_wait3A_578 = arith.constant 6 : i32
      %dma_wait3A_579 = arith.constant 158 : i32
      %dma_wait3A_580 = arith.constant 6 : i32
      %dma_wait3A_581 = arith.constant 0 : i32
      %dma_wait3A_582 = arith.constant 0 : i32
      %dma_wait3A_583 = tpu.memref_slice %arg12[%dma_wait3A_578, %dma_wait3A_581, %dma_wait3A_582] : memref<8x128x32xf32, #tpu.memory_space<vmem>> -> memref<1x128x32xf32, #tpu.memory_space<vmem>>
      %dma_wait3A_584 = tpu.memref_squeeze %dma_wait3A_583 : memref<1x128x32xf32, #tpu.memory_space<vmem>> -> memref<128x32xf32, #tpu.memory_space<vmem>>
      %dma_wait3A_585 = arith.constant 0 : i32
      %dma_wait3A_586 = tpu.memref_slice %arg11[%dma_wait3A_579, %dma_wait3A_585] : memref<160x128xi32, #tpu.memory_space<vmem>> -> memref<1x128xi32, #tpu.memory_space<vmem>>
      %dma_wait3A_587 = tpu.memref_squeeze %dma_wait3A_586 : memref<1x128xi32, #tpu.memory_space<vmem>> -> memref<128xi32, #tpu.memory_space<vmem>>
      %dma_wait3A_588 = arith.constant 0 : i32
      %dma_wait3A_589 = arith.constant 0 : i32
      %dma_wait3A_590 = tpu.memref_slice %arg8[%dma_wait3A_588, %dma_wait3A_589] : memref<10240x32xf32, #tpu.memory_space<vmem_shared>> -> memref<10240x32xf32, #tpu.memory_space<vmem_shared>>
      %dma_wait3A_591 = tpu.memref_slice %arg17[%dma_wait3A_580] : memref<8x!tpu.dma_semaphore, #tpu.memory_space<semaphore_mem>> -> memref<1x!tpu.dma_semaphore, #tpu.memory_space<semaphore_mem>>
      %dma_wait3A_592 = tpu.memref_squeeze %dma_wait3A_591 : memref<1x!tpu.dma_semaphore, #tpu.memory_space<semaphore_mem>> -> memref<!tpu.dma_semaphore, #tpu.memory_space<semaphore_mem>>
      tpu.wait_indirect_dma semaphore(%dma_wait3A_592 : memref<!tpu.dma_semaphore, #tpu.memory_space<semaphore_mem>>) src(%dma_wait3A_584 : memref<128x32xf32, #tpu.memory_space<vmem>>) dst(%dma_wait3A_590 : memref<10240x32xf32, #tpu.memory_space<vmem_shared>>)
      %dma_wait3A_593 = arith.constant 7 : i32
      %dma_wait3A_594 = arith.constant 159 : i32
      %dma_wait3A_595 = arith.constant 7 : i32
      %dma_wait3A_596 = arith.constant 0 : i32
      %dma_wait3A_597 = arith.constant 0 : i32
      %dma_wait3A_598 = tpu.memref_slice %arg12[%dma_wait3A_593, %dma_wait3A_596, %dma_wait3A_597] : memref<8x128x32xf32, #tpu.memory_space<vmem>> -> memref<1x128x32xf32, #tpu.memory_space<vmem>>
      %dma_wait3A_599 = tpu.memref_squeeze %dma_wait3A_598 : memref<1x128x32xf32, #tpu.memory_space<vmem>> -> memref<128x32xf32, #tpu.memory_space<vmem>>
      %dma_wait3A_600 = arith.constant 0 : i32
      %dma_wait3A_601 = tpu.memref_slice %arg11[%dma_wait3A_594, %dma_wait3A_600] : memref<160x128xi32, #tpu.memory_space<vmem>> -> memref<1x128xi32, #tpu.memory_space<vmem>>
      %dma_wait3A_602 = tpu.memref_squeeze %dma_wait3A_601 : memref<1x128xi32, #tpu.memory_space<vmem>> -> memref<128xi32, #tpu.memory_space<vmem>>
      %dma_wait3A_603 = arith.constant 0 : i32
      %dma_wait3A_604 = arith.constant 0 : i32
      %dma_wait3A_605 = tpu.memref_slice %arg8[%dma_wait3A_603, %dma_wait3A_604] : memref<10240x32xf32, #tpu.memory_space<vmem_shared>> -> memref<10240x32xf32, #tpu.memory_space<vmem_shared>>
      %dma_wait3A_606 = tpu.memref_slice %arg17[%dma_wait3A_595] : memref<8x!tpu.dma_semaphore, #tpu.memory_space<semaphore_mem>> -> memref<1x!tpu.dma_semaphore, #tpu.memory_space<semaphore_mem>>
      %dma_wait3A_607 = tpu.memref_squeeze %dma_wait3A_606 : memref<1x!tpu.dma_semaphore, #tpu.memory_space<semaphore_mem>> -> memref<!tpu.dma_semaphore, #tpu.memory_space<semaphore_mem>>
      tpu.wait_indirect_dma semaphore(%dma_wait3A_607 : memref<!tpu.dma_semaphore, #tpu.memory_space<semaphore_mem>>) src(%dma_wait3A_599 : memref<128x32xf32, #tpu.memory_space<vmem>>) dst(%dma_wait3A_605 : memref<10240x32xf32, #tpu.memory_space<vmem_shared>>)
      %barrier3A_608 = arith.constant 0 : index
      tpu.barrier barrier_id(%barrier3A_608)
      %scan3A_609 = arith.constant 0 : i32
      %scan3A_610 = arith.constant 0 : i32
      %scan3A_611 = arith.constant 128 : i32
      %scan3A_612 = arith.addi %scan3A_610, %scan3A_611 : i32
      %scan3A_613 = arith.constant 1 : i32
      %scan3A_614 = scf.for %scan3A_668 = %scan3A_610 to %scan3A_612 step %scan3A_613 iter_args(%scan3A_669 = %scan3A_609) -> (i32)  : i32 {
        %broadcast_in_dim3A_670 = arith.constant 0.000000e+00 : f32
        %broadcast_in_dim3A_671 = vector.broadcast %broadcast_in_dim3A_670 : f32 to vector<16xf32>
        %swap3A = arith.constant 0 : i32
        %swap3A_672 = arith.constant 0 : i32
        %swap3A_673 = tpu.memref_slice %arg12[%scan3A_96, %swap3A, %swap3A_672] : memref<8x128x32xf32, #tpu.memory_space<vmem>> -> memref<1x128x32xf32, #tpu.memory_space<vmem>>
        %swap3A_674 = tpu.memref_squeeze %swap3A_673 : memref<1x128x32xf32, #tpu.memory_space<vmem>> -> memref<128x32xf32, #tpu.memory_space<vmem>>
        %swap3A_675 = arith.index_cast %scan3A_668 : i32 to index
        %swap3A_676 = arith.constant 0 : index
        %swap3A_677 = tpu.vector_load %swap3A_674[%swap3A_675, %swap3A_676] {strides = array<i32>} : memref<128x32xf32, #tpu.memory_space<vmem>>, vector<16xf32>,
        tpu.vector_store %swap3A_674[%swap3A_675, %swap3A_676], %broadcast_in_dim3A_671 {strides = array<i32>} : memref<128x32xf32, #tpu.memory_space<vmem>>, vector<16xf32>,
        %broadcast_in_dim3A_678 = arith.constant 0.000000e+00 : f32
        %broadcast_in_dim3A_679 = vector.broadcast %broadcast_in_dim3A_678 : f32 to vector<16xf32>
        %swap3A_680 = arith.constant 0 : i32
        %swap3A_681 = arith.constant 0 : i32
        %swap3A_682 = tpu.memref_slice %arg12[%scan3A_96, %swap3A_680, %swap3A_681] : memref<8x128x32xf32, #tpu.memory_space<vmem>> -> memref<1x128x32xf32, #tpu.memory_space<vmem>>
        %swap3A_683 = tpu.memref_squeeze %swap3A_682 : memref<1x128x32xf32, #tpu.memory_space<vmem>> -> memref<128x32xf32, #tpu.memory_space<vmem>>
        %swap3A_684 = arith.index_cast %scan3A_668 : i32 to index
        %swap3A_685 = arith.constant 16 : index
        %swap3A_686 = tpu.vector_load %swap3A_683[%swap3A_684, %swap3A_685] {strides = array<i32>} : memref<128x32xf32, #tpu.memory_space<vmem>>, vector<16xf32>,
        tpu.vector_store %swap3A_683[%swap3A_684, %swap3A_685], %broadcast_in_dim3A_679 {strides = array<i32>} : memref<128x32xf32, #tpu.memory_space<vmem>>, vector<16xf32>,
        %scan3A_687 = arith.constant 0 : i32
        scf.yield %scan3A_687 : i32
      }
      %scan3A_615 = arith.constant 128 : i32
      %add3A_616 = arith.constant 0 : i32
      %add3A_617 = arith.addi %mul3A_0, %add3A_616 : i32
      "tpu.region"() ({
        %run_scoped3A_668 = tpu.sem_alloc : memref<!tpu.dma_semaphore, #tpu.memory_space<semaphore_mem>>
        %dma_start3A_669 = arith.constant 0 : i32
        %dma_start3A_670 = arith.constant 0 : i32
        %dma_start3A_671 = tpu.memref_slice %arg12[%scan3A_97, %dma_start3A_669, %dma_start3A_670] : memref<8x128x32xf32, #tpu.memory_space<vmem>> -> memref<1x128x32xf32, #tpu.memory_space<vmem>>
        %dma_start3A_672 = tpu.memref_squeeze %dma_start3A_671 : memref<1x128x32xf32, #tpu.memory_space<vmem>> -> memref<128x32xf32, #tpu.memory_space<vmem>>
        %dma_start3A_673 = arith.constant 0 : i32
        %dma_start3A_674 = tpu.memref_slice %arg8[%add3A_617, %dma_start3A_673] : memref<10240x32xf32, #tpu.memory_space<vmem_shared>> -> memref<128x32xf32, #tpu.memory_space<vmem_shared>>
        %dma_start3A_675 = arith.constant 0 : i32
        %dma_start3A_676 = arith.constant 0 : i32
        %dma_start3A_677 = tpu.memref_slice %arg12[%scan3A_97, %dma_start3A_675, %dma_start3A_676] : memref<8x128x32xf32, #tpu.memory_space<vmem>> -> memref<1x128x32xf32, #tpu.memory_space<vmem>>
        %dma_start3A_678 = tpu.memref_squeeze %dma_start3A_677 : memref<1x128x32xf32, #tpu.memory_space<vmem>> -> memref<128x32xf32, #tpu.memory_space<vmem>>
        %dma_start3A_679 = arith.constant 0 : i32
        %dma_start3A_680 = tpu.memref_slice %arg8[%add3A_617, %dma_start3A_679] : memref<10240x32xf32, #tpu.memory_space<vmem_shared>> -> memref<128x32xf32, #tpu.memory_space<vmem_shared>>
        tpu.enqueue_dma source(%dma_start3A_680 : memref<128x32xf32, #tpu.memory_space<vmem_shared>>) target(%dma_start3A_678 : memref<128x32xf32, #tpu.memory_space<vmem>>) target_semaphore(%run_scoped3A_668 : memref<!tpu.dma_semaphore, #tpu.memory_space<semaphore_mem>>)
        %dma_wait3A_681 = arith.constant 0 : i32
        %dma_wait3A_682 = arith.constant 0 : i32
        %dma_wait3A_683 = tpu.memref_slice %arg12[%scan3A_97, %dma_wait3A_681, %dma_wait3A_682] : memref<8x128x32xf32, #tpu.memory_space<vmem>> -> memref<1x128x32xf32, #tpu.memory_space<vmem>>
        %dma_wait3A_684 = tpu.memref_squeeze %dma_wait3A_683 : memref<1x128x32xf32, #tpu.memory_space<vmem>> -> memref<128x32xf32, #tpu.memory_space<vmem>>
        %dma_wait3A_685 = arith.constant 0 : i32
        %dma_wait3A_686 = tpu.memref_slice %arg8[%add3A_617, %dma_wait3A_685] : memref<10240x32xf32, #tpu.memory_space<vmem_shared>> -> memref<128x32xf32, #tpu.memory_space<vmem_shared>>
        %dma_wait3A_687 = arith.constant 0 : i32
        %dma_wait3A_688 = arith.constant 0 : i32
        %dma_wait3A_689 = tpu.memref_slice %arg12[%scan3A_97, %dma_wait3A_687, %dma_wait3A_688] : memref<8x128x32xf32, #tpu.memory_space<vmem>> -> memref<1x128x32xf32, #tpu.memory_space<vmem>>
        %dma_wait3A_690 = tpu.memref_squeeze %dma_wait3A_689 : memref<1x128x32xf32, #tpu.memory_space<vmem>> -> memref<128x32xf32, #tpu.memory_space<vmem>>
        %dma_wait3A_691 = arith.constant 0 : i32
        %dma_wait3A_692 = tpu.memref_slice %arg8[%add3A_617, %dma_wait3A_691] : memref<10240x32xf32, #tpu.memory_space<vmem_shared>> -> memref<128x32xf32, #tpu.memory_space<vmem_shared>>
        tpu.wait_dma2 semaphore(%run_scoped3A_668 : memref<!tpu.dma_semaphore, #tpu.memory_space<semaphore_mem>>) src(%dma_wait3A_692 : memref<128x32xf32, #tpu.memory_space<vmem_shared>>) dst(%dma_wait3A_690 : memref<128x32xf32, #tpu.memory_space<vmem>>)
        tpu.yield
      }) : () -> ()
      "tpu.region"() ({
        %run_scoped3A_668 = tpu.sem_alloc : memref<!tpu.dma_semaphore, #tpu.memory_space<semaphore_mem>>
        %dma_start3A_669 = arith.constant 0 : i32
        %dma_start3A_670 = arith.constant 0 : i32
        %dma_start3A_671 = tpu.memref_slice %arg12[%scan3A_98, %dma_start3A_669, %dma_start3A_670] : memref<8x128x32xf32, #tpu.memory_space<vmem>> -> memref<1x128x32xf32, #tpu.memory_space<vmem>>
        %dma_start3A_672 = tpu.memref_squeeze %dma_start3A_671 : memref<1x128x32xf32, #tpu.memory_space<vmem>> -> memref<128x32xf32, #tpu.memory_space<vmem>>
        %dma_start3A_673 = arith.constant 0 : i32
        %dma_start3A_674 = tpu.memref_slice %arg9[%add3A_617, %dma_start3A_673] : memref<10240x32xf32, #tpu.memory_space<vmem_shared>> -> memref<128x32xf32, #tpu.memory_space<vmem_shared>>
        %dma_start3A_675 = arith.constant 0 : i32
        %dma_start3A_676 = arith.constant 0 : i32
        %dma_start3A_677 = tpu.memref_slice %arg12[%scan3A_98, %dma_start3A_675, %dma_start3A_676] : memref<8x128x32xf32, #tpu.memory_space<vmem>> -> memref<1x128x32xf32, #tpu.memory_space<vmem>>
        %dma_start3A_678 = tpu.memref_squeeze %dma_start3A_677 : memref<1x128x32xf32, #tpu.memory_space<vmem>> -> memref<128x32xf32, #tpu.memory_space<vmem>>
        %dma_start3A_679 = arith.constant 0 : i32
        %dma_start3A_680 = tpu.memref_slice %arg9[%add3A_617, %dma_start3A_679] : memref<10240x32xf32, #tpu.memory_space<vmem_shared>> -> memref<128x32xf32, #tpu.memory_space<vmem_shared>>
        tpu.enqueue_dma source(%dma_start3A_680 : memref<128x32xf32, #tpu.memory_space<vmem_shared>>) target(%dma_start3A_678 : memref<128x32xf32, #tpu.memory_space<vmem>>) target_semaphore(%run_scoped3A_668 : memref<!tpu.dma_semaphore, #tpu.memory_space<semaphore_mem>>)
        %dma_wait3A_681 = arith.constant 0 : i32
        %dma_wait3A_682 = arith.constant 0 : i32
        %dma_wait3A_683 = tpu.memref_slice %arg12[%scan3A_98, %dma_wait3A_681, %dma_wait3A_682] : memref<8x128x32xf32, #tpu.memory_space<vmem>> -> memref<1x128x32xf32, #tpu.memory_space<vmem>>
        %dma_wait3A_684 = tpu.memref_squeeze %dma_wait3A_683 : memref<1x128x32xf32, #tpu.memory_space<vmem>> -> memref<128x32xf32, #tpu.memory_space<vmem>>
        %dma_wait3A_685 = arith.constant 0 : i32
        %dma_wait3A_686 = tpu.memref_slice %arg9[%add3A_617, %dma_wait3A_685] : memref<10240x32xf32, #tpu.memory_space<vmem_shared>> -> memref<128x32xf32, #tpu.memory_space<vmem_shared>>
        %dma_wait3A_687 = arith.constant 0 : i32
        %dma_wait3A_688 = arith.constant 0 : i32
        %dma_wait3A_689 = tpu.memref_slice %arg12[%scan3A_98, %dma_wait3A_687, %dma_wait3A_688] : memref<8x128x32xf32, #tpu.memory_space<vmem>> -> memref<1x128x32xf32, #tpu.memory_space<vmem>>
        %dma_wait3A_690 = tpu.memref_squeeze %dma_wait3A_689 : memref<1x128x32xf32, #tpu.memory_space<vmem>> -> memref<128x32xf32, #tpu.memory_space<vmem>>
        %dma_wait3A_691 = arith.constant 0 : i32
        %dma_wait3A_692 = tpu.memref_slice %arg9[%add3A_617, %dma_wait3A_691] : memref<10240x32xf32, #tpu.memory_space<vmem_shared>> -> memref<128x32xf32, #tpu.memory_space<vmem_shared>>
        tpu.wait_dma2 semaphore(%run_scoped3A_668 : memref<!tpu.dma_semaphore, #tpu.memory_space<semaphore_mem>>) src(%dma_wait3A_692 : memref<128x32xf32, #tpu.memory_space<vmem_shared>>) dst(%dma_wait3A_690 : memref<128x32xf32, #tpu.memory_space<vmem>>)
        tpu.yield
      }) : () -> ()
      %add3A_618 = arith.addi %mul3A_2, %add3A_617 : i32
      "tpu.region"() ({
        %run_scoped3A_668 = tpu.sem_alloc : memref<!tpu.dma_semaphore, #tpu.memory_space<semaphore_mem>>
        %dma_start3A_669 = arith.constant 0 : i32
        %dma_start3A_670 = tpu.memref_slice %arg7[%add3A_618, %dma_start3A_669] : memref<20480x48xf32, #tpu.memory_space<hbm>> -> memref<128x48xf32, #tpu.memory_space<hbm>>
        %dma_start3A_671 = arith.constant 0 : i32
        %dma_start3A_672 = tpu.memref_slice %arg7[%add3A_618, %dma_start3A_671] : memref<20480x48xf32, #tpu.memory_space<hbm>> -> memref<128x48xf32, #tpu.memory_space<hbm>>
        tpu.enqueue_dma source(%dma_start3A_672 : memref<128x48xf32, #tpu.memory_space<hbm>>) target(%arg13 : memref<128x48xf32, #tpu.memory_space<vmem>>) target_semaphore(%run_scoped3A_668 : memref<!tpu.dma_semaphore, #tpu.memory_space<semaphore_mem>>)
        %dma_wait3A_673 = arith.constant 0 : i32
        %dma_wait3A_674 = tpu.memref_slice %arg7[%add3A_618, %dma_wait3A_673] : memref<20480x48xf32, #tpu.memory_space<hbm>> -> memref<128x48xf32, #tpu.memory_space<hbm>>
        %dma_wait3A_675 = arith.constant 0 : i32
        %dma_wait3A_676 = tpu.memref_slice %arg7[%add3A_618, %dma_wait3A_675] : memref<20480x48xf32, #tpu.memory_space<hbm>> -> memref<128x48xf32, #tpu.memory_space<hbm>>
        tpu.wait_dma2 semaphore(%run_scoped3A_668 : memref<!tpu.dma_semaphore, #tpu.memory_space<semaphore_mem>>) src(%dma_wait3A_676 : memref<128x48xf32, #tpu.memory_space<hbm>>) dst(%arg13 : memref<128x48xf32, #tpu.memory_space<vmem>>)
        tpu.yield
      }) : () -> ()
      %scan3A_619 = arith.constant 0 : i32
      %scan3A_620 = arith.constant 0 : i32
      %scan3A_621 = arith.constant 128 : i32
      %scan3A_622 = arith.addi %scan3A_620, %scan3A_621 : i32
      %scan3A_623 = arith.constant 1 : i32
      %scan3A_624 = scf.for %scan3A_668 = %scan3A_620 to %scan3A_622 step %scan3A_623 iter_args(%scan3A_669 = %scan3A_619) -> (i32)  : i32 {
        %get3A = arith.index_cast %scan3A_668 : i32 to index
        %get3A_670 = arith.constant 0 : index
        %get3A_671 = tpu.vector_load %arg13[%get3A, %get3A_670] {strides = array<i32>} : memref<128x48xf32, #tpu.memory_space<vmem>>, vector<16xf32>,
        %get3A_672 = arith.constant 0 : i32
        %get3A_673 = arith.constant 0 : i32
        %get3A_674 = tpu.memref_slice %arg12[%scan3A_97, %get3A_672, %get3A_673] : memref<8x128x32xf32, #tpu.memory_space<vmem>> -> memref<1x128x32xf32, #tpu.memory_space<vmem>>
        %get3A_675 = tpu.memref_squeeze %get3A_674 : memref<1x128x32xf32, #tpu.memory_space<vmem>> -> memref<128x32xf32, #tpu.memory_space<vmem>>
        %get3A_676 = arith.index_cast %scan3A_668 : i32 to index
        %get3A_677 = arith.constant 0 : index
        %get3A_678 = tpu.vector_load %get3A_675[%get3A_676, %get3A_677] {strides = array<i32>} : memref<128x32xf32, #tpu.memory_space<vmem>>, vector<16xf32>,
        %get3A_679 = arith.constant 0 : i32
        %get3A_680 = arith.constant 0 : i32
        %get3A_681 = tpu.memref_slice %arg12[%scan3A_98, %get3A_679, %get3A_680] : memref<8x128x32xf32, #tpu.memory_space<vmem>> -> memref<1x128x32xf32, #tpu.memory_space<vmem>>
        %get3A_682 = tpu.memref_squeeze %get3A_681 : memref<1x128x32xf32, #tpu.memory_space<vmem>> -> memref<128x32xf32, #tpu.memory_space<vmem>>
        %get3A_683 = arith.index_cast %scan3A_668 : i32 to index
        %get3A_684 = arith.constant 0 : index
        %get3A_685 = tpu.vector_load %get3A_682[%get3A_683, %get3A_684] {strides = array<i32>} : memref<128x32xf32, #tpu.memory_space<vmem>>, vector<16xf32>,
        %get3A_686 = arith.index_cast %scan3A_668 : i32 to index
        %get3A_687 = arith.constant 16 : index
        %get3A_688 = tpu.vector_load %arg13[%get3A_686, %get3A_687] {strides = array<i32>} : memref<128x48xf32, #tpu.memory_space<vmem>>, vector<16xf32>,
        %add3A_689 = arith.addf %get3A_678, %get3A_685 : vector<16xf32>
        %mul3A_690 = arith.mulf %get3A_671, %add3A_689 : vector<16xf32>
        %add3A_691 = arith.addf %mul3A_690, %get3A_688 : vector<16xf32>
        %swap3A = arith.constant 0 : i32
        %swap3A_692 = arith.constant 0 : i32
        %swap3A_693 = tpu.memref_slice %arg12[%scan3A_98, %swap3A, %swap3A_692] : memref<8x128x32xf32, #tpu.memory_space<vmem>> -> memref<1x128x32xf32, #tpu.memory_space<vmem>>
        %swap3A_694 = tpu.memref_squeeze %swap3A_693 : memref<1x128x32xf32, #tpu.memory_space<vmem>> -> memref<128x32xf32, #tpu.memory_space<vmem>>
        %swap3A_695 = arith.index_cast %scan3A_668 : i32 to index
        %swap3A_696 = arith.constant 0 : index
        %swap3A_697 = tpu.vector_load %swap3A_694[%swap3A_695, %swap3A_696] {strides = array<i32>} : memref<128x32xf32, #tpu.memory_space<vmem>>, vector<16xf32>,
        tpu.vector_store %swap3A_694[%swap3A_695, %swap3A_696], %add3A_691 {strides = array<i32>} : memref<128x32xf32, #tpu.memory_space<vmem>>, vector<16xf32>,
        %get3A_698 = arith.constant 0 : i32
        %get3A_699 = arith.constant 0 : i32
        %get3A_700 = tpu.memref_slice %arg12[%scan3A_97, %get3A_698, %get3A_699] : memref<8x128x32xf32, #tpu.memory_space<vmem>> -> memref<1x128x32xf32, #tpu.memory_space<vmem>>
        %get3A_701 = tpu.memref_squeeze %get3A_700 : memref<1x128x32xf32, #tpu.memory_space<vmem>> -> memref<128x32xf32, #tpu.memory_space<vmem>>
        %get3A_702 = arith.index_cast %scan3A_668 : i32 to index
        %get3A_703 = arith.constant 16 : index
        %get3A_704 = tpu.vector_load %get3A_701[%get3A_702, %get3A_703] {strides = array<i32>} : memref<128x32xf32, #tpu.memory_space<vmem>>, vector<16xf32>,
        %get3A_705 = arith.constant 0 : i32
        %get3A_706 = arith.constant 0 : i32
        %get3A_707 = tpu.memref_slice %arg12[%scan3A_98, %get3A_705, %get3A_706] : memref<8x128x32xf32, #tpu.memory_space<vmem>> -> memref<1x128x32xf32, #tpu.memory_space<vmem>>
        %get3A_708 = tpu.memref_squeeze %get3A_707 : memref<1x128x32xf32, #tpu.memory_space<vmem>> -> memref<128x32xf32, #tpu.memory_space<vmem>>
        %get3A_709 = arith.index_cast %scan3A_668 : i32 to index
        %get3A_710 = arith.constant 16 : index
        %get3A_711 = tpu.vector_load %get3A_708[%get3A_709, %get3A_710] {strides = array<i32>} : memref<128x32xf32, #tpu.memory_space<vmem>>, vector<16xf32>,
        %get3A_712 = arith.index_cast %scan3A_668 : i32 to index
        %get3A_713 = arith.constant 32 : index
        %get3A_714 = tpu.vector_load %arg13[%get3A_712, %get3A_713] {strides = array<i32>} : memref<128x48xf32, #tpu.memory_space<vmem>>, vector<16xf32>,
        %add3A_715 = arith.addf %get3A_704, %get3A_711 : vector<16xf32>
        %mul3A_716 = arith.mulf %get3A_671, %add3A_715 : vector<16xf32>
        %add3A_717 = arith.addf %mul3A_716, %get3A_714 : vector<16xf32>
        %swap3A_718 = arith.constant 0 : i32
        %swap3A_719 = arith.constant 0 : i32
        %swap3A_720 = tpu.memref_slice %arg12[%scan3A_98, %swap3A_718, %swap3A_719] : memref<8x128x32xf32, #tpu.memory_space<vmem>> -> memref<1x128x32xf32, #tpu.memory_space<vmem>>
        %swap3A_721 = tpu.memref_squeeze %swap3A_720 : memref<1x128x32xf32, #tpu.memory_space<vmem>> -> memref<128x32xf32, #tpu.memory_space<vmem>>
        %swap3A_722 = arith.index_cast %scan3A_668 : i32 to index
        %swap3A_723 = arith.constant 16 : index
        %swap3A_724 = tpu.vector_load %swap3A_721[%swap3A_722, %swap3A_723] {strides = array<i32>} : memref<128x32xf32, #tpu.memory_space<vmem>>, vector<16xf32>,
        tpu.vector_store %swap3A_721[%swap3A_722, %swap3A_723], %add3A_717 {strides = array<i32>} : memref<128x32xf32, #tpu.memory_space<vmem>>, vector<16xf32>,
        %scan3A_725 = arith.constant 0 : i32
        scf.yield %scan3A_725 : i32
      }
      %scan3A_625 = arith.constant 128 : i32
      "tpu.region"() ({
        %run_scoped3A_668 = tpu.sem_alloc : memref<!tpu.dma_semaphore, #tpu.memory_space<semaphore_mem>>
        %dma_start3A_669 = arith.constant 0 : i32
        %dma_start3A_670 = arith.constant 0 : i32
        %dma_start3A_671 = tpu.memref_slice %arg12[%scan3A_98, %dma_start3A_669, %dma_start3A_670] : memref<8x128x32xf32, #tpu.memory_space<vmem>> -> memref<1x128x32xf32, #tpu.memory_space<vmem>>
        %dma_start3A_672 = tpu.memref_squeeze %dma_start3A_671 : memref<1x128x32xf32, #tpu.memory_space<vmem>> -> memref<128x32xf32, #tpu.memory_space<vmem>>
        %dma_start3A_673 = arith.constant 0 : i32
        %dma_start3A_674 = tpu.memref_slice %arg9[%add3A_617, %dma_start3A_673] : memref<10240x32xf32, #tpu.memory_space<vmem_shared>> -> memref<128x32xf32, #tpu.memory_space<vmem_shared>>
        %dma_start3A_675 = arith.constant 0 : i32
        %dma_start3A_676 = tpu.memref_slice %arg9[%add3A_617, %dma_start3A_675] : memref<10240x32xf32, #tpu.memory_space<vmem_shared>> -> memref<128x32xf32, #tpu.memory_space<vmem_shared>>
        %dma_start3A_677 = arith.constant 0 : i32
        %dma_start3A_678 = arith.constant 0 : i32
        %dma_start3A_679 = tpu.memref_slice %arg12[%scan3A_98, %dma_start3A_677, %dma_start3A_678] : memref<8x128x32xf32, #tpu.memory_space<vmem>> -> memref<1x128x32xf32, #tpu.memory_space<vmem>>
        %dma_start3A_680 = tpu.memref_squeeze %dma_start3A_679 : memref<1x128x32xf32, #tpu.memory_space<vmem>> -> memref<128x32xf32, #tpu.memory_space<vmem>>
        tpu.enqueue_dma source(%dma_start3A_680 : memref<128x32xf32, #tpu.memory_space<vmem>>) target(%dma_start3A_676 : memref<128x32xf32, #tpu.memory_space<vmem_shared>>) target_semaphore(%run_scoped3A_668 : memref<!tpu.dma_semaphore, #tpu.memory_space<semaphore_mem>>)
        %dma_wait3A_681 = arith.constant 0 : i32
        %dma_wait3A_682 = arith.constant 0 : i32
        %dma_wait3A_683 = tpu.memref_slice %arg12[%scan3A_98, %dma_wait3A_681, %dma_wait3A_682] : memref<8x128x32xf32, #tpu.memory_space<vmem>> -> memref<1x128x32xf32, #tpu.memory_space<vmem>>
        %dma_wait3A_684 = tpu.memref_squeeze %dma_wait3A_683 : memref<1x128x32xf32, #tpu.memory_space<vmem>> -> memref<128x32xf32, #tpu.memory_space<vmem>>
        %dma_wait3A_685 = arith.constant 0 : i32
        %dma_wait3A_686 = tpu.memref_slice %arg9[%add3A_617, %dma_wait3A_685] : memref<10240x32xf32, #tpu.memory_space<vmem_shared>> -> memref<128x32xf32, #tpu.memory_space<vmem_shared>>
        %dma_wait3A_687 = arith.constant 0 : i32
        %dma_wait3A_688 = tpu.memref_slice %arg9[%add3A_617, %dma_wait3A_687] : memref<10240x32xf32, #tpu.memory_space<vmem_shared>> -> memref<128x32xf32, #tpu.memory_space<vmem_shared>>
        %dma_wait3A_689 = arith.constant 0 : i32
        %dma_wait3A_690 = arith.constant 0 : i32
        %dma_wait3A_691 = tpu.memref_slice %arg12[%scan3A_98, %dma_wait3A_689, %dma_wait3A_690] : memref<8x128x32xf32, #tpu.memory_space<vmem>> -> memref<1x128x32xf32, #tpu.memory_space<vmem>>
        %dma_wait3A_692 = tpu.memref_squeeze %dma_wait3A_691 : memref<1x128x32xf32, #tpu.memory_space<vmem>> -> memref<128x32xf32, #tpu.memory_space<vmem>>
        tpu.wait_dma2 semaphore(%run_scoped3A_668 : memref<!tpu.dma_semaphore, #tpu.memory_space<semaphore_mem>>) src(%dma_wait3A_692 : memref<128x32xf32, #tpu.memory_space<vmem>>) dst(%dma_wait3A_688 : memref<128x32xf32, #tpu.memory_space<vmem_shared>>)
        tpu.yield
      }) : () -> ()
      "tpu.region"() ({
        %run_scoped3A_668 = tpu.sem_alloc : memref<!tpu.dma_semaphore, #tpu.memory_space<semaphore_mem>>
        %dma_start3A_669 = arith.constant 0 : i32
        %dma_start3A_670 = arith.constant 0 : i32
        %dma_start3A_671 = tpu.memref_slice %arg12[%scan3A_96, %dma_start3A_669, %dma_start3A_670] : memref<8x128x32xf32, #tpu.memory_space<vmem>> -> memref<1x128x32xf32, #tpu.memory_space<vmem>>
        %dma_start3A_672 = tpu.memref_squeeze %dma_start3A_671 : memref<1x128x32xf32, #tpu.memory_space<vmem>> -> memref<128x32xf32, #tpu.memory_space<vmem>>
        %dma_start3A_673 = arith.constant 0 : i32
        %dma_start3A_674 = tpu.memref_slice %arg8[%add3A_617, %dma_start3A_673] : memref<10240x32xf32, #tpu.memory_space<vmem_shared>> -> memref<128x32xf32, #tpu.memory_space<vmem_shared>>
        %dma_start3A_675 = arith.constant 0 : i32
        %dma_start3A_676 = tpu.memref_slice %arg8[%add3A_617, %dma_start3A_675] : memref<10240x32xf32, #tpu.memory_space<vmem_shared>> -> memref<128x32xf32, #tpu.memory_space<vmem_shared>>
        %dma_start3A_677 = arith.constant 0 : i32
        %dma_start3A_678 = arith.constant 0 : i32
        %dma_start3A_679 = tpu.memref_slice %arg12[%scan3A_96, %dma_start3A_677, %dma_start3A_678] : memref<8x128x32xf32, #tpu.memory_space<vmem>> -> memref<1x128x32xf32, #tpu.memory_space<vmem>>
        %dma_start3A_680 = tpu.memref_squeeze %dma_start3A_679 : memref<1x128x32xf32, #tpu.memory_space<vmem>> -> memref<128x32xf32, #tpu.memory_space<vmem>>
        tpu.enqueue_dma source(%dma_start3A_680 : memref<128x32xf32, #tpu.memory_space<vmem>>) target(%dma_start3A_676 : memref<128x32xf32, #tpu.memory_space<vmem_shared>>) target_semaphore(%run_scoped3A_668 : memref<!tpu.dma_semaphore, #tpu.memory_space<semaphore_mem>>)
        %dma_wait3A_681 = arith.constant 0 : i32
        %dma_wait3A_682 = arith.constant 0 : i32
        %dma_wait3A_683 = tpu.memref_slice %arg12[%scan3A_96, %dma_wait3A_681, %dma_wait3A_682] : memref<8x128x32xf32, #tpu.memory_space<vmem>> -> memref<1x128x32xf32, #tpu.memory_space<vmem>>
        %dma_wait3A_684 = tpu.memref_squeeze %dma_wait3A_683 : memref<1x128x32xf32, #tpu.memory_space<vmem>> -> memref<128x32xf32, #tpu.memory_space<vmem>>
        %dma_wait3A_685 = arith.constant 0 : i32
        %dma_wait3A_686 = tpu.memref_slice %arg8[%add3A_617, %dma_wait3A_685] : memref<10240x32xf32, #tpu.memory_space<vmem_shared>> -> memref<128x32xf32, #tpu.memory_space<vmem_shared>>
        %dma_wait3A_687 = arith.constant 0 : i32
        %dma_wait3A_688 = tpu.memref_slice %arg8[%add3A_617, %dma_wait3A_687] : memref<10240x32xf32, #tpu.memory_space<vmem_shared>> -> memref<128x32xf32, #tpu.memory_space<vmem_shared>>
        %dma_wait3A_689 = arith.constant 0 : i32
        %dma_wait3A_690 = arith.constant 0 : i32
        %dma_wait3A_691 = tpu.memref_slice %arg12[%scan3A_96, %dma_wait3A_689, %dma_wait3A_690] : memref<8x128x32xf32, #tpu.memory_space<vmem>> -> memref<1x128x32xf32, #tpu.memory_space<vmem>>
        %dma_wait3A_692 = tpu.memref_squeeze %dma_wait3A_691 : memref<1x128x32xf32, #tpu.memory_space<vmem>> -> memref<128x32xf32, #tpu.memory_space<vmem>>
        tpu.wait_dma2 semaphore(%run_scoped3A_668 : memref<!tpu.dma_semaphore, #tpu.memory_space<semaphore_mem>>) src(%dma_wait3A_692 : memref<128x32xf32, #tpu.memory_space<vmem>>) dst(%dma_wait3A_688 : memref<128x32xf32, #tpu.memory_space<vmem_shared>>)
        tpu.yield
      }) : () -> ()
      %add3A_626 = arith.constant 128 : i32
      %add3A_627 = arith.addi %mul3A_0, %add3A_626 : i32
      "tpu.region"() ({
        %run_scoped3A_668 = tpu.sem_alloc : memref<!tpu.dma_semaphore, #tpu.memory_space<semaphore_mem>>
        %dma_start3A_669 = arith.constant 0 : i32
        %dma_start3A_670 = arith.constant 0 : i32
        %dma_start3A_671 = tpu.memref_slice %arg12[%scan3A_97, %dma_start3A_669, %dma_start3A_670] : memref<8x128x32xf32, #tpu.memory_space<vmem>> -> memref<1x128x32xf32, #tpu.memory_space<vmem>>
        %dma_start3A_672 = tpu.memref_squeeze %dma_start3A_671 : memref<1x128x32xf32, #tpu.memory_space<vmem>> -> memref<128x32xf32, #tpu.memory_space<vmem>>
        %dma_start3A_673 = arith.constant 0 : i32
        %dma_start3A_674 = tpu.memref_slice %arg8[%add3A_627, %dma_start3A_673] : memref<10240x32xf32, #tpu.memory_space<vmem_shared>> -> memref<128x32xf32, #tpu.memory_space<vmem_shared>>
        %dma_start3A_675 = arith.constant 0 : i32
        %dma_start3A_676 = arith.constant 0 : i32
        %dma_start3A_677 = tpu.memref_slice %arg12[%scan3A_97, %dma_start3A_675, %dma_start3A_676] : memref<8x128x32xf32, #tpu.memory_space<vmem>> -> memref<1x128x32xf32, #tpu.memory_space<vmem>>
        %dma_start3A_678 = tpu.memref_squeeze %dma_start3A_677 : memref<1x128x32xf32, #tpu.memory_space<vmem>> -> memref<128x32xf32, #tpu.memory_space<vmem>>
        %dma_start3A_679 = arith.constant 0 : i32
        %dma_start3A_680 = tpu.memref_slice %arg8[%add3A_627, %dma_start3A_679] : memref<10240x32xf32, #tpu.memory_space<vmem_shared>> -> memref<128x32xf32, #tpu.memory_space<vmem_shared>>
        tpu.enqueue_dma source(%dma_start3A_680 : memref<128x32xf32, #tpu.memory_space<vmem_shared>>) target(%dma_start3A_678 : memref<128x32xf32, #tpu.memory_space<vmem>>) target_semaphore(%run_scoped3A_668 : memref<!tpu.dma_semaphore, #tpu.memory_space<semaphore_mem>>)
        %dma_wait3A_681 = arith.constant 0 : i32
        %dma_wait3A_682 = arith.constant 0 : i32
        %dma_wait3A_683 = tpu.memref_slice %arg12[%scan3A_97, %dma_wait3A_681, %dma_wait3A_682] : memref<8x128x32xf32, #tpu.memory_space<vmem>> -> memref<1x128x32xf32, #tpu.memory_space<vmem>>
        %dma_wait3A_684 = tpu.memref_squeeze %dma_wait3A_683 : memref<1x128x32xf32, #tpu.memory_space<vmem>> -> memref<128x32xf32, #tpu.memory_space<vmem>>
        %dma_wait3A_685 = arith.constant 0 : i32
        %dma_wait3A_686 = tpu.memref_slice %arg8[%add3A_627, %dma_wait3A_685] : memref<10240x32xf32, #tpu.memory_space<vmem_shared>> -> memref<128x32xf32, #tpu.memory_space<vmem_shared>>
        %dma_wait3A_687 = arith.constant 0 : i32
        %dma_wait3A_688 = arith.constant 0 : i32
        %dma_wait3A_689 = tpu.memref_slice %arg12[%scan3A_97, %dma_wait3A_687, %dma_wait3A_688] : memref<8x128x32xf32, #tpu.memory_space<vmem>> -> memref<1x128x32xf32, #tpu.memory_space<vmem>>
        %dma_wait3A_690 = tpu.memref_squeeze %dma_wait3A_689 : memref<1x128x32xf32, #tpu.memory_space<vmem>> -> memref<128x32xf32, #tpu.memory_space<vmem>>
        %dma_wait3A_691 = arith.constant 0 : i32
        %dma_wait3A_692 = tpu.memref_slice %arg8[%add3A_627, %dma_wait3A_691] : memref<10240x32xf32, #tpu.memory_space<vmem_shared>> -> memref<128x32xf32, #tpu.memory_space<vmem_shared>>
        tpu.wait_dma2 semaphore(%run_scoped3A_668 : memref<!tpu.dma_semaphore, #tpu.memory_space<semaphore_mem>>) src(%dma_wait3A_692 : memref<128x32xf32, #tpu.memory_space<vmem_shared>>) dst(%dma_wait3A_690 : memref<128x32xf32, #tpu.memory_space<vmem>>)
        tpu.yield
      }) : () -> ()
      "tpu.region"() ({
        %run_scoped3A_668 = tpu.sem_alloc : memref<!tpu.dma_semaphore, #tpu.memory_space<semaphore_mem>>
        %dma_start3A_669 = arith.constant 0 : i32
        %dma_start3A_670 = arith.constant 0 : i32
        %dma_start3A_671 = tpu.memref_slice %arg12[%scan3A_98, %dma_start3A_669, %dma_start3A_670] : memref<8x128x32xf32, #tpu.memory_space<vmem>> -> memref<1x128x32xf32, #tpu.memory_space<vmem>>
        %dma_start3A_672 = tpu.memref_squeeze %dma_start3A_671 : memref<1x128x32xf32, #tpu.memory_space<vmem>> -> memref<128x32xf32, #tpu.memory_space<vmem>>
        %dma_start3A_673 = arith.constant 0 : i32
        %dma_start3A_674 = tpu.memref_slice %arg9[%add3A_627, %dma_start3A_673] : memref<10240x32xf32, #tpu.memory_space<vmem_shared>> -> memref<128x32xf32, #tpu.memory_space<vmem_shared>>
        %dma_start3A_675 = arith.constant 0 : i32
        %dma_start3A_676 = arith.constant 0 : i32
        %dma_start3A_677 = tpu.memref_slice %arg12[%scan3A_98, %dma_start3A_675, %dma_start3A_676] : memref<8x128x32xf32, #tpu.memory_space<vmem>> -> memref<1x128x32xf32, #tpu.memory_space<vmem>>
        %dma_start3A_678 = tpu.memref_squeeze %dma_start3A_677 : memref<1x128x32xf32, #tpu.memory_space<vmem>> -> memref<128x32xf32, #tpu.memory_space<vmem>>
        %dma_start3A_679 = arith.constant 0 : i32
        %dma_start3A_680 = tpu.memref_slice %arg9[%add3A_627, %dma_start3A_679] : memref<10240x32xf32, #tpu.memory_space<vmem_shared>> -> memref<128x32xf32, #tpu.memory_space<vmem_shared>>
        tpu.enqueue_dma source(%dma_start3A_680 : memref<128x32xf32, #tpu.memory_space<vmem_shared>>) target(%dma_start3A_678 : memref<128x32xf32, #tpu.memory_space<vmem>>) target_semaphore(%run_scoped3A_668 : memref<!tpu.dma_semaphore, #tpu.memory_space<semaphore_mem>>)
        %dma_wait3A_681 = arith.constant 0 : i32
        %dma_wait3A_682 = arith.constant 0 : i32
        %dma_wait3A_683 = tpu.memref_slice %arg12[%scan3A_98, %dma_wait3A_681, %dma_wait3A_682] : memref<8x128x32xf32, #tpu.memory_space<vmem>> -> memref<1x128x32xf32, #tpu.memory_space<vmem>>
        %dma_wait3A_684 = tpu.memref_squeeze %dma_wait3A_683 : memref<1x128x32xf32, #tpu.memory_space<vmem>> -> memref<128x32xf32, #tpu.memory_space<vmem>>
        %dma_wait3A_685 = arith.constant 0 : i32
        %dma_wait3A_686 = tpu.memref_slice %arg9[%add3A_627, %dma_wait3A_685] : memref<10240x32xf32, #tpu.memory_space<vmem_shared>> -> memref<128x32xf32, #tpu.memory_space<vmem_shared>>
        %dma_wait3A_687 = arith.constant 0 : i32
        %dma_wait3A_688 = arith.constant 0 : i32
        %dma_wait3A_689 = tpu.memref_slice %arg12[%scan3A_98, %dma_wait3A_687, %dma_wait3A_688] : memref<8x128x32xf32, #tpu.memory_space<vmem>> -> memref<1x128x32xf32, #tpu.memory_space<vmem>>
        %dma_wait3A_690 = tpu.memref_squeeze %dma_wait3A_689 : memref<1x128x32xf32, #tpu.memory_space<vmem>> -> memref<128x32xf32, #tpu.memory_space<vmem>>
        %dma_wait3A_691 = arith.constant 0 : i32
        %dma_wait3A_692 = tpu.memref_slice %arg9[%add3A_627, %dma_wait3A_691] : memref<10240x32xf32, #tpu.memory_space<vmem_shared>> -> memref<128x32xf32, #tpu.memory_space<vmem_shared>>
        tpu.wait_dma2 semaphore(%run_scoped3A_668 : memref<!tpu.dma_semaphore, #tpu.memory_space<semaphore_mem>>) src(%dma_wait3A_692 : memref<128x32xf32, #tpu.memory_space<vmem_shared>>) dst(%dma_wait3A_690 : memref<128x32xf32, #tpu.memory_space<vmem>>)
        tpu.yield
      }) : () -> ()
      %add3A_628 = arith.addi %mul3A_2, %add3A_627 : i32
      "tpu.region"() ({
        %run_scoped3A_668 = tpu.sem_alloc : memref<!tpu.dma_semaphore, #tpu.memory_space<semaphore_mem>>
        %dma_start3A_669 = arith.constant 0 : i32
        %dma_start3A_670 = tpu.memref_slice %arg7[%add3A_628, %dma_start3A_669] : memref<20480x48xf32, #tpu.memory_space<hbm>> -> memref<128x48xf32, #tpu.memory_space<hbm>>
        %dma_start3A_671 = arith.constant 0 : i32
        %dma_start3A_672 = tpu.memref_slice %arg7[%add3A_628, %dma_start3A_671] : memref<20480x48xf32, #tpu.memory_space<hbm>> -> memref<128x48xf32, #tpu.memory_space<hbm>>
        tpu.enqueue_dma source(%dma_start3A_672 : memref<128x48xf32, #tpu.memory_space<hbm>>) target(%arg13 : memref<128x48xf32, #tpu.memory_space<vmem>>) target_semaphore(%run_scoped3A_668 : memref<!tpu.dma_semaphore, #tpu.memory_space<semaphore_mem>>)
        %dma_wait3A_673 = arith.constant 0 : i32
        %dma_wait3A_674 = tpu.memref_slice %arg7[%add3A_628, %dma_wait3A_673] : memref<20480x48xf32, #tpu.memory_space<hbm>> -> memref<128x48xf32, #tpu.memory_space<hbm>>
        %dma_wait3A_675 = arith.constant 0 : i32
        %dma_wait3A_676 = tpu.memref_slice %arg7[%add3A_628, %dma_wait3A_675] : memref<20480x48xf32, #tpu.memory_space<hbm>> -> memref<128x48xf32, #tpu.memory_space<hbm>>
        tpu.wait_dma2 semaphore(%run_scoped3A_668 : memref<!tpu.dma_semaphore, #tpu.memory_space<semaphore_mem>>) src(%dma_wait3A_676 : memref<128x48xf32, #tpu.memory_space<hbm>>) dst(%arg13 : memref<128x48xf32, #tpu.memory_space<vmem>>)
        tpu.yield
      }) : () -> ()
      %scan3A_629 = arith.constant 0 : i32
      %scan3A_630 = arith.constant 0 : i32
      %scan3A_631 = arith.constant 128 : i32
      %scan3A_632 = arith.addi %scan3A_630, %scan3A_631 : i32
      %scan3A_633 = arith.constant 1 : i32
      %scan3A_634 = scf.for %scan3A_668 = %scan3A_630 to %scan3A_632 step %scan3A_633 iter_args(%scan3A_669 = %scan3A_629) -> (i32)  : i32 {
        %get3A = arith.index_cast %scan3A_668 : i32 to index
        %get3A_670 = arith.constant 0 : index
        %get3A_671 = tpu.vector_load %arg13[%get3A, %get3A_670] {strides = array<i32>} : memref<128x48xf32, #tpu.memory_space<vmem>>, vector<16xf32>,
        %get3A_672 = arith.constant 0 : i32
        %get3A_673 = arith.constant 0 : i32
        %get3A_674 = tpu.memref_slice %arg12[%scan3A_97, %get3A_672, %get3A_673] : memref<8x128x32xf32, #tpu.memory_space<vmem>> -> memref<1x128x32xf32, #tpu.memory_space<vmem>>
        %get3A_675 = tpu.memref_squeeze %get3A_674 : memref<1x128x32xf32, #tpu.memory_space<vmem>> -> memref<128x32xf32, #tpu.memory_space<vmem>>
        %get3A_676 = arith.index_cast %scan3A_668 : i32 to index
        %get3A_677 = arith.constant 0 : index
        %get3A_678 = tpu.vector_load %get3A_675[%get3A_676, %get3A_677] {strides = array<i32>} : memref<128x32xf32, #tpu.memory_space<vmem>>, vector<16xf32>,
        %get3A_679 = arith.constant 0 : i32
        %get3A_680 = arith.constant 0 : i32
        %get3A_681 = tpu.memref_slice %arg12[%scan3A_98, %get3A_679, %get3A_680] : memref<8x128x32xf32, #tpu.memory_space<vmem>> -> memref<1x128x32xf32, #tpu.memory_space<vmem>>
        %get3A_682 = tpu.memref_squeeze %get3A_681 : memref<1x128x32xf32, #tpu.memory_space<vmem>> -> memref<128x32xf32, #tpu.memory_space<vmem>>
        %get3A_683 = arith.index_cast %scan3A_668 : i32 to index
        %get3A_684 = arith.constant 0 : index
        %get3A_685 = tpu.vector_load %get3A_682[%get3A_683, %get3A_684] {strides = array<i32>} : memref<128x32xf32, #tpu.memory_space<vmem>>, vector<16xf32>,
        %get3A_686 = arith.index_cast %scan3A_668 : i32 to index
        %get3A_687 = arith.constant 16 : index
        %get3A_688 = tpu.vector_load %arg13[%get3A_686, %get3A_687] {strides = array<i32>} : memref<128x48xf32, #tpu.memory_space<vmem>>, vector<16xf32>,
        %add3A_689 = arith.addf %get3A_678, %get3A_685 : vector<16xf32>
        %mul3A_690 = arith.mulf %get3A_671, %add3A_689 : vector<16xf32>
        %add3A_691 = arith.addf %mul3A_690, %get3A_688 : vector<16xf32>
        %swap3A = arith.constant 0 : i32
        %swap3A_692 = arith.constant 0 : i32
        %swap3A_693 = tpu.memref_slice %arg12[%scan3A_98, %swap3A, %swap3A_692] : memref<8x128x32xf32, #tpu.memory_space<vmem>> -> memref<1x128x32xf32, #tpu.memory_space<vmem>>
        %swap3A_694 = tpu.memref_squeeze %swap3A_693 : memref<1x128x32xf32, #tpu.memory_space<vmem>> -> memref<128x32xf32, #tpu.memory_space<vmem>>
        %swap3A_695 = arith.index_cast %scan3A_668 : i32 to index
        %swap3A_696 = arith.constant 0 : index
        %swap3A_697 = tpu.vector_load %swap3A_694[%swap3A_695, %swap3A_696] {strides = array<i32>} : memref<128x32xf32, #tpu.memory_space<vmem>>, vector<16xf32>,
        tpu.vector_store %swap3A_694[%swap3A_695, %swap3A_696], %add3A_691 {strides = array<i32>} : memref<128x32xf32, #tpu.memory_space<vmem>>, vector<16xf32>,
        %get3A_698 = arith.constant 0 : i32
        %get3A_699 = arith.constant 0 : i32
        %get3A_700 = tpu.memref_slice %arg12[%scan3A_97, %get3A_698, %get3A_699] : memref<8x128x32xf32, #tpu.memory_space<vmem>> -> memref<1x128x32xf32, #tpu.memory_space<vmem>>
        %get3A_701 = tpu.memref_squeeze %get3A_700 : memref<1x128x32xf32, #tpu.memory_space<vmem>> -> memref<128x32xf32, #tpu.memory_space<vmem>>
        %get3A_702 = arith.index_cast %scan3A_668 : i32 to index
        %get3A_703 = arith.constant 16 : index
        %get3A_704 = tpu.vector_load %get3A_701[%get3A_702, %get3A_703] {strides = array<i32>} : memref<128x32xf32, #tpu.memory_space<vmem>>, vector<16xf32>,
        %get3A_705 = arith.constant 0 : i32
        %get3A_706 = arith.constant 0 : i32
        %get3A_707 = tpu.memref_slice %arg12[%scan3A_98, %get3A_705, %get3A_706] : memref<8x128x32xf32, #tpu.memory_space<vmem>> -> memref<1x128x32xf32, #tpu.memory_space<vmem>>
        %get3A_708 = tpu.memref_squeeze %get3A_707 : memref<1x128x32xf32, #tpu.memory_space<vmem>> -> memref<128x32xf32, #tpu.memory_space<vmem>>
        %get3A_709 = arith.index_cast %scan3A_668 : i32 to index
        %get3A_710 = arith.constant 16 : index
        %get3A_711 = tpu.vector_load %get3A_708[%get3A_709, %get3A_710] {strides = array<i32>} : memref<128x32xf32, #tpu.memory_space<vmem>>, vector<16xf32>,
        %get3A_712 = arith.index_cast %scan3A_668 : i32 to index
        %get3A_713 = arith.constant 32 : index
        %get3A_714 = tpu.vector_load %arg13[%get3A_712, %get3A_713] {strides = array<i32>} : memref<128x48xf32, #tpu.memory_space<vmem>>, vector<16xf32>,
        %add3A_715 = arith.addf %get3A_704, %get3A_711 : vector<16xf32>
        %mul3A_716 = arith.mulf %get3A_671, %add3A_715 : vector<16xf32>
        %add3A_717 = arith.addf %mul3A_716, %get3A_714 : vector<16xf32>
        %swap3A_718 = arith.constant 0 : i32
        %swap3A_719 = arith.constant 0 : i32
        %swap3A_720 = tpu.memref_slice %arg12[%scan3A_98, %swap3A_718, %swap3A_719] : memref<8x128x32xf32, #tpu.memory_space<vmem>> -> memref<1x128x32xf32, #tpu.memory_space<vmem>>
        %swap3A_721 = tpu.memref_squeeze %swap3A_720 : memref<1x128x32xf32, #tpu.memory_space<vmem>> -> memref<128x32xf32, #tpu.memory_space<vmem>>
        %swap3A_722 = arith.index_cast %scan3A_668 : i32 to index
        %swap3A_723 = arith.constant 16 : index
        %swap3A_724 = tpu.vector_load %swap3A_721[%swap3A_722, %swap3A_723] {strides = array<i32>} : memref<128x32xf32, #tpu.memory_space<vmem>>, vector<16xf32>,
        tpu.vector_store %swap3A_721[%swap3A_722, %swap3A_723], %add3A_717 {strides = array<i32>} : memref<128x32xf32, #tpu.memory_space<vmem>>, vector<16xf32>,
        %scan3A_725 = arith.constant 0 : i32
        scf.yield %scan3A_725 : i32
      }
      %scan3A_635 = arith.constant 128 : i32
      "tpu.region"() ({
        %run_scoped3A_668 = tpu.sem_alloc : memref<!tpu.dma_semaphore, #tpu.memory_space<semaphore_mem>>
        %dma_start3A_669 = arith.constant 0 : i32
        %dma_start3A_670 = arith.constant 0 : i32
        %dma_start3A_671 = tpu.memref_slice %arg12[%scan3A_98, %dma_start3A_669, %dma_start3A_670] : memref<8x128x32xf32, #tpu.memory_space<vmem>> -> memref<1x128x32xf32, #tpu.memory_space<vmem>>
        %dma_start3A_672 = tpu.memref_squeeze %dma_start3A_671 : memref<1x128x32xf32, #tpu.memory_space<vmem>> -> memref<128x32xf32, #tpu.memory_space<vmem>>
        %dma_start3A_673 = arith.constant 0 : i32
        %dma_start3A_674 = tpu.memref_slice %arg9[%add3A_627, %dma_start3A_673] : memref<10240x32xf32, #tpu.memory_space<vmem_shared>> -> memref<128x32xf32, #tpu.memory_space<vmem_shared>>
        %dma_start3A_675 = arith.constant 0 : i32
        %dma_start3A_676 = tpu.memref_slice %arg9[%add3A_627, %dma_start3A_675] : memref<10240x32xf32, #tpu.memory_space<vmem_shared>> -> memref<128x32xf32, #tpu.memory_space<vmem_shared>>
        %dma_start3A_677 = arith.constant 0 : i32
        %dma_start3A_678 = arith.constant 0 : i32
        %dma_start3A_679 = tpu.memref_slice %arg12[%scan3A_98, %dma_start3A_677, %dma_start3A_678] : memref<8x128x32xf32, #tpu.memory_space<vmem>> -> memref<1x128x32xf32, #tpu.memory_space<vmem>>
        %dma_start3A_680 = tpu.memref_squeeze %dma_start3A_679 : memref<1x128x32xf32, #tpu.memory_space<vmem>> -> memref<128x32xf32, #tpu.memory_space<vmem>>
        tpu.enqueue_dma source(%dma_start3A_680 : memref<128x32xf32, #tpu.memory_space<vmem>>) target(%dma_start3A_676 : memref<128x32xf32, #tpu.memory_space<vmem_shared>>) target_semaphore(%run_scoped3A_668 : memref<!tpu.dma_semaphore, #tpu.memory_space<semaphore_mem>>)
        %dma_wait3A_681 = arith.constant 0 : i32
        %dma_wait3A_682 = arith.constant 0 : i32
        %dma_wait3A_683 = tpu.memref_slice %arg12[%scan3A_98, %dma_wait3A_681, %dma_wait3A_682] : memref<8x128x32xf32, #tpu.memory_space<vmem>> -> memref<1x128x32xf32, #tpu.memory_space<vmem>>
        %dma_wait3A_684 = tpu.memref_squeeze %dma_wait3A_683 : memref<1x128x32xf32, #tpu.memory_space<vmem>> -> memref<128x32xf32, #tpu.memory_space<vmem>>
        %dma_wait3A_685 = arith.constant 0 : i32
        %dma_wait3A_686 = tpu.memref_slice %arg9[%add3A_627, %dma_wait3A_685] : memref<10240x32xf32, #tpu.memory_space<vmem_shared>> -> memref<128x32xf32, #tpu.memory_space<vmem_shared>>
        %dma_wait3A_687 = arith.constant 0 : i32
        %dma_wait3A_688 = tpu.memref_slice %arg9[%add3A_627, %dma_wait3A_687] : memref<10240x32xf32, #tpu.memory_space<vmem_shared>> -> memref<128x32xf32, #tpu.memory_space<vmem_shared>>
        %dma_wait3A_689 = arith.constant 0 : i32
        %dma_wait3A_690 = arith.constant 0 : i32
        %dma_wait3A_691 = tpu.memref_slice %arg12[%scan3A_98, %dma_wait3A_689, %dma_wait3A_690] : memref<8x128x32xf32, #tpu.memory_space<vmem>> -> memref<1x128x32xf32, #tpu.memory_space<vmem>>
        %dma_wait3A_692 = tpu.memref_squeeze %dma_wait3A_691 : memref<1x128x32xf32, #tpu.memory_space<vmem>> -> memref<128x32xf32, #tpu.memory_space<vmem>>
        tpu.wait_dma2 semaphore(%run_scoped3A_668 : memref<!tpu.dma_semaphore, #tpu.memory_space<semaphore_mem>>) src(%dma_wait3A_692 : memref<128x32xf32, #tpu.memory_space<vmem>>) dst(%dma_wait3A_688 : memref<128x32xf32, #tpu.memory_space<vmem_shared>>)
        tpu.yield
      }) : () -> ()
      "tpu.region"() ({
        %run_scoped3A_668 = tpu.sem_alloc : memref<!tpu.dma_semaphore, #tpu.memory_space<semaphore_mem>>
        %dma_start3A_669 = arith.constant 0 : i32
        %dma_start3A_670 = arith.constant 0 : i32
        %dma_start3A_671 = tpu.memref_slice %arg12[%scan3A_96, %dma_start3A_669, %dma_start3A_670] : memref<8x128x32xf32, #tpu.memory_space<vmem>> -> memref<1x128x32xf32, #tpu.memory_space<vmem>>
        %dma_start3A_672 = tpu.memref_squeeze %dma_start3A_671 : memref<1x128x32xf32, #tpu.memory_space<vmem>> -> memref<128x32xf32, #tpu.memory_space<vmem>>
        %dma_start3A_673 = arith.constant 0 : i32
        %dma_start3A_674 = tpu.memref_slice %arg8[%add3A_627, %dma_start3A_673] : memref<10240x32xf32, #tpu.memory_space<vmem_shared>> -> memref<128x32xf32, #tpu.memory_space<vmem_shared>>
        %dma_start3A_675 = arith.constant 0 : i32
        %dma_start3A_676 = tpu.memref_slice %arg8[%add3A_627, %dma_start3A_675] : memref<10240x32xf32, #tpu.memory_space<vmem_shared>> -> memref<128x32xf32, #tpu.memory_space<vmem_shared>>
        %dma_start3A_677 = arith.constant 0 : i32
        %dma_start3A_678 = arith.constant 0 : i32
        %dma_start3A_679 = tpu.memref_slice %arg12[%scan3A_96, %dma_start3A_677, %dma_start3A_678] : memref<8x128x32xf32, #tpu.memory_space<vmem>> -> memref<1x128x32xf32, #tpu.memory_space<vmem>>
        %dma_start3A_680 = tpu.memref_squeeze %dma_start3A_679 : memref<1x128x32xf32, #tpu.memory_space<vmem>> -> memref<128x32xf32, #tpu.memory_space<vmem>>
        tpu.enqueue_dma source(%dma_start3A_680 : memref<128x32xf32, #tpu.memory_space<vmem>>) target(%dma_start3A_676 : memref<128x32xf32, #tpu.memory_space<vmem_shared>>) target_semaphore(%run_scoped3A_668 : memref<!tpu.dma_semaphore, #tpu.memory_space<semaphore_mem>>)
        %dma_wait3A_681 = arith.constant 0 : i32
        %dma_wait3A_682 = arith.constant 0 : i32
        %dma_wait3A_683 = tpu.memref_slice %arg12[%scan3A_96, %dma_wait3A_681, %dma_wait3A_682] : memref<8x128x32xf32, #tpu.memory_space<vmem>> -> memref<1x128x32xf32, #tpu.memory_space<vmem>>
        %dma_wait3A_684 = tpu.memref_squeeze %dma_wait3A_683 : memref<1x128x32xf32, #tpu.memory_space<vmem>> -> memref<128x32xf32, #tpu.memory_space<vmem>>
        %dma_wait3A_685 = arith.constant 0 : i32
        %dma_wait3A_686 = tpu.memref_slice %arg8[%add3A_627, %dma_wait3A_685] : memref<10240x32xf32, #tpu.memory_space<vmem_shared>> -> memref<128x32xf32, #tpu.memory_space<vmem_shared>>
        %dma_wait3A_687 = arith.constant 0 : i32
        %dma_wait3A_688 = tpu.memref_slice %arg8[%add3A_627, %dma_wait3A_687] : memref<10240x32xf32, #tpu.memory_space<vmem_shared>> -> memref<128x32xf32, #tpu.memory_space<vmem_shared>>
        %dma_wait3A_689 = arith.constant 0 : i32
        %dma_wait3A_690 = arith.constant 0 : i32
        %dma_wait3A_691 = tpu.memref_slice %arg12[%scan3A_96, %dma_wait3A_689, %dma_wait3A_690] : memref<8x128x32xf32, #tpu.memory_space<vmem>> -> memref<1x128x32xf32, #tpu.memory_space<vmem>>
        %dma_wait3A_692 = tpu.memref_squeeze %dma_wait3A_691 : memref<1x128x32xf32, #tpu.memory_space<vmem>> -> memref<128x32xf32, #tpu.memory_space<vmem>>
        tpu.wait_dma2 semaphore(%run_scoped3A_668 : memref<!tpu.dma_semaphore, #tpu.memory_space<semaphore_mem>>) src(%dma_wait3A_692 : memref<128x32xf32, #tpu.memory_space<vmem>>) dst(%dma_wait3A_688 : memref<128x32xf32, #tpu.memory_space<vmem_shared>>)
        tpu.yield
      }) : () -> ()
      %add3A_636 = arith.constant 256 : i32
      %add3A_637 = arith.addi %mul3A_0, %add3A_636 : i32
      "tpu.region"() ({
        %run_scoped3A_668 = tpu.sem_alloc : memref<!tpu.dma_semaphore, #tpu.memory_space<semaphore_mem>>
        %dma_start3A_669 = arith.constant 0 : i32
        %dma_start3A_670 = arith.constant 0 : i32
        %dma_start3A_671 = tpu.memref_slice %arg12[%scan3A_97, %dma_start3A_669, %dma_start3A_670] : memref<8x128x32xf32, #tpu.memory_space<vmem>> -> memref<1x128x32xf32, #tpu.memory_space<vmem>>
        %dma_start3A_672 = tpu.memref_squeeze %dma_start3A_671 : memref<1x128x32xf32, #tpu.memory_space<vmem>> -> memref<128x32xf32, #tpu.memory_space<vmem>>
        %dma_start3A_673 = arith.constant 0 : i32
        %dma_start3A_674 = tpu.memref_slice %arg8[%add3A_637, %dma_start3A_673] : memref<10240x32xf32, #tpu.memory_space<vmem_shared>> -> memref<128x32xf32, #tpu.memory_space<vmem_shared>>
        %dma_start3A_675 = arith.constant 0 : i32
        %dma_start3A_676 = arith.constant 0 : i32
        %dma_start3A_677 = tpu.memref_slice %arg12[%scan3A_97, %dma_start3A_675, %dma_start3A_676] : memref<8x128x32xf32, #tpu.memory_space<vmem>> -> memref<1x128x32xf32, #tpu.memory_space<vmem>>
        %dma_start3A_678 = tpu.memref_squeeze %dma_start3A_677 : memref<1x128x32xf32, #tpu.memory_space<vmem>> -> memref<128x32xf32, #tpu.memory_space<vmem>>
        %dma_start3A_679 = arith.constant 0 : i32
        %dma_start3A_680 = tpu.memref_slice %arg8[%add3A_637, %dma_start3A_679] : memref<10240x32xf32, #tpu.memory_space<vmem_shared>> -> memref<128x32xf32, #tpu.memory_space<vmem_shared>>
        tpu.enqueue_dma source(%dma_start3A_680 : memref<128x32xf32, #tpu.memory_space<vmem_shared>>) target(%dma_start3A_678 : memref<128x32xf32, #tpu.memory_space<vmem>>) target_semaphore(%run_scoped3A_668 : memref<!tpu.dma_semaphore, #tpu.memory_space<semaphore_mem>>)
        %dma_wait3A_681 = arith.constant 0 : i32
        %dma_wait3A_682 = arith.constant 0 : i32
        %dma_wait3A_683 = tpu.memref_slice %arg12[%scan3A_97, %dma_wait3A_681, %dma_wait3A_682] : memref<8x128x32xf32, #tpu.memory_space<vmem>> -> memref<1x128x32xf32, #tpu.memory_space<vmem>>
        %dma_wait3A_684 = tpu.memref_squeeze %dma_wait3A_683 : memref<1x128x32xf32, #tpu.memory_space<vmem>> -> memref<128x32xf32, #tpu.memory_space<vmem>>
        %dma_wait3A_685 = arith.constant 0 : i32
        %dma_wait3A_686 = tpu.memref_slice %arg8[%add3A_637, %dma_wait3A_685] : memref<10240x32xf32, #tpu.memory_space<vmem_shared>> -> memref<128x32xf32, #tpu.memory_space<vmem_shared>>
        %dma_wait3A_687 = arith.constant 0 : i32
        %dma_wait3A_688 = arith.constant 0 : i32
        %dma_wait3A_689 = tpu.memref_slice %arg12[%scan3A_97, %dma_wait3A_687, %dma_wait3A_688] : memref<8x128x32xf32, #tpu.memory_space<vmem>> -> memref<1x128x32xf32, #tpu.memory_space<vmem>>
        %dma_wait3A_690 = tpu.memref_squeeze %dma_wait3A_689 : memref<1x128x32xf32, #tpu.memory_space<vmem>> -> memref<128x32xf32, #tpu.memory_space<vmem>>
        %dma_wait3A_691 = arith.constant 0 : i32
        %dma_wait3A_692 = tpu.memref_slice %arg8[%add3A_637, %dma_wait3A_691] : memref<10240x32xf32, #tpu.memory_space<vmem_shared>> -> memref<128x32xf32, #tpu.memory_space<vmem_shared>>
        tpu.wait_dma2 semaphore(%run_scoped3A_668 : memref<!tpu.dma_semaphore, #tpu.memory_space<semaphore_mem>>) src(%dma_wait3A_692 : memref<128x32xf32, #tpu.memory_space<vmem_shared>>) dst(%dma_wait3A_690 : memref<128x32xf32, #tpu.memory_space<vmem>>)
        tpu.yield
      }) : () -> ()
      "tpu.region"() ({
        %run_scoped3A_668 = tpu.sem_alloc : memref<!tpu.dma_semaphore, #tpu.memory_space<semaphore_mem>>
        %dma_start3A_669 = arith.constant 0 : i32
        %dma_start3A_670 = arith.constant 0 : i32
        %dma_start3A_671 = tpu.memref_slice %arg12[%scan3A_98, %dma_start3A_669, %dma_start3A_670] : memref<8x128x32xf32, #tpu.memory_space<vmem>> -> memref<1x128x32xf32, #tpu.memory_space<vmem>>
        %dma_start3A_672 = tpu.memref_squeeze %dma_start3A_671 : memref<1x128x32xf32, #tpu.memory_space<vmem>> -> memref<128x32xf32, #tpu.memory_space<vmem>>
        %dma_start3A_673 = arith.constant 0 : i32
        %dma_start3A_674 = tpu.memref_slice %arg9[%add3A_637, %dma_start3A_673] : memref<10240x32xf32, #tpu.memory_space<vmem_shared>> -> memref<128x32xf32, #tpu.memory_space<vmem_shared>>
        %dma_start3A_675 = arith.constant 0 : i32
        %dma_start3A_676 = arith.constant 0 : i32
        %dma_start3A_677 = tpu.memref_slice %arg12[%scan3A_98, %dma_start3A_675, %dma_start3A_676] : memref<8x128x32xf32, #tpu.memory_space<vmem>> -> memref<1x128x32xf32, #tpu.memory_space<vmem>>
        %dma_start3A_678 = tpu.memref_squeeze %dma_start3A_677 : memref<1x128x32xf32, #tpu.memory_space<vmem>> -> memref<128x32xf32, #tpu.memory_space<vmem>>
        %dma_start3A_679 = arith.constant 0 : i32
        %dma_start3A_680 = tpu.memref_slice %arg9[%add3A_637, %dma_start3A_679] : memref<10240x32xf32, #tpu.memory_space<vmem_shared>> -> memref<128x32xf32, #tpu.memory_space<vmem_shared>>
        tpu.enqueue_dma source(%dma_start3A_680 : memref<128x32xf32, #tpu.memory_space<vmem_shared>>) target(%dma_start3A_678 : memref<128x32xf32, #tpu.memory_space<vmem>>) target_semaphore(%run_scoped3A_668 : memref<!tpu.dma_semaphore, #tpu.memory_space<semaphore_mem>>)
        %dma_wait3A_681 = arith.constant 0 : i32
        %dma_wait3A_682 = arith.constant 0 : i32
        %dma_wait3A_683 = tpu.memref_slice %arg12[%scan3A_98, %dma_wait3A_681, %dma_wait3A_682] : memref<8x128x32xf32, #tpu.memory_space<vmem>> -> memref<1x128x32xf32, #tpu.memory_space<vmem>>
        %dma_wait3A_684 = tpu.memref_squeeze %dma_wait3A_683 : memref<1x128x32xf32, #tpu.memory_space<vmem>> -> memref<128x32xf32, #tpu.memory_space<vmem>>
        %dma_wait3A_685 = arith.constant 0 : i32
        %dma_wait3A_686 = tpu.memref_slice %arg9[%add3A_637, %dma_wait3A_685] : memref<10240x32xf32, #tpu.memory_space<vmem_shared>> -> memref<128x32xf32, #tpu.memory_space<vmem_shared>>
        %dma_wait3A_687 = arith.constant 0 : i32
        %dma_wait3A_688 = arith.constant 0 : i32
        %dma_wait3A_689 = tpu.memref_slice %arg12[%scan3A_98, %dma_wait3A_687, %dma_wait3A_688] : memref<8x128x32xf32, #tpu.memory_space<vmem>> -> memref<1x128x32xf32, #tpu.memory_space<vmem>>
        %dma_wait3A_690 = tpu.memref_squeeze %dma_wait3A_689 : memref<1x128x32xf32, #tpu.memory_space<vmem>> -> memref<128x32xf32, #tpu.memory_space<vmem>>
        %dma_wait3A_691 = arith.constant 0 : i32
        %dma_wait3A_692 = tpu.memref_slice %arg9[%add3A_637, %dma_wait3A_691] : memref<10240x32xf32, #tpu.memory_space<vmem_shared>> -> memref<128x32xf32, #tpu.memory_space<vmem_shared>>
        tpu.wait_dma2 semaphore(%run_scoped3A_668 : memref<!tpu.dma_semaphore, #tpu.memory_space<semaphore_mem>>) src(%dma_wait3A_692 : memref<128x32xf32, #tpu.memory_space<vmem_shared>>) dst(%dma_wait3A_690 : memref<128x32xf32, #tpu.memory_space<vmem>>)
        tpu.yield
      }) : () -> ()
      %add3A_638 = arith.addi %mul3A_2, %add3A_637 : i32
      "tpu.region"() ({
        %run_scoped3A_668 = tpu.sem_alloc : memref<!tpu.dma_semaphore, #tpu.memory_space<semaphore_mem>>
        %dma_start3A_669 = arith.constant 0 : i32
        %dma_start3A_670 = tpu.memref_slice %arg7[%add3A_638, %dma_start3A_669] : memref<20480x48xf32, #tpu.memory_space<hbm>> -> memref<128x48xf32, #tpu.memory_space<hbm>>
        %dma_start3A_671 = arith.constant 0 : i32
        %dma_start3A_672 = tpu.memref_slice %arg7[%add3A_638, %dma_start3A_671] : memref<20480x48xf32, #tpu.memory_space<hbm>> -> memref<128x48xf32, #tpu.memory_space<hbm>>
        tpu.enqueue_dma source(%dma_start3A_672 : memref<128x48xf32, #tpu.memory_space<hbm>>) target(%arg13 : memref<128x48xf32, #tpu.memory_space<vmem>>) target_semaphore(%run_scoped3A_668 : memref<!tpu.dma_semaphore, #tpu.memory_space<semaphore_mem>>)
        %dma_wait3A_673 = arith.constant 0 : i32
        %dma_wait3A_674 = tpu.memref_slice %arg7[%add3A_638, %dma_wait3A_673] : memref<20480x48xf32, #tpu.memory_space<hbm>> -> memref<128x48xf32, #tpu.memory_space<hbm>>
        %dma_wait3A_675 = arith.constant 0 : i32
        %dma_wait3A_676 = tpu.memref_slice %arg7[%add3A_638, %dma_wait3A_675] : memref<20480x48xf32, #tpu.memory_space<hbm>> -> memref<128x48xf32, #tpu.memory_space<hbm>>
        tpu.wait_dma2 semaphore(%run_scoped3A_668 : memref<!tpu.dma_semaphore, #tpu.memory_space<semaphore_mem>>) src(%dma_wait3A_676 : memref<128x48xf32, #tpu.memory_space<hbm>>) dst(%arg13 : memref<128x48xf32, #tpu.memory_space<vmem>>)
        tpu.yield
      }) : () -> ()
      %scan3A_639 = arith.constant 0 : i32
      %scan3A_640 = arith.constant 0 : i32
      %scan3A_641 = arith.constant 128 : i32
      %scan3A_642 = arith.addi %scan3A_640, %scan3A_641 : i32
      %scan3A_643 = arith.constant 1 : i32
      %scan3A_644 = scf.for %scan3A_668 = %scan3A_640 to %scan3A_642 step %scan3A_643 iter_args(%scan3A_669 = %scan3A_639) -> (i32)  : i32 {
        %get3A = arith.index_cast %scan3A_668 : i32 to index
        %get3A_670 = arith.constant 0 : index
        %get3A_671 = tpu.vector_load %arg13[%get3A, %get3A_670] {strides = array<i32>} : memref<128x48xf32, #tpu.memory_space<vmem>>, vector<16xf32>,
        %get3A_672 = arith.constant 0 : i32
        %get3A_673 = arith.constant 0 : i32
        %get3A_674 = tpu.memref_slice %arg12[%scan3A_97, %get3A_672, %get3A_673] : memref<8x128x32xf32, #tpu.memory_space<vmem>> -> memref<1x128x32xf32, #tpu.memory_space<vmem>>
        %get3A_675 = tpu.memref_squeeze %get3A_674 : memref<1x128x32xf32, #tpu.memory_space<vmem>> -> memref<128x32xf32, #tpu.memory_space<vmem>>
        %get3A_676 = arith.index_cast %scan3A_668 : i32 to index
        %get3A_677 = arith.constant 0 : index
        %get3A_678 = tpu.vector_load %get3A_675[%get3A_676, %get3A_677] {strides = array<i32>} : memref<128x32xf32, #tpu.memory_space<vmem>>, vector<16xf32>,
        %get3A_679 = arith.constant 0 : i32
        %get3A_680 = arith.constant 0 : i32
        %get3A_681 = tpu.memref_slice %arg12[%scan3A_98, %get3A_679, %get3A_680] : memref<8x128x32xf32, #tpu.memory_space<vmem>> -> memref<1x128x32xf32, #tpu.memory_space<vmem>>
        %get3A_682 = tpu.memref_squeeze %get3A_681 : memref<1x128x32xf32, #tpu.memory_space<vmem>> -> memref<128x32xf32, #tpu.memory_space<vmem>>
        %get3A_683 = arith.index_cast %scan3A_668 : i32 to index
        %get3A_684 = arith.constant 0 : index
        %get3A_685 = tpu.vector_load %get3A_682[%get3A_683, %get3A_684] {strides = array<i32>} : memref<128x32xf32, #tpu.memory_space<vmem>>, vector<16xf32>,
        %get3A_686 = arith.index_cast %scan3A_668 : i32 to index
        %get3A_687 = arith.constant 16 : index
        %get3A_688 = tpu.vector_load %arg13[%get3A_686, %get3A_687] {strides = array<i32>} : memref<128x48xf32, #tpu.memory_space<vmem>>, vector<16xf32>,
        %add3A_689 = arith.addf %get3A_678, %get3A_685 : vector<16xf32>
        %mul3A_690 = arith.mulf %get3A_671, %add3A_689 : vector<16xf32>
        %add3A_691 = arith.addf %mul3A_690, %get3A_688 : vector<16xf32>
        %swap3A = arith.constant 0 : i32
        %swap3A_692 = arith.constant 0 : i32
        %swap3A_693 = tpu.memref_slice %arg12[%scan3A_98, %swap3A, %swap3A_692] : memref<8x128x32xf32, #tpu.memory_space<vmem>> -> memref<1x128x32xf32, #tpu.memory_space<vmem>>
        %swap3A_694 = tpu.memref_squeeze %swap3A_693 : memref<1x128x32xf32, #tpu.memory_space<vmem>> -> memref<128x32xf32, #tpu.memory_space<vmem>>
        %swap3A_695 = arith.index_cast %scan3A_668 : i32 to index
        %swap3A_696 = arith.constant 0 : index
        %swap3A_697 = tpu.vector_load %swap3A_694[%swap3A_695, %swap3A_696] {strides = array<i32>} : memref<128x32xf32, #tpu.memory_space<vmem>>, vector<16xf32>,
        tpu.vector_store %swap3A_694[%swap3A_695, %swap3A_696], %add3A_691 {strides = array<i32>} : memref<128x32xf32, #tpu.memory_space<vmem>>, vector<16xf32>,
        %get3A_698 = arith.constant 0 : i32
        %get3A_699 = arith.constant 0 : i32
        %get3A_700 = tpu.memref_slice %arg12[%scan3A_97, %get3A_698, %get3A_699] : memref<8x128x32xf32, #tpu.memory_space<vmem>> -> memref<1x128x32xf32, #tpu.memory_space<vmem>>
        %get3A_701 = tpu.memref_squeeze %get3A_700 : memref<1x128x32xf32, #tpu.memory_space<vmem>> -> memref<128x32xf32, #tpu.memory_space<vmem>>
        %get3A_702 = arith.index_cast %scan3A_668 : i32 to index
        %get3A_703 = arith.constant 16 : index
        %get3A_704 = tpu.vector_load %get3A_701[%get3A_702, %get3A_703] {strides = array<i32>} : memref<128x32xf32, #tpu.memory_space<vmem>>, vector<16xf32>,
        %get3A_705 = arith.constant 0 : i32
        %get3A_706 = arith.constant 0 : i32
        %get3A_707 = tpu.memref_slice %arg12[%scan3A_98, %get3A_705, %get3A_706] : memref<8x128x32xf32, #tpu.memory_space<vmem>> -> memref<1x128x32xf32, #tpu.memory_space<vmem>>
        %get3A_708 = tpu.memref_squeeze %get3A_707 : memref<1x128x32xf32, #tpu.memory_space<vmem>> -> memref<128x32xf32, #tpu.memory_space<vmem>>
        %get3A_709 = arith.index_cast %scan3A_668 : i32 to index
        %get3A_710 = arith.constant 16 : index
        %get3A_711 = tpu.vector_load %get3A_708[%get3A_709, %get3A_710] {strides = array<i32>} : memref<128x32xf32, #tpu.memory_space<vmem>>, vector<16xf32>,
        %get3A_712 = arith.index_cast %scan3A_668 : i32 to index
        %get3A_713 = arith.constant 32 : index
        %get3A_714 = tpu.vector_load %arg13[%get3A_712, %get3A_713] {strides = array<i32>} : memref<128x48xf32, #tpu.memory_space<vmem>>, vector<16xf32>,
        %add3A_715 = arith.addf %get3A_704, %get3A_711 : vector<16xf32>
        %mul3A_716 = arith.mulf %get3A_671, %add3A_715 : vector<16xf32>
        %add3A_717 = arith.addf %mul3A_716, %get3A_714 : vector<16xf32>
        %swap3A_718 = arith.constant 0 : i32
        %swap3A_719 = arith.constant 0 : i32
        %swap3A_720 = tpu.memref_slice %arg12[%scan3A_98, %swap3A_718, %swap3A_719] : memref<8x128x32xf32, #tpu.memory_space<vmem>> -> memref<1x128x32xf32, #tpu.memory_space<vmem>>
        %swap3A_721 = tpu.memref_squeeze %swap3A_720 : memref<1x128x32xf32, #tpu.memory_space<vmem>> -> memref<128x32xf32, #tpu.memory_space<vmem>>
        %swap3A_722 = arith.index_cast %scan3A_668 : i32 to index
        %swap3A_723 = arith.constant 16 : index
        %swap3A_724 = tpu.vector_load %swap3A_721[%swap3A_722, %swap3A_723] {strides = array<i32>} : memref<128x32xf32, #tpu.memory_space<vmem>>, vector<16xf32>,
        tpu.vector_store %swap3A_721[%swap3A_722, %swap3A_723], %add3A_717 {strides = array<i32>} : memref<128x32xf32, #tpu.memory_space<vmem>>, vector<16xf32>,
        %scan3A_725 = arith.constant 0 : i32
        scf.yield %scan3A_725 : i32
      }
      %scan3A_645 = arith.constant 128 : i32
      "tpu.region"() ({
        %run_scoped3A_668 = tpu.sem_alloc : memref<!tpu.dma_semaphore, #tpu.memory_space<semaphore_mem>>
        %dma_start3A_669 = arith.constant 0 : i32
        %dma_start3A_670 = arith.constant 0 : i32
        %dma_start3A_671 = tpu.memref_slice %arg12[%scan3A_98, %dma_start3A_669, %dma_start3A_670] : memref<8x128x32xf32, #tpu.memory_space<vmem>> -> memref<1x128x32xf32, #tpu.memory_space<vmem>>
        %dma_start3A_672 = tpu.memref_squeeze %dma_start3A_671 : memref<1x128x32xf32, #tpu.memory_space<vmem>> -> memref<128x32xf32, #tpu.memory_space<vmem>>
        %dma_start3A_673 = arith.constant 0 : i32
        %dma_start3A_674 = tpu.memref_slice %arg9[%add3A_637, %dma_start3A_673] : memref<10240x32xf32, #tpu.memory_space<vmem_shared>> -> memref<128x32xf32, #tpu.memory_space<vmem_shared>>
        %dma_start3A_675 = arith.constant 0 : i32
        %dma_start3A_676 = tpu.memref_slice %arg9[%add3A_637, %dma_start3A_675] : memref<10240x32xf32, #tpu.memory_space<vmem_shared>> -> memref<128x32xf32, #tpu.memory_space<vmem_shared>>
        %dma_start3A_677 = arith.constant 0 : i32
        %dma_start3A_678 = arith.constant 0 : i32
        %dma_start3A_679 = tpu.memref_slice %arg12[%scan3A_98, %dma_start3A_677, %dma_start3A_678] : memref<8x128x32xf32, #tpu.memory_space<vmem>> -> memref<1x128x32xf32, #tpu.memory_space<vmem>>
        %dma_start3A_680 = tpu.memref_squeeze %dma_start3A_679 : memref<1x128x32xf32, #tpu.memory_space<vmem>> -> memref<128x32xf32, #tpu.memory_space<vmem>>
        tpu.enqueue_dma source(%dma_start3A_680 : memref<128x32xf32, #tpu.memory_space<vmem>>) target(%dma_start3A_676 : memref<128x32xf32, #tpu.memory_space<vmem_shared>>) target_semaphore(%run_scoped3A_668 : memref<!tpu.dma_semaphore, #tpu.memory_space<semaphore_mem>>)
        %dma_wait3A_681 = arith.constant 0 : i32
        %dma_wait3A_682 = arith.constant 0 : i32
        %dma_wait3A_683 = tpu.memref_slice %arg12[%scan3A_98, %dma_wait3A_681, %dma_wait3A_682] : memref<8x128x32xf32, #tpu.memory_space<vmem>> -> memref<1x128x32xf32, #tpu.memory_space<vmem>>
        %dma_wait3A_684 = tpu.memref_squeeze %dma_wait3A_683 : memref<1x128x32xf32, #tpu.memory_space<vmem>> -> memref<128x32xf32, #tpu.memory_space<vmem>>
        %dma_wait3A_685 = arith.constant 0 : i32
        %dma_wait3A_686 = tpu.memref_slice %arg9[%add3A_637, %dma_wait3A_685] : memref<10240x32xf32, #tpu.memory_space<vmem_shared>> -> memref<128x32xf32, #tpu.memory_space<vmem_shared>>
        %dma_wait3A_687 = arith.constant 0 : i32
        %dma_wait3A_688 = tpu.memref_slice %arg9[%add3A_637, %dma_wait3A_687] : memref<10240x32xf32, #tpu.memory_space<vmem_shared>> -> memref<128x32xf32, #tpu.memory_space<vmem_shared>>
        %dma_wait3A_689 = arith.constant 0 : i32
        %dma_wait3A_690 = arith.constant 0 : i32
        %dma_wait3A_691 = tpu.memref_slice %arg12[%scan3A_98, %dma_wait3A_689, %dma_wait3A_690] : memref<8x128x32xf32, #tpu.memory_space<vmem>> -> memref<1x128x32xf32, #tpu.memory_space<vmem>>
        %dma_wait3A_692 = tpu.memref_squeeze %dma_wait3A_691 : memref<1x128x32xf32, #tpu.memory_space<vmem>> -> memref<128x32xf32, #tpu.memory_space<vmem>>
        tpu.wait_dma2 semaphore(%run_scoped3A_668 : memref<!tpu.dma_semaphore, #tpu.memory_space<semaphore_mem>>) src(%dma_wait3A_692 : memref<128x32xf32, #tpu.memory_space<vmem>>) dst(%dma_wait3A_688 : memref<128x32xf32, #tpu.memory_space<vmem_shared>>)
        tpu.yield
      }) : () -> ()
      "tpu.region"() ({
        %run_scoped3A_668 = tpu.sem_alloc : memref<!tpu.dma_semaphore, #tpu.memory_space<semaphore_mem>>
        %dma_start3A_669 = arith.constant 0 : i32
        %dma_start3A_670 = arith.constant 0 : i32
        %dma_start3A_671 = tpu.memref_slice %arg12[%scan3A_96, %dma_start3A_669, %dma_start3A_670] : memref<8x128x32xf32, #tpu.memory_space<vmem>> -> memref<1x128x32xf32, #tpu.memory_space<vmem>>
        %dma_start3A_672 = tpu.memref_squeeze %dma_start3A_671 : memref<1x128x32xf32, #tpu.memory_space<vmem>> -> memref<128x32xf32, #tpu.memory_space<vmem>>
        %dma_start3A_673 = arith.constant 0 : i32
        %dma_start3A_674 = tpu.memref_slice %arg8[%add3A_637, %dma_start3A_673] : memref<10240x32xf32, #tpu.memory_space<vmem_shared>> -> memref<128x32xf32, #tpu.memory_space<vmem_shared>>
        %dma_start3A_675 = arith.constant 0 : i32
        %dma_start3A_676 = tpu.memref_slice %arg8[%add3A_637, %dma_start3A_675] : memref<10240x32xf32, #tpu.memory_space<vmem_shared>> -> memref<128x32xf32, #tpu.memory_space<vmem_shared>>
        %dma_start3A_677 = arith.constant 0 : i32
        %dma_start3A_678 = arith.constant 0 : i32
        %dma_start3A_679 = tpu.memref_slice %arg12[%scan3A_96, %dma_start3A_677, %dma_start3A_678] : memref<8x128x32xf32, #tpu.memory_space<vmem>> -> memref<1x128x32xf32, #tpu.memory_space<vmem>>
        %dma_start3A_680 = tpu.memref_squeeze %dma_start3A_679 : memref<1x128x32xf32, #tpu.memory_space<vmem>> -> memref<128x32xf32, #tpu.memory_space<vmem>>
        tpu.enqueue_dma source(%dma_start3A_680 : memref<128x32xf32, #tpu.memory_space<vmem>>) target(%dma_start3A_676 : memref<128x32xf32, #tpu.memory_space<vmem_shared>>) target_semaphore(%run_scoped3A_668 : memref<!tpu.dma_semaphore, #tpu.memory_space<semaphore_mem>>)
        %dma_wait3A_681 = arith.constant 0 : i32
        %dma_wait3A_682 = arith.constant 0 : i32
        %dma_wait3A_683 = tpu.memref_slice %arg12[%scan3A_96, %dma_wait3A_681, %dma_wait3A_682] : memref<8x128x32xf32, #tpu.memory_space<vmem>> -> memref<1x128x32xf32, #tpu.memory_space<vmem>>
        %dma_wait3A_684 = tpu.memref_squeeze %dma_wait3A_683 : memref<1x128x32xf32, #tpu.memory_space<vmem>> -> memref<128x32xf32, #tpu.memory_space<vmem>>
        %dma_wait3A_685 = arith.constant 0 : i32
        %dma_wait3A_686 = tpu.memref_slice %arg8[%add3A_637, %dma_wait3A_685] : memref<10240x32xf32, #tpu.memory_space<vmem_shared>> -> memref<128x32xf32, #tpu.memory_space<vmem_shared>>
        %dma_wait3A_687 = arith.constant 0 : i32
        %dma_wait3A_688 = tpu.memref_slice %arg8[%add3A_637, %dma_wait3A_687] : memref<10240x32xf32, #tpu.memory_space<vmem_shared>> -> memref<128x32xf32, #tpu.memory_space<vmem_shared>>
        %dma_wait3A_689 = arith.constant 0 : i32
        %dma_wait3A_690 = arith.constant 0 : i32
        %dma_wait3A_691 = tpu.memref_slice %arg12[%scan3A_96, %dma_wait3A_689, %dma_wait3A_690] : memref<8x128x32xf32, #tpu.memory_space<vmem>> -> memref<1x128x32xf32, #tpu.memory_space<vmem>>
        %dma_wait3A_692 = tpu.memref_squeeze %dma_wait3A_691 : memref<1x128x32xf32, #tpu.memory_space<vmem>> -> memref<128x32xf32, #tpu.memory_space<vmem>>
        tpu.wait_dma2 semaphore(%run_scoped3A_668 : memref<!tpu.dma_semaphore, #tpu.memory_space<semaphore_mem>>) src(%dma_wait3A_692 : memref<128x32xf32, #tpu.memory_space<vmem>>) dst(%dma_wait3A_688 : memref<128x32xf32, #tpu.memory_space<vmem_shared>>)
        tpu.yield
      }) : () -> ()
      %add3A_646 = arith.constant 384 : i32
      %add3A_647 = arith.addi %mul3A_0, %add3A_646 : i32
      "tpu.region"() ({
        %run_scoped3A_668 = tpu.sem_alloc : memref<!tpu.dma_semaphore, #tpu.memory_space<semaphore_mem>>
        %dma_start3A_669 = arith.constant 0 : i32
        %dma_start3A_670 = arith.constant 0 : i32
        %dma_start3A_671 = tpu.memref_slice %arg12[%scan3A_97, %dma_start3A_669, %dma_start3A_670] : memref<8x128x32xf32, #tpu.memory_space<vmem>> -> memref<1x128x32xf32, #tpu.memory_space<vmem>>
        %dma_start3A_672 = tpu.memref_squeeze %dma_start3A_671 : memref<1x128x32xf32, #tpu.memory_space<vmem>> -> memref<128x32xf32, #tpu.memory_space<vmem>>
        %dma_start3A_673 = arith.constant 0 : i32
        %dma_start3A_674 = tpu.memref_slice %arg8[%add3A_647, %dma_start3A_673] : memref<10240x32xf32, #tpu.memory_space<vmem_shared>> -> memref<128x32xf32, #tpu.memory_space<vmem_shared>>
        %dma_start3A_675 = arith.constant 0 : i32
        %dma_start3A_676 = arith.constant 0 : i32
        %dma_start3A_677 = tpu.memref_slice %arg12[%scan3A_97, %dma_start3A_675, %dma_start3A_676] : memref<8x128x32xf32, #tpu.memory_space<vmem>> -> memref<1x128x32xf32, #tpu.memory_space<vmem>>
        %dma_start3A_678 = tpu.memref_squeeze %dma_start3A_677 : memref<1x128x32xf32, #tpu.memory_space<vmem>> -> memref<128x32xf32, #tpu.memory_space<vmem>>
        %dma_start3A_679 = arith.constant 0 : i32
        %dma_start3A_680 = tpu.memref_slice %arg8[%add3A_647, %dma_start3A_679] : memref<10240x32xf32, #tpu.memory_space<vmem_shared>> -> memref<128x32xf32, #tpu.memory_space<vmem_shared>>
        tpu.enqueue_dma source(%dma_start3A_680 : memref<128x32xf32, #tpu.memory_space<vmem_shared>>) target(%dma_start3A_678 : memref<128x32xf32, #tpu.memory_space<vmem>>) target_semaphore(%run_scoped3A_668 : memref<!tpu.dma_semaphore, #tpu.memory_space<semaphore_mem>>)
        %dma_wait3A_681 = arith.constant 0 : i32
        %dma_wait3A_682 = arith.constant 0 : i32
        %dma_wait3A_683 = tpu.memref_slice %arg12[%scan3A_97, %dma_wait3A_681, %dma_wait3A_682] : memref<8x128x32xf32, #tpu.memory_space<vmem>> -> memref<1x128x32xf32, #tpu.memory_space<vmem>>
        %dma_wait3A_684 = tpu.memref_squeeze %dma_wait3A_683 : memref<1x128x32xf32, #tpu.memory_space<vmem>> -> memref<128x32xf32, #tpu.memory_space<vmem>>
        %dma_wait3A_685 = arith.constant 0 : i32
        %dma_wait3A_686 = tpu.memref_slice %arg8[%add3A_647, %dma_wait3A_685] : memref<10240x32xf32, #tpu.memory_space<vmem_shared>> -> memref<128x32xf32, #tpu.memory_space<vmem_shared>>
        %dma_wait3A_687 = arith.constant 0 : i32
        %dma_wait3A_688 = arith.constant 0 : i32
        %dma_wait3A_689 = tpu.memref_slice %arg12[%scan3A_97, %dma_wait3A_687, %dma_wait3A_688] : memref<8x128x32xf32, #tpu.memory_space<vmem>> -> memref<1x128x32xf32, #tpu.memory_space<vmem>>
        %dma_wait3A_690 = tpu.memref_squeeze %dma_wait3A_689 : memref<1x128x32xf32, #tpu.memory_space<vmem>> -> memref<128x32xf32, #tpu.memory_space<vmem>>
        %dma_wait3A_691 = arith.constant 0 : i32
        %dma_wait3A_692 = tpu.memref_slice %arg8[%add3A_647, %dma_wait3A_691] : memref<10240x32xf32, #tpu.memory_space<vmem_shared>> -> memref<128x32xf32, #tpu.memory_space<vmem_shared>>
        tpu.wait_dma2 semaphore(%run_scoped3A_668 : memref<!tpu.dma_semaphore, #tpu.memory_space<semaphore_mem>>) src(%dma_wait3A_692 : memref<128x32xf32, #tpu.memory_space<vmem_shared>>) dst(%dma_wait3A_690 : memref<128x32xf32, #tpu.memory_space<vmem>>)
        tpu.yield
      }) : () -> ()
      "tpu.region"() ({
        %run_scoped3A_668 = tpu.sem_alloc : memref<!tpu.dma_semaphore, #tpu.memory_space<semaphore_mem>>
        %dma_start3A_669 = arith.constant 0 : i32
        %dma_start3A_670 = arith.constant 0 : i32
        %dma_start3A_671 = tpu.memref_slice %arg12[%scan3A_98, %dma_start3A_669, %dma_start3A_670] : memref<8x128x32xf32, #tpu.memory_space<vmem>> -> memref<1x128x32xf32, #tpu.memory_space<vmem>>
        %dma_start3A_672 = tpu.memref_squeeze %dma_start3A_671 : memref<1x128x32xf32, #tpu.memory_space<vmem>> -> memref<128x32xf32, #tpu.memory_space<vmem>>
        %dma_start3A_673 = arith.constant 0 : i32
        %dma_start3A_674 = tpu.memref_slice %arg9[%add3A_647, %dma_start3A_673] : memref<10240x32xf32, #tpu.memory_space<vmem_shared>> -> memref<128x32xf32, #tpu.memory_space<vmem_shared>>
        %dma_start3A_675 = arith.constant 0 : i32
        %dma_start3A_676 = arith.constant 0 : i32
        %dma_start3A_677 = tpu.memref_slice %arg12[%scan3A_98, %dma_start3A_675, %dma_start3A_676] : memref<8x128x32xf32, #tpu.memory_space<vmem>> -> memref<1x128x32xf32, #tpu.memory_space<vmem>>
        %dma_start3A_678 = tpu.memref_squeeze %dma_start3A_677 : memref<1x128x32xf32, #tpu.memory_space<vmem>> -> memref<128x32xf32, #tpu.memory_space<vmem>>
        %dma_start3A_679 = arith.constant 0 : i32
        %dma_start3A_680 = tpu.memref_slice %arg9[%add3A_647, %dma_start3A_679] : memref<10240x32xf32, #tpu.memory_space<vmem_shared>> -> memref<128x32xf32, #tpu.memory_space<vmem_shared>>
        tpu.enqueue_dma source(%dma_start3A_680 : memref<128x32xf32, #tpu.memory_space<vmem_shared>>) target(%dma_start3A_678 : memref<128x32xf32, #tpu.memory_space<vmem>>) target_semaphore(%run_scoped3A_668 : memref<!tpu.dma_semaphore, #tpu.memory_space<semaphore_mem>>)
        %dma_wait3A_681 = arith.constant 0 : i32
        %dma_wait3A_682 = arith.constant 0 : i32
        %dma_wait3A_683 = tpu.memref_slice %arg12[%scan3A_98, %dma_wait3A_681, %dma_wait3A_682] : memref<8x128x32xf32, #tpu.memory_space<vmem>> -> memref<1x128x32xf32, #tpu.memory_space<vmem>>
        %dma_wait3A_684 = tpu.memref_squeeze %dma_wait3A_683 : memref<1x128x32xf32, #tpu.memory_space<vmem>> -> memref<128x32xf32, #tpu.memory_space<vmem>>
        %dma_wait3A_685 = arith.constant 0 : i32
        %dma_wait3A_686 = tpu.memref_slice %arg9[%add3A_647, %dma_wait3A_685] : memref<10240x32xf32, #tpu.memory_space<vmem_shared>> -> memref<128x32xf32, #tpu.memory_space<vmem_shared>>
        %dma_wait3A_687 = arith.constant 0 : i32
        %dma_wait3A_688 = arith.constant 0 : i32
        %dma_wait3A_689 = tpu.memref_slice %arg12[%scan3A_98, %dma_wait3A_687, %dma_wait3A_688] : memref<8x128x32xf32, #tpu.memory_space<vmem>> -> memref<1x128x32xf32, #tpu.memory_space<vmem>>
        %dma_wait3A_690 = tpu.memref_squeeze %dma_wait3A_689 : memref<1x128x32xf32, #tpu.memory_space<vmem>> -> memref<128x32xf32, #tpu.memory_space<vmem>>
        %dma_wait3A_691 = arith.constant 0 : i32
        %dma_wait3A_692 = tpu.memref_slice %arg9[%add3A_647, %dma_wait3A_691] : memref<10240x32xf32, #tpu.memory_space<vmem_shared>> -> memref<128x32xf32, #tpu.memory_space<vmem_shared>>
        tpu.wait_dma2 semaphore(%run_scoped3A_668 : memref<!tpu.dma_semaphore, #tpu.memory_space<semaphore_mem>>) src(%dma_wait3A_692 : memref<128x32xf32, #tpu.memory_space<vmem_shared>>) dst(%dma_wait3A_690 : memref<128x32xf32, #tpu.memory_space<vmem>>)
        tpu.yield
      }) : () -> ()
      %add3A_648 = arith.addi %mul3A_2, %add3A_647 : i32
      "tpu.region"() ({
        %run_scoped3A_668 = tpu.sem_alloc : memref<!tpu.dma_semaphore, #tpu.memory_space<semaphore_mem>>
        %dma_start3A_669 = arith.constant 0 : i32
        %dma_start3A_670 = tpu.memref_slice %arg7[%add3A_648, %dma_start3A_669] : memref<20480x48xf32, #tpu.memory_space<hbm>> -> memref<128x48xf32, #tpu.memory_space<hbm>>
        %dma_start3A_671 = arith.constant 0 : i32
        %dma_start3A_672 = tpu.memref_slice %arg7[%add3A_648, %dma_start3A_671] : memref<20480x48xf32, #tpu.memory_space<hbm>> -> memref<128x48xf32, #tpu.memory_space<hbm>>
        tpu.enqueue_dma source(%dma_start3A_672 : memref<128x48xf32, #tpu.memory_space<hbm>>) target(%arg13 : memref<128x48xf32, #tpu.memory_space<vmem>>) target_semaphore(%run_scoped3A_668 : memref<!tpu.dma_semaphore, #tpu.memory_space<semaphore_mem>>)
        %dma_wait3A_673 = arith.constant 0 : i32
        %dma_wait3A_674 = tpu.memref_slice %arg7[%add3A_648, %dma_wait3A_673] : memref<20480x48xf32, #tpu.memory_space<hbm>> -> memref<128x48xf32, #tpu.memory_space<hbm>>
        %dma_wait3A_675 = arith.constant 0 : i32
        %dma_wait3A_676 = tpu.memref_slice %arg7[%add3A_648, %dma_wait3A_675] : memref<20480x48xf32, #tpu.memory_space<hbm>> -> memref<128x48xf32, #tpu.memory_space<hbm>>
        tpu.wait_dma2 semaphore(%run_scoped3A_668 : memref<!tpu.dma_semaphore, #tpu.memory_space<semaphore_mem>>) src(%dma_wait3A_676 : memref<128x48xf32, #tpu.memory_space<hbm>>) dst(%arg13 : memref<128x48xf32, #tpu.memory_space<vmem>>)
        tpu.yield
      }) : () -> ()
      %scan3A_649 = arith.constant 0 : i32
      %scan3A_650 = arith.constant 0 : i32
      %scan3A_651 = arith.constant 128 : i32
      %scan3A_652 = arith.addi %scan3A_650, %scan3A_651 : i32
      %scan3A_653 = arith.constant 1 : i32
      %scan3A_654 = scf.for %scan3A_668 = %scan3A_650 to %scan3A_652 step %scan3A_653 iter_args(%scan3A_669 = %scan3A_649) -> (i32)  : i32 {
        %get3A = arith.index_cast %scan3A_668 : i32 to index
        %get3A_670 = arith.constant 0 : index
        %get3A_671 = tpu.vector_load %arg13[%get3A, %get3A_670] {strides = array<i32>} : memref<128x48xf32, #tpu.memory_space<vmem>>, vector<16xf32>,
        %get3A_672 = arith.constant 0 : i32
        %get3A_673 = arith.constant 0 : i32
        %get3A_674 = tpu.memref_slice %arg12[%scan3A_97, %get3A_672, %get3A_673] : memref<8x128x32xf32, #tpu.memory_space<vmem>> -> memref<1x128x32xf32, #tpu.memory_space<vmem>>
        %get3A_675 = tpu.memref_squeeze %get3A_674 : memref<1x128x32xf32, #tpu.memory_space<vmem>> -> memref<128x32xf32, #tpu.memory_space<vmem>>
        %get3A_676 = arith.index_cast %scan3A_668 : i32 to index
        %get3A_677 = arith.constant 0 : index
        %get3A_678 = tpu.vector_load %get3A_675[%get3A_676, %get3A_677] {strides = array<i32>} : memref<128x32xf32, #tpu.memory_space<vmem>>, vector<16xf32>,
        %get3A_679 = arith.constant 0 : i32
        %get3A_680 = arith.constant 0 : i32
        %get3A_681 = tpu.memref_slice %arg12[%scan3A_98, %get3A_679, %get3A_680] : memref<8x128x32xf32, #tpu.memory_space<vmem>> -> memref<1x128x32xf32, #tpu.memory_space<vmem>>
        %get3A_682 = tpu.memref_squeeze %get3A_681 : memref<1x128x32xf32, #tpu.memory_space<vmem>> -> memref<128x32xf32, #tpu.memory_space<vmem>>
        %get3A_683 = arith.index_cast %scan3A_668 : i32 to index
        %get3A_684 = arith.constant 0 : index
        %get3A_685 = tpu.vector_load %get3A_682[%get3A_683, %get3A_684] {strides = array<i32>} : memref<128x32xf32, #tpu.memory_space<vmem>>, vector<16xf32>,
        %get3A_686 = arith.index_cast %scan3A_668 : i32 to index
        %get3A_687 = arith.constant 16 : index
        %get3A_688 = tpu.vector_load %arg13[%get3A_686, %get3A_687] {strides = array<i32>} : memref<128x48xf32, #tpu.memory_space<vmem>>, vector<16xf32>,
        %add3A_689 = arith.addf %get3A_678, %get3A_685 : vector<16xf32>
        %mul3A_690 = arith.mulf %get3A_671, %add3A_689 : vector<16xf32>
        %add3A_691 = arith.addf %mul3A_690, %get3A_688 : vector<16xf32>
        %swap3A = arith.constant 0 : i32
        %swap3A_692 = arith.constant 0 : i32
        %swap3A_693 = tpu.memref_slice %arg12[%scan3A_98, %swap3A, %swap3A_692] : memref<8x128x32xf32, #tpu.memory_space<vmem>> -> memref<1x128x32xf32, #tpu.memory_space<vmem>>
        %swap3A_694 = tpu.memref_squeeze %swap3A_693 : memref<1x128x32xf32, #tpu.memory_space<vmem>> -> memref<128x32xf32, #tpu.memory_space<vmem>>
        %swap3A_695 = arith.index_cast %scan3A_668 : i32 to index
        %swap3A_696 = arith.constant 0 : index
        %swap3A_697 = tpu.vector_load %swap3A_694[%swap3A_695, %swap3A_696] {strides = array<i32>} : memref<128x32xf32, #tpu.memory_space<vmem>>, vector<16xf32>,
        tpu.vector_store %swap3A_694[%swap3A_695, %swap3A_696], %add3A_691 {strides = array<i32>} : memref<128x32xf32, #tpu.memory_space<vmem>>, vector<16xf32>,
        %get3A_698 = arith.constant 0 : i32
        %get3A_699 = arith.constant 0 : i32
        %get3A_700 = tpu.memref_slice %arg12[%scan3A_97, %get3A_698, %get3A_699] : memref<8x128x32xf32, #tpu.memory_space<vmem>> -> memref<1x128x32xf32, #tpu.memory_space<vmem>>
        %get3A_701 = tpu.memref_squeeze %get3A_700 : memref<1x128x32xf32, #tpu.memory_space<vmem>> -> memref<128x32xf32, #tpu.memory_space<vmem>>
        %get3A_702 = arith.index_cast %scan3A_668 : i32 to index
        %get3A_703 = arith.constant 16 : index
        %get3A_704 = tpu.vector_load %get3A_701[%get3A_702, %get3A_703] {strides = array<i32>} : memref<128x32xf32, #tpu.memory_space<vmem>>, vector<16xf32>,
        %get3A_705 = arith.constant 0 : i32
        %get3A_706 = arith.constant 0 : i32
        %get3A_707 = tpu.memref_slice %arg12[%scan3A_98, %get3A_705, %get3A_706] : memref<8x128x32xf32, #tpu.memory_space<vmem>> -> memref<1x128x32xf32, #tpu.memory_space<vmem>>
        %get3A_708 = tpu.memref_squeeze %get3A_707 : memref<1x128x32xf32, #tpu.memory_space<vmem>> -> memref<128x32xf32, #tpu.memory_space<vmem>>
        %get3A_709 = arith.index_cast %scan3A_668 : i32 to index
        %get3A_710 = arith.constant 16 : index
        %get3A_711 = tpu.vector_load %get3A_708[%get3A_709, %get3A_710] {strides = array<i32>} : memref<128x32xf32, #tpu.memory_space<vmem>>, vector<16xf32>,
        %get3A_712 = arith.index_cast %scan3A_668 : i32 to index
        %get3A_713 = arith.constant 32 : index
        %get3A_714 = tpu.vector_load %arg13[%get3A_712, %get3A_713] {strides = array<i32>} : memref<128x48xf32, #tpu.memory_space<vmem>>, vector<16xf32>,
        %add3A_715 = arith.addf %get3A_704, %get3A_711 : vector<16xf32>
        %mul3A_716 = arith.mulf %get3A_671, %add3A_715 : vector<16xf32>
        %add3A_717 = arith.addf %mul3A_716, %get3A_714 : vector<16xf32>
        %swap3A_718 = arith.constant 0 : i32
        %swap3A_719 = arith.constant 0 : i32
        %swap3A_720 = tpu.memref_slice %arg12[%scan3A_98, %swap3A_718, %swap3A_719] : memref<8x128x32xf32, #tpu.memory_space<vmem>> -> memref<1x128x32xf32, #tpu.memory_space<vmem>>
        %swap3A_721 = tpu.memref_squeeze %swap3A_720 : memref<1x128x32xf32, #tpu.memory_space<vmem>> -> memref<128x32xf32, #tpu.memory_space<vmem>>
        %swap3A_722 = arith.index_cast %scan3A_668 : i32 to index
        %swap3A_723 = arith.constant 16 : index
        %swap3A_724 = tpu.vector_load %swap3A_721[%swap3A_722, %swap3A_723] {strides = array<i32>} : memref<128x32xf32, #tpu.memory_space<vmem>>, vector<16xf32>,
        tpu.vector_store %swap3A_721[%swap3A_722, %swap3A_723], %add3A_717 {strides = array<i32>} : memref<128x32xf32, #tpu.memory_space<vmem>>, vector<16xf32>,
        %scan3A_725 = arith.constant 0 : i32
        scf.yield %scan3A_725 : i32
      }
      %scan3A_655 = arith.constant 128 : i32
      "tpu.region"() ({
        %run_scoped3A_668 = tpu.sem_alloc : memref<!tpu.dma_semaphore, #tpu.memory_space<semaphore_mem>>
        %dma_start3A_669 = arith.constant 0 : i32
        %dma_start3A_670 = arith.constant 0 : i32
        %dma_start3A_671 = tpu.memref_slice %arg12[%scan3A_98, %dma_start3A_669, %dma_start3A_670] : memref<8x128x32xf32, #tpu.memory_space<vmem>> -> memref<1x128x32xf32, #tpu.memory_space<vmem>>
        %dma_start3A_672 = tpu.memref_squeeze %dma_start3A_671 : memref<1x128x32xf32, #tpu.memory_space<vmem>> -> memref<128x32xf32, #tpu.memory_space<vmem>>
        %dma_start3A_673 = arith.constant 0 : i32
        %dma_start3A_674 = tpu.memref_slice %arg9[%add3A_647, %dma_start3A_673] : memref<10240x32xf32, #tpu.memory_space<vmem_shared>> -> memref<128x32xf32, #tpu.memory_space<vmem_shared>>
        %dma_start3A_675 = arith.constant 0 : i32
        %dma_start3A_676 = tpu.memref_slice %arg9[%add3A_647, %dma_start3A_675] : memref<10240x32xf32, #tpu.memory_space<vmem_shared>> -> memref<128x32xf32, #tpu.memory_space<vmem_shared>>
        %dma_start3A_677 = arith.constant 0 : i32
        %dma_start3A_678 = arith.constant 0 : i32
        %dma_start3A_679 = tpu.memref_slice %arg12[%scan3A_98, %dma_start3A_677, %dma_start3A_678] : memref<8x128x32xf32, #tpu.memory_space<vmem>> -> memref<1x128x32xf32, #tpu.memory_space<vmem>>
        %dma_start3A_680 = tpu.memref_squeeze %dma_start3A_679 : memref<1x128x32xf32, #tpu.memory_space<vmem>> -> memref<128x32xf32, #tpu.memory_space<vmem>>
        tpu.enqueue_dma source(%dma_start3A_680 : memref<128x32xf32, #tpu.memory_space<vmem>>) target(%dma_start3A_676 : memref<128x32xf32, #tpu.memory_space<vmem_shared>>) target_semaphore(%run_scoped3A_668 : memref<!tpu.dma_semaphore, #tpu.memory_space<semaphore_mem>>)
        %dma_wait3A_681 = arith.constant 0 : i32
        %dma_wait3A_682 = arith.constant 0 : i32
        %dma_wait3A_683 = tpu.memref_slice %arg12[%scan3A_98, %dma_wait3A_681, %dma_wait3A_682] : memref<8x128x32xf32, #tpu.memory_space<vmem>> -> memref<1x128x32xf32, #tpu.memory_space<vmem>>
        %dma_wait3A_684 = tpu.memref_squeeze %dma_wait3A_683 : memref<1x128x32xf32, #tpu.memory_space<vmem>> -> memref<128x32xf32, #tpu.memory_space<vmem>>
        %dma_wait3A_685 = arith.constant 0 : i32
        %dma_wait3A_686 = tpu.memref_slice %arg9[%add3A_647, %dma_wait3A_685] : memref<10240x32xf32, #tpu.memory_space<vmem_shared>> -> memref<128x32xf32, #tpu.memory_space<vmem_shared>>
        %dma_wait3A_687 = arith.constant 0 : i32
        %dma_wait3A_688 = tpu.memref_slice %arg9[%add3A_647, %dma_wait3A_687] : memref<10240x32xf32, #tpu.memory_space<vmem_shared>> -> memref<128x32xf32, #tpu.memory_space<vmem_shared>>
        %dma_wait3A_689 = arith.constant 0 : i32
        %dma_wait3A_690 = arith.constant 0 : i32
        %dma_wait3A_691 = tpu.memref_slice %arg12[%scan3A_98, %dma_wait3A_689, %dma_wait3A_690] : memref<8x128x32xf32, #tpu.memory_space<vmem>> -> memref<1x128x32xf32, #tpu.memory_space<vmem>>
        %dma_wait3A_692 = tpu.memref_squeeze %dma_wait3A_691 : memref<1x128x32xf32, #tpu.memory_space<vmem>> -> memref<128x32xf32, #tpu.memory_space<vmem>>
        tpu.wait_dma2 semaphore(%run_scoped3A_668 : memref<!tpu.dma_semaphore, #tpu.memory_space<semaphore_mem>>) src(%dma_wait3A_692 : memref<128x32xf32, #tpu.memory_space<vmem>>) dst(%dma_wait3A_688 : memref<128x32xf32, #tpu.memory_space<vmem_shared>>)
        tpu.yield
      }) : () -> ()
      "tpu.region"() ({
        %run_scoped3A_668 = tpu.sem_alloc : memref<!tpu.dma_semaphore, #tpu.memory_space<semaphore_mem>>
        %dma_start3A_669 = arith.constant 0 : i32
        %dma_start3A_670 = arith.constant 0 : i32
        %dma_start3A_671 = tpu.memref_slice %arg12[%scan3A_96, %dma_start3A_669, %dma_start3A_670] : memref<8x128x32xf32, #tpu.memory_space<vmem>> -> memref<1x128x32xf32, #tpu.memory_space<vmem>>
        %dma_start3A_672 = tpu.memref_squeeze %dma_start3A_671 : memref<1x128x32xf32, #tpu.memory_space<vmem>> -> memref<128x32xf32, #tpu.memory_space<vmem>>
        %dma_start3A_673 = arith.constant 0 : i32
        %dma_start3A_674 = tpu.memref_slice %arg8[%add3A_647, %dma_start3A_673] : memref<10240x32xf32, #tpu.memory_space<vmem_shared>> -> memref<128x32xf32, #tpu.memory_space<vmem_shared>>
        %dma_start3A_675 = arith.constant 0 : i32
        %dma_start3A_676 = tpu.memref_slice %arg8[%add3A_647, %dma_start3A_675] : memref<10240x32xf32, #tpu.memory_space<vmem_shared>> -> memref<128x32xf32, #tpu.memory_space<vmem_shared>>
        %dma_start3A_677 = arith.constant 0 : i32
        %dma_start3A_678 = arith.constant 0 : i32
        %dma_start3A_679 = tpu.memref_slice %arg12[%scan3A_96, %dma_start3A_677, %dma_start3A_678] : memref<8x128x32xf32, #tpu.memory_space<vmem>> -> memref<1x128x32xf32, #tpu.memory_space<vmem>>
        %dma_start3A_680 = tpu.memref_squeeze %dma_start3A_679 : memref<1x128x32xf32, #tpu.memory_space<vmem>> -> memref<128x32xf32, #tpu.memory_space<vmem>>
        tpu.enqueue_dma source(%dma_start3A_680 : memref<128x32xf32, #tpu.memory_space<vmem>>) target(%dma_start3A_676 : memref<128x32xf32, #tpu.memory_space<vmem_shared>>) target_semaphore(%run_scoped3A_668 : memref<!tpu.dma_semaphore, #tpu.memory_space<semaphore_mem>>)
        %dma_wait3A_681 = arith.constant 0 : i32
        %dma_wait3A_682 = arith.constant 0 : i32
        %dma_wait3A_683 = tpu.memref_slice %arg12[%scan3A_96, %dma_wait3A_681, %dma_wait3A_682] : memref<8x128x32xf32, #tpu.memory_space<vmem>> -> memref<1x128x32xf32, #tpu.memory_space<vmem>>
        %dma_wait3A_684 = tpu.memref_squeeze %dma_wait3A_683 : memref<1x128x32xf32, #tpu.memory_space<vmem>> -> memref<128x32xf32, #tpu.memory_space<vmem>>
        %dma_wait3A_685 = arith.constant 0 : i32
        %dma_wait3A_686 = tpu.memref_slice %arg8[%add3A_647, %dma_wait3A_685] : memref<10240x32xf32, #tpu.memory_space<vmem_shared>> -> memref<128x32xf32, #tpu.memory_space<vmem_shared>>
        %dma_wait3A_687 = arith.constant 0 : i32
        %dma_wait3A_688 = tpu.memref_slice %arg8[%add3A_647, %dma_wait3A_687] : memref<10240x32xf32, #tpu.memory_space<vmem_shared>> -> memref<128x32xf32, #tpu.memory_space<vmem_shared>>
        %dma_wait3A_689 = arith.constant 0 : i32
        %dma_wait3A_690 = arith.constant 0 : i32
        %dma_wait3A_691 = tpu.memref_slice %arg12[%scan3A_96, %dma_wait3A_689, %dma_wait3A_690] : memref<8x128x32xf32, #tpu.memory_space<vmem>> -> memref<1x128x32xf32, #tpu.memory_space<vmem>>
        %dma_wait3A_692 = tpu.memref_squeeze %dma_wait3A_691 : memref<1x128x32xf32, #tpu.memory_space<vmem>> -> memref<128x32xf32, #tpu.memory_space<vmem>>
        tpu.wait_dma2 semaphore(%run_scoped3A_668 : memref<!tpu.dma_semaphore, #tpu.memory_space<semaphore_mem>>) src(%dma_wait3A_692 : memref<128x32xf32, #tpu.memory_space<vmem>>) dst(%dma_wait3A_688 : memref<128x32xf32, #tpu.memory_space<vmem_shared>>)
        tpu.yield
      }) : () -> ()
      %add3A_656 = arith.constant 512 : i32
      %add3A_657 = arith.addi %mul3A_0, %add3A_656 : i32
      "tpu.region"() ({
        %run_scoped3A_668 = tpu.sem_alloc : memref<!tpu.dma_semaphore, #tpu.memory_space<semaphore_mem>>
        %dma_start3A_669 = arith.constant 0 : i32
        %dma_start3A_670 = arith.constant 0 : i32
        %dma_start3A_671 = tpu.memref_slice %arg12[%scan3A_97, %dma_start3A_669, %dma_start3A_670] : memref<8x128x32xf32, #tpu.memory_space<vmem>> -> memref<1x128x32xf32, #tpu.memory_space<vmem>>
        %dma_start3A_672 = tpu.memref_squeeze %dma_start3A_671 : memref<1x128x32xf32, #tpu.memory_space<vmem>> -> memref<128x32xf32, #tpu.memory_space<vmem>>
        %dma_start3A_673 = arith.constant 0 : i32
        %dma_start3A_674 = tpu.memref_slice %arg8[%add3A_657, %dma_start3A_673] : memref<10240x32xf32, #tpu.memory_space<vmem_shared>> -> memref<128x32xf32, #tpu.memory_space<vmem_shared>>
        %dma_start3A_675 = arith.constant 0 : i32
        %dma_start3A_676 = arith.constant 0 : i32
        %dma_start3A_677 = tpu.memref_slice %arg12[%scan3A_97, %dma_start3A_675, %dma_start3A_676] : memref<8x128x32xf32, #tpu.memory_space<vmem>> -> memref<1x128x32xf32, #tpu.memory_space<vmem>>
        %dma_start3A_678 = tpu.memref_squeeze %dma_start3A_677 : memref<1x128x32xf32, #tpu.memory_space<vmem>> -> memref<128x32xf32, #tpu.memory_space<vmem>>
        %dma_start3A_679 = arith.constant 0 : i32
        %dma_start3A_680 = tpu.memref_slice %arg8[%add3A_657, %dma_start3A_679] : memref<10240x32xf32, #tpu.memory_space<vmem_shared>> -> memref<128x32xf32, #tpu.memory_space<vmem_shared>>
        tpu.enqueue_dma source(%dma_start3A_680 : memref<128x32xf32, #tpu.memory_space<vmem_shared>>) target(%dma_start3A_678 : memref<128x32xf32, #tpu.memory_space<vmem>>) target_semaphore(%run_scoped3A_668 : memref<!tpu.dma_semaphore, #tpu.memory_space<semaphore_mem>>)
        %dma_wait3A_681 = arith.constant 0 : i32
        %dma_wait3A_682 = arith.constant 0 : i32
        %dma_wait3A_683 = tpu.memref_slice %arg12[%scan3A_97, %dma_wait3A_681, %dma_wait3A_682] : memref<8x128x32xf32, #tpu.memory_space<vmem>> -> memref<1x128x32xf32, #tpu.memory_space<vmem>>
        %dma_wait3A_684 = tpu.memref_squeeze %dma_wait3A_683 : memref<1x128x32xf32, #tpu.memory_space<vmem>> -> memref<128x32xf32, #tpu.memory_space<vmem>>
        %dma_wait3A_685 = arith.constant 0 : i32
        %dma_wait3A_686 = tpu.memref_slice %arg8[%add3A_657, %dma_wait3A_685] : memref<10240x32xf32, #tpu.memory_space<vmem_shared>> -> memref<128x32xf32, #tpu.memory_space<vmem_shared>>
        %dma_wait3A_687 = arith.constant 0 : i32
        %dma_wait3A_688 = arith.constant 0 : i32
        %dma_wait3A_689 = tpu.memref_slice %arg12[%scan3A_97, %dma_wait3A_687, %dma_wait3A_688] : memref<8x128x32xf32, #tpu.memory_space<vmem>> -> memref<1x128x32xf32, #tpu.memory_space<vmem>>
        %dma_wait3A_690 = tpu.memref_squeeze %dma_wait3A_689 : memref<1x128x32xf32, #tpu.memory_space<vmem>> -> memref<128x32xf32, #tpu.memory_space<vmem>>
        %dma_wait3A_691 = arith.constant 0 : i32
        %dma_wait3A_692 = tpu.memref_slice %arg8[%add3A_657, %dma_wait3A_691] : memref<10240x32xf32, #tpu.memory_space<vmem_shared>> -> memref<128x32xf32, #tpu.memory_space<vmem_shared>>
        tpu.wait_dma2 semaphore(%run_scoped3A_668 : memref<!tpu.dma_semaphore, #tpu.memory_space<semaphore_mem>>) src(%dma_wait3A_692 : memref<128x32xf32, #tpu.memory_space<vmem_shared>>) dst(%dma_wait3A_690 : memref<128x32xf32, #tpu.memory_space<vmem>>)
        tpu.yield
      }) : () -> ()
      "tpu.region"() ({
        %run_scoped3A_668 = tpu.sem_alloc : memref<!tpu.dma_semaphore, #tpu.memory_space<semaphore_mem>>
        %dma_start3A_669 = arith.constant 0 : i32
        %dma_start3A_670 = arith.constant 0 : i32
        %dma_start3A_671 = tpu.memref_slice %arg12[%scan3A_98, %dma_start3A_669, %dma_start3A_670] : memref<8x128x32xf32, #tpu.memory_space<vmem>> -> memref<1x128x32xf32, #tpu.memory_space<vmem>>
        %dma_start3A_672 = tpu.memref_squeeze %dma_start3A_671 : memref<1x128x32xf32, #tpu.memory_space<vmem>> -> memref<128x32xf32, #tpu.memory_space<vmem>>
        %dma_start3A_673 = arith.constant 0 : i32
        %dma_start3A_674 = tpu.memref_slice %arg9[%add3A_657, %dma_start3A_673] : memref<10240x32xf32, #tpu.memory_space<vmem_shared>> -> memref<128x32xf32, #tpu.memory_space<vmem_shared>>
        %dma_start3A_675 = arith.constant 0 : i32
        %dma_start3A_676 = arith.constant 0 : i32
        %dma_start3A_677 = tpu.memref_slice %arg12[%scan3A_98, %dma_start3A_675, %dma_start3A_676] : memref<8x128x32xf32, #tpu.memory_space<vmem>> -> memref<1x128x32xf32, #tpu.memory_space<vmem>>
        %dma_start3A_678 = tpu.memref_squeeze %dma_start3A_677 : memref<1x128x32xf32, #tpu.memory_space<vmem>> -> memref<128x32xf32, #tpu.memory_space<vmem>>
        %dma_start3A_679 = arith.constant 0 : i32
        %dma_start3A_680 = tpu.memref_slice %arg9[%add3A_657, %dma_start3A_679] : memref<10240x32xf32, #tpu.memory_space<vmem_shared>> -> memref<128x32xf32, #tpu.memory_space<vmem_shared>>
        tpu.enqueue_dma source(%dma_start3A_680 : memref<128x32xf32, #tpu.memory_space<vmem_shared>>) target(%dma_start3A_678 : memref<128x32xf32, #tpu.memory_space<vmem>>) target_semaphore(%run_scoped3A_668 : memref<!tpu.dma_semaphore, #tpu.memory_space<semaphore_mem>>)
        %dma_wait3A_681 = arith.constant 0 : i32
        %dma_wait3A_682 = arith.constant 0 : i32
        %dma_wait3A_683 = tpu.memref_slice %arg12[%scan3A_98, %dma_wait3A_681, %dma_wait3A_682] : memref<8x128x32xf32, #tpu.memory_space<vmem>> -> memref<1x128x32xf32, #tpu.memory_space<vmem>>
        %dma_wait3A_684 = tpu.memref_squeeze %dma_wait3A_683 : memref<1x128x32xf32, #tpu.memory_space<vmem>> -> memref<128x32xf32, #tpu.memory_space<vmem>>
        %dma_wait3A_685 = arith.constant 0 : i32
        %dma_wait3A_686 = tpu.memref_slice %arg9[%add3A_657, %dma_wait3A_685] : memref<10240x32xf32, #tpu.memory_space<vmem_shared>> -> memref<128x32xf32, #tpu.memory_space<vmem_shared>>
        %dma_wait3A_687 = arith.constant 0 : i32
        %dma_wait3A_688 = arith.constant 0 : i32
        %dma_wait3A_689 = tpu.memref_slice %arg12[%scan3A_98, %dma_wait3A_687, %dma_wait3A_688] : memref<8x128x32xf32, #tpu.memory_space<vmem>> -> memref<1x128x32xf32, #tpu.memory_space<vmem>>
        %dma_wait3A_690 = tpu.memref_squeeze %dma_wait3A_689 : memref<1x128x32xf32, #tpu.memory_space<vmem>> -> memref<128x32xf32, #tpu.memory_space<vmem>>
        %dma_wait3A_691 = arith.constant 0 : i32
        %dma_wait3A_692 = tpu.memref_slice %arg9[%add3A_657, %dma_wait3A_691] : memref<10240x32xf32, #tpu.memory_space<vmem_shared>> -> memref<128x32xf32, #tpu.memory_space<vmem_shared>>
        tpu.wait_dma2 semaphore(%run_scoped3A_668 : memref<!tpu.dma_semaphore, #tpu.memory_space<semaphore_mem>>) src(%dma_wait3A_692 : memref<128x32xf32, #tpu.memory_space<vmem_shared>>) dst(%dma_wait3A_690 : memref<128x32xf32, #tpu.memory_space<vmem>>)
        tpu.yield
      }) : () -> ()
      %add3A_658 = arith.addi %mul3A_2, %add3A_657 : i32
      "tpu.region"() ({
        %run_scoped3A_668 = tpu.sem_alloc : memref<!tpu.dma_semaphore, #tpu.memory_space<semaphore_mem>>
        %dma_start3A_669 = arith.constant 0 : i32
        %dma_start3A_670 = tpu.memref_slice %arg7[%add3A_658, %dma_start3A_669] : memref<20480x48xf32, #tpu.memory_space<hbm>> -> memref<128x48xf32, #tpu.memory_space<hbm>>
        %dma_start3A_671 = arith.constant 0 : i32
        %dma_start3A_672 = tpu.memref_slice %arg7[%add3A_658, %dma_start3A_671] : memref<20480x48xf32, #tpu.memory_space<hbm>> -> memref<128x48xf32, #tpu.memory_space<hbm>>
        tpu.enqueue_dma source(%dma_start3A_672 : memref<128x48xf32, #tpu.memory_space<hbm>>) target(%arg13 : memref<128x48xf32, #tpu.memory_space<vmem>>) target_semaphore(%run_scoped3A_668 : memref<!tpu.dma_semaphore, #tpu.memory_space<semaphore_mem>>)
        %dma_wait3A_673 = arith.constant 0 : i32
        %dma_wait3A_674 = tpu.memref_slice %arg7[%add3A_658, %dma_wait3A_673] : memref<20480x48xf32, #tpu.memory_space<hbm>> -> memref<128x48xf32, #tpu.memory_space<hbm>>
        %dma_wait3A_675 = arith.constant 0 : i32
        %dma_wait3A_676 = tpu.memref_slice %arg7[%add3A_658, %dma_wait3A_675] : memref<20480x48xf32, #tpu.memory_space<hbm>> -> memref<128x48xf32, #tpu.memory_space<hbm>>
        tpu.wait_dma2 semaphore(%run_scoped3A_668 : memref<!tpu.dma_semaphore, #tpu.memory_space<semaphore_mem>>) src(%dma_wait3A_676 : memref<128x48xf32, #tpu.memory_space<hbm>>) dst(%arg13 : memref<128x48xf32, #tpu.memory_space<vmem>>)
        tpu.yield
      }) : () -> ()
      %scan3A_659 = arith.constant 0 : i32
      %scan3A_660 = arith.constant 0 : i32
      %scan3A_661 = arith.constant 128 : i32
      %scan3A_662 = arith.addi %scan3A_660, %scan3A_661 : i32
      %scan3A_663 = arith.constant 1 : i32
      %scan3A_664 = scf.for %scan3A_668 = %scan3A_660 to %scan3A_662 step %scan3A_663 iter_args(%scan3A_669 = %scan3A_659) -> (i32)  : i32 {
        %get3A = arith.index_cast %scan3A_668 : i32 to index
        %get3A_670 = arith.constant 0 : index
        %get3A_671 = tpu.vector_load %arg13[%get3A, %get3A_670] {strides = array<i32>} : memref<128x48xf32, #tpu.memory_space<vmem>>, vector<16xf32>,
        %get3A_672 = arith.constant 0 : i32
        %get3A_673 = arith.constant 0 : i32
        %get3A_674 = tpu.memref_slice %arg12[%scan3A_97, %get3A_672, %get3A_673] : memref<8x128x32xf32, #tpu.memory_space<vmem>> -> memref<1x128x32xf32, #tpu.memory_space<vmem>>
        %get3A_675 = tpu.memref_squeeze %get3A_674 : memref<1x128x32xf32, #tpu.memory_space<vmem>> -> memref<128x32xf32, #tpu.memory_space<vmem>>
        %get3A_676 = arith.index_cast %scan3A_668 : i32 to index
        %get3A_677 = arith.constant 0 : index
        %get3A_678 = tpu.vector_load %get3A_675[%get3A_676, %get3A_677] {strides = array<i32>} : memref<128x32xf32, #tpu.memory_space<vmem>>, vector<16xf32>,
        %get3A_679 = arith.constant 0 : i32
        %get3A_680 = arith.constant 0 : i32
        %get3A_681 = tpu.memref_slice %arg12[%scan3A_98, %get3A_679, %get3A_680] : memref<8x128x32xf32, #tpu.memory_space<vmem>> -> memref<1x128x32xf32, #tpu.memory_space<vmem>>
        %get3A_682 = tpu.memref_squeeze %get3A_681 : memref<1x128x32xf32, #tpu.memory_space<vmem>> -> memref<128x32xf32, #tpu.memory_space<vmem>>
        %get3A_683 = arith.index_cast %scan3A_668 : i32 to index
        %get3A_684 = arith.constant 0 : index
        %get3A_685 = tpu.vector_load %get3A_682[%get3A_683, %get3A_684] {strides = array<i32>} : memref<128x32xf32, #tpu.memory_space<vmem>>, vector<16xf32>,
        %get3A_686 = arith.index_cast %scan3A_668 : i32 to index
        %get3A_687 = arith.constant 16 : index
        %get3A_688 = tpu.vector_load %arg13[%get3A_686, %get3A_687] {strides = array<i32>} : memref<128x48xf32, #tpu.memory_space<vmem>>, vector<16xf32>,
        %add3A_689 = arith.addf %get3A_678, %get3A_685 : vector<16xf32>
        %mul3A_690 = arith.mulf %get3A_671, %add3A_689 : vector<16xf32>
        %add3A_691 = arith.addf %mul3A_690, %get3A_688 : vector<16xf32>
        %swap3A = arith.constant 0 : i32
        %swap3A_692 = arith.constant 0 : i32
        %swap3A_693 = tpu.memref_slice %arg12[%scan3A_98, %swap3A, %swap3A_692] : memref<8x128x32xf32, #tpu.memory_space<vmem>> -> memref<1x128x32xf32, #tpu.memory_space<vmem>>
        %swap3A_694 = tpu.memref_squeeze %swap3A_693 : memref<1x128x32xf32, #tpu.memory_space<vmem>> -> memref<128x32xf32, #tpu.memory_space<vmem>>
        %swap3A_695 = arith.index_cast %scan3A_668 : i32 to index
        %swap3A_696 = arith.constant 0 : index
        %swap3A_697 = tpu.vector_load %swap3A_694[%swap3A_695, %swap3A_696] {strides = array<i32>} : memref<128x32xf32, #tpu.memory_space<vmem>>, vector<16xf32>,
        tpu.vector_store %swap3A_694[%swap3A_695, %swap3A_696], %add3A_691 {strides = array<i32>} : memref<128x32xf32, #tpu.memory_space<vmem>>, vector<16xf32>,
        %get3A_698 = arith.constant 0 : i32
        %get3A_699 = arith.constant 0 : i32
        %get3A_700 = tpu.memref_slice %arg12[%scan3A_97, %get3A_698, %get3A_699] : memref<8x128x32xf32, #tpu.memory_space<vmem>> -> memref<1x128x32xf32, #tpu.memory_space<vmem>>
        %get3A_701 = tpu.memref_squeeze %get3A_700 : memref<1x128x32xf32, #tpu.memory_space<vmem>> -> memref<128x32xf32, #tpu.memory_space<vmem>>
        %get3A_702 = arith.index_cast %scan3A_668 : i32 to index
        %get3A_703 = arith.constant 16 : index
        %get3A_704 = tpu.vector_load %get3A_701[%get3A_702, %get3A_703] {strides = array<i32>} : memref<128x32xf32, #tpu.memory_space<vmem>>, vector<16xf32>,
        %get3A_705 = arith.constant 0 : i32
        %get3A_706 = arith.constant 0 : i32
        %get3A_707 = tpu.memref_slice %arg12[%scan3A_98, %get3A_705, %get3A_706] : memref<8x128x32xf32, #tpu.memory_space<vmem>> -> memref<1x128x32xf32, #tpu.memory_space<vmem>>
        %get3A_708 = tpu.memref_squeeze %get3A_707 : memref<1x128x32xf32, #tpu.memory_space<vmem>> -> memref<128x32xf32, #tpu.memory_space<vmem>>
        %get3A_709 = arith.index_cast %scan3A_668 : i32 to index
        %get3A_710 = arith.constant 16 : index
        %get3A_711 = tpu.vector_load %get3A_708[%get3A_709, %get3A_710] {strides = array<i32>} : memref<128x32xf32, #tpu.memory_space<vmem>>, vector<16xf32>,
        %get3A_712 = arith.index_cast %scan3A_668 : i32 to index
        %get3A_713 = arith.constant 32 : index
        %get3A_714 = tpu.vector_load %arg13[%get3A_712, %get3A_713] {strides = array<i32>} : memref<128x48xf32, #tpu.memory_space<vmem>>, vector<16xf32>,
        %add3A_715 = arith.addf %get3A_704, %get3A_711 : vector<16xf32>
        %mul3A_716 = arith.mulf %get3A_671, %add3A_715 : vector<16xf32>
        %add3A_717 = arith.addf %mul3A_716, %get3A_714 : vector<16xf32>
        %swap3A_718 = arith.constant 0 : i32
        %swap3A_719 = arith.constant 0 : i32
        %swap3A_720 = tpu.memref_slice %arg12[%scan3A_98, %swap3A_718, %swap3A_719] : memref<8x128x32xf32, #tpu.memory_space<vmem>> -> memref<1x128x32xf32, #tpu.memory_space<vmem>>
        %swap3A_721 = tpu.memref_squeeze %swap3A_720 : memref<1x128x32xf32, #tpu.memory_space<vmem>> -> memref<128x32xf32, #tpu.memory_space<vmem>>
        %swap3A_722 = arith.index_cast %scan3A_668 : i32 to index
        %swap3A_723 = arith.constant 16 : index
        %swap3A_724 = tpu.vector_load %swap3A_721[%swap3A_722, %swap3A_723] {strides = array<i32>} : memref<128x32xf32, #tpu.memory_space<vmem>>, vector<16xf32>,
        tpu.vector_store %swap3A_721[%swap3A_722, %swap3A_723], %add3A_717 {strides = array<i32>} : memref<128x32xf32, #tpu.memory_space<vmem>>, vector<16xf32>,
        %scan3A_725 = arith.constant 0 : i32
        scf.yield %scan3A_725 : i32
      }
      %scan3A_665 = arith.constant 128 : i32
      "tpu.region"() ({
        %run_scoped3A_668 = tpu.sem_alloc : memref<!tpu.dma_semaphore, #tpu.memory_space<semaphore_mem>>
        %dma_start3A_669 = arith.constant 0 : i32
        %dma_start3A_670 = arith.constant 0 : i32
        %dma_start3A_671 = tpu.memref_slice %arg12[%scan3A_98, %dma_start3A_669, %dma_start3A_670] : memref<8x128x32xf32, #tpu.memory_space<vmem>> -> memref<1x128x32xf32, #tpu.memory_space<vmem>>
        %dma_start3A_672 = tpu.memref_squeeze %dma_start3A_671 : memref<1x128x32xf32, #tpu.memory_space<vmem>> -> memref<128x32xf32, #tpu.memory_space<vmem>>
        %dma_start3A_673 = arith.constant 0 : i32
        %dma_start3A_674 = tpu.memref_slice %arg9[%add3A_657, %dma_start3A_673] : memref<10240x32xf32, #tpu.memory_space<vmem_shared>> -> memref<128x32xf32, #tpu.memory_space<vmem_shared>>
        %dma_start3A_675 = arith.constant 0 : i32
        %dma_start3A_676 = tpu.memref_slice %arg9[%add3A_657, %dma_start3A_675] : memref<10240x32xf32, #tpu.memory_space<vmem_shared>> -> memref<128x32xf32, #tpu.memory_space<vmem_shared>>
        %dma_start3A_677 = arith.constant 0 : i32
        %dma_start3A_678 = arith.constant 0 : i32
        %dma_start3A_679 = tpu.memref_slice %arg12[%scan3A_98, %dma_start3A_677, %dma_start3A_678] : memref<8x128x32xf32, #tpu.memory_space<vmem>> -> memref<1x128x32xf32, #tpu.memory_space<vmem>>
        %dma_start3A_680 = tpu.memref_squeeze %dma_start3A_679 : memref<1x128x32xf32, #tpu.memory_space<vmem>> -> memref<128x32xf32, #tpu.memory_space<vmem>>
        tpu.enqueue_dma source(%dma_start3A_680 : memref<128x32xf32, #tpu.memory_space<vmem>>) target(%dma_start3A_676 : memref<128x32xf32, #tpu.memory_space<vmem_shared>>) target_semaphore(%run_scoped3A_668 : memref<!tpu.dma_semaphore, #tpu.memory_space<semaphore_mem>>)
        %dma_wait3A_681 = arith.constant 0 : i32
        %dma_wait3A_682 = arith.constant 0 : i32
        %dma_wait3A_683 = tpu.memref_slice %arg12[%scan3A_98, %dma_wait3A_681, %dma_wait3A_682] : memref<8x128x32xf32, #tpu.memory_space<vmem>> -> memref<1x128x32xf32, #tpu.memory_space<vmem>>
        %dma_wait3A_684 = tpu.memref_squeeze %dma_wait3A_683 : memref<1x128x32xf32, #tpu.memory_space<vmem>> -> memref<128x32xf32, #tpu.memory_space<vmem>>
        %dma_wait3A_685 = arith.constant 0 : i32
        %dma_wait3A_686 = tpu.memref_slice %arg9[%add3A_657, %dma_wait3A_685] : memref<10240x32xf32, #tpu.memory_space<vmem_shared>> -> memref<128x32xf32, #tpu.memory_space<vmem_shared>>
        %dma_wait3A_687 = arith.constant 0 : i32
        %dma_wait3A_688 = tpu.memref_slice %arg9[%add3A_657, %dma_wait3A_687] : memref<10240x32xf32, #tpu.memory_space<vmem_shared>> -> memref<128x32xf32, #tpu.memory_space<vmem_shared>>
        %dma_wait3A_689 = arith.constant 0 : i32
        %dma_wait3A_690 = arith.constant 0 : i32
        %dma_wait3A_691 = tpu.memref_slice %arg12[%scan3A_98, %dma_wait3A_689, %dma_wait3A_690] : memref<8x128x32xf32, #tpu.memory_space<vmem>> -> memref<1x128x32xf32, #tpu.memory_space<vmem>>
        %dma_wait3A_692 = tpu.memref_squeeze %dma_wait3A_691 : memref<1x128x32xf32, #tpu.memory_space<vmem>> -> memref<128x32xf32, #tpu.memory_space<vmem>>
        tpu.wait_dma2 semaphore(%run_scoped3A_668 : memref<!tpu.dma_semaphore, #tpu.memory_space<semaphore_mem>>) src(%dma_wait3A_692 : memref<128x32xf32, #tpu.memory_space<vmem>>) dst(%dma_wait3A_688 : memref<128x32xf32, #tpu.memory_space<vmem_shared>>)
        tpu.yield
      }) : () -> ()
      "tpu.region"() ({
        %run_scoped3A_668 = tpu.sem_alloc : memref<!tpu.dma_semaphore, #tpu.memory_space<semaphore_mem>>
        %dma_start3A_669 = arith.constant 0 : i32
        %dma_start3A_670 = arith.constant 0 : i32
        %dma_start3A_671 = tpu.memref_slice %arg12[%scan3A_96, %dma_start3A_669, %dma_start3A_670] : memref<8x128x32xf32, #tpu.memory_space<vmem>> -> memref<1x128x32xf32, #tpu.memory_space<vmem>>
        %dma_start3A_672 = tpu.memref_squeeze %dma_start3A_671 : memref<1x128x32xf32, #tpu.memory_space<vmem>> -> memref<128x32xf32, #tpu.memory_space<vmem>>
        %dma_start3A_673 = arith.constant 0 : i32
        %dma_start3A_674 = tpu.memref_slice %arg8[%add3A_657, %dma_start3A_673] : memref<10240x32xf32, #tpu.memory_space<vmem_shared>> -> memref<128x32xf32, #tpu.memory_space<vmem_shared>>
        %dma_start3A_675 = arith.constant 0 : i32
        %dma_start3A_676 = tpu.memref_slice %arg8[%add3A_657, %dma_start3A_675] : memref<10240x32xf32, #tpu.memory_space<vmem_shared>> -> memref<128x32xf32, #tpu.memory_space<vmem_shared>>
        %dma_start3A_677 = arith.constant 0 : i32
        %dma_start3A_678 = arith.constant 0 : i32
        %dma_start3A_679 = tpu.memref_slice %arg12[%scan3A_96, %dma_start3A_677, %dma_start3A_678] : memref<8x128x32xf32, #tpu.memory_space<vmem>> -> memref<1x128x32xf32, #tpu.memory_space<vmem>>
        %dma_start3A_680 = tpu.memref_squeeze %dma_start3A_679 : memref<1x128x32xf32, #tpu.memory_space<vmem>> -> memref<128x32xf32, #tpu.memory_space<vmem>>
        tpu.enqueue_dma source(%dma_start3A_680 : memref<128x32xf32, #tpu.memory_space<vmem>>) target(%dma_start3A_676 : memref<128x32xf32, #tpu.memory_space<vmem_shared>>) target_semaphore(%run_scoped3A_668 : memref<!tpu.dma_semaphore, #tpu.memory_space<semaphore_mem>>)
        %dma_wait3A_681 = arith.constant 0 : i32
        %dma_wait3A_682 = arith.constant 0 : i32
        %dma_wait3A_683 = tpu.memref_slice %arg12[%scan3A_96, %dma_wait3A_681, %dma_wait3A_682] : memref<8x128x32xf32, #tpu.memory_space<vmem>> -> memref<1x128x32xf32, #tpu.memory_space<vmem>>
        %dma_wait3A_684 = tpu.memref_squeeze %dma_wait3A_683 : memref<1x128x32xf32, #tpu.memory_space<vmem>> -> memref<128x32xf32, #tpu.memory_space<vmem>>
        %dma_wait3A_685 = arith.constant 0 : i32
        %dma_wait3A_686 = tpu.memref_slice %arg8[%add3A_657, %dma_wait3A_685] : memref<10240x32xf32, #tpu.memory_space<vmem_shared>> -> memref<128x32xf32, #tpu.memory_space<vmem_shared>>
        %dma_wait3A_687 = arith.constant 0 : i32
        %dma_wait3A_688 = tpu.memref_slice %arg8[%add3A_657, %dma_wait3A_687] : memref<10240x32xf32, #tpu.memory_space<vmem_shared>> -> memref<128x32xf32, #tpu.memory_space<vmem_shared>>
        %dma_wait3A_689 = arith.constant 0 : i32
        %dma_wait3A_690 = arith.constant 0 : i32
        %dma_wait3A_691 = tpu.memref_slice %arg12[%scan3A_96, %dma_wait3A_689, %dma_wait3A_690] : memref<8x128x32xf32, #tpu.memory_space<vmem>> -> memref<1x128x32xf32, #tpu.memory_space<vmem>>
        %dma_wait3A_692 = tpu.memref_squeeze %dma_wait3A_691 : memref<1x128x32xf32, #tpu.memory_space<vmem>> -> memref<128x32xf32, #tpu.memory_space<vmem>>
        tpu.wait_dma2 semaphore(%run_scoped3A_668 : memref<!tpu.dma_semaphore, #tpu.memory_space<semaphore_mem>>) src(%dma_wait3A_692 : memref<128x32xf32, #tpu.memory_space<vmem>>) dst(%dma_wait3A_688 : memref<128x32xf32, #tpu.memory_space<vmem_shared>>)
        tpu.yield
      }) : () -> ()
      %barrier3A_666 = arith.constant 0 : index
      tpu.barrier barrier_id(%barrier3A_666)
      %scan3A_667 = arith.constant 0 : i32
      scf.yield %scan3A_667 : i32
    }
    %scan3A_105 = arith.constant 10 : i32
    %add3A_106 = arith.constant 0 : i32
    %add3A_107 = arith.addi %mul3A_0, %add3A_106 : i32
    %add3A_108 = arith.addi %mul3A_2, %add3A_107 : i32
    "tpu.region"() ({
      %run_scoped3A_121 = tpu.sem_alloc : memref<!tpu.dma_semaphore, #tpu.memory_space<semaphore_mem>>
      %dma_start3A = arith.constant 0 : i32
      %dma_start3A_122 = tpu.memref_slice %arg6[%add3A_108, %dma_start3A] : memref<20480x32xf32, #tpu.memory_space<hbm>> -> memref<128x32xf32, #tpu.memory_space<hbm>>
      %dma_start3A_123 = arith.constant 0 : i32
      %dma_start3A_124 = tpu.memref_slice %arg9[%add3A_107, %dma_start3A_123] : memref<10240x32xf32, #tpu.memory_space<vmem_shared>> -> memref<128x32xf32, #tpu.memory_space<vmem_shared>>
      tpu.enqueue_dma source(%dma_start3A_124 : memref<128x32xf32, #tpu.memory_space<vmem_shared>>) target(%dma_start3A_122 : memref<128x32xf32, #tpu.memory_space<hbm>>) target_semaphore(%run_scoped3A_121 : memref<!tpu.dma_semaphore, #tpu.memory_space<semaphore_mem>>)
      %dma_wait3A = arith.constant 0 : i32
      %dma_wait3A_125 = tpu.memref_slice %arg6[%add3A_108, %dma_wait3A] : memref<20480x32xf32, #tpu.memory_space<hbm>> -> memref<128x32xf32, #tpu.memory_space<hbm>>
      %dma_wait3A_126 = arith.constant 0 : i32
      %dma_wait3A_127 = tpu.memref_slice %arg9[%add3A_107, %dma_wait3A_126] : memref<10240x32xf32, #tpu.memory_space<vmem_shared>> -> memref<128x32xf32, #tpu.memory_space<vmem_shared>>
      tpu.wait_dma2 semaphore(%run_scoped3A_121 : memref<!tpu.dma_semaphore, #tpu.memory_space<semaphore_mem>>) src(%dma_wait3A_127 : memref<128x32xf32, #tpu.memory_space<vmem_shared>>) dst(%dma_wait3A_125 : memref<128x32xf32, #tpu.memory_space<hbm>>)
      tpu.yield
    }) : () -> ()
    %add3A_109 = arith.constant 128 : i32
    %add3A_110 = arith.addi %mul3A_0, %add3A_109 : i32
    %add3A_111 = arith.addi %mul3A_2, %add3A_110 : i32
    "tpu.region"() ({
      %run_scoped3A_121 = tpu.sem_alloc : memref<!tpu.dma_semaphore, #tpu.memory_space<semaphore_mem>>
      %dma_start3A = arith.constant 0 : i32
      %dma_start3A_122 = tpu.memref_slice %arg6[%add3A_111, %dma_start3A] : memref<20480x32xf32, #tpu.memory_space<hbm>> -> memref<128x32xf32, #tpu.memory_space<hbm>>
      %dma_start3A_123 = arith.constant 0 : i32
      %dma_start3A_124 = tpu.memref_slice %arg9[%add3A_110, %dma_start3A_123] : memref<10240x32xf32, #tpu.memory_space<vmem_shared>> -> memref<128x32xf32, #tpu.memory_space<vmem_shared>>
      tpu.enqueue_dma source(%dma_start3A_124 : memref<128x32xf32, #tpu.memory_space<vmem_shared>>) target(%dma_start3A_122 : memref<128x32xf32, #tpu.memory_space<hbm>>) target_semaphore(%run_scoped3A_121 : memref<!tpu.dma_semaphore, #tpu.memory_space<semaphore_mem>>)
      %dma_wait3A = arith.constant 0 : i32
      %dma_wait3A_125 = tpu.memref_slice %arg6[%add3A_111, %dma_wait3A] : memref<20480x32xf32, #tpu.memory_space<hbm>> -> memref<128x32xf32, #tpu.memory_space<hbm>>
      %dma_wait3A_126 = arith.constant 0 : i32
      %dma_wait3A_127 = tpu.memref_slice %arg9[%add3A_110, %dma_wait3A_126] : memref<10240x32xf32, #tpu.memory_space<vmem_shared>> -> memref<128x32xf32, #tpu.memory_space<vmem_shared>>
      tpu.wait_dma2 semaphore(%run_scoped3A_121 : memref<!tpu.dma_semaphore, #tpu.memory_space<semaphore_mem>>) src(%dma_wait3A_127 : memref<128x32xf32, #tpu.memory_space<vmem_shared>>) dst(%dma_wait3A_125 : memref<128x32xf32, #tpu.memory_space<hbm>>)
      tpu.yield
    }) : () -> ()
    %add3A_112 = arith.constant 256 : i32
    %add3A_113 = arith.addi %mul3A_0, %add3A_112 : i32
    %add3A_114 = arith.addi %mul3A_2, %add3A_113 : i32
    "tpu.region"() ({
      %run_scoped3A_121 = tpu.sem_alloc : memref<!tpu.dma_semaphore, #tpu.memory_space<semaphore_mem>>
      %dma_start3A = arith.constant 0 : i32
      %dma_start3A_122 = tpu.memref_slice %arg6[%add3A_114, %dma_start3A] : memref<20480x32xf32, #tpu.memory_space<hbm>> -> memref<128x32xf32, #tpu.memory_space<hbm>>
      %dma_start3A_123 = arith.constant 0 : i32
      %dma_start3A_124 = tpu.memref_slice %arg9[%add3A_113, %dma_start3A_123] : memref<10240x32xf32, #tpu.memory_space<vmem_shared>> -> memref<128x32xf32, #tpu.memory_space<vmem_shared>>
      tpu.enqueue_dma source(%dma_start3A_124 : memref<128x32xf32, #tpu.memory_space<vmem_shared>>) target(%dma_start3A_122 : memref<128x32xf32, #tpu.memory_space<hbm>>) target_semaphore(%run_scoped3A_121 : memref<!tpu.dma_semaphore, #tpu.memory_space<semaphore_mem>>)
      %dma_wait3A = arith.constant 0 : i32
      %dma_wait3A_125 = tpu.memref_slice %arg6[%add3A_114, %dma_wait3A] : memref<20480x32xf32, #tpu.memory_space<hbm>> -> memref<128x32xf32, #tpu.memory_space<hbm>>
      %dma_wait3A_126 = arith.constant 0 : i32
      %dma_wait3A_127 = tpu.memref_slice %arg9[%add3A_113, %dma_wait3A_126] : memref<10240x32xf32, #tpu.memory_space<vmem_shared>> -> memref<128x32xf32, #tpu.memory_space<vmem_shared>>
      tpu.wait_dma2 semaphore(%run_scoped3A_121 : memref<!tpu.dma_semaphore, #tpu.memory_space<semaphore_mem>>) src(%dma_wait3A_127 : memref<128x32xf32, #tpu.memory_space<vmem_shared>>) dst(%dma_wait3A_125 : memref<128x32xf32, #tpu.memory_space<hbm>>)
      tpu.yield
    }) : () -> ()
    %add3A_115 = arith.constant 384 : i32
    %add3A_116 = arith.addi %mul3A_0, %add3A_115 : i32
    %add3A_117 = arith.addi %mul3A_2, %add3A_116 : i32
    "tpu.region"() ({
      %run_scoped3A_121 = tpu.sem_alloc : memref<!tpu.dma_semaphore, #tpu.memory_space<semaphore_mem>>
      %dma_start3A = arith.constant 0 : i32
      %dma_start3A_122 = tpu.memref_slice %arg6[%add3A_117, %dma_start3A] : memref<20480x32xf32, #tpu.memory_space<hbm>> -> memref<128x32xf32, #tpu.memory_space<hbm>>
      %dma_start3A_123 = arith.constant 0 : i32
      %dma_start3A_124 = tpu.memref_slice %arg9[%add3A_116, %dma_start3A_123] : memref<10240x32xf32, #tpu.memory_space<vmem_shared>> -> memref<128x32xf32, #tpu.memory_space<vmem_shared>>
      tpu.enqueue_dma source(%dma_start3A_124 : memref<128x32xf32, #tpu.memory_space<vmem_shared>>) target(%dma_start3A_122 : memref<128x32xf32, #tpu.memory_space<hbm>>) target_semaphore(%run_scoped3A_121 : memref<!tpu.dma_semaphore, #tpu.memory_space<semaphore_mem>>)
      %dma_wait3A = arith.constant 0 : i32
      %dma_wait3A_125 = tpu.memref_slice %arg6[%add3A_117, %dma_wait3A] : memref<20480x32xf32, #tpu.memory_space<hbm>> -> memref<128x32xf32, #tpu.memory_space<hbm>>
      %dma_wait3A_126 = arith.constant 0 : i32
      %dma_wait3A_127 = tpu.memref_slice %arg9[%add3A_116, %dma_wait3A_126] : memref<10240x32xf32, #tpu.memory_space<vmem_shared>> -> memref<128x32xf32, #tpu.memory_space<vmem_shared>>
      tpu.wait_dma2 semaphore(%run_scoped3A_121 : memref<!tpu.dma_semaphore, #tpu.memory_space<semaphore_mem>>) src(%dma_wait3A_127 : memref<128x32xf32, #tpu.memory_space<vmem_shared>>) dst(%dma_wait3A_125 : memref<128x32xf32, #tpu.memory_space<hbm>>)
      tpu.yield
    }) : () -> ()
    %add3A_118 = arith.constant 512 : i32
    %add3A_119 = arith.addi %mul3A_0, %add3A_118 : i32
    %add3A_120 = arith.addi %mul3A_2, %add3A_119 : i32
    "tpu.region"() ({
      %run_scoped3A_121 = tpu.sem_alloc : memref<!tpu.dma_semaphore, #tpu.memory_space<semaphore_mem>>
      %dma_start3A = arith.constant 0 : i32
      %dma_start3A_122 = tpu.memref_slice %arg6[%add3A_120, %dma_start3A] : memref<20480x32xf32, #tpu.memory_space<hbm>> -> memref<128x32xf32, #tpu.memory_space<hbm>>
      %dma_start3A_123 = arith.constant 0 : i32
      %dma_start3A_124 = tpu.memref_slice %arg9[%add3A_119, %dma_start3A_123] : memref<10240x32xf32, #tpu.memory_space<vmem_shared>> -> memref<128x32xf32, #tpu.memory_space<vmem_shared>>
      tpu.enqueue_dma source(%dma_start3A_124 : memref<128x32xf32, #tpu.memory_space<vmem_shared>>) target(%dma_start3A_122 : memref<128x32xf32, #tpu.memory_space<hbm>>) target_semaphore(%run_scoped3A_121 : memref<!tpu.dma_semaphore, #tpu.memory_space<semaphore_mem>>)
      %dma_wait3A = arith.constant 0 : i32
      %dma_wait3A_125 = tpu.memref_slice %arg6[%add3A_120, %dma_wait3A] : memref<20480x32xf32, #tpu.memory_space<hbm>> -> memref<128x32xf32, #tpu.memory_space<hbm>>
      %dma_wait3A_126 = arith.constant 0 : i32
      %dma_wait3A_127 = tpu.memref_slice %arg9[%add3A_119, %dma_wait3A_126] : memref<10240x32xf32, #tpu.memory_space<vmem_shared>> -> memref<128x32xf32, #tpu.memory_space<vmem_shared>>
      tpu.wait_dma2 semaphore(%run_scoped3A_121 : memref<!tpu.dma_semaphore, #tpu.memory_space<semaphore_mem>>) src(%dma_wait3A_127 : memref<128x32xf32, #tpu.memory_space<vmem_shared>>) dst(%dma_wait3A_125 : memref<128x32xf32, #tpu.memory_space<hbm>>)
      tpu.yield
    }) : () -> ()
    return
  }
}

module attributes {stable_mosaic.version = 14 : i64} {
  func.func @_mlp_body(%arg0: memref<10240x128xf32, #tpu.memory_space<vmem>>, %arg1: memref<128x128xf32, #tpu.memory_space<vmem>>, %arg2: memref<128xf32, #tpu.memory_space<vmem>>, %arg3: memref<128xf32, #tpu.memory_space<vmem>>, %arg4: memref<128xf32, #tpu.memory_space<vmem>>, %arg5: memref<128xf32, #tpu.memory_space<vmem>>, %arg6: memref<128xf32, #tpu.memory_space<vmem>>, %arg7: memref<128x64xf32, #tpu.memory_space<vmem>>, %arg8: memref<64xf32, #tpu.memory_space<vmem>>, %arg9: memref<2x10240x32xf32, #tpu.memory_space<vmem>>) attributes {dimension_semantics = [], scalar_prefetch = 0 : i64, scratch_operands = 0 : i64, tpu.core_type = #tpu.core_type<tc>} {
    %get3A = arith.constant 0 : index
    %get3A_0 = arith.constant 0 : index
    %get3A_1 = vector.load %arg0[%get3A, %get3A_0] : memref<10240x128xf32, #tpu.memory_space<vmem>>, vector<10240x128xf32>
    %get3A_2 = arith.constant 0 : index
    %get3A_3 = arith.constant 0 : index
    %get3A_4 = vector.load %arg1[%get3A_2, %get3A_3] : memref<128x128xf32, #tpu.memory_space<vmem>>, vector<128x128xf32>
    %dot_general3A = arith.constant dense<0.000000e+00> : vector<10240x128xf32>
    %dot_general3A_5 = tpu.matmul %get3A_1, %get3A_4, %dot_general3A {dimension_numbers = #tpu.dot_dimension_numbers<[1], [0], [0], [1], [0, 0, 1, 1], [], []>, transpose_lhs_hint = false} : vector<10240x128xf32>, vector<128x128xf32>, vector<10240x128xf32> -> vector<10240x128xf32>
    %get3A_6 = arith.constant 0 : index
    %get3A_7 = vector.load %arg2[%get3A_6] : memref<128xf32, #tpu.memory_space<vmem>>, vector<128xf32>
    %broadcast_in_dim3A = vector.shape_cast %get3A_7 : vector<128xf32> to vector<1x128xf32>
    %add3A = vector.broadcast %broadcast_in_dim3A : vector<1x128xf32> to vector<10240x128xf32>
    %add3A_8 = arith.addf %dot_general3A_5, %add3A : vector<10240x128xf32>
    %get3A_9 = arith.constant 0 : index
    %get3A_10 = vector.load %arg3[%get3A_9] : memref<128xf32, #tpu.memory_space<vmem>>, vector<128xf32>
    %get3A_11 = arith.constant 0 : index
    %get3A_12 = vector.load %arg6[%get3A_11] : memref<128xf32, #tpu.memory_space<vmem>>, vector<128xf32>
    %add3A_13 = arith.constant 9.99999974E-6 : f32
    %add3A_14 = vector.broadcast %add3A_13 : f32 to vector<128xf32>
    %add3A_15 = arith.addf %get3A_12, %add3A_14 : vector<128xf32>
    %rsqrt3A = math.rsqrt %add3A_15 : vector<128xf32>
    %mul3A = arith.mulf %get3A_10, %rsqrt3A : vector<128xf32>
    %get3A_16 = arith.constant 0 : index
    %get3A_17 = vector.load %arg5[%get3A_16] : memref<128xf32, #tpu.memory_space<vmem>>, vector<128xf32>
    %broadcast_in_dim3A_18 = vector.shape_cast %get3A_17 : vector<128xf32> to vector<1x128xf32>
    %sub3A = vector.broadcast %broadcast_in_dim3A_18 : vector<1x128xf32> to vector<10240x128xf32>
    %sub3A_19 = arith.subf %add3A_8, %sub3A : vector<10240x128xf32>
    %broadcast_in_dim3A_20 = vector.shape_cast %mul3A : vector<128xf32> to vector<1x128xf32>
    %mul3A_21 = vector.broadcast %broadcast_in_dim3A_20 : vector<1x128xf32> to vector<10240x128xf32>
    %mul3A_22 = arith.mulf %sub3A_19, %mul3A_21 : vector<10240x128xf32>
    %get3A_23 = arith.constant 0 : index
    %get3A_24 = vector.load %arg4[%get3A_23] : memref<128xf32, #tpu.memory_space<vmem>>, vector<128xf32>
    %broadcast_in_dim3A_25 = vector.shape_cast %get3A_24 : vector<128xf32> to vector<1x128xf32>
    %add3A_26 = vector.broadcast %broadcast_in_dim3A_25 : vector<1x128xf32> to vector<10240x128xf32>
    %add3A_27 = arith.addf %mul3A_22, %add3A_26 : vector<10240x128xf32>
    %max3A = arith.constant 0.000000e+00 : f32
    %max3A_28 = vector.broadcast %max3A : f32 to vector<10240x128xf32>
    %max3A_29 = arith.maximumf %add3A_27, %max3A_28 : vector<10240x128xf32>
    %get3A_30 = arith.constant 0 : index
    %get3A_31 = arith.constant 0 : index
    %get3A_32 = vector.load %arg7[%get3A_30, %get3A_31] : memref<128x64xf32, #tpu.memory_space<vmem>>, vector<128x64xf32>
    %dot_general3A_33 = arith.constant dense<0.000000e+00> : vector<10240x64xf32>
    %dot_general3A_34 = tpu.matmul %max3A_29, %get3A_32, %dot_general3A_33 {dimension_numbers = #tpu.dot_dimension_numbers<[1], [0], [0], [1], [0, 0, 1, 1], [], []>, transpose_lhs_hint = false} : vector<10240x128xf32>, vector<128x64xf32>, vector<10240x64xf32> -> vector<10240x64xf32>
    %get3A_35 = arith.constant 0 : index
    %get3A_36 = vector.load %arg8[%get3A_35] : memref<64xf32, #tpu.memory_space<vmem>>, vector<64xf32>
    %broadcast_in_dim3A_37 = vector.shape_cast %get3A_36 : vector<64xf32> to vector<1x64xf32>
    %add3A_38 = vector.broadcast %broadcast_in_dim3A_37 : vector<1x64xf32> to vector<10240x64xf32>
    %add3A_39 = arith.addf %dot_general3A_34, %add3A_38 : vector<10240x64xf32>
    %slice3A = vector.extract_strided_slice %add3A_39 {offsets = [0, 0], sizes = [10240, 32], strides = [1, 1]} : vector<10240x64xf32> to vector<10240x32xf32>
    %swap3A = arith.constant 0 : index
    %swap3A_40 = arith.constant 0 : index
    %swap3A_41 = arith.constant 0 : index
    %swap3A_42 = vector.load %arg9[%swap3A, %swap3A_40, %swap3A_41] : memref<2x10240x32xf32, #tpu.memory_space<vmem>>, vector<1x10240x32xf32>
    %swap3A_43 = vector.shape_cast %swap3A_42 : vector<1x10240x32xf32> to vector<10240x32xf32>
    %swap3A_44 = vector.shape_cast %slice3A : vector<10240x32xf32> to vector<1x10240x32xf32>
    tpu.vector_store %arg9[%swap3A, %swap3A_40, %swap3A_41], %swap3A_44 {strides = array<i32>} : memref<2x10240x32xf32, #tpu.memory_space<vmem>>, vector<1x10240x32xf32>,
    %slice3A_45 = vector.extract_strided_slice %add3A_39 {offsets = [0, 32], sizes = [10240, 32], strides = [1, 1]} : vector<10240x64xf32> to vector<10240x32xf32>
    %swap3A_46 = arith.constant 1 : index
    %swap3A_47 = arith.constant 0 : index
    %swap3A_48 = arith.constant 0 : index
    %swap3A_49 = vector.load %arg9[%swap3A_46, %swap3A_47, %swap3A_48] : memref<2x10240x32xf32, #tpu.memory_space<vmem>>, vector<1x10240x32xf32>
    %swap3A_50 = vector.shape_cast %swap3A_49 : vector<1x10240x32xf32> to vector<10240x32xf32>
    %swap3A_51 = vector.shape_cast %slice3A_45 : vector<10240x32xf32> to vector<1x10240x32xf32>
    tpu.vector_store %arg9[%swap3A_46, %swap3A_47, %swap3A_48], %swap3A_51 {strides = array<i32>} : memref<2x10240x32xf32, #tpu.memory_space<vmem>>, vector<1x10240x32xf32>,
    return
  }
}

module attributes {stable_mosaic.version = 14 : i64} {
  func.func @_final_body(%arg0: memref<2x10240x32xf32, #tpu.memory_space<vmem>>, %arg1: memref<2x10240x16xf32, #tpu.memory_space<vmem>>, %arg2: memref<10000x64xf32, #tpu.memory_space<vmem>>) attributes {dimension_semantics = [], scalar_prefetch = 0 : i64, scratch_operands = 0 : i64, tpu.core_type = #tpu.core_type<tc>} {
    %get3A = arith.constant 0 : index
    %get3A_0 = arith.constant 0 : index
    %get3A_1 = arith.constant 0 : index
    %get3A_2 = vector.load %arg0[%get3A, %get3A_0, %get3A_1] : memref<2x10240x32xf32, #tpu.memory_space<vmem>>, vector<1x10000x32xf32>
    %get3A_3 = vector.shape_cast %get3A_2 : vector<1x10000x32xf32> to vector<10000x32xf32>
    %get3A_4 = arith.constant 1 : index
    %get3A_5 = arith.constant 0 : index
    %get3A_6 = arith.constant 0 : index
    %get3A_7 = vector.load %arg0[%get3A_4, %get3A_5, %get3A_6] : memref<2x10240x32xf32, #tpu.memory_space<vmem>>, vector<1x10000x32xf32>
    %get3A_8 = vector.shape_cast %get3A_7 : vector<1x10000x32xf32> to vector<10000x32xf32>
    %concatenate3A = tpu.concatenate %get3A_3, %get3A_8 in 1 : vector<10000x32xf32>, vector<10000x32xf32> -> vector<10000x64xf32>
    %get3A_9 = arith.constant 0 : index
    %get3A_10 = arith.constant 0 : index
    %get3A_11 = arith.constant 0 : index
    %get3A_12 = vector.load %arg1[%get3A_9, %get3A_10, %get3A_11] : memref<2x10240x16xf32, #tpu.memory_space<vmem>>, vector<1x10000x1xf32>
    %get3A_13 = vector.shape_cast %get3A_12 : vector<1x10000x1xf32> to vector<10000x1xf32>
    %get3A_14 = arith.constant 1 : index
    %get3A_15 = arith.constant 0 : index
    %get3A_16 = arith.constant 0 : index
    %get3A_17 = vector.load %arg1[%get3A_14, %get3A_15, %get3A_16] : memref<2x10240x16xf32, #tpu.memory_space<vmem>>, vector<1x10000x1xf32>
    %get3A_18 = vector.shape_cast %get3A_17 : vector<1x10000x1xf32> to vector<10000x1xf32>
    %add3A = arith.addf %get3A_13, %get3A_18 : vector<10000x1xf32>
    %add3A_19 = arith.constant 1.000000e+00 : f32
    %add3A_20 = vector.broadcast %add3A_19 : f32 to vector<10000x1xf32>
    %add3A_21 = arith.addf %add3A, %add3A_20 : vector<10000x1xf32>
    %sqrt3A = math.sqrt %add3A_21 : vector<10000x1xf32>
    %mul3A = vector.broadcast %sqrt3A : vector<10000x1xf32> to vector<10000x64xf32>
    %mul3A_22 = arith.mulf %concatenate3A, %mul3A : vector<10000x64xf32>
    %reduce_max3A = arith.constant dense<0xFF800000> : vector<10000xf32>
    %reduce_max3A_23 = vector.multi_reduction <maximumf>, %mul3A_22, %reduce_max3A [1] : vector<10000x64xf32> to vector<10000xf32>
    %broadcast_in_dim3A = vector.shape_cast %reduce_max3A_23 : vector<10000xf32> to vector<10000x1xf32>
    %sub3A = vector.broadcast %broadcast_in_dim3A : vector<10000x1xf32> to vector<10000x64xf32>
    %sub3A_24 = arith.subf %mul3A_22, %sub3A : vector<10000x64xf32>
    %exp3A = math.exp %sub3A_24 : vector<10000x64xf32>
    %reduce_sum3A = arith.constant dense<0.000000e+00> : vector<10000xf32>
    %reduce_sum3A_25 = vector.multi_reduction <add>, %exp3A, %reduce_sum3A [1] : vector<10000x64xf32> to vector<10000xf32>
    %broadcast_in_dim3A_26 = vector.shape_cast %reduce_sum3A_25 : vector<10000xf32> to vector<10000x1xf32>
    %sub3A_27 = vector.broadcast %broadcast_in_dim3A : vector<10000x1xf32> to vector<10000x64xf32>
    %sub3A_28 = arith.subf %mul3A_22, %sub3A_27 : vector<10000x64xf32>
    %log3A = math.log %broadcast_in_dim3A_26 : vector<10000x1xf32>
    %sub3A_29 = vector.broadcast %log3A : vector<10000x1xf32> to vector<10000x64xf32>
    %sub3A_30 = arith.subf %sub3A_28, %sub3A_29 : vector<10000x64xf32>
    %swap3A = arith.constant 0 : index
    %swap3A_31 = arith.constant 0 : index
    %swap3A_32 = vector.load %arg2[%swap3A, %swap3A_31] : memref<10000x64xf32, #tpu.memory_space<vmem>>, vector<10000x64xf32>
    tpu.vector_store %arg2[%swap3A, %swap3A_31], %sub3A_30 {strides = array<i32>} : memref<10000x64xf32, #tpu.memory_space<vmem>>, vector<10000x64xf32>,
    return
  }
}

</mosaic_0001>

<sc_bundles>
// kernel: kernel.6.cloned.1.call-start
scs
__scs_entry_jumppad:
0x0: {  	(pc) =	sbr.rel $0x88, $3  }
0x1: {  	(tag) =	ssettag $0x0;
	lr =	simm.s32 $0x1  }
0x2: {  	[smem:$0x3F97] =	sst lr;
	_ =	strace $0xD0000000  }
0x3: {  	_ = 	snop  }
0x4: {  	_ = 	snop  }
0x5: {  	_ = 	snop  }
0x6: {  	_ = 	snop  }
0x7: {  	_ = 	snop  }
__scs_overlays_trampoline_lowered:
0x8: {  	[smem:$0x3FA6] =	sst s0  }
0x9: {  	[smem:$0x3FA7] =	sst s1  }
0xa: {  	[smem:$0x3FA8] =	sst s2  }
0xb: {  	[smem:$0x3FA9] =	sst s3  }
0xc: {  	[smem:$0x3FAA] =	sst s4  }
0xd: {  	[smem:$0x3FAB] =	sst s5  }
0xe: {  	[smem:$0x3FAC] =	sst s6  }
0xf: {  	[smem:$0x3FAD] =	sst s7  }
0x10: {  	[smem:$0x3FAE] =	sst s8  }
0x11: {  	[smem:$0x3FAF] =	sst s9;
	s0 =	simm.s32 @!p0 $0x0  }
0x12: {  	s1 =	sld [smem:$0x3F95];
	s0 =	simm.s32 @p0 $0x1  }
0x13: {  	[smem:$0x3FB0] =	sst s0;
	s0 =	simm.s32 @!p1 $0x0  }
0x14: {  	s2 =	sld [smem:$0x3F94];
	s0 =	simm.s32 @p1 $0x1  }
0x15: {  	[smem:$0x3FB1] =	sst s0;
	s0 =	simm.s32 @!p2 $0x0  }
0x16: {  	s3 =	sld [smem:$0x3FDB];
	s0 =	simm.s32 @p2 $0x1  }
0x17: {  	s4 =	simm.s32 $0x1BF5;
	[smem:$0x3FB3] =	sst s0  }
0x18: {  	s0 =	sld [smem:$0x3F96];
	_ =	swait.ge [sflag:s4], $0x0  }
0x19: {  	s7 =	sld [smem:$0x3F97]  }
0x1a: {  	s8 =	sadd.s32 $0xFFFFE003, lr  }
0x1b: {  	s9 =	sadd.s32 $0xFFFFFEF7, lr;
	s5 =	simm.s32 $0xFFFFFFFF;
	p2 =	slt.u32 s8, $0xFFFFF086  }
0x1c: {  	p1 =	slt.u32 s9, $0xF7A;
	s5 =	simm.s32 @!p2 $0x0  }
0x1d: {  	s5 =	simm.s32 @p1 $0x1;
	p0 =	seq.s32 s7, s2  }
0x1e: {  	s7 =	smul.u32 @!p0 $0xF7A, s2;
	p2 =	seq.s32 @!p0 s5, $0x0  }
0x1f: {  	s9 =	smul.u32 $0xF7A, s1;
	s8 =	simm.s32 @!p0 $0x1BF5;
	p2 =	por !p2, p0  }
0x20: {  	[sflag:s8] =	ssyncset.s32 @!p0 $0xFFFFF086;
	s6 =	sadd.s32 @!p0 s3, s7;
	s7 =	simm.s32 @!p0 $0x108  }
0x21: {  	s3 =	sadd.s32 s3, s9;
	s6 =	sadd.s32 @!p0 $0x88, s6;
	s7 =	simm.s32 @p2 $0x1082  }
0x22: {  	[simem:s7], [sflag:s8] =	dma.local @!p0 [hbm:s6], $0xF7A  }
0x23: {  	s9 =	sor.u32 $0xD0000000, s2;
	s6 =	simm.s32 $0x108;
	_ =	swait.ge @!p0 [sflag:s8], $0x0  }
0x24: {  	s3 =	sadd.s32 $0x88, s3;
	s6 =	simm.s32 @!p1 $0x1082;
	[sflag:s4] =	ssyncset.s32 $0xFFFFF086  }
0x25: {  	[simem:s6], [sflag:s4] =	dma.local [hbm:s3], $0xF7A  }
0x26: {  	[smem:$0x3F97] =	sst s1;
	(tag) =	ssettag s2;
	_ =	strace s9  }
0x27: {  	s1 =	sld [smem:$0x3FA7]  }
0x28: {  	s2 =	sld [smem:$0x3FA8]  }
0x29: {  	s4 =	sld [smem:$0x3FAA]  }
0x2a: {  	p0 =	seq.s32 s5, $0x0;
	s5 =	sld [smem:$0x3FAB]  }
0x2b: {  	s6 =	sld [smem:$0x3FAC]  }
0x2c: {  	s7 =	sld [smem:$0x3FAD]  }
0x2d: {  	s3 =	simm.s32 $0x108;
	s8 =	sld [smem:$0x3FAE]  }
0x2e: {  	s3 =	simm.s32 @!p0 $0x1082;
	s9 =	sld [smem:$0x3FAF]  }
0x2f: {  	lr =	sadd.s32 s0, s3;
	s0 =	sld [smem:$0x3FA6]  }
0x30: {  	s3 =	sld [smem:$0x3FA9]  }
0x31: {  	[smem:$0x3FB2] =	sst s10  }
0x32: {  	s10 =	sld [smem:$0x3FB0];
	_ =	sdelay $0x3  }
0x33: {  	p0 =	seq.s32 s10, $0x1;
	s10 =	sld [smem:$0x3FB2];
	_ =	sdelay $0x3  }
0x34: {  	[smem:$0x3FB2] =	sst s10  }
0x35: {  	s10 =	sld [smem:$0x3FB1];
	_ =	sdelay $0x3  }
0x36: {  	p1 =	seq.s32 s10, $0x1;
	s10 =	sld [smem:$0x3FB2];
	_ =	sdelay $0x3  }
0x37: {  	[smem:$0x3FB2] =	sst s10  }
0x38: {  	s10 =	sld [smem:$0x3FB3]  }
0x39: {  	_ = 	snop;
	(pc) =	sbr.ind lr, $3  }
0x3a: {  	_ = 	snop  }
0x3b: {  	_ = 	snop  }
0x3c: {  	p2 =	seq.s32 s10, $0x1;
	s10 =	sld [smem:$0x3FB2]  }
0x3d: {  	_ =	shalt  }
0x3e: {  	_ =	shalt  }
0x3f: {  	_ =	shalt  }
0x40: {  	_ =	shalt  }
0x41: {  	_ =	shalt  }
0x42: {  	_ =	shalt  }
0x43: {  	_ =	shalt  }
0x44: {  	_ =	shalt  }
0x45: {  	_ =	shalt  }
0x46: {  	_ =	shalt  }
0x47: {  	_ =	shalt  }
0x48: {  	_ =	shalt  }
0x49: {  	_ =	shalt  }
0x4a: {  	_ =	shalt  }
0x4b: {  	_ =	shalt  }
0x4c: {  	_ =	shalt  }
0x4d: {  	_ =	shalt  }
0x4e: {  	_ =	shalt  }
0x4f: {  	_ =	shalt  }
0x50: {  	_ =	shalt  }
0x51: {  	_ =	shalt  }
0x52: {  	_ =	shalt  }
0x53: {  	_ =	shalt  }
0x54: {  	_ =	shalt  }
0x55: {  	_ =	shalt  }
0x56: {  	_ =	shalt  }
0x57: {  	_ =	shalt  }
0x58: {  	_ =	shalt  }
0x59: {  	_ =	shalt  }
0x5a: {  	_ =	shalt  }
0x5b: {  	_ =	shalt  }
0x5c: {  	_ =	shalt  }
0x5d: {  	_ =	shalt  }
0x5e: {  	_ =	shalt  }
0x5f: {  	_ =	shalt  }
0x60: {  	_ =	shalt  }
0x61: {  	_ =	shalt  }
0x62: {  	_ =	shalt  }
0x63: {  	_ =	shalt  }
0x64: {  	_ =	shalt  }
0x65: {  	_ =	shalt  }
0x66: {  	_ =	shalt  }
0x67: {  	_ =	shalt  }
0x68: {  	_ =	shalt  }
0x69: {  	_ =	shalt  }
0x6a: {  	_ =	shalt  }
0x6b: {  	_ =	shalt  }
0x6c: {  	_ =	shalt  }
0x6d: {  	_ =	shalt  }
0x6e: {  	_ =	shalt  }
0x6f: {  	_ =	shalt  }
0x70: {  	_ =	shalt  }
0x71: {  	_ =	shalt  }
0x72: {  	_ =	shalt  }
0x73: {  	_ =	shalt  }
0x74: {  	_ =	shalt  }
0x75: {  	_ =	shalt  }
0x76: {  	_ =	shalt  }
0x77: {  	_ =	shalt  }
0x78: {  	_ =	shalt  }
0x79: {  	_ =	shalt  }
0x7a: {  	_ =	shalt  }
0x7b: {  	_ =	shalt  }
0x7c: {  	_ =	shalt  }
0x7d: {  	_ =	shalt  }
0x7e: {  	_ =	shalt  }
0x7f: {  	_ =	shalt  }
0x80: {  	_ =	shalt  }
0x81: {  	_ =	shalt  }
0x82: {  	_ =	shalt  }
0x83: {  	_ =	shalt  }
0x84: {  	_ =	shalt  }
0x85: {  	_ =	shalt  }
0x86: {  	_ =	shalt  }
0x87: {  	_ =	shalt  }
.Lfunc_end0:
.L_simem_size_0:
called_computation_lowered:
.L_overlay_start_0:
0x88: {  	s2 =	sld [smem:$0x3FD9]  }
0x89: {  	s3 =	sld [smem:$0x3FFE];
	_ =	sdelay $0x1  }
0x8a: {  	s1 =	srdreg.scid  }
0x8b: {  	s0 =	sand.u32 $0x1, s1  }
0x8c: {  	s16 =	sshll.u32 s0, $0xA;
	s2 =	sadd.s32 s3, s2  }
0x8d: {  	s2 =	sadd.s32 s2, s16  }
0x8e: {  	[smem:$0x3FBE] =	sst s2  }
0x8f: {  	_ = 	snop  }
0x90: {  	(tm) =	ssettm $0x1  }
0x91: {  	s17 =	sld [smem:$0x3FFB];
	_ =	sdelay $0x3  }
0x92: {  	_ =	strace s17  }
0x93: {  	s2 =	sld [smem:$0x3FFC];
	_ =	sdelay $0x3  }
0x94: {  	_ =	strace s2  }
0x95: {  	s2 =	sld [smem:$0x3FFD];
	_ =	sdelay $0x3  }
0x96: {  	_ =	strace s2  }
0x97: {  	_ =	strace $0x8FFFFFFF  }
0x98: {  	s18 =	sld [smem:$0x3FDB];
	_ =	sdelay $0x1  }
0x99: {  	s19 =	simm.s32 $_scs_section_size  }
0x9a: {  	s4 =	simm.s32 $_size__tile_overlayer_lowered;
	s5 =	simm.s32 $_tile_overlayer_lowered  }
0x9b: {  	s22 =	simm.s32 $0x1BFF;
	s21 =	sshll.u32 s5, $0x1;
	s2 =	sadd.s32 s19, s18  }
0x9c: {  	s6 =	simm.s32 $0x0;
	s20 =	sshll.u32 s4, $0x1;
	s4 =	sadd.s32 s21, s2  }
0x9d: {  	[timem:s6], [sflag:s22] =	dma.local [hbm:s4], s20  }
0x9e: {  	_ =	swait.ge [sflag:s22], s20  }
0x9f: {  	s3 =	ssub.s32 $0x0, s20;
	[sflag:s22] =	ssyncset.done $0x0  }
0xa0: {  	[sflag:s22] =	ssyncadd.s32 s3;
	_ =	sdelay $0x1  }
0xa1: {  	s23 =	simm.s32 $0x1B8B  }
0xa2: {  	_ =	swait.ge [sflag:s23], $0x1  }
0xa3: {  	[sflag:s23] =	ssyncset.done $0x0  }
0xa4: {  	s25 =	simm.s32 $0x1B8E;
	s24 =	sld [smem:$0x3FFE];
	[sflag:s23] =	ssyncadd.s32 $0xFFFFFFFF  }
0xa5: {  	s26 =	simm.s32 $execute0_lowered;
	[smem:$0x3FD2] =	sst s25  }
0xa6: {  	s4 =	sshll.u32 s26, $0x1;
	_ =	strace $0x80000046;
	[dreg:$0x1] =	wrdreg $0xFFFFFFFF  }
0xa7: {  	s28 =	simm.s32 $_size_execute0_lowered;
	s2 =	sadd.s32 s2, s4;
	[dreg:$0x0] =	wrdreg $0x0  }
0xa8: {  	s4 =	sshll.u32 s28, $0x1;
	[dreg:$0x2] =	wrdreg s2  }
0xa9: {  	[dreg:$0x3] =	wrdreg s4  }
0xaa: {  	[dreg:$0x4] =	wrdreg $0xC0  }
0xab: {  	_ =	task [dreg:s6], $0x5FFFF  }
0xac: {  	[dreg:$0x1] =	wrdreg $0xFFFFFFFF  }
0xad: {  	[dreg:$0x0] =	wrdreg $0x60  }
0xae: {  	[dreg:$0x2] =	wrdreg s24  }
0xaf: {  	[dreg:$0x3] =	wrdreg $0x0  }
0xb0: {  	[dreg:$0x4] =	wrdreg $0x9  }
0xb1: {  	_ =	task.clear_ibuf [dreg:s6], $0x5FFFF;
	_ =	strace $0x90000046  }
0xb2: {  	s29 =	simm.s32 $0x9;
	_ =	strace $0x80000048  }
0xb3: {  	_ =	swait.ge [sflag:s29], $0x1  }
0xb4: {  	[sflag:s29] =	ssyncadd.s32 $0xFFFFFFFF  }
0xb5: {  	_ =	strace $0x90000048  }
0xb6: {  	_ =	sfence  }
0xb7: {  	s30 =	sld [smem:$0x0];
	_ =	sdelay $0x2  }
0xb8: {  	s31 =	sshll.u32 s1, $0xD;
	s1 =	sshrl.u32 s1, $0x2  }
0xb9: {  	s3 =	sand.u32 $0x4000, s31;
	s1 =	sadd.s32 s1, s30  }
0xba: {  	s0 =	sor.u32 s3, s0;
	s1 =	sshll.u32 s1, $0x11  }
0xbb: {  	s0 =	sor.u32 s1, s0  }
0xbc: {  	s0 =	sadd.s32 $0x8F2B, s0  }
0xbd: {  	[sflag:s0] =	ssyncadd.remote.s32 $0x1  }
0xbe: {  	_ =	sfence.sel $0xFFFF  }
0xbf: {  	[dreg:$0x0] =	wrdreg $0xFFFFFFFF;
	(pc) =	sbr.abs _section_cstart, $3  }
0xc0: {  	[dreg:$0x1] =	wrdreg $0xFFFFFFFF  }
0xc1: {  	_ =	task.clear_ibuf [dreg:s6], $0x2FFFF;
	_ =	strace $0x9FFFFFFF  }
0xc2: {  	(tm) =	ssettm $0x7FFFFFFF  }
0xc3: {  	_ =	shalt  }
tec
execute0_lowered:
.L_overlay_start_1:
0x0: {  	(tag) =	ssettag $0x1  }
0x1: {  	s4 =	rddreg [dreg:$0x0]  }
0x2: {  	s0 =	srdreg.scid;
	s2 =	rddreg [dreg:$0x1]  }
0x3: {  	s1 =	rddreg [dreg:$0x2];
	s5 =	sand.u32 $0x1, s0  }
0x4: {  	s3 =	simm.s32 $0x0;
	s0 =	stileid.u32;
	s6 =	smul.u32 $0x27800, s5  }
0x5: {  	s10 =	simm.s32 $0x5780;
	s11 =	simm.s32 $0x80;
	s7 =	smul.u32 $0x2780, s0  }
0x6: {  	s12 =	simm.s32 $0x4F80;
	s15 =	simm.s32 $0x0;
	s8 =	smul.u32 $0x2800, s0  }
0x7: {  	[smem:$0x7FF] =	sst s3;
	s9 =	smul.u32 $0x28000, s5;
	s5 =	ssub.s32 $0x2, s5  }
0x8: {  	_ =	strace $0x80000047;
	s13 =	sshll.u32 s0, $0x6;
	s31 =	sshrl.u32 s5, $0x1  }
0x9: {  	s13 =	sor.u32 $0x1C01, s13;
	s6 =	sadd.s32 s7, s6;
	s30 =	sadd.s32 s8, s9  }
0xa: {  	s9 =	ssub.s32 s5, s31;
	s5 =	sadd.s32 s8, s2;
	s6 =	sshrl.u32 s6, $0x3  }
0xb: {  	s8 =	simm.s32 $0x2800;
	s7 =	sshrl.u32 s30, $0x3;
	s6 =	sadd.s32 s6, s4  }
0xc: {  	s14 =	sshrl.u32 s5, $0x3;
	s7 =	sadd.s32 s7, s4;
	s4 =	sadd.s32 $0x1000, s6  }
0xd: {  	v0 =	vimm.f32 $1.000000000e+00;
	v1 =	vimm.f32 $0.0e+00;
	s6 =	sadd.s32 $0xAE00, s7;
	s7 =	smax.u32 s9, $0x1;
	s9 =	simm.s32 $0x1  }
.LBB2_1:
0xe: {  	[tilespmem:s8], [sflag:$0x1] =	stream.linear.gather [hbm4b:s4+s3], $0x2780, $0x38;
	[tilespmem:$0x7F80] =	vst v63  }
0xf: {  	_ =	swait.ge [sflag:s9], $0x2780  }
0x10: {  	[sflag:s9] =	ssyncset.done $0x0  }
0x11: {  	s16 =	simm.s32 $0x0;
	[sflag:s9] =	ssyncadd.s32 $0xFFFFD880  }
.LBB2_2:
0x12: {  	p0 =	sne.s32 s16, $0x1FC0  }
.Ltmp0:
0x13: {  	_ = 	snop;
	(pc) =	sbr.rel @p0 .LBB2_2-.Ltmp0, $3  }
0x14: {  	_ =	sdelay $0x1  }
0x15: {  	s17 =	sshra.s32 s16, $0x2  }
0x16: {  	s16 =	sadd.s32 $0x40, s16;
	[tilespmem:s17+$0x4F80] =	vst v0  }
0x17: {  	s16 =	simm.s32 $0x40;
	s17 =	simm.s32 $0x0  }
.LBB2_4:
0x18: {  	p0 =	sne.s32 s16, $0x9FC0;
	[tilespmem:s17+$0x5780] =	vst v1;
	s17 =	smov.u32 s16;
	s16 =	sadd.s32 $0x40, s16  }
.Ltmp1:
0x19: {  	(pc) =	sbr.rel @p0 .LBB2_4-.Ltmp1, $2  }
0x1a: {  	_ =	sdelay $0x2  }
0x1b: {  	s17 =	sshra.s32 s17, $0x2  }
0x1c: {  	[tilespmem:s17+$0x5780] =	vst v1  }
0x1d: {  	[spmem:s5] =	stream.linear.scatter [tilespmem:s10], [sflag:$0x1], $0x2800, $0x38;
	[tilespmem:$0x7F80] =	vst v63  }
0x1e: {  	_ =	swait.ge [sflag:s9], $0x2800  }
0x1f: {  	[sflag:s9] =	ssyncset.done $0x0  }
0x20: {  	[sflag:s9] =	ssyncadd.s32 $0xFFFFD800  }
0x21: {  	s16 =	simm.s32 $0x2800;
	[bflag:$0x0] =	sbarrier.arrive $0xFFFF  }
0x22: {  	[spmem:s2] =	stream.indirect.scatter.add.f32 [tilespmem:s12], [sflag:$0x1], $0x10, s16, s11, $0xb8;
	[tilespmem:$0x7F80] =	vst v63  }
0x23: {  	s16 =	simm.s32 $0x200;
	_ =	swait.ge [sflag:s9], $0x800  }
.LBB2_6:
0x24: {  	s17 =	sshra.s32 s16, $0x2;
	[sflag:s9] =	ssyncset.done $0x0;
	p0 =	sne.s32 s16, $0x9C00  }
.Ltmp2:
0x25: {  	s17 =	sadd.s32 $0x2800, s17;
	[sflag:s9] =	ssyncadd.s32 $0xFFFFF800;
	(pc) =	sbr.rel @p0 .LBB2_6-.Ltmp2, $3  }
0x26: {  	[spmem:s2] =	stream.indirect.scatter.add.f32 [tilespmem:s12], [sflag:$0x1], $0x10, s17, s11, $0xb8;
	[tilespmem:$0x7F80] =	vst v63  }
0x27: {  	s16 =	sadd.s32 $0x200, s16;
	_ =	sdelay $0x1  }
0x28: {  	_ =	swait.ge [sflag:s9], $0x800  }
0x29: {  	[sflag:s9] =	ssyncset.done $0x0;
	s15 =	sadd.s32 $0x1, s15  }
0x2a: {  	[sflag:s9] =	ssyncadd.s32 $0xFFFFF800;
	p0 =	sne.s32 s15, s7  }
.Ltmp3:
0x2b: {  	[bflag:$0x0] =	sbarrier.arrive $0xFFFF;
	(pc) =	sbr.rel @p0 .LBB2_1-.Ltmp3, $4  }
0x2c: {  	[hbm:s6], [sflag:s13] =	dma.local [spmem:s14], $0x500  }
0x2d: {  	_ =	swait.ge [sflag:s9], $0x500  }
0x2e: {  	[sflag:s9] =	ssyncset.done $0x0  }
0x2f: {  	[sflag:s9] =	ssyncadd.s32 $0xFFFFFB00  }
0x30: {  	_ =	sfence.sel $0x180000  }
0x31: {  	[bflag:$0x0] =	sbarrier.arrive $0xFFFF  }
0x32: {  	p0 =	sne.s32 s0, $0x0;
	_ =	strace $0x90000047  }
0x33: {  	s0 =	sadd.s32 @!p0 $0x100000, s1;
	[bflag:$0x2] =	sbarrier.arrive $0xFFFF  }
0x34: {  	[sflag:s0] =	ssyncadd.tile.s32 @!p0 $0x1;
	_ =	shalt  }
.Lfunc_end2:
_tile_overlayer_lowered:
.L_overlay_start_2:
0x35: {  	(tag) =	ssettag $0x2  }
0x36: {  	s0 =	rddreg [dreg:$0x0];
	s2 =	stileid.u32  }
0x37: {  	s1 =	rddreg [dreg:$0x1];
	p0 =	sne.s32 s2, $0x0  }
0x38: {  	s3 =	rddreg [dreg:$0x2];
	[bflag:$0x3] =	sbarrier.arrive $0xFFFF;
	s2 =	simm.s32 @!p0 $0x1C01  }
0x39: {  	[timem:s3], [sflag:s2] =	dma.local @!p0 [hbm:s0], s1  }
0x3a: {  	s0 =	simm.s32 @!p0 $0x1  }
0x3b: {  	_ =	swait.ge @!p0 [sflag:s0], s1  }
0x3c: {  	s1 =	ssub.s32 @!p0 $0x0, s1;
	[sflag:s0] =	ssyncset.done @!p0 $0x0  }
0x3d: {  	[sflag:s0] =	ssyncadd.s32 @!p0 s1  }
0x3e: {  	[bflag:$0x3] =	sbarrier.arrive $0xFFFF  }
0x3f: {  	_ =	shalt  }

// kernel: kernel.9.cloned.1.call-start
scs
__scs_entry_jumppad:
0x0: {  	(pc) =	sbr.rel $0x88, $3  }
0x1: {  	(tag) =	ssettag $0x0;
	lr =	simm.s32 $0x1  }
0x2: {  	[smem:$0x3F97] =	sst lr;
	_ =	strace $0xD0000000  }
0x3: {  	_ = 	snop  }
0x4: {  	_ = 	snop  }
0x5: {  	_ = 	snop  }
0x6: {  	_ = 	snop  }
0x7: {  	_ = 	snop  }
__scs_overlays_trampoline_lowered:
0x8: {  	[smem:$0x3FA6] =	sst s0  }
0x9: {  	[smem:$0x3FA7] =	sst s1  }
0xa: {  	[smem:$0x3FA8] =	sst s2  }
0xb: {  	[smem:$0x3FA9] =	sst s3  }
0xc: {  	[smem:$0x3FAA] =	sst s4  }
0xd: {  	[smem:$0x3FAB] =	sst s5  }
0xe: {  	[smem:$0x3FAC] =	sst s6  }
0xf: {  	[smem:$0x3FAD] =	sst s7  }
0x10: {  	[smem:$0x3FAE] =	sst s8  }
0x11: {  	[smem:$0x3FAF] =	sst s9;
	s0 =	simm.s32 @!p0 $0x0  }
0x12: {  	s1 =	sld [smem:$0x3F95];
	s0 =	simm.s32 @p0 $0x1  }
0x13: {  	[smem:$0x3FB0] =	sst s0;
	s0 =	simm.s32 @!p1 $0x0  }
0x14: {  	s2 =	sld [smem:$0x3F94];
	s0 =	simm.s32 @p1 $0x1  }
0x15: {  	[smem:$0x3FB1] =	sst s0;
	s0 =	simm.s32 @!p2 $0x0  }
0x16: {  	s3 =	sld [smem:$0x3FDB];
	s0 =	simm.s32 @p2 $0x1  }
0x17: {  	s4 =	simm.s32 $0x1BF5;
	[smem:$0x3FB3] =	sst s0  }
0x18: {  	s0 =	sld [smem:$0x3F96];
	_ =	swait.ge [sflag:s4], $0x0  }
0x19: {  	s7 =	sld [smem:$0x3F97]  }
0x1a: {  	s8 =	sadd.s32 $0xFFFFE003, lr  }
0x1b: {  	s9 =	sadd.s32 $0xFFFFFEF7, lr;
	s5 =	simm.s32 $0xFFFFFFFF;
	p2 =	slt.u32 s8, $0xFFFFF086  }
0x1c: {  	p1 =	slt.u32 s9, $0xF7A;
	s5 =	simm.s32 @!p2 $0x0  }
0x1d: {  	s5 =	simm.s32 @p1 $0x1;
	p0 =	seq.s32 s7, s2  }
0x1e: {  	s7 =	smul.u32 @!p0 $0xF7A, s2;
	p2 =	seq.s32 @!p0 s5, $0x0  }
0x1f: {  	s9 =	smul.u32 $0xF7A, s1;
	s8 =	simm.s32 @!p0 $0x1BF5;
	p2 =	por !p2, p0  }
0x20: {  	[sflag:s8] =	ssyncset.s32 @!p0 $0xFFFFF086;
	s6 =	sadd.s32 @!p0 s3, s7;
	s7 =	simm.s32 @!p0 $0x108  }
0x21: {  	s3 =	sadd.s32 s3, s9;
	s6 =	sadd.s32 @!p0 $0x88, s6;
	s7 =	simm.s32 @p2 $0x1082  }
0x22: {  	[simem:s7], [sflag:s8] =	dma.local @!p0 [hbm:s6], $0xF7A  }
0x23: {  	s9 =	sor.u32 $0xD0000000, s2;
	s6 =	simm.s32 $0x108;
	_ =	swait.ge @!p0 [sflag:s8], $0x0  }
0x24: {  	s3 =	sadd.s32 $0x88, s3;
	s6 =	simm.s32 @!p1 $0x1082;
	[sflag:s4] =	ssyncset.s32 $0xFFFFF086  }
0x25: {  	[simem:s6], [sflag:s4] =	dma.local [hbm:s3], $0xF7A  }
0x26: {  	[smem:$0x3F97] =	sst s1;
	(tag) =	ssettag s2;
	_ =	strace s9  }
0x27: {  	s1 =	sld [smem:$0x3FA7]  }
0x28: {  	s2 =	sld [smem:$0x3FA8]  }
0x29: {  	s4 =	sld [smem:$0x3FAA]  }
0x2a: {  	p0 =	seq.s32 s5, $0x0;
	s5 =	sld [smem:$0x3FAB]  }
0x2b: {  	s6 =	sld [smem:$0x3FAC]  }
0x2c: {  	s7 =	sld [smem:$0x3FAD]  }
0x2d: {  	s3 =	simm.s32 $0x108;
	s8 =	sld [smem:$0x3FAE]  }
0x2e: {  	s3 =	simm.s32 @!p0 $0x1082;
	s9 =	sld [smem:$0x3FAF]  }
0x2f: {  	lr =	sadd.s32 s0, s3;
	s0 =	sld [smem:$0x3FA6]  }
0x30: {  	s3 =	sld [smem:$0x3FA9]  }
0x31: {  	[smem:$0x3FB2] =	sst s10  }
0x32: {  	s10 =	sld [smem:$0x3FB0];
	_ =	sdelay $0x3  }
0x33: {  	p0 =	seq.s32 s10, $0x1;
	s10 =	sld [smem:$0x3FB2];
	_ =	sdelay $0x3  }
0x34: {  	[smem:$0x3FB2] =	sst s10  }
0x35: {  	s10 =	sld [smem:$0x3FB1];
	_ =	sdelay $0x3  }
0x36: {  	p1 =	seq.s32 s10, $0x1;
	s10 =	sld [smem:$0x3FB2];
	_ =	sdelay $0x3  }
0x37: {  	[smem:$0x3FB2] =	sst s10  }
0x38: {  	s10 =	sld [smem:$0x3FB3]  }
0x39: {  	_ = 	snop;
	(pc) =	sbr.ind lr, $3  }
0x3a: {  	_ = 	snop  }
0x3b: {  	_ = 	snop  }
0x3c: {  	p2 =	seq.s32 s10, $0x1;
	s10 =	sld [smem:$0x3FB2]  }
0x3d: {  	_ =	shalt  }
0x3e: {  	_ =	shalt  }
0x3f: {  	_ =	shalt  }
0x40: {  	_ =	shalt  }
0x41: {  	_ =	shalt  }
0x42: {  	_ =	shalt  }
0x43: {  	_ =	shalt  }
0x44: {  	_ =	shalt  }
0x45: {  	_ =	shalt  }
0x46: {  	_ =	shalt  }
0x47: {  	_ =	shalt  }
0x48: {  	_ =	shalt  }
0x49: {  	_ =	shalt  }
0x4a: {  	_ =	shalt  }
0x4b: {  	_ =	shalt  }
0x4c: {  	_ =	shalt  }
0x4d: {  	_ =	shalt  }
0x4e: {  	_ =	shalt  }
0x4f: {  	_ =	shalt  }
0x50: {  	_ =	shalt  }
0x51: {  	_ =	shalt  }
0x52: {  	_ =	shalt  }
0x53: {  	_ =	shalt  }
0x54: {  	_ =	shalt  }
0x55: {  	_ =	shalt  }
0x56: {  	_ =	shalt  }
0x57: {  	_ =	shalt  }
0x58: {  	_ =	shalt  }
0x59: {  	_ =	shalt  }
0x5a: {  	_ =	shalt  }
0x5b: {  	_ =	shalt  }
0x5c: {  	_ =	shalt  }
0x5d: {  	_ =	shalt  }
0x5e: {  	_ =	shalt  }
0x5f: {  	_ =	shalt  }
0x60: {  	_ =	shalt  }
0x61: {  	_ =	shalt  }
0x62: {  	_ =	shalt  }
0x63: {  	_ =	shalt  }
0x64: {  	_ =	shalt  }
0x65: {  	_ =	shalt  }
0x66: {  	_ =	shalt  }
0x67: {  	_ =	shalt  }
0x68: {  	_ =	shalt  }
0x69: {  	_ =	shalt  }
0x6a: {  	_ =	shalt  }
0x6b: {  	_ =	shalt  }
0x6c: {  	_ =	shalt  }
0x6d: {  	_ =	shalt  }
0x6e: {  	_ =	shalt  }
0x6f: {  	_ =	shalt  }
0x70: {  	_ =	shalt  }
0x71: {  	_ =	shalt  }
0x72: {  	_ =	shalt  }
0x73: {  	_ =	shalt  }
0x74: {  	_ =	shalt  }
0x75: {  	_ =	shalt  }
0x76: {  	_ =	shalt  }
0x77: {  	_ =	shalt  }
0x78: {  	_ =	shalt  }
0x79: {  	_ =	shalt  }
0x7a: {  	_ =	shalt  }
0x7b: {  	_ =	shalt  }
0x7c: {  	_ =	shalt  }
0x7d: {  	_ =	shalt  }
0x7e: {  	_ =	shalt  }
0x7f: {  	_ =	shalt  }
0x80: {  	_ =	shalt  }
0x81: {  	_ =	shalt  }
0x82: {  	_ =	shalt  }
0x83: {  	_ =	shalt  }
0x84: {  	_ =	shalt  }
0x85: {  	_ =	shalt  }
0x86: {  	_ =	shalt  }
0x87: {  	_ =	shalt  }
.Lfunc_end0:
.L_simem_size_0:
called_computation.1_lowered:
.L_overlay_start_0:
0x88: {  	s2 =	sld [smem:$0x3FD9]  }
0x89: {  	s3 =	sld [smem:$0x3FFE];
	_ =	sdelay $0x1  }
0x8a: {  	s1 =	srdreg.scid  }
0x8b: {  	s0 =	sand.u32 $0x1, s1  }
0x8c: {  	s17 =	sshll.u32 s0, $0xA;
	s2 =	sadd.s32 s3, s2  }
0x8d: {  	s2 =	sadd.s32 s2, s17  }
0x8e: {  	[smem:$0x3FBE] =	sst s2  }
0x8f: {  	_ = 	snop  }
0x90: {  	s2 =	sld [smem:$0x3FD0];
	(tm) =	ssettm $0x1  }
0x91: {  	s18 =	sld [smem:$0x3FFB];
	_ =	sdelay $0x3  }
0x92: {  	_ =	strace s18  }
0x93: {  	s3 =	sld [smem:$0x3FFC];
	_ =	sdelay $0x3  }
0x94: {  	_ =	strace s3  }
0x95: {  	s3 =	sld [smem:$0x3FFD];
	_ =	sdelay $0x3  }
0x96: {  	_ =	strace s3  }
0x97: {  	_ =	strace $0x8FFFFFFF  }
0x98: {  	s19 =	sld [smem:$0x3FDB];
	_ =	sdelay $0x1  }
0x99: {  	s4 =	simm.s32 $_scs_section_size  }
0x9a: {  	s5 =	simm.s32 $_size__tile_overlayer_lowered;
	s6 =	simm.s32 $_tile_overlayer_lowered  }
0x9b: {  	s22 =	simm.s32 $0x1BFF;
	s21 =	sshll.u32 s6, $0x1;
	s3 =	sadd.s32 s4, s19  }
0x9c: {  	s7 =	simm.s32 $0x0;
	s20 =	sshll.u32 s5, $0x1;
	s5 =	sadd.s32 s21, s3  }
0x9d: {  	[timem:s7], [sflag:s22] =	dma.local [hbm:s5], s20  }
0x9e: {  	_ =	swait.ge [sflag:s22], s20  }
0x9f: {  	s4 =	ssub.s32 $0x0, s20;
	[sflag:s22] =	ssyncset.done $0x0  }
0xa0: {  	[sflag:s22] =	ssyncadd.s32 s4;
	_ =	sdelay $0x1  }
0xa1: {  	s23 =	simm.s32 $0x1B8B  }
0xa2: {  	_ =	swait.ge [sflag:s23], $0x1  }
0xa3: {  	[sflag:s23] =	ssyncset.done $0x0  }
0xa4: {  	s25 =	simm.s32 $0x1B8E;
	s24 =	sld [smem:$0x3FFE];
	[sflag:s23] =	ssyncadd.s32 $0xFFFFFFFF  }
0xa5: {  	s26 =	simm.s32 $execute0_lowered;
	[smem:$0x3FD2] =	sst s25  }
0xa6: {  	s5 =	sshll.u32 s26, $0x1;
	_ =	strace $0x80000049;
	[dreg:$0x1] =	wrdreg $0xFFFFFFFF  }
0xa7: {  	s28 =	simm.s32 $_size_execute0_lowered;
	s3 =	sadd.s32 s3, s5;
	[dreg:$0x0] =	wrdreg $0x0  }
0xa8: {  	s5 =	sshll.u32 s28, $0x1;
	[dreg:$0x2] =	wrdreg s3  }
0xa9: {  	[dreg:$0x3] =	wrdreg s5  }
0xaa: {  	[dreg:$0x4] =	wrdreg $0xC0  }
0xab: {  	_ =	task [dreg:s7], $0x5FFFF  }
0xac: {  	[dreg:$0x1] =	wrdreg $0xFFFFFFFF  }
0xad: {  	[dreg:$0x0] =	wrdreg $0x60  }
0xae: {  	[dreg:$0x2] =	wrdreg s24  }
0xaf: {  	[dreg:$0x3] =	wrdreg s2  }
0xb0: {  	[dreg:$0x4] =	wrdreg $0x50000  }
0xb1: {  	[dreg:$0x5] =	wrdreg $0x0  }
0xb2: {  	[dreg:$0x6] =	wrdreg $0x9  }
0xb3: {  	_ =	task.clear_ibuf [dreg:s7], $0x7FFFF;
	_ =	strace $0x90000049  }
0xb4: {  	s29 =	simm.s32 $0x9;
	_ =	strace $0x8000004B  }
0xb5: {  	_ =	swait.ge [sflag:s29], $0x1  }
0xb6: {  	[sflag:s29] =	ssyncadd.s32 $0xFFFFFFFF  }
0xb7: {  	_ =	strace $0x9000004B  }
0xb8: {  	_ =	sfence  }
0xb9: {  	s30 =	sld [smem:$0x0];
	_ =	sdelay $0x2  }
0xba: {  	s31 =	sshll.u32 s1, $0xD;
	s1 =	sshrl.u32 s1, $0x2  }
0xbb: {  	s3 =	sand.u32 $0x4000, s31;
	s1 =	sadd.s32 s1, s30  }
0xbc: {  	s0 =	sor.u32 s3, s0;
	s1 =	sshll.u32 s1, $0x11  }
0xbd: {  	s0 =	sor.u32 s1, s0  }
0xbe: {  	s0 =	sadd.s32 $0x8F2B, s0  }
0xbf: {  	[sflag:s0] =	ssyncadd.remote.s32 $0x1  }
0xc0: {  	_ =	sfence.sel $0xFFFF  }
0xc1: {  	[dreg:$0x0] =	wrdreg $0xFFFFFFFF;
	(pc) =	sbr.abs _section_cstart, $3  }
0xc2: {  	[dreg:$0x1] =	wrdreg $0xFFFFFFFF  }
0xc3: {  	_ =	task.clear_ibuf [dreg:s7], $0x2FFFF;
	_ =	strace $0x9FFFFFFF  }
0xc4: {  	(tm) =	ssettm $0x7FFFFFFF  }
0xc5: {  	_ =	shalt  }
tec
execute0_lowered:
.L_overlay_start_1:
0x0: {  	(tag) =	ssettag $0x1  }
0x1: {  	s18 =	stileid.u32;
	s0 =	srdreg.scid  }
0x2: {  	s3 =	rddreg [dreg:$0x0];
	s2 =	smul.u32 $0xA00, s18  }
0x3: {  	s28 =	rddreg [dreg:$0x3];
	s0 =	sand.u32 $0x1, s0;
	s4 =	smul.u32 $0x280, s18  }
0x4: {  	s30 =	simm.s32 $0x1B000;
	s6 =	smul.u32 $0x2800, s18;
	s1 =	ssub.s32 $0x2, s0  }
0x5: {  	s5 =	sadd.s32 $0xAE00, s3;
	s9 =	smul.u32 $0x2800, s0;
	s8 =	sshrl.u32 s1, $0x1  }
0x6: {  	s7 =	sadd.s32 $0x32E00, s3;
	s6 =	sshrl.u32 s6, $0x3;
	s0 =	ssub.s32 s1, s8  }
0x7: {  	s1 =	sadd.s32 $0x80, s4;
	s19 =	sadd.s32 s5, s6;
	s6 =	sadd.s32 s4, s9  }
0x8: {  	s12 =	sadd.s32 $0xFE00, s3;
	s21 =	sshll.u32 s1, $0x1;
	s10 =	smul.u32 $0x6, s6  }
0x9: {  	s13 =	sadd.s32 s9, s1;
	s11 =	sadd.s32 s5, s21;
	s8 =	sadd.s32 s21, s12  }
0xa: {  	s22 =	smul.u32 $0x6, s13;
	[dreg:$0x6] =	wrdreg s11;
	s11 =	sadd.s32 $0x100, s4  }
0xb: {  	[dreg:$0x7] =	wrdreg s8;
	s10 =	sadd.s32 s7, s10;
	s14 =	sshll.u32 s11, $0x1  }
0xc: {  	s6 =	sshll.u32 s6, $0x2;
	[dreg:$0xe] =	wrdreg s10;
	s15 =	sadd.s32 s5, s14  }
0xd: {  	s8 =	sadd.s32 s7, s22;
	[dreg:$0x8] =	wrdreg s15;
	s15 =	sadd.s32 $0x180, s4  }
0xe: {  	s14 =	sadd.s32 s14, s12;
	[dreg:$0xf] =	wrdreg s8;
	s17 =	sshll.u32 s15, $0x1  }
0xf: {  	[dreg:$0x9] =	wrdreg s14;
	s4 =	sadd.s32 $0x200, s4;
	s20 =	sadd.s32 s5, s17  }
0x10: {  	s23 =	sshll.u32 s4, $0x1;
	s17 =	sadd.s32 s17, s12;
	[dreg:$0xa] =	wrdreg s20  }
0x11: {  	s14 =	sadd.s32 s9, s11;
	s5 =	sadd.s32 s5, s23;
	[dreg:$0xb] =	wrdreg s17  }
0x12: {  	s16 =	smul.u32 $0x6, s14;
	s24 =	sadd.s32 s23, s12;
	[dreg:$0xc] =	wrdreg s5  }
0x13: {  	s21 =	sadd.s32 $0x1EE00, s3;
	s22 =	sshll.u32 s13, $0x2;
	[dreg:$0xd] =	wrdreg s24  }
0x14: {  	s25 =	sadd.s32 s9, s15;
	s29 =	sadd.s32 s7, s16;
	s16 =	rddreg [dreg:$0x1]  }
0x15: {  	s9 =	sadd.s32 s9, s4;
	s17 =	simm.s32 $0x0;
	[dreg:$0x10] =	wrdreg s29  }
0x16: {  	s26 =	smul.u32 $0x6, s25;
	s24 =	sadd.s32 s21, s6;
	[smem:$0x7FF] =	sst s17  }
0x17: {  	s5 =	sshll.u32 s25, $0x2;
	s25 =	sadd.s32 s21, s22;
	[dreg:$0x14] =	wrdreg s24  }
0x18: {  	s31 =	simm.s32 $0x1;
	s12 =	smul.u32 $0x6, s9;
	[dreg:$0x15] =	wrdreg s25  }
0x19: {  	s1 =	sshll.u32 s1, $0x5;
	s10 =	sadd.s32 s7, s26;
	s24 =	rddreg [dreg:$0x2]  }
0x1a: {  	s0 =	smax.u32 s0, $0x1;
	s7 =	sadd.s32 s7, s12;
	[dreg:$0x11] =	wrdreg s10  }
0x1b: {  	s23 =	sshll.u32 s14, $0x2;
	s20 =	sadd.s32 s16, s2;
	[dreg:$0x12] =	wrdreg s7  }
0x1c: {  	s9 =	sshll.u32 s9, $0x2;
	s26 =	sadd.s32 s21, s23;
	[dreg:$0x13] =	wrdreg s20  }
0x1d: {  	s2 =	sadd.s32 s2, s3;
	s29 =	sadd.s32 s21, s5;
	[dreg:$0x16] =	wrdreg s26  }
0x1e: {  	s3 =	sadd.s32 $0x50E00, s3;
	[dreg:$0x17] =	wrdreg s29;
	s7 =	sadd.s32 s21, s9  }
0x1f: {  	s14 =	smul.u32 $0x5000, s18;
	s6 =	sadd.s32 s3, s6;
	[dreg:$0x18] =	wrdreg s7  }
0x20: {  	s8 =	simm.s32 $0x0;
	s12 =	sadd.s32 s3, s22;
	[dreg:$0x19] =	wrdreg s6  }
0x21: {  	s17 =	sadd.s32 s14, s28;
	s13 =	sadd.s32 s3, s23;
	[dreg:$0x1a] =	wrdreg s12  }
0x22: {  	s25 =	sshll.u32 s4, $0x5;
	s5 =	sadd.s32 s3, s5;
	[dreg:$0x1b] =	wrdreg s13  }
0x23: {  	s4 =	simm.s32 $0x10;
	s3 =	sadd.s32 s3, s9;
	[dreg:$0x1c] =	wrdreg s5  }
0x24: {  	s2 =	sadd.s32 $0x14E00, s2;
	s16 =	sadd.s32 s14, s24;
	[dreg:$0x1d] =	wrdreg s3  }
0x25: {  	s18 =	sadd.s32 s1, s24;
	_ =	strace $0x8000004A;
	[dreg:$0x1e] =	wrdreg s2  }
0x26: {  	s1 =	sadd.s32 s1, s28;
	s20 =	sshll.u32 s11, $0x5;
	[dreg:$0x1f] =	wrdreg s16  }
0x27: {  	s22 =	sshll.u32 s15, $0x5;
	s26 =	sadd.s32 s25, s24;
	[smem:$0x7F3] =	sst s17  }
0x28: {  	s29 =	sadd.s32 $0x5000, s19;
	s14 =	simm.s32 $0x2;
	[smem:$0x7F4] =	sst s18  }
0x29: {  	s10 =	simm.s32 $0x4;
	s21 =	sadd.s32 s20, s24;
	[smem:$0x7F5] =	sst s1  }
0x2a: {  	s11 =	simm.s32 $0x9;
	s23 =	sadd.s32 s22, s24;
	[smem:$0x7F6] =	sst s21  }
0x2b: {  	s15 =	simm.s32 $0xC;
	s9 =	simm.s32 $0xD;
	[smem:$0x7F8] =	sst s23  }
0x2c: {  	s12 =	simm.s32 $0xA;
	s13 =	simm.s32 $0xB;
	[smem:$0x7FA] =	sst s26  }
0x2d: {  	s3 =	simm.s32 $0x6;
	s5 =	simm.s32 $0x7;
	[smem:$0x7FC] =	sst s0  }
0x2e: {  	s7 =	simm.s32 $0x8;
	s1 =	sadd.s32 s20, s28;
	[dreg:$0x5] =	wrdreg s19  }
0x2f: {  	[smem:$0x7FD] =	sst s29;
	s23 =	simm.s32 $0x11;
	s21 =	simm.s32 $0x16000  }
0x30: {  	s26 =	simm.s32 $0x80;
	s16 =	simm.s32 $0x18000;
	s19 =	simm.s32 $0x19000  }
0x31: {  	s20 =	simm.s32 $0x1A000;
	s17 =	simm.s32 $0x3;
	s0 =	simm.s32 $0x5  }
0x32: {  	s2 =	simm.s32 $0xF;
	[smem:$0x7F7] =	sst s1;
	s1 =	sadd.s32 s22, s28  }
0x33: {  	s22 =	simm.s32 $0xE;
	[smem:$0x7F9] =	sst s1;
	s1 =	sadd.s32 s25, s28  }
0x34: {  	v0 =	vimm.f32 $0.0e+00;
	s25 =	simm.s32 $0x17000;
	[smem:$0x7FB] =	sst s1;
	s1 =	simm.s32 $0x15000  }
.LBB2_1:
0x35: {  	[smem:$0x7F2] =	sst s8  }
0x36: {  	s6 =	simm.s32 $0x0;
	s29 =	rddreg [dreg:$0x13];
	s18 =	simm.s32 $0xA000  }
0x37: {  	[tilespmem:s18], [sflag:$0x11] =	stream.linear.gather [hbm4b:s29+s6], $0x5000, $0x38;
	[tilespmem:$0x1E800] =	vst v63  }
0x38: {  	_ =	swait.ge [sflag:s23], $0x5000  }
0x39: {  	[sflag:s23] =	ssyncset.done $0x0  }
0x3a: {  	s29 =	simm.s32 $0xF000;
	s18 =	rddreg [dreg:$0x1e];
	[sflag:s23] =	ssyncadd.s32 $0xFFFFB000  }
0x3b: {  	[tilespmem:s29], [sflag:$0x11] =	stream.linear.gather [hbm4b:s18+s6], $0x5000, $0x38;
	[tilespmem:$0x1E800] =	vst v63  }
0x3c: {  	_ =	swait.ge [sflag:s23], $0x5000  }
0x3d: {  	[sflag:s23] =	ssyncset.done $0x0  }
0x3e: {  	s8 =	simm.s32 $0x0;
	s6 =	simm.s32 $0x80;
	[sflag:s23] =	ssyncadd.s32 $0xFFFFB000  }
.LBB2_2:
0x3f: {  	p0 =	sne.s32 s6, $0x3F80;
	[tilespmem:s8+$0x17000] =	vst v0;
	s18 =	smov.u32 s6;
	s6 =	sadd.s32 $0x80, s6  }
.Ltmp0:
0x40: {  	[tilespmem:s8+$0x17010] =	vst v0;
	(pc) =	sbr.rel @p0 .LBB2_2-.Ltmp0, $2  }
0x41: {  	_ =	sdelay $0x2  }
0x42: {  	s8 =	sshra.s32 s18, $0x2  }
0x43: {  	[tilespmem:s8+$0x17000] =	vst v0  }
0x44: {  	[tilespmem:s8+$0x17010] =	vst v0;
	s6 =	simm.s32 $0x0;
	s29 =	rddreg [dreg:$0x5];
	s18 =	simm.s32 $0x1D800  }
0x45: {  	[tilespmem:s18], [sflag:$0x11] =	stream.linear.gather [hbm4b:s29+s6], $0x800, $0x38;
	[tilespmem:$0x1E800] =	vst v63  }
0x46: {  	_ =	swait.ge [sflag:s23], $0x800  }
0x47: {  	s18 =	sld [smem:$0x7FD]  }
0x48: {  	[sflag:s23] =	ssyncset.done $0x0  }
0x49: {  	s29 =	simm.s32 $0x1E000;
	[sflag:s23] =	ssyncadd.s32 $0xFFFFF800  }
0x4a: {  	[tilespmem:s29], [sflag:$0x11] =	stream.linear.gather [hbm4b:s18+s6], $0x800, $0x38;
	[tilespmem:$0x1E800] =	vst v63  }
0x4b: {  	_ =	swait.ge [sflag:s23], $0x800  }
0x4c: {  	[sflag:s23] =	ssyncset.done $0x0  }
0x4d: {  	s18 =	rddreg [dreg:$0x14];
	[sflag:s23] =	ssyncadd.s32 $0xFFFFF800  }
0x4e: {  	[tilespmem:s21], [sflag:$0x11] =	stream.linear.gather [hbm4b:s18+s6], $0x1000, $0x38;
	[tilespmem:$0x1E800] =	vst v63  }
0x4f: {  	_ =	swait.ge [sflag:s23], $0x1000  }
0x50: {  	[sflag:s23] =	ssyncset.done $0x0  }
0x51: {  	s29 =	simm.s32 $0x0;
	[sflag:s23] =	ssyncadd.s32 $0xFFFFF000  }
0x52: {  	v1 =	vld [tilespmem:s29+$0x1D800]  }
0x53: {  	v2 =	vld [tilespmem:s29+$0x1E000];
	_ =	sdelay $0x4  }
0x54: {  	v1 =	vadd.f32 v2, v1;
	_ =	sdelay $0x1  }
0x55: {  	v1 =	vadd.f32 $1.000000000e+00, v1;
	_ =	sdelay $0x1  }
0x56: {  	v2 =	vshra.s32 v1, $0x1;
	v3 =	vmul.f32 $5.000000000e-01, v1  }
0x57: {  	v2 =	vsub.s32 $0x5F3759DF, v2  }
0x58: {  	v4 =	vmul.f32 v2, v3;
	_ =	sdelay $0x1  }
0x59: {  	v4 =	vmul.f32 v2, v4;
	_ =	sdelay $0x1  }
0x5a: {  	v4 =	vsub.f32 $1.500000000e+00, v4;
	_ =	sdelay $0x1  }
0x5b: {  	v2 =	vmul.f32 v2, v4;
	_ =	sdelay $0x1  }
0x5c: {  	v4 =	vmul.f32 v2, v3;
	_ =	sdelay $0x1  }
0x5d: {  	v4 =	vmul.f32 v4, v2;
	_ =	sdelay $0x1  }
0x5e: {  	v4 =	vsub.f32 $1.500000000e+00, v4;
	_ =	sdelay $0x1  }
0x5f: {  	v2 =	vmul.f32 v4, v2;
	_ =	sdelay $0x1  }
0x60: {  	(erf) = vrcp.f32 v1;
	v1 =	vmul.f32 v2, v3;
	_ =	sdelay $0x1  }
0x61: {  	v1 =	vmul.f32 v1, v2;
	_ =	sdelay $0x1  }
0x62: {  	v1 =	vsub.f32 $1.500000000e+00, v1;
	_ =	sdelay $0x1  }
0x63: {  	v1 =	vmul.f32 v1, v2;
	_ =	sdelay $0x1  }
0x64: {  	v2 =	vmul.f32 v1, v3  }
0x65: {  	v3 =	vpop (erf)  }
0x66: {  	v3 =	vmul.f32 $8.999999760e-01, v3;
	v2 =	vmul.f32 v2, v1  }
0x67: {  	s6 =	simm.s32 $0x1C020  }
0x68: {  	s8 =	simm.s32 $0x16010;
	[tilespmem:s6+$0xFFFFFFE0] =	vst v3;
	v2 =	vsub.f32 $1.500000000e+00, v2  }
0x69: {  	v3 =	vld [tilespmem:s8+$0xFFFFFFF0]  }
0x6a: {  	v1 =	vmul.f32 v2, v1;
	_ =	sdelay $0x1  }
0x6b: {  	v2 =	vmul.f32 $1.000000010e-01, v1;
	_ =	sdelay $0x1  }
0x6c: {  	v63 =	vmul.f32 v2, v3  }
0x6d: {  	v3 =	vmul.f32 v1, v3  }
0x6e: {  	[tilespmem:s6+$0xFFFFFFF0] =	vst v63  }
0x6f: {  	[tilespmem:s8+$0xFFFFFFF0] =	vst v3;
	v3 =	vld [tilespmem:s8+$0x0];
	_ =	sdelay $0x4  }
0x70: {  	s18 =	simm.s32 $0x16010;
	s23 =	simm.s32 $0x40;
	v2 =	vmul.f32 v2, v3;
	v1 =	vmul.f32 v1, v3  }
.LBB2_4:
0x71: {  	_ = 	snop  }
0x72: {  	p0 =	sne.s32 s23, $0x1FC0;
	s8 =	sadd.s32 $0x20, s8;
	[tilespmem:s6+$0x0] =	vst v2;
	s6 =	sadd.s32 $0x30, s6  }
0x73: {  	s29 =	sshra.s32 s23, $0x2;
	s23 =	sadd.s32 $0x40, s23;
	[tilespmem:s18+$0x0] =	vst v1;
	s18 =	smov.u32 s8  }
0x74: {  	v1 =	vld [tilespmem:s29+$0x1D800]  }
0x75: {  	v2 =	vld [tilespmem:s29+$0x1E000];
	_ =	sdelay $0x4  }
0x76: {  	v1 =	vadd.f32 v2, v1;
	_ =	sdelay $0x1  }
0x77: {  	v1 =	vadd.f32 $1.000000000e+00, v1;
	_ =	sdelay $0x1  }
0x78: {  	v2 =	vshra.s32 v1, $0x1;
	v3 =	vmul.f32 $5.000000000e-01, v1;
	(erf) = vrcp.f32 v1  }
0x79: {  	v1 =	vsub.s32 $0x5F3759DF, v2  }
0x7a: {  	v2 =	vmul.f32 v1, v3;
	_ =	sdelay $0x1  }
0x7b: {  	v2 =	vmul.f32 v1, v2;
	_ =	sdelay $0x1  }
0x7c: {  	v4 =	vsub.f32 $1.500000000e+00, v2;
	_ =	sdelay $0x1  }
0x7d: {  	v1 =	vmul.f32 v1, v4  }
0x7e: {  	v2 =	vpop (erf)  }
0x7f: {  	v4 =	vmul.f32 v1, v3;
	v2 =	vmul.f32 $8.999999760e-01, v2;
	_ =	sdelay $0x1  }
0x80: {  	v4 =	vmul.f32 v4, v1;
	_ =	sdelay $0x1  }
0x81: {  	v4 =	vsub.f32 $1.500000000e+00, v4;
	_ =	sdelay $0x1  }
0x82: {  	v1 =	vmul.f32 v4, v1;
	_ =	sdelay $0x1  }
0x83: {  	v4 =	vmul.f32 v1, v3;
	_ =	sdelay $0x1  }
0x84: {  	v4 =	vmul.f32 v4, v1;
	_ =	sdelay $0x1  }
0x85: {  	v4 =	vsub.f32 $1.500000000e+00, v4;
	_ =	sdelay $0x1  }
0x86: {  	v1 =	vmul.f32 v4, v1;
	_ =	sdelay $0x1  }
0x87: {  	v3 =	vmul.f32 v1, v3;
	_ =	sdelay $0x1  }
0x88: {  	v3 =	vmul.f32 v3, v1  }
0x89: {  	[tilespmem:s6+$0xFFFFFFE0] =	vst v2  }
0x8a: {  	v2 =	vsub.f32 $1.500000000e+00, v3;
	v3 =	vld [tilespmem:s8+$0xFFFFFFF0];
	_ =	sdelay $0x1  }
0x8b: {  	v1 =	vmul.f32 v2, v1;
	_ =	sdelay $0x1  }
0x8c: {  	v2 =	vmul.f32 $1.000000010e-01, v1;
	_ =	sdelay $0x1  }
0x8d: {  	v4 =	vmul.f32 v2, v3  }
0x8e: {  	v3 =	vmul.f32 v1, v3  }
0x8f: {  	[tilespmem:s6+$0xFFFFFFF0] =	vst v4  }
0x90: {  	[tilespmem:s8+$0xFFFFFFF0] =	vst v3;
	v3 =	vld [tilespmem:s8+$0x0]  }
.Ltmp1:
0x91: {  	(pc) =	sbr.rel @p0 .LBB2_4-.Ltmp1, $2  }
0x92: {  	_ =	sdelay $0x2  }
0x93: {  	v2 =	vmul.f32 v2, v3;
	v1 =	vmul.f32 v1, v3  }
0x94: {  	_ = 	snop  }
0x95: {  	[tilespmem:s6+$0x0] =	vst v2  }
0x96: {  	s23 =	rddreg [dreg:$0x1f];
	[tilespmem:s18+$0x0] =	vst v1;
	s18 =	simm.s32 $0x11  }
0x97: {  	[spmem:s23] =	stream.linear.scatter [tilespmem:s21], [sflag:$0x11], $0x1000, $0x38;
	[tilespmem:$0x1E800] =	vst v63  }
0x98: {  	_ =	swait.ge [sflag:s18], $0x1000  }
0x99: {  	s6 =	simm.s32 $0x0;
	[sflag:s18] =	ssyncset.done $0x0  }
0x9a: {  	s23 =	simm.s32 $0x1C000;
	s8 =	rddreg [dreg:$0xe];
	[sflag:s18] =	ssyncadd.s32 $0xFFFFF000  }
0x9b: {  	[hbm4b:s8+s6] =	stream.linear.scatter [tilespmem:s23], [sflag:$0x11], $0x1800, $0x38;
	[tilespmem:$0x1E800] =	vst v63  }
0x9c: {  	_ =	swait.ge [sflag:s18], $0x1800  }
0x9d: {  	s29 =	sld [smem:$0x7F3]  }
0x9e: {  	[sflag:s18] =	ssyncset.done $0x0  }
0x9f: {  	[sflag:s18] =	ssyncadd.s32 $0xFFFFE800  }
0xa0: {  	[spmem:s29] =	stream.linear.scatter [tilespmem:s25], [sflag:$0x11], $0x1000, $0x38;
	[tilespmem:$0x1E800] =	vst v63  }
0xa1: {  	_ =	swait.ge [sflag:s18], $0x1000  }
0xa2: {  	[sflag:s18] =	ssyncset.done $0x0  }
0xa3: {  	s29 =	simm.s32 $0x1D800;
	s23 =	rddreg [dreg:$0x6];
	[sflag:s18] =	ssyncadd.s32 $0xFFFFF000  }
0xa4: {  	[tilespmem:s29], [sflag:$0x11] =	stream.linear.gather [hbm4b:s23+s6], $0x800, $0x38;
	[tilespmem:$0x1E800] =	vst v63  }
0xa5: {  	_ =	swait.ge [sflag:s18], $0x800  }
0xa6: {  	[sflag:s18] =	ssyncset.done $0x0  }
0xa7: {  	s29 =	simm.s32 $0x1E000;
	s23 =	rddreg [dreg:$0x7];
	[sflag:s18] =	ssyncadd.s32 $0xFFFFF800  }
0xa8: {  	[tilespmem:s29], [sflag:$0x11] =	stream.linear.gather [hbm4b:s23+s6], $0x800, $0x38;
	[tilespmem:$0x1E800] =	vst v63  }
0xa9: {  	_ =	swait.ge [sflag:s18], $0x800  }
0xaa: {  	[sflag:s18] =	ssyncset.done $0x0  }
0xab: {  	s23 =	rddreg [dreg:$0x15];
	[sflag:s18] =	ssyncadd.s32 $0xFFFFF800  }
0xac: {  	[tilespmem:s21], [sflag:$0x11] =	stream.linear.gather [hbm4b:s23+s6], $0x1000, $0x38;
	[tilespmem:$0x1E800] =	vst v63  }
0xad: {  	_ =	swait.ge [sflag:s18], $0x1000  }
0xae: {  	[sflag:s18] =	ssyncset.done $0x0  }
0xaf: {  	s29 =	simm.s32 $0x0;
	[sflag:s18] =	ssyncadd.s32 $0xFFFFF000  }
0xb0: {  	v1 =	vld [tilespmem:s29+$0x1D800]  }
0xb1: {  	v2 =	vld [tilespmem:s29+$0x1E000];
	_ =	sdelay $0x4  }
0xb2: {  	v1 =	vadd.f32 v2, v1;
	_ =	sdelay $0x1  }
0xb3: {  	v1 =	vadd.f32 $1.000000000e+00, v1;
	_ =	sdelay $0x1  }
0xb4: {  	v2 =	vshra.s32 v1, $0x1;
	v3 =	vmul.f32 $5.000000000e-01, v1  }
0xb5: {  	v2 =	vsub.s32 $0x5F3759DF, v2  }
0xb6: {  	v4 =	vmul.f32 v2, v3;
	_ =	sdelay $0x1  }
0xb7: {  	v4 =	vmul.f32 v2, v4;
	_ =	sdelay $0x1  }
0xb8: {  	v4 =	vsub.f32 $1.500000000e+00, v4;
	_ =	sdelay $0x1  }
0xb9: {  	v2 =	vmul.f32 v2, v4;
	_ =	sdelay $0x1  }
0xba: {  	v4 =	vmul.f32 v2, v3;
	_ =	sdelay $0x1  }
0xbb: {  	v4 =	vmul.f32 v4, v2;
	_ =	sdelay $0x1  }
0xbc: {  	v4 =	vsub.f32 $1.500000000e+00, v4;
	_ =	sdelay $0x1  }
0xbd: {  	v2 =	vmul.f32 v4, v2;
	_ =	sdelay $0x1  }
0xbe: {  	(erf) = vrcp.f32 v1;
	v1 =	vmul.f32 v2, v3;
	_ =	sdelay $0x1  }
0xbf: {  	v1 =	vmul.f32 v1, v2;
	_ =	sdelay $0x1  }
0xc0: {  	v1 =	vsub.f32 $1.500000000e+00, v1;
	_ =	sdelay $0x1  }
0xc1: {  	v1 =	vmul.f32 v1, v2;
	_ =	sdelay $0x1  }
0xc2: {  	v2 =	vmul.f32 v1, v3  }
0xc3: {  	v3 =	vpop (erf)  }
0xc4: {  	v3 =	vmul.f32 $8.999999760e-01, v3;
	v2 =	vmul.f32 v2, v1  }
0xc5: {  	s6 =	simm.s32 $0x1C020  }
0xc6: {  	s8 =	simm.s32 $0x16010;
	[tilespmem:s6+$0xFFFFFFE0] =	vst v3;
	v2 =	vsub.f32 $1.500000000e+00, v2  }
0xc7: {  	v3 =	vld [tilespmem:s8+$0xFFFFFFF0]  }
0xc8: {  	v1 =	vmul.f32 v2, v1;
	_ =	sdelay $0x1  }
0xc9: {  	v2 =	vmul.f32 $1.000000010e-01, v1;
	_ =	sdelay $0x1  }
0xca: {  	v63 =	vmul.f32 v2, v3  }
0xcb: {  	v3 =	vmul.f32 v1, v3  }
0xcc: {  	[tilespmem:s6+$0xFFFFFFF0] =	vst v63  }
0xcd: {  	[tilespmem:s8+$0xFFFFFFF0] =	vst v3;
	v3 =	vld [tilespmem:s8+$0x0];
	_ =	sdelay $0x4  }
0xce: {  	s23 =	simm.s32 $0x40;
	s18 =	simm.s32 $0x16010;
	v2 =	vmul.f32 v2, v3;
	v1 =	vmul.f32 v1, v3  }
.LBB2_6:
0xcf: {  	_ = 	snop  }
0xd0: {  	p0 =	sne.s32 s23, $0x1FC0;
	s8 =	sadd.s32 $0x20, s8;
	[tilespmem:s6+$0x0] =	vst v2;
	s6 =	sadd.s32 $0x30, s6  }
0xd1: {  	s29 =	sshra.s32 s23, $0x2;
	s23 =	sadd.s32 $0x40, s23;
	[tilespmem:s18+$0x0] =	vst v1;
	s18 =	smov.u32 s8  }
0xd2: {  	v1 =	vld [tilespmem:s29+$0x1D800]  }
0xd3: {  	v2 =	vld [tilespmem:s29+$0x1E000];
	_ =	sdelay $0x4  }
0xd4: {  	v1 =	vadd.f32 v2, v1;
	_ =	sdelay $0x1  }
0xd5: {  	v1 =	vadd.f32 $1.000000000e+00, v1;
	_ =	sdelay $0x1  }
0xd6: {  	v2 =	vshra.s32 v1, $0x1;
	v3 =	vmul.f32 $5.000000000e-01, v1;
	(erf) = vrcp.f32 v1  }
0xd7: {  	v1 =	vsub.s32 $0x5F3759DF, v2  }
0xd8: {  	v2 =	vmul.f32 v1, v3;
	_ =	sdelay $0x1  }
0xd9: {  	v2 =	vmul.f32 v1, v2;
	_ =	sdelay $0x1  }
0xda: {  	v4 =	vsub.f32 $1.500000000e+00, v2;
	_ =	sdelay $0x1  }
0xdb: {  	v1 =	vmul.f32 v1, v4  }
0xdc: {  	v2 =	vpop (erf)  }
0xdd: {  	v4 =	vmul.f32 v1, v3;
	v2 =	vmul.f32 $8.999999760e-01, v2;
	_ =	sdelay $0x1  }
0xde: {  	v4 =	vmul.f32 v4, v1;
	_ =	sdelay $0x1  }
0xdf: {  	v4 =	vsub.f32 $1.500000000e+00, v4;
	_ =	sdelay $0x1  }
0xe0: {  	v1 =	vmul.f32 v4, v1;
	_ =	sdelay $0x1  }
0xe1: {  	v4 =	vmul.f32 v1, v3;
	_ =	sdelay $0x1  }
0xe2: {  	v4 =	vmul.f32 v4, v1;
	_ =	sdelay $0x1  }
0xe3: {  	v4 =	vsub.f32 $1.500000000e+00, v4;
	_ =	sdelay $0x1  }
0xe4: {  	v1 =	vmul.f32 v4, v1;
	_ =	sdelay $0x1  }
0xe5: {  	v3 =	vmul.f32 v1, v3;
	_ =	sdelay $0x1  }
0xe6: {  	v3 =	vmul.f32 v3, v1  }
0xe7: {  	[tilespmem:s6+$0xFFFFFFE0] =	vst v2  }
0xe8: {  	v2 =	vsub.f32 $1.500000000e+00, v3;
	v3 =	vld [tilespmem:s8+$0xFFFFFFF0];
	_ =	sdelay $0x1  }
0xe9: {  	v1 =	vmul.f32 v2, v1;
	_ =	sdelay $0x1  }
0xea: {  	v2 =	vmul.f32 $1.000000010e-01, v1;
	_ =	sdelay $0x1  }
0xeb: {  	v4 =	vmul.f32 v2, v3  }
0xec: {  	v3 =	vmul.f32 v1, v3  }
0xed: {  	[tilespmem:s6+$0xFFFFFFF0] =	vst v4  }
0xee: {  	[tilespmem:s8+$0xFFFFFFF0] =	vst v3;
	v3 =	vld [tilespmem:s8+$0x0]  }
.Ltmp2:
0xef: {  	(pc) =	sbr.rel @p0 .LBB2_6-.Ltmp2, $2  }
0xf0: {  	_ =	sdelay $0x2  }
0xf1: {  	v2 =	vmul.f32 v2, v3;
	v1 =	vmul.f32 v1, v3  }
0xf2: {  	s23 =	sld [smem:$0x7F4]  }
0xf3: {  	[tilespmem:s6+$0x0] =	vst v2  }
0xf4: {  	[tilespmem:s18+$0x0] =	vst v1;
	s18 =	simm.s32 $0x11  }
0xf5: {  	[spmem:s23] =	stream.linear.scatter [tilespmem:s21], [sflag:$0x11], $0x1000, $0x38;
	[tilespmem:$0x1E800] =	vst v63  }
0xf6: {  	_ =	swait.ge [sflag:s18], $0x1000  }
0xf7: {  	s6 =	simm.s32 $0x0;
	[sflag:s18] =	ssyncset.done $0x0  }
0xf8: {  	s23 =	simm.s32 $0x1C000;
	s8 =	rddreg [dreg:$0xf];
	[sflag:s18] =	ssyncadd.s32 $0xFFFFF000  }
0xf9: {  	[hbm4b:s8+s6] =	stream.linear.scatter [tilespmem:s23], [sflag:$0x11], $0x1800, $0x38;
	[tilespmem:$0x1E800] =	vst v63  }
0xfa: {  	_ =	swait.ge [sflag:s18], $0x1800  }
0xfb: {  	s29 =	sld [smem:$0x7F5]  }
0xfc: {  	[sflag:s18] =	ssyncset.done $0x0  }
0xfd: {  	[sflag:s18] =	ssyncadd.s32 $0xFFFFE800  }
0xfe: {  	[spmem:s29] =	stream.linear.scatter [tilespmem:s25], [sflag:$0x11], $0x1000, $0x38;
	[tilespmem:$0x1E800] =	vst v63  }
0xff: {  	_ =	swait.ge [sflag:s18], $0x1000  }
0x100: {  	[sflag:s18] =	ssyncset.done $0x0  }
0x101: {  	s29 =	simm.s32 $0x1D800;
	s23 =	rddreg [dreg:$0x8];
	[sflag:s18] =	ssyncadd.s32 $0xFFFFF000  }
0x102: {  	[tilespmem:s29], [sflag:$0x11] =	stream.linear.gather [hbm4b:s23+s6], $0x800, $0x38;
	[tilespmem:$0x1E800] =	vst v63  }
0x103: {  	_ =	swait.ge [sflag:s18], $0x800  }
0x104: {  	[sflag:s18] =	ssyncset.done $0x0  }
0x105: {  	s29 =	simm.s32 $0x1E000;
	s23 =	rddreg [dreg:$0x9];
	[sflag:s18] =	ssyncadd.s32 $0xFFFFF800  }
0x106: {  	[tilespmem:s29], [sflag:$0x11] =	stream.linear.gather [hbm4b:s23+s6], $0x800, $0x38;
	[tilespmem:$0x1E800] =	vst v63  }
0x107: {  	_ =	swait.ge [sflag:s18], $0x800  }
0x108: {  	[sflag:s18] =	ssyncset.done $0x0  }
0x109: {  	s23 =	rddreg [dreg:$0x16];
	[sflag:s18] =	ssyncadd.s32 $0xFFFFF800  }
0x10a: {  	[tilespmem:s21], [sflag:$0x11] =	stream.linear.gather [hbm4b:s23+s6], $0x1000, $0x38;
	[tilespmem:$0x1E800] =	vst v63  }
0x10b: {  	_ =	swait.ge [sflag:s18], $0x1000  }
0x10c: {  	[sflag:s18] =	ssyncset.done $0x0  }
0x10d: {  	s29 =	simm.s32 $0x0;
	[sflag:s18] =	ssyncadd.s32 $0xFFFFF000  }
0x10e: {  	v1 =	vld [tilespmem:s29+$0x1D800]  }
0x10f: {  	v2 =	vld [tilespmem:s29+$0x1E000];
	_ =	sdelay $0x4  }
0x110: {  	v1 =	vadd.f32 v2, v1;
	_ =	sdelay $0x1  }
0x111: {  	v1 =	vadd.f32 $1.000000000e+00, v1;
	_ =	sdelay $0x1  }
0x112: {  	v2 =	vshra.s32 v1, $0x1;
	v3 =	vmul.f32 $5.000000000e-01, v1  }
0x113: {  	v2 =	vsub.s32 $0x5F3759DF, v2  }
0x114: {  	v4 =	vmul.f32 v2, v3;
	_ =	sdelay $0x1  }
0x115: {  	v4 =	vmul.f32 v2, v4;
	_ =	sdelay $0x1  }
0x116: {  	v4 =	vsub.f32 $1.500000000e+00, v4;
	_ =	sdelay $0x1  }
0x117: {  	v2 =	vmul.f32 v2, v4;
	_ =	sdelay $0x1  }
0x118: {  	v4 =	vmul.f32 v2, v3;
	_ =	sdelay $0x1  }
0x119: {  	v4 =	vmul.f32 v4, v2;
	_ =	sdelay $0x1  }
0x11a: {  	v4 =	vsub.f32 $1.500000000e+00, v4;
	_ =	sdelay $0x1  }
0x11b: {  	v2 =	vmul.f32 v4, v2;
	_ =	sdelay $0x1  }
0x11c: {  	(erf) = vrcp.f32 v1;
	v1 =	vmul.f32 v2, v3;
	_ =	sdelay $0x1  }
0x11d: {  	v1 =	vmul.f32 v1, v2;
	_ =	sdelay $0x1  }
0x11e: {  	v1 =	vsub.f32 $1.500000000e+00, v1;
	_ =	sdelay $0x1  }
0x11f: {  	v1 =	vmul.f32 v1, v2;
	_ =	sdelay $0x1  }
0x120: {  	v2 =	vmul.f32 v1, v3  }
0x121: {  	v3 =	vpop (erf)  }
0x122: {  	v3 =	vmul.f32 $8.999999760e-01, v3;
	v2 =	vmul.f32 v2, v1  }
0x123: {  	s6 =	simm.s32 $0x1C020  }
0x124: {  	s8 =	simm.s32 $0x16010;
	[tilespmem:s6+$0xFFFFFFE0] =	vst v3;
	v2 =	vsub.f32 $1.500000000e+00, v2  }
0x125: {  	v3 =	vld [tilespmem:s8+$0xFFFFFFF0]  }
0x126: {  	v1 =	vmul.f32 v2, v1;
	_ =	sdelay $0x1  }
0x127: {  	v2 =	vmul.f32 $1.000000010e-01, v1;
	_ =	sdelay $0x1  }
0x128: {  	v63 =	vmul.f32 v2, v3  }
0x129: {  	v3 =	vmul.f32 v1, v3  }
0x12a: {  	[tilespmem:s6+$0xFFFFFFF0] =	vst v63  }
0x12b: {  	[tilespmem:s8+$0xFFFFFFF0] =	vst v3;
	v3 =	vld [tilespmem:s8+$0x0];
	_ =	sdelay $0x4  }
0x12c: {  	s23 =	simm.s32 $0x40;
	s18 =	simm.s32 $0x16010;
	v2 =	vmul.f32 v2, v3;
	v1 =	vmul.f32 v1, v3  }
.LBB2_8:
0x12d: {  	_ = 	snop  }
0x12e: {  	p0 =	sne.s32 s23, $0x1FC0;
	s8 =	sadd.s32 $0x20, s8;
	[tilespmem:s6+$0x0] =	vst v2;
	s6 =	sadd.s32 $0x30, s6  }
0x12f: {  	s29 =	sshra.s32 s23, $0x2;
	s23 =	sadd.s32 $0x40, s23;
	[tilespmem:s18+$0x0] =	vst v1;
	s18 =	smov.u32 s8  }
0x130: {  	v1 =	vld [tilespmem:s29+$0x1D800]  }
0x131: {  	v2 =	vld [tilespmem:s29+$0x1E000];
	_ =	sdelay $0x4  }
0x132: {  	v1 =	vadd.f32 v2, v1;
	_ =	sdelay $0x1  }
0x133: {  	v1 =	vadd.f32 $1.000000000e+00, v1;
	_ =	sdelay $0x1  }
0x134: {  	v2 =	vshra.s32 v1, $0x1;
	v3 =	vmul.f32 $5.000000000e-01, v1;
	(erf) = vrcp.f32 v1  }
0x135: {  	v1 =	vsub.s32 $0x5F3759DF, v2  }
0x136: {  	v2 =	vmul.f32 v1, v3;
	_ =	sdelay $0x1  }
0x137: {  	v2 =	vmul.f32 v1, v2;
	_ =	sdelay $0x1  }
0x138: {  	v4 =	vsub.f32 $1.500000000e+00, v2;
	_ =	sdelay $0x1  }
0x139: {  	v1 =	vmul.f32 v1, v4  }
0x13a: {  	v2 =	vpop (erf)  }
0x13b: {  	v4 =	vmul.f32 v1, v3;
	v2 =	vmul.f32 $8.999999760e-01, v2;
	_ =	sdelay $0x1  }
0x13c: {  	v4 =	vmul.f32 v4, v1;
	_ =	sdelay $0x1  }
0x13d: {  	v4 =	vsub.f32 $1.500000000e+00, v4;
	_ =	sdelay $0x1  }
0x13e: {  	v1 =	vmul.f32 v4, v1;
	_ =	sdelay $0x1  }
0x13f: {  	v4 =	vmul.f32 v1, v3;
	_ =	sdelay $0x1  }
0x140: {  	v4 =	vmul.f32 v4, v1;
	_ =	sdelay $0x1  }
0x141: {  	v4 =	vsub.f32 $1.500000000e+00, v4;
	_ =	sdelay $0x1  }
0x142: {  	v1 =	vmul.f32 v4, v1;
	_ =	sdelay $0x1  }
0x143: {  	v3 =	vmul.f32 v1, v3;
	_ =	sdelay $0x1  }
0x144: {  	v3 =	vmul.f32 v3, v1  }
0x145: {  	[tilespmem:s6+$0xFFFFFFE0] =	vst v2  }
0x146: {  	v2 =	vsub.f32 $1.500000000e+00, v3;
	v3 =	vld [tilespmem:s8+$0xFFFFFFF0];
	_ =	sdelay $0x1  }
0x147: {  	v1 =	vmul.f32 v2, v1;
	_ =	sdelay $0x1  }
0x148: {  	v2 =	vmul.f32 $1.000000010e-01, v1;
	_ =	sdelay $0x1  }
0x149: {  	v4 =	vmul.f32 v2, v3  }
0x14a: {  	v3 =	vmul.f32 v1, v3  }
0x14b: {  	[tilespmem:s6+$0xFFFFFFF0] =	vst v4  }
0x14c: {  	[tilespmem:s8+$0xFFFFFFF0] =	vst v3;
	v3 =	vld [tilespmem:s8+$0x0]  }
.Ltmp3:
0x14d: {  	(pc) =	sbr.rel @p0 .LBB2_8-.Ltmp3, $2  }
0x14e: {  	_ =	sdelay $0x2  }
0x14f: {  	v2 =	vmul.f32 v2, v3;
	v1 =	vmul.f32 v1, v3  }
0x150: {  	s23 =	sld [smem:$0x7F6]  }
0x151: {  	[tilespmem:s6+$0x0] =	vst v2  }
0x152: {  	[tilespmem:s18+$0x0] =	vst v1;
	s18 =	simm.s32 $0x11  }
0x153: {  	[spmem:s23] =	stream.linear.scatter [tilespmem:s21], [sflag:$0x11], $0x1000, $0x38;
	[tilespmem:$0x1E800] =	vst v63  }
0x154: {  	_ =	swait.ge [sflag:s18], $0x1000  }
0x155: {  	s6 =	simm.s32 $0x0;
	[sflag:s18] =	ssyncset.done $0x0  }
0x156: {  	s23 =	simm.s32 $0x1C000;
	s8 =	rddreg [dreg:$0x10];
	[sflag:s18] =	ssyncadd.s32 $0xFFFFF000  }
0x157: {  	[hbm4b:s8+s6] =	stream.linear.scatter [tilespmem:s23], [sflag:$0x11], $0x1800, $0x38;
	[tilespmem:$0x1E800] =	vst v63  }
0x158: {  	_ =	swait.ge [sflag:s18], $0x1800  }
0x159: {  	s29 =	sld [smem:$0x7F7]  }
0x15a: {  	[sflag:s18] =	ssyncset.done $0x0  }
0x15b: {  	[sflag:s18] =	ssyncadd.s32 $0xFFFFE800  }
0x15c: {  	[spmem:s29] =	stream.linear.scatter [tilespmem:s25], [sflag:$0x11], $0x1000, $0x38;
	[tilespmem:$0x1E800] =	vst v63  }
0x15d: {  	_ =	swait.ge [sflag:s18], $0x1000  }
0x15e: {  	[sflag:s18] =	ssyncset.done $0x0  }
0x15f: {  	s29 =	simm.s32 $0x1D800;
	s23 =	rddreg [dreg:$0xa];
	[sflag:s18] =	ssyncadd.s32 $0xFFFFF000  }
0x160: {  	[tilespmem:s29], [sflag:$0x11] =	stream.linear.gather [hbm4b:s23+s6], $0x800, $0x38;
	[tilespmem:$0x1E800] =	vst v63  }
0x161: {  	_ =	swait.ge [sflag:s18], $0x800  }
0x162: {  	[sflag:s18] =	ssyncset.done $0x0  }
0x163: {  	s29 =	simm.s32 $0x1E000;
	s23 =	rddreg [dreg:$0xb];
	[sflag:s18] =	ssyncadd.s32 $0xFFFFF800  }
0x164: {  	[tilespmem:s29], [sflag:$0x11] =	stream.linear.gather [hbm4b:s23+s6], $0x800, $0x38;
	[tilespmem:$0x1E800] =	vst v63  }
0x165: {  	_ =	swait.ge [sflag:s18], $0x800  }
0x166: {  	[sflag:s18] =	ssyncset.done $0x0  }
0x167: {  	s23 =	rddreg [dreg:$0x17];
	[sflag:s18] =	ssyncadd.s32 $0xFFFFF800  }
0x168: {  	[tilespmem:s21], [sflag:$0x11] =	stream.linear.gather [hbm4b:s23+s6], $0x1000, $0x38;
	[tilespmem:$0x1E800] =	vst v63  }
0x169: {  	_ =	swait.ge [sflag:s18], $0x1000  }
0x16a: {  	[sflag:s18] =	ssyncset.done $0x0  }
0x16b: {  	s29 =	simm.s32 $0x0;
	[sflag:s18] =	ssyncadd.s32 $0xFFFFF000  }
0x16c: {  	v1 =	vld [tilespmem:s29+$0x1D800]  }
0x16d: {  	v2 =	vld [tilespmem:s29+$0x1E000];
	_ =	sdelay $0x4  }
0x16e: {  	v1 =	vadd.f32 v2, v1;
	_ =	sdelay $0x1  }
0x16f: {  	v1 =	vadd.f32 $1.000000000e+00, v1;
	_ =	sdelay $0x1  }
0x170: {  	v2 =	vshra.s32 v1, $0x1;
	v3 =	vmul.f32 $5.000000000e-01, v1  }
0x171: {  	v2 =	vsub.s32 $0x5F3759DF, v2  }
0x172: {  	v4 =	vmul.f32 v2, v3;
	_ =	sdelay $0x1  }
0x173: {  	v4 =	vmul.f32 v2, v4;
	_ =	sdelay $0x1  }
0x174: {  	v4 =	vsub.f32 $1.500000000e+00, v4;
	_ =	sdelay $0x1  }
0x175: {  	v2 =	vmul.f32 v2, v4;
	_ =	sdelay $0x1  }
0x176: {  	v4 =	vmul.f32 v2, v3;
	_ =	sdelay $0x1  }
0x177: {  	v4 =	vmul.f32 v4, v2;
	_ =	sdelay $0x1  }
0x178: {  	v4 =	vsub.f32 $1.500000000e+00, v4;
	_ =	sdelay $0x1  }
0x179: {  	v2 =	vmul.f32 v4, v2;
	_ =	sdelay $0x1  }
0x17a: {  	(erf) = vrcp.f32 v1;
	v1 =	vmul.f32 v2, v3;
	_ =	sdelay $0x1  }
0x17b: {  	v1 =	vmul.f32 v1, v2;
	_ =	sdelay $0x1  }
0x17c: {  	v1 =	vsub.f32 $1.500000000e+00, v1;
	_ =	sdelay $0x1  }
0x17d: {  	v1 =	vmul.f32 v1, v2;
	_ =	sdelay $0x1  }
0x17e: {  	v2 =	vmul.f32 v1, v3  }
0x17f: {  	v3 =	vpop (erf)  }
0x180: {  	v3 =	vmul.f32 $8.999999760e-01, v3;
	v2 =	vmul.f32 v2, v1  }
0x181: {  	s6 =	simm.s32 $0x1C020  }
0x182: {  	s8 =	simm.s32 $0x16010;
	[tilespmem:s6+$0xFFFFFFE0] =	vst v3;
	v2 =	vsub.f32 $1.500000000e+00, v2  }
0x183: {  	v3 =	vld [tilespmem:s8+$0xFFFFFFF0]  }
0x184: {  	v1 =	vmul.f32 v2, v1;
	_ =	sdelay $0x1  }
0x185: {  	v2 =	vmul.f32 $1.000000010e-01, v1;
	_ =	sdelay $0x1  }
0x186: {  	v63 =	vmul.f32 v2, v3  }
0x187: {  	v3 =	vmul.f32 v1, v3  }
0x188: {  	[tilespmem:s6+$0xFFFFFFF0] =	vst v63  }
0x189: {  	[tilespmem:s8+$0xFFFFFFF0] =	vst v3;
	v3 =	vld [tilespmem:s8+$0x0];
	_ =	sdelay $0x4  }
0x18a: {  	s23 =	simm.s32 $0x40;
	s18 =	simm.s32 $0x16010;
	v2 =	vmul.f32 v2, v3;
	v1 =	vmul.f32 v1, v3  }
.LBB2_10:
0x18b: {  	_ = 	snop  }
0x18c: {  	p0 =	sne.s32 s23, $0x1FC0;
	s8 =	sadd.s32 $0x20, s8;
	[tilespmem:s6+$0x0] =	vst v2;
	s6 =	sadd.s32 $0x30, s6  }
0x18d: {  	s29 =	sshra.s32 s23, $0x2;
	s23 =	sadd.s32 $0x40, s23;
	[tilespmem:s18+$0x0] =	vst v1;
	s18 =	smov.u32 s8  }
0x18e: {  	v1 =	vld [tilespmem:s29+$0x1D800]  }
0x18f: {  	v2 =	vld [tilespmem:s29+$0x1E000];
	_ =	sdelay $0x4  }
0x190: {  	v1 =	vadd.f32 v2, v1;
	_ =	sdelay $0x1  }
0x191: {  	v1 =	vadd.f32 $1.000000000e+00, v1;
	_ =	sdelay $0x1  }
0x192: {  	v2 =	vshra.s32 v1, $0x1;
	v3 =	vmul.f32 $5.000000000e-01, v1;
	(erf) = vrcp.f32 v1  }
0x193: {  	v1 =	vsub.s32 $0x5F3759DF, v2  }
0x194: {  	v2 =	vmul.f32 v1, v3;
	_ =	sdelay $0x1  }
0x195: {  	v2 =	vmul.f32 v1, v2;
	_ =	sdelay $0x1  }
0x196: {  	v4 =	vsub.f32 $1.500000000e+00, v2;
	_ =	sdelay $0x1  }
0x197: {  	v1 =	vmul.f32 v1, v4  }
0x198: {  	v2 =	vpop (erf)  }
0x199: {  	v4 =	vmul.f32 v1, v3;
	v2 =	vmul.f32 $8.999999760e-01, v2;
	_ =	sdelay $0x1  }
0x19a: {  	v4 =	vmul.f32 v4, v1;
	_ =	sdelay $0x1  }
0x19b: {  	v4 =	vsub.f32 $1.500000000e+00, v4;
	_ =	sdelay $0x1  }
0x19c: {  	v1 =	vmul.f32 v4, v1;
	_ =	sdelay $0x1  }
0x19d: {  	v4 =	vmul.f32 v1, v3;
	_ =	sdelay $0x1  }
0x19e: {  	v4 =	vmul.f32 v4, v1;
	_ =	sdelay $0x1  }
0x19f: {  	v4 =	vsub.f32 $1.500000000e+00, v4;
	_ =	sdelay $0x1  }
0x1a0: {  	v1 =	vmul.f32 v4, v1;
	_ =	sdelay $0x1  }
0x1a1: {  	v3 =	vmul.f32 v1, v3;
	_ =	sdelay $0x1  }
0x1a2: {  	v3 =	vmul.f32 v3, v1  }
0x1a3: {  	[tilespmem:s6+$0xFFFFFFE0] =	vst v2  }
0x1a4: {  	v2 =	vsub.f32 $1.500000000e+00, v3;
	v3 =	vld [tilespmem:s8+$0xFFFFFFF0];
	_ =	sdelay $0x1  }
0x1a5: {  	v1 =	vmul.f32 v2, v1;
	_ =	sdelay $0x1  }
0x1a6: {  	v2 =	vmul.f32 $1.000000010e-01, v1;
	_ =	sdelay $0x1  }
0x1a7: {  	v4 =	vmul.f32 v2, v3  }
0x1a8: {  	v3 =	vmul.f32 v1, v3  }
0x1a9: {  	[tilespmem:s6+$0xFFFFFFF0] =	vst v4  }
0x1aa: {  	[tilespmem:s8+$0xFFFFFFF0] =	vst v3;
	v3 =	vld [tilespmem:s8+$0x0]  }
.Ltmp4:
0x1ab: {  	(pc) =	sbr.rel @p0 .LBB2_10-.Ltmp4, $2  }
0x1ac: {  	_ =	sdelay $0x2  }
0x1ad: {  	v2 =	vmul.f32 v2, v3;
	v1 =	vmul.f32 v1, v3  }
0x1ae: {  	s23 =	sld [smem:$0x7F8]  }
0x1af: {  	[tilespmem:s6+$0x0] =	vst v2  }
0x1b0: {  	[tilespmem:s18+$0x0] =	vst v1;
	s18 =	simm.s32 $0x11  }
0x1b1: {  	[spmem:s23] =	stream.linear.scatter [tilespmem:s21], [sflag:$0x11], $0x1000, $0x38;
	[tilespmem:$0x1E800] =	vst v63  }
0x1b2: {  	_ =	swait.ge [sflag:s18], $0x1000  }
0x1b3: {  	s6 =	simm.s32 $0x0;
	[sflag:s18] =	ssyncset.done $0x0  }
0x1b4: {  	s23 =	simm.s32 $0x1C000;
	s8 =	rddreg [dreg:$0x11];
	[sflag:s18] =	ssyncadd.s32 $0xFFFFF000  }
0x1b5: {  	[hbm4b:s8+s6] =	stream.linear.scatter [tilespmem:s23], [sflag:$0x11], $0x1800, $0x38;
	[tilespmem:$0x1E800] =	vst v63  }
0x1b6: {  	_ =	swait.ge [sflag:s18], $0x1800  }
0x1b7: {  	s29 =	sld [smem:$0x7F9]  }
0x1b8: {  	[sflag:s18] =	ssyncset.done $0x0  }
0x1b9: {  	[sflag:s18] =	ssyncadd.s32 $0xFFFFE800  }
0x1ba: {  	[spmem:s29] =	stream.linear.scatter [tilespmem:s25], [sflag:$0x11], $0x1000, $0x38;
	[tilespmem:$0x1E800] =	vst v63  }
0x1bb: {  	_ =	swait.ge [sflag:s18], $0x1000  }
0x1bc: {  	[sflag:s18] =	ssyncset.done $0x0  }
0x1bd: {  	s29 =	simm.s32 $0x1D800;
	s23 =	rddreg [dreg:$0xc];
	[sflag:s18] =	ssyncadd.s32 $0xFFFFF000  }
0x1be: {  	[tilespmem:s29], [sflag:$0x11] =	stream.linear.gather [hbm4b:s23+s6], $0x800, $0x38;
	[tilespmem:$0x1E800] =	vst v63  }
0x1bf: {  	_ =	swait.ge [sflag:s18], $0x800  }
0x1c0: {  	[sflag:s18] =	ssyncset.done $0x0  }
0x1c1: {  	s29 =	simm.s32 $0x1E000;
	s23 =	rddreg [dreg:$0xd];
	[sflag:s18] =	ssyncadd.s32 $0xFFFFF800  }
0x1c2: {  	[tilespmem:s29], [sflag:$0x11] =	stream.linear.gather [hbm4b:s23+s6], $0x800, $0x38;
	[tilespmem:$0x1E800] =	vst v63  }
0x1c3: {  	_ =	swait.ge [sflag:s18], $0x800  }
0x1c4: {  	[sflag:s18] =	ssyncset.done $0x0  }
0x1c5: {  	s23 =	rddreg [dreg:$0x18];
	[sflag:s18] =	ssyncadd.s32 $0xFFFFF800  }
0x1c6: {  	[tilespmem:s21], [sflag:$0x11] =	stream.linear.gather [hbm4b:s23+s6], $0x1000, $0x38;
	[tilespmem:$0x1E800] =	vst v63  }
0x1c7: {  	_ =	swait.ge [sflag:s18], $0x1000  }
0x1c8: {  	[sflag:s18] =	ssyncset.done $0x0  }
0x1c9: {  	s29 =	simm.s32 $0x0;
	[sflag:s18] =	ssyncadd.s32 $0xFFFFF000  }
0x1ca: {  	v1 =	vld [tilespmem:s29+$0x1D800]  }
0x1cb: {  	v2 =	vld [tilespmem:s29+$0x1E000];
	_ =	sdelay $0x4  }
0x1cc: {  	v1 =	vadd.f32 v2, v1;
	_ =	sdelay $0x1  }
0x1cd: {  	v1 =	vadd.f32 $1.000000000e+00, v1;
	_ =	sdelay $0x1  }
0x1ce: {  	v2 =	vshra.s32 v1, $0x1;
	v3 =	vmul.f32 $5.000000000e-01, v1  }
0x1cf: {  	v2 =	vsub.s32 $0x5F3759DF, v2  }
0x1d0: {  	v4 =	vmul.f32 v2, v3;
	_ =	sdelay $0x1  }
0x1d1: {  	v4 =	vmul.f32 v2, v4;
	_ =	sdelay $0x1  }
0x1d2: {  	v4 =	vsub.f32 $1.500000000e+00, v4;
	_ =	sdelay $0x1  }
0x1d3: {  	v2 =	vmul.f32 v2, v4;
	_ =	sdelay $0x1  }
0x1d4: {  	v4 =	vmul.f32 v2, v3;
	_ =	sdelay $0x1  }
0x1d5: {  	v4 =	vmul.f32 v4, v2;
	_ =	sdelay $0x1  }
0x1d6: {  	v4 =	vsub.f32 $1.500000000e+00, v4;
	_ =	sdelay $0x1  }
0x1d7: {  	v2 =	vmul.f32 v4, v2;
	_ =	sdelay $0x1  }
0x1d8: {  	(erf) = vrcp.f32 v1;
	v1 =	vmul.f32 v2, v3;
	_ =	sdelay $0x1  }
0x1d9: {  	v1 =	vmul.f32 v1, v2;
	_ =	sdelay $0x1  }
0x1da: {  	v1 =	vsub.f32 $1.500000000e+00, v1;
	_ =	sdelay $0x1  }
0x1db: {  	v1 =	vmul.f32 v1, v2;
	_ =	sdelay $0x1  }
0x1dc: {  	v2 =	vmul.f32 v1, v3  }
0x1dd: {  	v3 =	vpop (erf)  }
0x1de: {  	v3 =	vmul.f32 $8.999999760e-01, v3;
	v2 =	vmul.f32 v2, v1  }
0x1df: {  	s6 =	simm.s32 $0x1C020  }
0x1e0: {  	s8 =	simm.s32 $0x16010;
	[tilespmem:s6+$0xFFFFFFE0] =	vst v3;
	v2 =	vsub.f32 $1.500000000e+00, v2  }
0x1e1: {  	v3 =	vld [tilespmem:s8+$0xFFFFFFF0]  }
0x1e2: {  	v1 =	vmul.f32 v2, v1;
	_ =	sdelay $0x1  }
0x1e3: {  	v2 =	vmul.f32 $1.000000010e-01, v1;
	_ =	sdelay $0x1  }
0x1e4: {  	v63 =	vmul.f32 v2, v3  }
0x1e5: {  	v3 =	vmul.f32 v1, v3  }
0x1e6: {  	[tilespmem:s6+$0xFFFFFFF0] =	vst v63  }
0x1e7: {  	[tilespmem:s8+$0xFFFFFFF0] =	vst v3;
	v3 =	vld [tilespmem:s8+$0x0];
	_ =	sdelay $0x4  }
0x1e8: {  	s23 =	simm.s32 $0x40;
	s18 =	simm.s32 $0x16010;
	v2 =	vmul.f32 v2, v3;
	v1 =	vmul.f32 v1, v3  }
.LBB2_12:
0x1e9: {  	_ = 	snop  }
0x1ea: {  	p0 =	sne.s32 s23, $0x1FC0;
	s8 =	sadd.s32 $0x20, s8;
	[tilespmem:s6+$0x0] =	vst v2;
	s6 =	sadd.s32 $0x30, s6  }
0x1eb: {  	s29 =	sshra.s32 s23, $0x2;
	s23 =	sadd.s32 $0x40, s23;
	[tilespmem:s18+$0x0] =	vst v1;
	s18 =	smov.u32 s8  }
0x1ec: {  	v1 =	vld [tilespmem:s29+$0x1D800]  }
0x1ed: {  	v2 =	vld [tilespmem:s29+$0x1E000];
	_ =	sdelay $0x4  }
0x1ee: {  	v1 =	vadd.f32 v2, v1;
	_ =	sdelay $0x1  }
0x1ef: {  	v1 =	vadd.f32 $1.000000000e+00, v1;
	_ =	sdelay $0x1  }
0x1f0: {  	v2 =	vshra.s32 v1, $0x1;
	v3 =	vmul.f32 $5.000000000e-01, v1;
	(erf) = vrcp.f32 v1  }
0x1f1: {  	v1 =	vsub.s32 $0x5F3759DF, v2  }
0x1f2: {  	v2 =	vmul.f32 v1, v3;
	_ =	sdelay $0x1  }
0x1f3: {  	v2 =	vmul.f32 v1, v2;
	_ =	sdelay $0x1  }
0x1f4: {  	v4 =	vsub.f32 $1.500000000e+00, v2;
	_ =	sdelay $0x1  }
0x1f5: {  	v1 =	vmul.f32 v1, v4  }
0x1f6: {  	v2 =	vpop (erf)  }
0x1f7: {  	v4 =	vmul.f32 v1, v3;
	v2 =	vmul.f32 $8.999999760e-01, v2;
	_ =	sdelay $0x1  }
0x1f8: {  	v4 =	vmul.f32 v4, v1;
	_ =	sdelay $0x1  }
0x1f9: {  	v4 =	vsub.f32 $1.500000000e+00, v4;
	_ =	sdelay $0x1  }
0x1fa: {  	v1 =	vmul.f32 v4, v1;
	_ =	sdelay $0x1  }
0x1fb: {  	v4 =	vmul.f32 v1, v3;
	_ =	sdelay $0x1  }
0x1fc: {  	v4 =	vmul.f32 v4, v1;
	_ =	sdelay $0x1  }
0x1fd: {  	v4 =	vsub.f32 $1.500000000e+00, v4;
	_ =	sdelay $0x1  }
0x1fe: {  	v1 =	vmul.f32 v4, v1;
	_ =	sdelay $0x1  }
0x1ff: {  	v3 =	vmul.f32 v1, v3;
	_ =	sdelay $0x1  }
0x200: {  	v3 =	vmul.f32 v3, v1  }
0x201: {  	[tilespmem:s6+$0xFFFFFFE0] =	vst v2  }
0x202: {  	v2 =	vsub.f32 $1.500000000e+00, v3;
	v3 =	vld [tilespmem:s8+$0xFFFFFFF0];
	_ =	sdelay $0x1  }
0x203: {  	v1 =	vmul.f32 v2, v1;
	_ =	sdelay $0x1  }
0x204: {  	v2 =	vmul.f32 $1.000000010e-01, v1;
	_ =	sdelay $0x1  }
0x205: {  	v4 =	vmul.f32 v2, v3  }
0x206: {  	v3 =	vmul.f32 v1, v3  }
0x207: {  	[tilespmem:s6+$0xFFFFFFF0] =	vst v4  }
0x208: {  	[tilespmem:s8+$0xFFFFFFF0] =	vst v3;
	v3 =	vld [tilespmem:s8+$0x0]  }
.Ltmp5:
0x209: {  	(pc) =	sbr.rel @p0 .LBB2_12-.Ltmp5, $2  }
0x20a: {  	_ =	sdelay $0x2  }
0x20b: {  	v2 =	vmul.f32 v2, v3;
	v1 =	vmul.f32 v1, v3  }
0x20c: {  	s8 =	sld [smem:$0x7FA]  }
0x20d: {  	[tilespmem:s6+$0x0] =	vst v2  }
0x20e: {  	[tilespmem:s18+$0x0] =	vst v1  }
0x20f: {  	[spmem:s8] =	stream.linear.scatter [tilespmem:s21], [sflag:$0x11], $0x1000, $0x38;
	[tilespmem:$0x1E800] =	vst v63  }
0x210: {  	s8 =	simm.s32 $0x11  }
0x211: {  	_ =	swait.ge [sflag:s8], $0x1000  }
0x212: {  	s29 =	simm.s32 $0x0;
	[sflag:s8] =	ssyncset.done $0x0  }
0x213: {  	s23 =	simm.s32 $0x1C000;
	s18 =	rddreg [dreg:$0x12];
	[sflag:s8] =	ssyncadd.s32 $0xFFFFF000  }
0x214: {  	[hbm4b:s18+s29] =	stream.linear.scatter [tilespmem:s23], [sflag:$0x11], $0x1800, $0x38;
	[tilespmem:$0x1E800] =	vst v63  }
0x215: {  	_ =	swait.ge [sflag:s8], $0x1800  }
0x216: {  	s23 =	sld [smem:$0x7FB]  }
0x217: {  	[sflag:s8] =	ssyncset.done $0x0  }
0x218: {  	[sflag:s8] =	ssyncadd.s32 $0xFFFFE800  }
0x219: {  	[spmem:s23] =	stream.linear.scatter [tilespmem:s25], [sflag:$0x11], $0x1000, $0x38;
	[tilespmem:$0x1E800] =	vst v63  }
0x21a: {  	_ =	swait.ge [sflag:s8], $0x1000  }
0x21b: {  	[sflag:s8] =	ssyncset.done $0x0  }
0x21c: {  	[sflag:s8] =	ssyncadd.s32 $0xFFFFF000  }
0x21d: {  	[bflag:$0x0] =	sbarrier.arrive $0xFFFF  }
.LBB2_14:
0x21e: {  	s6 =	simm.s32 $0xA000;
	s8 =	simm.s32 $0x14000  }
0x21f: {  	[tilespmem:s8], [sflag:$0x1] =	stream.indirect.gather [spmem:s24], $0x20, s6, s26, $0xb8;
	[tilespmem:$0x1E800] =	vst v63  }
0x220: {  	s18 =	simm.s32 $0xA080  }
0x221: {  	[tilespmem:s1], [sflag:$0x2] =	stream.indirect.gather [spmem:s24], $0x20, s18, s26, $0xb8;
	[tilespmem:$0x1E800] =	vst v63  }
0x222: {  	s23 =	simm.s32 $0xA100  }
0x223: {  	[tilespmem:s21], [sflag:$0x3] =	stream.indirect.gather [spmem:s24], $0x20, s23, s26, $0xb8;
	[tilespmem:$0x1E800] =	vst v63  }
0x224: {  	[smem:$0x7F1] =	sst s29;
	s29 =	simm.s32 $0xA180  }
0x225: {  	[tilespmem:s25], [sflag:$0x4] =	stream.indirect.gather [spmem:s24], $0x20, s29, s26, $0xb8;
	[tilespmem:$0x1E800] =	vst v63  }
0x226: {  	s18 =	simm.s32 $0xA200  }
0x227: {  	[tilespmem:s16], [sflag:$0x5] =	stream.indirect.gather [spmem:s24], $0x20, s18, s26, $0xb8;
	[tilespmem:$0x1E800] =	vst v63  }
0x228: {  	s23 =	simm.s32 $0xA280  }
0x229: {  	[tilespmem:s19], [sflag:$0x6] =	stream.indirect.gather [spmem:s24], $0x20, s23, s26, $0xb8;
	[tilespmem:$0x1E800] =	vst v63  }
0x22a: {  	s29 =	simm.s32 $0xA300  }
0x22b: {  	[tilespmem:s20], [sflag:$0x7] =	stream.indirect.gather [spmem:s24], $0x20, s29, s26, $0xb8;
	[tilespmem:$0x1E800] =	vst v63  }
0x22c: {  	s18 =	simm.s32 $0xA380  }
0x22d: {  	[tilespmem:s30], [sflag:$0x8] =	stream.indirect.gather [spmem:s24], $0x20, s18, s26, $0xb8;
	[tilespmem:$0x1E800] =	vst v63  }
0x22e: {  	_ =	swait.ge [sflag:s31], $0x1000  }
0x22f: {  	[sflag:s31] =	ssyncset.done $0x0  }
0x230: {  	s23 =	simm.s32 $0xF000;
	[sflag:s31] =	ssyncadd.s32 $0xFFFFF000  }
0x231: {  	[spmem:s28] =	stream.indirect.scatter.add.f32 [tilespmem:s8], [sflag:$0x9], $0x20, s23, s26, $0xb8;
	[tilespmem:$0x1E800] =	vst v63  }
0x232: {  	_ =	swait.ge [sflag:s14], $0x1000  }
0x233: {  	[sflag:s14] =	ssyncset.done $0x0  }
0x234: {  	s29 =	simm.s32 $0xF080;
	[sflag:s14] =	ssyncadd.s32 $0xFFFFF000  }
0x235: {  	[spmem:s28] =	stream.indirect.scatter.add.f32 [tilespmem:s1], [sflag:$0xA], $0x20, s29, s26, $0xb8;
	[tilespmem:$0x1E800] =	vst v63  }
0x236: {  	_ =	swait.ge [sflag:s17], $0x1000  }
0x237: {  	[sflag:s17] =	ssyncset.done $0x0  }
0x238: {  	s18 =	simm.s32 $0xF100;
	[sflag:s17] =	ssyncadd.s32 $0xFFFFF000  }
0x239: {  	[spmem:s28] =	stream.indirect.scatter.add.f32 [tilespmem:s21], [sflag:$0xB], $0x20, s18, s26, $0xb8;
	[tilespmem:$0x1E800] =	vst v63  }
0x23a: {  	_ =	swait.ge [sflag:s10], $0x1000  }
0x23b: {  	[sflag:s10] =	ssyncset.done $0x0  }
0x23c: {  	s23 =	simm.s32 $0xF180;
	[sflag:s10] =	ssyncadd.s32 $0xFFFFF000  }
0x23d: {  	[spmem:s28] =	stream.indirect.scatter.add.f32 [tilespmem:s25], [sflag:$0xC], $0x20, s23, s26, $0xb8;
	[tilespmem:$0x1E800] =	vst v63  }
0x23e: {  	_ =	swait.ge [sflag:s11], $0x1000  }
0x23f: {  	[sflag:s11] =	ssyncset.done $0x0  }
0x240: {  	[sflag:s11] =	ssyncadd.s32 $0xFFFFF000  }
0x241: {  	_ =	swait.ge [sflag:s12], $0x1000  }
0x242: {  	[sflag:s12] =	ssyncset.done $0x0  }
0x243: {  	[sflag:s12] =	ssyncadd.s32 $0xFFFFF000  }
0x244: {  	_ =	swait.ge [sflag:s13], $0x1000  }
0x245: {  	[sflag:s13] =	ssyncset.done $0x0  }
0x246: {  	[sflag:s13] =	ssyncadd.s32 $0xFFFFF000  }
0x247: {  	_ =	swait.ge [sflag:s15], $0x1000  }
0x248: {  	[sflag:s15] =	ssyncset.done $0x0  }
0x249: {  	s29 =	simm.s32 $0xA400;
	[sflag:s15] =	ssyncadd.s32 $0xFFFFF000  }
0x24a: {  	[tilespmem:s8], [sflag:$0x1] =	stream.indirect.gather [spmem:s24], $0x20, s29, s26, $0xb8;
	[tilespmem:$0x1E800] =	vst v63  }
0x24b: {  	s18 =	simm.s32 $0xA480  }
0x24c: {  	[tilespmem:s1], [sflag:$0x2] =	stream.indirect.gather [spmem:s24], $0x20, s18, s26, $0xb8;
	[tilespmem:$0x1E800] =	vst v63  }
0x24d: {  	s23 =	simm.s32 $0xA500  }
0x24e: {  	[tilespmem:s21], [sflag:$0x3] =	stream.indirect.gather [spmem:s24], $0x20, s23, s26, $0xb8;
	[tilespmem:$0x1E800] =	vst v63  }
0x24f: {  	s29 =	simm.s32 $0xA580  }
0x250: {  	[tilespmem:s25], [sflag:$0x4] =	stream.indirect.gather [spmem:s24], $0x20, s29, s26, $0xb8;
	[tilespmem:$0x1E800] =	vst v63  }
0x251: {  	_ =	swait.ge [sflag:s0], $0x1000  }
0x252: {  	[sflag:s0] =	ssyncset.done $0x0  }
0x253: {  	s8 =	simm.s32 $0xF200;
	[sflag:s0] =	ssyncadd.s32 $0xFFFFF000  }
0x254: {  	[spmem:s28] =	stream.indirect.scatter.add.f32 [tilespmem:s16], [sflag:$0xD], $0x20, s8, s26, $0xb8;
	[tilespmem:$0x1E800] =	vst v63  }
0x255: {  	_ =	swait.ge [sflag:s3], $0x1000  }
0x256: {  	[sflag:s3] =	ssyncset.done $0x0  }
0x257: {  	s18 =	simm.s32 $0xF280;
	[sflag:s3] =	ssyncadd.s32 $0xFFFFF000  }
0x258: {  	[spmem:s28] =	stream.indirect.scatter.add.f32 [tilespmem:s19], [sflag:$0xE], $0x20, s18, s26, $0xb8;
	[tilespmem:$0x1E800] =	vst v63  }
0x259: {  	_ =	swait.ge [sflag:s5], $0x1000  }
0x25a: {  	[sflag:s5] =	ssyncset.done $0x0  }
0x25b: {  	s23 =	simm.s32 $0xF300;
	[sflag:s5] =	ssyncadd.s32 $0xFFFFF000  }
0x25c: {  	[spmem:s28] =	stream.indirect.scatter.add.f32 [tilespmem:s20], [sflag:$0xF], $0x20, s23, s26, $0xb8;
	[tilespmem:$0x1E800] =	vst v63  }
0x25d: {  	_ =	swait.ge [sflag:s7], $0x1000  }
0x25e: {  	[sflag:s7] =	ssyncset.done $0x0  }
0x25f: {  	s29 =	simm.s32 $0xF380;
	[sflag:s7] =	ssyncadd.s32 $0xFFFFF000  }
0x260: {  	[spmem:s28] =	stream.indirect.scatter.add.f32 [tilespmem:s30], [sflag:$0x10], $0x20, s29, s26, $0xb8;
	[tilespmem:$0x1E800] =	vst v63  }
0x261: {  	_ =	swait.ge [sflag:s9], $0x1000  }
0x262: {  	[sflag:s9] =	ssyncset.done $0x0  }
0x263: {  	[sflag:s9] =	ssyncadd.s32 $0xFFFFF000  }
0x264: {  	_ =	swait.ge [sflag:s22], $0x1000  }
0x265: {  	[sflag:s22] =	ssyncset.done $0x0  }
0x266: {  	[sflag:s22] =	ssyncadd.s32 $0xFFFFF000  }
0x267: {  	_ =	swait.ge [sflag:s2], $0x1000  }
0x268: {  	[sflag:s2] =	ssyncset.done $0x0  }
0x269: {  	[sflag:s2] =	ssyncadd.s32 $0xFFFFF000  }
0x26a: {  	_ =	swait.ge [sflag:s4], $0x1000  }
0x26b: {  	s8 =	simm.s32 $0x400;
	s18 =	simm.s32 $0x2000;
	[sflag:s4] =	ssyncset.done $0x0  }
.LBB2_15:
0x26c: {  	s29 =	sadd.s32 $0xA200, s8  }
0x26d: {  	[sflag:s4] =	ssyncadd.s32 $0xFFFFF000;
	s6 =	smov.u32 s18;
	s23 =	sadd.s32 $0x1000, s18  }
0x26e: {  	[tilespmem:s16], [sflag:$0x5] =	stream.indirect.gather [spmem:s24], $0x20, s29, s26, $0xb8;
	[tilespmem:$0x1E800] =	vst v63  }
0x26f: {  	s29 =	simm.s32 $0x14000  }
0x270: {  	p0 =	sne.s32 s18, $0x12000;
	s18 =	sadd.s32 $0xA280, s8  }
0x271: {  	[tilespmem:s19], [sflag:$0x6] =	stream.indirect.gather [spmem:s24], $0x20, s18, s26, $0xb8;
	[tilespmem:$0x1E800] =	vst v63  }
0x272: {  	s18 =	sadd.s32 $0xA300, s8  }
0x273: {  	[tilespmem:s20], [sflag:$0x7] =	stream.indirect.gather [spmem:s24], $0x20, s18, s26, $0xb8;
	[tilespmem:$0x1E800] =	vst v63  }
0x274: {  	s18 =	sadd.s32 $0xA380, s8  }
0x275: {  	[tilespmem:s30], [sflag:$0x8] =	stream.indirect.gather [spmem:s24], $0x20, s18, s26, $0xb8;
	[tilespmem:$0x1E800] =	vst v63  }
0x276: {  	_ =	swait.ge [sflag:s31], $0x1000  }
0x277: {  	[sflag:s31] =	ssyncset.done $0x0  }
0x278: {  	s18 =	sadd.s32 $0xF000, s8;
	[sflag:s31] =	ssyncadd.s32 $0xFFFFF000  }
0x279: {  	[spmem:s28] =	stream.indirect.scatter.add.f32 [tilespmem:s29], [sflag:$0x9], $0x20, s18, s26, $0xb8;
	[tilespmem:$0x1E800] =	vst v63  }
0x27a: {  	_ =	swait.ge [sflag:s14], $0x1000  }
0x27b: {  	[sflag:s14] =	ssyncset.done $0x0  }
0x27c: {  	s18 =	sadd.s32 $0xF080, s8;
	[sflag:s14] =	ssyncadd.s32 $0xFFFFF000  }
0x27d: {  	[spmem:s28] =	stream.indirect.scatter.add.f32 [tilespmem:s1], [sflag:$0xA], $0x20, s18, s26, $0xb8;
	[tilespmem:$0x1E800] =	vst v63  }
0x27e: {  	_ =	swait.ge [sflag:s17], $0x1000  }
0x27f: {  	[sflag:s17] =	ssyncset.done $0x0  }
0x280: {  	s18 =	sadd.s32 $0xF100, s8;
	[sflag:s17] =	ssyncadd.s32 $0xFFFFF000  }
0x281: {  	[spmem:s28] =	stream.indirect.scatter.add.f32 [tilespmem:s21], [sflag:$0xB], $0x20, s18, s26, $0xb8;
	[tilespmem:$0x1E800] =	vst v63  }
0x282: {  	_ =	swait.ge [sflag:s10], $0x1000  }
0x283: {  	[sflag:s10] =	ssyncset.done $0x0  }
0x284: {  	s18 =	sadd.s32 $0xF180, s8;
	[sflag:s10] =	ssyncadd.s32 $0xFFFFF000  }
0x285: {  	[spmem:s28] =	stream.indirect.scatter.add.f32 [tilespmem:s25], [sflag:$0xC], $0x20, s18, s26, $0xb8;
	[tilespmem:$0x1E800] =	vst v63  }
0x286: {  	_ =	swait.ge [sflag:s11], $0x1000  }
0x287: {  	[sflag:s11] =	ssyncset.done $0x0  }
0x288: {  	[sflag:s11] =	ssyncadd.s32 $0xFFFFF000  }
0x289: {  	_ =	swait.ge [sflag:s12], $0x1000  }
0x28a: {  	[sflag:s12] =	ssyncset.done $0x0  }
0x28b: {  	[sflag:s12] =	ssyncadd.s32 $0xFFFFF000  }
0x28c: {  	_ =	swait.ge [sflag:s13], $0x1000  }
0x28d: {  	[sflag:s13] =	ssyncset.done $0x0  }
0x28e: {  	[sflag:s13] =	ssyncadd.s32 $0xFFFFF000  }
0x28f: {  	_ =	swait.ge [sflag:s15], $0x1000  }
0x290: {  	[sflag:s15] =	ssyncset.done $0x0  }
0x291: {  	s18 =	sadd.s32 $0xA400, s8;
	[sflag:s15] =	ssyncadd.s32 $0xFFFFF000  }
0x292: {  	[tilespmem:s29], [sflag:$0x1] =	stream.indirect.gather [spmem:s24], $0x20, s18, s26, $0xb8;
	[tilespmem:$0x1E800] =	vst v63  }
0x293: {  	s18 =	sadd.s32 $0xA480, s8  }
0x294: {  	[tilespmem:s1], [sflag:$0x2] =	stream.indirect.gather [spmem:s24], $0x20, s18, s26, $0xb8;
	[tilespmem:$0x1E800] =	vst v63  }
0x295: {  	s18 =	sadd.s32 $0xA500, s8  }
0x296: {  	[tilespmem:s21], [sflag:$0x3] =	stream.indirect.gather [spmem:s24], $0x20, s18, s26, $0xb8;
	[tilespmem:$0x1E800] =	vst v63  }
0x297: {  	s18 =	sadd.s32 $0xA580, s8  }
0x298: {  	[tilespmem:s25], [sflag:$0x4] =	stream.indirect.gather [spmem:s24], $0x20, s18, s26, $0xb8;
	[tilespmem:$0x1E800] =	vst v63  }
0x299: {  	_ =	swait.ge [sflag:s0], $0x1000  }
0x29a: {  	[sflag:s0] =	ssyncset.done $0x0  }
0x29b: {  	s18 =	sadd.s32 $0xF200, s8;
	[sflag:s0] =	ssyncadd.s32 $0xFFFFF000  }
0x29c: {  	[spmem:s28] =	stream.indirect.scatter.add.f32 [tilespmem:s16], [sflag:$0xD], $0x20, s18, s26, $0xb8;
	[tilespmem:$0x1E800] =	vst v63  }
0x29d: {  	_ =	swait.ge [sflag:s3], $0x1000  }
0x29e: {  	[sflag:s3] =	ssyncset.done $0x0  }
0x29f: {  	s18 =	sadd.s32 $0xF280, s8;
	[sflag:s3] =	ssyncadd.s32 $0xFFFFF000  }
0x2a0: {  	[spmem:s28] =	stream.indirect.scatter.add.f32 [tilespmem:s19], [sflag:$0xE], $0x20, s18, s26, $0xb8;
	[tilespmem:$0x1E800] =	vst v63  }
0x2a1: {  	_ =	swait.ge [sflag:s5], $0x1000  }
0x2a2: {  	[sflag:s5] =	ssyncset.done $0x0  }
0x2a3: {  	s18 =	sadd.s32 $0xF300, s8;
	[sflag:s5] =	ssyncadd.s32 $0xFFFFF000  }
0x2a4: {  	[spmem:s28] =	stream.indirect.scatter.add.f32 [tilespmem:s20], [sflag:$0xF], $0x20, s18, s26, $0xb8;
	[tilespmem:$0x1E800] =	vst v63  }
0x2a5: {  	_ =	swait.ge [sflag:s7], $0x1000  }
0x2a6: {  	[sflag:s7] =	ssyncset.done $0x0  }
0x2a7: {  	s8 =	sadd.s32 $0xF380, s8;
	[sflag:s7] =	ssyncadd.s32 $0xFFFFF000  }
0x2a8: {  	[spmem:s28] =	stream.indirect.scatter.add.f32 [tilespmem:s30], [sflag:$0x10], $0x20, s8, s26, $0xb8;
	[tilespmem:$0x1E800] =	vst v63  }
0x2a9: {  	_ =	swait.ge [sflag:s9], $0x1000  }
0x2aa: {  	[sflag:s9] =	ssyncset.done $0x0  }
0x2ab: {  	[sflag:s9] =	ssyncadd.s32 $0xFFFFF000  }
0x2ac: {  	_ =	swait.ge [sflag:s22], $0x1000  }
0x2ad: {  	[sflag:s22] =	ssyncset.done $0x0  }
0x2ae: {  	[sflag:s22] =	ssyncadd.s32 $0xFFFFF000  }
.Ltmp6:
0x2af: {  	_ =	swait.ge [sflag:s2], $0x1000;
	(pc) =	sbr.rel @p0 .LBB2_15-.Ltmp6, $4  }
0x2b0: {  	[sflag:s2] =	ssyncset.done $0x0  }
0x2b1: {  	[sflag:s2] =	ssyncadd.s32 $0xFFFFF000  }
0x2b2: {  	_ =	swait.ge [sflag:s4], $0x1000  }
0x2b3: {  	s18 =	smov.u32 s23;
	s8 =	sshra.s32 s6, $0x2;
	[sflag:s4] =	ssyncset.done $0x0  }
0x2b4: {  	s6 =	sadd.s32 $0xA200, s8;
	[sflag:s4] =	ssyncadd.s32 $0xFFFFF000  }
0x2b5: {  	[tilespmem:s16], [sflag:$0x5] =	stream.indirect.gather [spmem:s24], $0x20, s6, s26, $0xb8;
	[tilespmem:$0x1E800] =	vst v63  }
0x2b6: {  	s18 =	sadd.s32 $0xA280, s8  }
0x2b7: {  	[tilespmem:s19], [sflag:$0x6] =	stream.indirect.gather [spmem:s24], $0x20, s18, s26, $0xb8;
	[tilespmem:$0x1E800] =	vst v63  }
0x2b8: {  	s23 =	sadd.s32 $0xA300, s8  }
0x2b9: {  	[tilespmem:s20], [sflag:$0x7] =	stream.indirect.gather [spmem:s24], $0x20, s23, s26, $0xb8;
	[tilespmem:$0x1E800] =	vst v63  }
0x2ba: {  	s18 =	sadd.s32 $0xA380, s8  }
0x2bb: {  	[tilespmem:s30], [sflag:$0x8] =	stream.indirect.gather [spmem:s24], $0x20, s18, s26, $0xb8;
	[tilespmem:$0x1E800] =	vst v63  }
0x2bc: {  	_ =	swait.ge [sflag:s31], $0x1000  }
0x2bd: {  	[sflag:s31] =	ssyncset.done $0x0  }
0x2be: {  	s23 =	sadd.s32 $0xF000, s8;
	[sflag:s31] =	ssyncadd.s32 $0xFFFFF000  }
0x2bf: {  	[spmem:s28] =	stream.indirect.scatter.add.f32 [tilespmem:s29], [sflag:$0x9], $0x20, s23, s26, $0xb8;
	[tilespmem:$0x1E800] =	vst v63  }
0x2c0: {  	_ =	swait.ge [sflag:s14], $0x1000  }
0x2c1: {  	[sflag:s14] =	ssyncset.done $0x0  }
0x2c2: {  	s18 =	sadd.s32 $0xF080, s8;
	[sflag:s14] =	ssyncadd.s32 $0xFFFFF000  }
0x2c3: {  	[spmem:s28] =	stream.indirect.scatter.add.f32 [tilespmem:s1], [sflag:$0xA], $0x20, s18, s26, $0xb8;
	[tilespmem:$0x1E800] =	vst v63  }
0x2c4: {  	_ =	swait.ge [sflag:s17], $0x1000  }
0x2c5: {  	[sflag:s17] =	ssyncset.done $0x0  }
0x2c6: {  	s23 =	sadd.s32 $0xF100, s8;
	[sflag:s17] =	ssyncadd.s32 $0xFFFFF000  }
0x2c7: {  	[spmem:s28] =	stream.indirect.scatter.add.f32 [tilespmem:s21], [sflag:$0xB], $0x20, s23, s26, $0xb8;
	[tilespmem:$0x1E800] =	vst v63  }
0x2c8: {  	_ =	swait.ge [sflag:s10], $0x1000  }
0x2c9: {  	[sflag:s10] =	ssyncset.done $0x0  }
0x2ca: {  	s18 =	sadd.s32 $0xF180, s8;
	[sflag:s10] =	ssyncadd.s32 $0xFFFFF000  }
0x2cb: {  	[spmem:s28] =	stream.indirect.scatter.add.f32 [tilespmem:s25], [sflag:$0xC], $0x20, s18, s26, $0xb8;
	[tilespmem:$0x1E800] =	vst v63  }
0x2cc: {  	_ =	swait.ge [sflag:s11], $0x1000  }
0x2cd: {  	[sflag:s11] =	ssyncset.done $0x0  }
0x2ce: {  	[sflag:s11] =	ssyncadd.s32 $0xFFFFF000  }
0x2cf: {  	_ =	swait.ge [sflag:s12], $0x1000  }
0x2d0: {  	[sflag:s12] =	ssyncset.done $0x0  }
0x2d1: {  	[sflag:s12] =	ssyncadd.s32 $0xFFFFF000  }
0x2d2: {  	_ =	swait.ge [sflag:s13], $0x1000  }
0x2d3: {  	[sflag:s13] =	ssyncset.done $0x0  }
0x2d4: {  	[sflag:s13] =	ssyncadd.s32 $0xFFFFF000  }
0x2d5: {  	_ =	swait.ge [sflag:s15], $0x1000  }
0x2d6: {  	[sflag:s15] =	ssyncset.done $0x0  }
0x2d7: {  	s23 =	sadd.s32 $0xA400, s8;
	[sflag:s15] =	ssyncadd.s32 $0xFFFFF000  }
0x2d8: {  	[tilespmem:s29], [sflag:$0x1] =	stream.indirect.gather [spmem:s24], $0x20, s23, s26, $0xb8;
	[tilespmem:$0x1E800] =	vst v63  }
0x2d9: {  	s18 =	sadd.s32 $0xA480, s8  }
0x2da: {  	[tilespmem:s1], [sflag:$0x2] =	stream.indirect.gather [spmem:s24], $0x20, s18, s26, $0xb8;
	[tilespmem:$0x1E800] =	vst v63  }
0x2db: {  	s23 =	sadd.s32 $0xA500, s8  }
0x2dc: {  	[tilespmem:s21], [sflag:$0x3] =	stream.indirect.gather [spmem:s24], $0x20, s23, s26, $0xb8;
	[tilespmem:$0x1E800] =	vst v63  }
0x2dd: {  	s18 =	sadd.s32 $0xA580, s8  }
0x2de: {  	[tilespmem:s25], [sflag:$0x4] =	stream.indirect.gather [spmem:s24], $0x20, s18, s26, $0xb8;
	[tilespmem:$0x1E800] =	vst v63  }
0x2df: {  	_ =	swait.ge [sflag:s0], $0x1000  }
0x2e0: {  	[sflag:s0] =	ssyncset.done $0x0  }
0x2e1: {  	s23 =	sadd.s32 $0xF200, s8;
	[sflag:s0] =	ssyncadd.s32 $0xFFFFF000  }
0x2e2: {  	[spmem:s28] =	stream.indirect.scatter.add.f32 [tilespmem:s16], [sflag:$0xD], $0x20, s23, s26, $0xb8;
	[tilespmem:$0x1E800] =	vst v63  }
0x2e3: {  	_ =	swait.ge [sflag:s3], $0x1000  }
0x2e4: {  	[sflag:s3] =	ssyncset.done $0x0  }
0x2e5: {  	s18 =	sadd.s32 $0xF280, s8;
	[sflag:s3] =	ssyncadd.s32 $0xFFFFF000  }
0x2e6: {  	[spmem:s28] =	stream.indirect.scatter.add.f32 [tilespmem:s19], [sflag:$0xE], $0x20, s18, s26, $0xb8;
	[tilespmem:$0x1E800] =	vst v63  }
0x2e7: {  	_ =	swait.ge [sflag:s5], $0x1000  }
0x2e8: {  	[sflag:s5] =	ssyncset.done $0x0  }
0x2e9: {  	s23 =	sadd.s32 $0xF300, s8;
	[sflag:s5] =	ssyncadd.s32 $0xFFFFF000  }
0x2ea: {  	[spmem:s28] =	stream.indirect.scatter.add.f32 [tilespmem:s20], [sflag:$0xF], $0x20, s23, s26, $0xb8;
	[tilespmem:$0x1E800] =	vst v63  }
0x2eb: {  	_ =	swait.ge [sflag:s7], $0x1000  }
0x2ec: {  	[sflag:s7] =	ssyncset.done $0x0  }
0x2ed: {  	s18 =	sadd.s32 $0xF380, s8;
	[sflag:s7] =	ssyncadd.s32 $0xFFFFF000  }
0x2ee: {  	[spmem:s28] =	stream.indirect.scatter.add.f32 [tilespmem:s30], [sflag:$0x10], $0x20, s18, s26, $0xb8;
	[tilespmem:$0x1E800] =	vst v63  }
0x2ef: {  	_ =	swait.ge [sflag:s9], $0x1000  }
0x2f0: {  	[sflag:s9] =	ssyncset.done $0x0  }
0x2f1: {  	[sflag:s9] =	ssyncadd.s32 $0xFFFFF000  }
0x2f2: {  	_ =	swait.ge [sflag:s22], $0x1000  }
0x2f3: {  	[sflag:s22] =	ssyncset.done $0x0  }
0x2f4: {  	[sflag:s22] =	ssyncadd.s32 $0xFFFFF000  }
0x2f5: {  	_ =	swait.ge [sflag:s2], $0x1000  }
0x2f6: {  	[sflag:s2] =	ssyncset.done $0x0  }
0x2f7: {  	[sflag:s2] =	ssyncadd.s32 $0xFFFFF000  }
0x2f8: {  	_ =	swait.ge [sflag:s4], $0x1000  }
0x2f9: {  	[sflag:s4] =	ssyncset.done $0x0  }
0x2fa: {  	s23 =	simm.s32 $0xEE00;
	[sflag:s4] =	ssyncadd.s32 $0xFFFFF000  }
0x2fb: {  	[tilespmem:s16], [sflag:$0x5] =	stream.indirect.gather [spmem:s24], $0x20, s23, s26, $0xb8;
	[tilespmem:$0x1E800] =	vst v63  }
0x2fc: {  	s8 =	simm.s32 $0xEE80  }
0x2fd: {  	[tilespmem:s19], [sflag:$0x6] =	stream.indirect.gather [spmem:s24], $0x20, s8, s26, $0xb8;
	[tilespmem:$0x1E800] =	vst v63  }
0x2fe: {  	s18 =	simm.s32 $0xEF00  }
0x2ff: {  	[tilespmem:s20], [sflag:$0x7] =	stream.indirect.gather [spmem:s24], $0x20, s18, s26, $0xb8;
	[tilespmem:$0x1E800] =	vst v63  }
0x300: {  	s23 =	simm.s32 $0xEF80  }
0x301: {  	[tilespmem:s30], [sflag:$0x8] =	stream.indirect.gather [spmem:s24], $0x20, s23, s26, $0xb8;
	[tilespmem:$0x1E800] =	vst v63  }
0x302: {  	_ =	swait.ge [sflag:s31], $0x1000  }
0x303: {  	[sflag:s31] =	ssyncset.done $0x0  }
0x304: {  	s8 =	simm.s32 $0x13C00;
	[sflag:s31] =	ssyncadd.s32 $0xFFFFF000  }
0x305: {  	[spmem:s28] =	stream.indirect.scatter.add.f32 [tilespmem:s29], [sflag:$0x9], $0x20, s8, s26, $0xb8;
	[tilespmem:$0x1E800] =	vst v63  }
0x306: {  	_ =	swait.ge [sflag:s14], $0x1000  }
0x307: {  	[sflag:s14] =	ssyncset.done $0x0  }
0x308: {  	s18 =	simm.s32 $0x13C80;
	[sflag:s14] =	ssyncadd.s32 $0xFFFFF000  }
0x309: {  	[spmem:s28] =	stream.indirect.scatter.add.f32 [tilespmem:s1], [sflag:$0xA], $0x20, s18, s26, $0xb8;
	[tilespmem:$0x1E800] =	vst v63  }
0x30a: {  	_ =	swait.ge [sflag:s17], $0x1000  }
0x30b: {  	[sflag:s17] =	ssyncset.done $0x0  }
0x30c: {  	s23 =	simm.s32 $0x13D00;
	[sflag:s17] =	ssyncadd.s32 $0xFFFFF000  }
0x30d: {  	[spmem:s28] =	stream.indirect.scatter.add.f32 [tilespmem:s21], [sflag:$0xB], $0x20, s23, s26, $0xb8;
	[tilespmem:$0x1E800] =	vst v63  }
0x30e: {  	_ =	swait.ge [sflag:s10], $0x1000  }
0x30f: {  	[sflag:s10] =	ssyncset.done $0x0  }
0x310: {  	s29 =	simm.s32 $0x13D80;
	[sflag:s10] =	ssyncadd.s32 $0xFFFFF000  }
0x311: {  	[spmem:s28] =	stream.indirect.scatter.add.f32 [tilespmem:s25], [sflag:$0xC], $0x20, s29, s26, $0xb8;
	[tilespmem:$0x1E800] =	vst v63  }
0x312: {  	_ =	swait.ge [sflag:s11], $0x1000  }
0x313: {  	[sflag:s11] =	ssyncset.done $0x0  }
0x314: {  	[sflag:s11] =	ssyncadd.s32 $0xFFFFF000  }
0x315: {  	_ =	swait.ge [sflag:s12], $0x1000  }
0x316: {  	[sflag:s12] =	ssyncset.done $0x0  }
0x317: {  	[sflag:s12] =	ssyncadd.s32 $0xFFFFF000  }
0x318: {  	_ =	swait.ge [sflag:s13], $0x1000  }
0x319: {  	[sflag:s13] =	ssyncset.done $0x0  }
0x31a: {  	[sflag:s13] =	ssyncadd.s32 $0xFFFFF000  }
0x31b: {  	_ =	swait.ge [sflag:s15], $0x1000  }
0x31c: {  	[sflag:s15] =	ssyncset.done $0x0  }
0x31d: {  	[sflag:s15] =	ssyncadd.s32 $0xFFFFF000  }
0x31e: {  	_ =	swait.ge [sflag:s0], $0x1000  }
0x31f: {  	[sflag:s0] =	ssyncset.done $0x0  }
0x320: {  	s8 =	simm.s32 $0x13E00;
	[sflag:s0] =	ssyncadd.s32 $0xFFFFF000  }
0x321: {  	[spmem:s28] =	stream.indirect.scatter.add.f32 [tilespmem:s16], [sflag:$0xD], $0x20, s8, s26, $0xb8;
	[tilespmem:$0x1E800] =	vst v63  }
0x322: {  	_ =	swait.ge [sflag:s3], $0x1000  }
0x323: {  	[sflag:s3] =	ssyncset.done $0x0  }
0x324: {  	s18 =	simm.s32 $0x13E80;
	[sflag:s3] =	ssyncadd.s32 $0xFFFFF000  }
0x325: {  	[spmem:s28] =	stream.indirect.scatter.add.f32 [tilespmem:s19], [sflag:$0xE], $0x20, s18, s26, $0xb8;
	[tilespmem:$0x1E800] =	vst v63  }
0x326: {  	_ =	swait.ge [sflag:s5], $0x1000  }
0x327: {  	[sflag:s5] =	ssyncset.done $0x0  }
0x328: {  	s23 =	simm.s32 $0x13F00;
	[sflag:s5] =	ssyncadd.s32 $0xFFFFF000  }
0x329: {  	[spmem:s28] =	stream.indirect.scatter.add.f32 [tilespmem:s20], [sflag:$0xF], $0x20, s23, s26, $0xb8;
	[tilespmem:$0x1E800] =	vst v63  }
0x32a: {  	_ =	swait.ge [sflag:s7], $0x1000  }
0x32b: {  	[sflag:s7] =	ssyncset.done $0x0  }
0x32c: {  	s29 =	simm.s32 $0x13F80;
	[sflag:s7] =	ssyncadd.s32 $0xFFFFF000  }
0x32d: {  	[spmem:s28] =	stream.indirect.scatter.add.f32 [tilespmem:s30], [sflag:$0x10], $0x20, s29, s26, $0xb8;
	[tilespmem:$0x1E800] =	vst v63  }
0x32e: {  	_ =	swait.ge [sflag:s9], $0x1000  }
0x32f: {  	[sflag:s9] =	ssyncset.done $0x0  }
0x330: {  	[sflag:s9] =	ssyncadd.s32 $0xFFFFF000  }
0x331: {  	_ =	swait.ge [sflag:s22], $0x1000  }
0x332: {  	[sflag:s22] =	ssyncset.done $0x0  }
0x333: {  	[sflag:s22] =	ssyncadd.s32 $0xFFFFF000  }
0x334: {  	_ =	swait.ge [sflag:s2], $0x1000  }
0x335: {  	[sflag:s2] =	ssyncset.done $0x0  }
0x336: {  	[sflag:s2] =	ssyncadd.s32 $0xFFFFF000  }
0x337: {  	_ =	swait.ge [sflag:s4], $0x1000  }
0x338: {  	[sflag:s4] =	ssyncset.done $0x0  }
0x339: {  	[sflag:s4] =	ssyncadd.s32 $0xFFFFF000  }
0x33a: {  	s6 =	simm.s32 $0x80;
	s8 =	simm.s32 $0x0;
	[bflag:$0x0] =	sbarrier.arrive $0xFFFF  }
.LBB2_17:
0x33b: {  	p0 =	sne.s32 s6, $0x3F80;
	[tilespmem:s8+$0x17000] =	vst v0;
	s18 =	smov.u32 s6;
	s6 =	sadd.s32 $0x80, s6  }
.Ltmp7:
0x33c: {  	[tilespmem:s8+$0x17010] =	vst v0;
	(pc) =	sbr.rel @p0 .LBB2_17-.Ltmp7, $2  }
0x33d: {  	_ =	sdelay $0x2  }
0x33e: {  	s8 =	sshra.s32 s18, $0x2  }
0x33f: {  	s6 =	sld [smem:$0x7F3]  }
0x340: {  	[tilespmem:s8+$0x17000] =	vst v0  }
0x341: {  	[tilespmem:s8+$0x17010] =	vst v0;
	s18 =	simm.s32 $0x11  }
0x342: {  	[tilespmem:s1], [sflag:$0x11] =	stream.linear.gather [spmem:s6], $0x1000, $0x38;
	[tilespmem:$0x1E800] =	vst v63  }
0x343: {  	_ =	swait.ge [sflag:s18], $0x1000  }
0x344: {  	[sflag:s18] =	ssyncset.done $0x0  }
0x345: {  	s29 =	rddreg [dreg:$0x1f];
	[sflag:s18] =	ssyncadd.s32 $0xFFFFF000  }
0x346: {  	[tilespmem:s21], [sflag:$0x11] =	stream.linear.gather [spmem:s29], $0x1000, $0x38;
	[tilespmem:$0x1E800] =	vst v63  }
0x347: {  	_ =	swait.ge [sflag:s18], $0x1000  }
0x348: {  	s8 =	simm.s32 $0x0;
	[sflag:s18] =	ssyncset.done $0x0  }
0x349: {  	s23 =	simm.s32 $0x1C000;
	s29 =	rddreg [dreg:$0xe];
	[sflag:s18] =	ssyncadd.s32 $0xFFFFF000  }
0x34a: {  	[tilespmem:s23], [sflag:$0x11] =	stream.linear.gather [hbm4b:s29+s8], $0x1800, $0x38;
	[tilespmem:$0x1E800] =	vst v63  }
0x34b: {  	_ =	swait.ge [sflag:s18], $0x1800  }
0x34c: {  	[sflag:s18] =	ssyncset.done $0x0  }
0x34d: {  	s8 =	simm.s32 $0x16010;
	[sflag:s18] =	ssyncadd.s32 $0xFFFFE800  }
0x34e: {  	v1 =	vld [tilespmem:s8+$0xFFFFFFF0]  }
0x34f: {  	v2 =	vld [tilespmem:s8+$0xFFFFEFF0]  }
0x350: {  	s29 =	simm.s32 $0x0  }
0x351: {  	v3 =	vld [tilespmem:s29+$0x1C000];
	_ =	sdelay $0x1  }
0x352: {  	v4 =	vld [tilespmem:s29+$0x1C010]  }
0x353: {  	v1 =	vadd.f32 v1, v2;
	_ =	sdelay $0x1  }
0x354: {  	v5 =	vld [tilespmem:s8+$0x0];
	v1 =	vmul.f32 v1, v3  }
0x355: {  	v2 =	vld [tilespmem:s8+$0xFFFFF000]  }
0x356: {  	v1 =	vadd.f32 v1, v4;
	_ =	sdelay $0x1  }
0x357: {  	[tilespmem:s8+$0xFFFFFFF0] =	vst v1  }
0x358: {  	v4 =	vld [tilespmem:s29+$0x1C020]  }
0x359: {  	v1 =	vadd.f32 v5, v2;
	_ =	sdelay $0x1  }
0x35a: {  	v2 =	vmul.f32 v1, v3  }
0x35b: {  	s6 =	simm.s32 $0x16030  }
0x35c: {  	v1 =	vld [tilespmem:s6+$0xFFFFFFF0];
	v3 =	vadd.f32 v2, v4  }
0x35d: {  	s23 =	simm.s32 $0x180;
	s18 =	simm.s32 $0x30;
	v2 =	vld [tilespmem:s6+$0xFFFFEFF0]  }
.LBB2_19:
0x35e: {  	s29 =	sshra.s32 s23, $0x2;
	p0 =	sne.s32 s23, $0x5F40;
	s23 =	sadd.s32 $0xC0, s23;
	v4 =	vld [tilespmem:s6+$0xFFFFF000];
	[tilespmem:s8+$0x0] =	vst v3  }
0x35f: {  	s8 =	smov.u32 s6;
	v3 =	vld [tilespmem:s18+$0x1C000]  }
0x360: {  	v5 =	vld [tilespmem:s6+$0x0]  }
0x361: {  	v6 =	vld [tilespmem:s18+$0x1C010]  }
0x362: {  	v1 =	vadd.f32 v1, v2;
	_ =	sdelay $0x1  }
0x363: {  	v1 =	vmul.f32 v1, v3  }
0x364: {  	v2 =	vadd.f32 v5, v4  }
0x365: {  	v1 =	vadd.f32 v1, v6  }
0x366: {  	v2 =	vmul.f32 v2, v3  }
0x367: {  	[tilespmem:s6+$0xFFFFFFF0] =	vst v1  }
0x368: {  	v3 =	vld [tilespmem:s18+$0x1C020];
	s18 =	smov.u32 s29;
	_ =	sdelay $0x1  }
.Ltmp8:
0x369: {  	(pc) =	sbr.rel @p0 .LBB2_19-.Ltmp8, $4  }
0x36a: {  	_ = 	snop  }
0x36b: {  	s6 =	sadd.s32 $0x20, s6  }
0x36c: {  	v1 =	vld [tilespmem:s6+$0xFFFFFFF0];
	v3 =	vadd.f32 v2, v3  }
0x36d: {  	v2 =	vld [tilespmem:s6+$0xFFFFEFF0]  }
0x36e: {  	[tilespmem:s8+$0x0] =	vst v3  }
0x36f: {  	v3 =	vld [tilespmem:s18+$0x1C000];
	_ =	sdelay $0x1  }
0x370: {  	v4 =	vld [tilespmem:s18+$0x1C010]  }
0x371: {  	v1 =	vadd.f32 v1, v2;
	_ =	sdelay $0x1  }
0x372: {  	v5 =	vld [tilespmem:s6+$0x0];
	v1 =	vmul.f32 v1, v3  }
0x373: {  	v2 =	vld [tilespmem:s6+$0xFFFFF000]  }
0x374: {  	v1 =	vadd.f32 v1, v4;
	_ =	sdelay $0x1  }
0x375: {  	[tilespmem:s6+$0xFFFFFFF0] =	vst v1  }
0x376: {  	v1 =	vld [tilespmem:s18+$0x1C020]  }
0x377: {  	v2 =	vadd.f32 v5, v2;
	_ =	sdelay $0x1  }
0x378: {  	v2 =	vmul.f32 v2, v3;
	_ =	sdelay $0x1  }
0x379: {  	v1 =	vadd.f32 v2, v1;
	_ =	sdelay $0x1  }
0x37a: {  	s29 =	rddreg [dreg:$0x1f];
	s18 =	simm.s32 $0x11;
	[tilespmem:s6+$0x0] =	vst v1  }
0x37b: {  	[spmem:s29] =	stream.linear.scatter [tilespmem:s21], [sflag:$0x11], $0x1000, $0x38;
	[tilespmem:$0x1E800] =	vst v63  }
0x37c: {  	_ =	swait.ge [sflag:s18], $0x1000  }
0x37d: {  	s8 =	sld [smem:$0x7F3]  }
0x37e: {  	[sflag:s18] =	ssyncset.done $0x0  }
0x37f: {  	[sflag:s18] =	ssyncadd.s32 $0xFFFFF000  }
0x380: {  	[spmem:s8] =	stream.linear.scatter [tilespmem:s25], [sflag:$0x11], $0x1000, $0x38;
	[tilespmem:$0x1E800] =	vst v63  }
0x381: {  	_ =	swait.ge [sflag:s18], $0x1000  }
0x382: {  	s23 =	sld [smem:$0x7F5]  }
0x383: {  	[sflag:s18] =	ssyncset.done $0x0  }
0x384: {  	[sflag:s18] =	ssyncadd.s32 $0xFFFFF000  }
0x385: {  	[tilespmem:s1], [sflag:$0x11] =	stream.linear.gather [spmem:s23], $0x1000, $0x38;
	[tilespmem:$0x1E800] =	vst v63  }
0x386: {  	_ =	swait.ge [sflag:s18], $0x1000  }
0x387: {  	s29 =	sld [smem:$0x7F4]  }
0x388: {  	[sflag:s18] =	ssyncset.done $0x0  }
0x389: {  	[sflag:s18] =	ssyncadd.s32 $0xFFFFF000  }
0x38a: {  	[tilespmem:s21], [sflag:$0x11] =	stream.linear.gather [spmem:s29], $0x1000, $0x38;
	[tilespmem:$0x1E800] =	vst v63  }
0x38b: {  	_ =	swait.ge [sflag:s18], $0x1000  }
0x38c: {  	s8 =	simm.s32 $0x0;
	[sflag:s18] =	ssyncset.done $0x0  }
0x38d: {  	s23 =	simm.s32 $0x1C000;
	s29 =	rddreg [dreg:$0xf];
	[sflag:s18] =	ssyncadd.s32 $0xFFFFF000  }
0x38e: {  	[tilespmem:s23], [sflag:$0x11] =	stream.linear.gather [hbm4b:s29+s8], $0x1800, $0x38;
	[tilespmem:$0x1E800] =	vst v63  }
0x38f: {  	_ =	swait.ge [sflag:s18], $0x1800  }
0x390: {  	[sflag:s18] =	ssyncset.done $0x0  }
0x391: {  	s8 =	simm.s32 $0x16010;
	[sflag:s18] =	ssyncadd.s32 $0xFFFFE800  }
0x392: {  	v1 =	vld [tilespmem:s8+$0xFFFFFFF0]  }
0x393: {  	v2 =	vld [tilespmem:s8+$0xFFFFEFF0]  }
0x394: {  	s29 =	simm.s32 $0x0  }
0x395: {  	v3 =	vld [tilespmem:s29+$0x1C000];
	_ =	sdelay $0x1  }
0x396: {  	v4 =	vld [tilespmem:s29+$0x1C010]  }
0x397: {  	v1 =	vadd.f32 v1, v2;
	_ =	sdelay $0x1  }
0x398: {  	v5 =	vld [tilespmem:s8+$0x0];
	v1 =	vmul.f32 v1, v3  }
0x399: {  	v2 =	vld [tilespmem:s8+$0xFFFFF000]  }
0x39a: {  	v1 =	vadd.f32 v1, v4;
	_ =	sdelay $0x1  }
0x39b: {  	[tilespmem:s8+$0xFFFFFFF0] =	vst v1  }
0x39c: {  	v4 =	vld [tilespmem:s29+$0x1C020]  }
0x39d: {  	v1 =	vadd.f32 v5, v2;
	_ =	sdelay $0x1  }
0x39e: {  	v2 =	vmul.f32 v1, v3  }
0x39f: {  	s6 =	simm.s32 $0x16030  }
0x3a0: {  	v1 =	vld [tilespmem:s6+$0xFFFFFFF0];
	v3 =	vadd.f32 v2, v4  }
0x3a1: {  	s23 =	simm.s32 $0x180;
	s18 =	simm.s32 $0x30;
	v2 =	vld [tilespmem:s6+$0xFFFFEFF0]  }
.LBB2_21:
0x3a2: {  	s29 =	sshra.s32 s23, $0x2;
	p0 =	sne.s32 s23, $0x5F40;
	s23 =	sadd.s32 $0xC0, s23;
	v4 =	vld [tilespmem:s6+$0xFFFFF000];
	[tilespmem:s8+$0x0] =	vst v3  }
0x3a3: {  	s8 =	smov.u32 s6;
	v3 =	vld [tilespmem:s18+$0x1C000]  }
0x3a4: {  	v5 =	vld [tilespmem:s6+$0x0]  }
0x3a5: {  	v6 =	vld [tilespmem:s18+$0x1C010]  }
0x3a6: {  	v1 =	vadd.f32 v1, v2;
	_ =	sdelay $0x1  }
0x3a7: {  	v1 =	vmul.f32 v1, v3  }
0x3a8: {  	v2 =	vadd.f32 v5, v4  }
0x3a9: {  	v1 =	vadd.f32 v1, v6  }
0x3aa: {  	v2 =	vmul.f32 v2, v3  }
0x3ab: {  	[tilespmem:s6+$0xFFFFFFF0] =	vst v1  }
0x3ac: {  	v3 =	vld [tilespmem:s18+$0x1C020];
	s18 =	smov.u32 s29;
	_ =	sdelay $0x1  }
.Ltmp9:
0x3ad: {  	(pc) =	sbr.rel @p0 .LBB2_21-.Ltmp9, $4  }
0x3ae: {  	_ = 	snop  }
0x3af: {  	s6 =	sadd.s32 $0x20, s6  }
0x3b0: {  	v1 =	vld [tilespmem:s6+$0xFFFFFFF0];
	v3 =	vadd.f32 v2, v3  }
0x3b1: {  	v2 =	vld [tilespmem:s6+$0xFFFFEFF0]  }
0x3b2: {  	[tilespmem:s8+$0x0] =	vst v3  }
0x3b3: {  	v3 =	vld [tilespmem:s18+$0x1C000];
	_ =	sdelay $0x1  }
0x3b4: {  	v4 =	vld [tilespmem:s18+$0x1C010]  }
0x3b5: {  	v1 =	vadd.f32 v1, v2;
	_ =	sdelay $0x1  }
0x3b6: {  	v5 =	vld [tilespmem:s6+$0x0];
	v1 =	vmul.f32 v1, v3  }
0x3b7: {  	v2 =	vld [tilespmem:s6+$0xFFFFF000]  }
0x3b8: {  	v1 =	vadd.f32 v1, v4;
	_ =	sdelay $0x1  }
0x3b9: {  	[tilespmem:s6+$0xFFFFFFF0] =	vst v1  }
0x3ba: {  	v1 =	vld [tilespmem:s18+$0x1C020]  }
0x3bb: {  	v2 =	vadd.f32 v5, v2;
	_ =	sdelay $0x1  }
0x3bc: {  	v2 =	vmul.f32 v2, v3;
	_ =	sdelay $0x1  }
0x3bd: {  	s29 =	sld [smem:$0x7F4];
	v1 =	vadd.f32 v2, v1;
	_ =	sdelay $0x1  }
0x3be: {  	s18 =	simm.s32 $0x11;
	[tilespmem:s6+$0x0] =	vst v1  }
0x3bf: {  	[spmem:s29] =	stream.linear.scatter [tilespmem:s21], [sflag:$0x11], $0x1000, $0x38;
	[tilespmem:$0x1E800] =	vst v63  }
0x3c0: {  	_ =	swait.ge [sflag:s18], $0x1000  }
0x3c1: {  	s8 =	sld [smem:$0x7F5]  }
0x3c2: {  	[sflag:s18] =	ssyncset.done $0x0  }
0x3c3: {  	[sflag:s18] =	ssyncadd.s32 $0xFFFFF000  }
0x3c4: {  	[spmem:s8] =	stream.linear.scatter [tilespmem:s25], [sflag:$0x11], $0x1000, $0x38;
	[tilespmem:$0x1E800] =	vst v63  }
0x3c5: {  	_ =	swait.ge [sflag:s18], $0x1000  }
0x3c6: {  	s23 =	sld [smem:$0x7F7]  }
0x3c7: {  	[sflag:s18] =	ssyncset.done $0x0  }
0x3c8: {  	[sflag:s18] =	ssyncadd.s32 $0xFFFFF000  }
0x3c9: {  	[tilespmem:s1], [sflag:$0x11] =	stream.linear.gather [spmem:s23], $0x1000, $0x38;
	[tilespmem:$0x1E800] =	vst v63  }
0x3ca: {  	_ =	swait.ge [sflag:s18], $0x1000  }
0x3cb: {  	s29 =	sld [smem:$0x7F6]  }
0x3cc: {  	[sflag:s18] =	ssyncset.done $0x0  }
0x3cd: {  	[sflag:s18] =	ssyncadd.s32 $0xFFFFF000  }
0x3ce: {  	[tilespmem:s21], [sflag:$0x11] =	stream.linear.gather [spmem:s29], $0x1000, $0x38;
	[tilespmem:$0x1E800] =	vst v63  }
0x3cf: {  	_ =	swait.ge [sflag:s18], $0x1000  }
0x3d0: {  	s8 =	simm.s32 $0x0;
	[sflag:s18] =	ssyncset.done $0x0  }
0x3d1: {  	s23 =	simm.s32 $0x1C000;
	s29 =	rddreg [dreg:$0x10];
	[sflag:s18] =	ssyncadd.s32 $0xFFFFF000  }
0x3d2: {  	[tilespmem:s23], [sflag:$0x11] =	stream.linear.gather [hbm4b:s29+s8], $0x1800, $0x38;
	[tilespmem:$0x1E800] =	vst v63  }
0x3d3: {  	_ =	swait.ge [sflag:s18], $0x1800  }
0x3d4: {  	[sflag:s18] =	ssyncset.done $0x0  }
0x3d5: {  	s8 =	simm.s32 $0x16010;
	[sflag:s18] =	ssyncadd.s32 $0xFFFFE800  }
0x3d6: {  	v1 =	vld [tilespmem:s8+$0xFFFFFFF0]  }
0x3d7: {  	v2 =	vld [tilespmem:s8+$0xFFFFEFF0]  }
0x3d8: {  	s29 =	simm.s32 $0x0  }
0x3d9: {  	v3 =	vld [tilespmem:s29+$0x1C000];
	_ =	sdelay $0x1  }
0x3da: {  	v4 =	vld [tilespmem:s29+$0x1C010]  }
0x3db: {  	v1 =	vadd.f32 v1, v2;
	_ =	sdelay $0x1  }
0x3dc: {  	v5 =	vld [tilespmem:s8+$0x0];
	v1 =	vmul.f32 v1, v3  }
0x3dd: {  	v2 =	vld [tilespmem:s8+$0xFFFFF000]  }
0x3de: {  	v1 =	vadd.f32 v1, v4;
	_ =	sdelay $0x1  }
0x3df: {  	[tilespmem:s8+$0xFFFFFFF0] =	vst v1  }
0x3e0: {  	v4 =	vld [tilespmem:s29+$0x1C020]  }
0x3e1: {  	v1 =	vadd.f32 v5, v2;
	_ =	sdelay $0x1  }
0x3e2: {  	v2 =	vmul.f32 v1, v3  }
0x3e3: {  	s6 =	simm.s32 $0x16030  }
0x3e4: {  	v1 =	vld [tilespmem:s6+$0xFFFFFFF0];
	v3 =	vadd.f32 v2, v4  }
0x3e5: {  	s23 =	simm.s32 $0x180;
	s18 =	simm.s32 $0x30;
	v2 =	vld [tilespmem:s6+$0xFFFFEFF0]  }
.LBB2_23:
0x3e6: {  	s29 =	sshra.s32 s23, $0x2;
	p0 =	sne.s32 s23, $0x5F40;
	s23 =	sadd.s32 $0xC0, s23;
	v4 =	vld [tilespmem:s6+$0xFFFFF000];
	[tilespmem:s8+$0x0] =	vst v3  }
0x3e7: {  	s8 =	smov.u32 s6;
	v3 =	vld [tilespmem:s18+$0x1C000]  }
0x3e8: {  	v5 =	vld [tilespmem:s6+$0x0]  }
0x3e9: {  	v6 =	vld [tilespmem:s18+$0x1C010]  }
0x3ea: {  	v1 =	vadd.f32 v1, v2;
	_ =	sdelay $0x1  }
0x3eb: {  	v1 =	vmul.f32 v1, v3  }
0x3ec: {  	v2 =	vadd.f32 v5, v4  }
0x3ed: {  	v1 =	vadd.f32 v1, v6  }
0x3ee: {  	v2 =	vmul.f32 v2, v3  }
0x3ef: {  	[tilespmem:s6+$0xFFFFFFF0] =	vst v1  }
0x3f0: {  	v3 =	vld [tilespmem:s18+$0x1C020];
	s18 =	smov.u32 s29;
	_ =	sdelay $0x1  }
.Ltmp10:
0x3f1: {  	(pc) =	sbr.rel @p0 .LBB2_23-.Ltmp10, $4  }
0x3f2: {  	_ = 	snop  }
0x3f3: {  	s6 =	sadd.s32 $0x20, s6  }
0x3f4: {  	v1 =	vld [tilespmem:s6+$0xFFFFFFF0];
	v3 =	vadd.f32 v2, v3  }
0x3f5: {  	v2 =	vld [tilespmem:s6+$0xFFFFEFF0]  }
0x3f6: {  	[tilespmem:s8+$0x0] =	vst v3  }
0x3f7: {  	v3 =	vld [tilespmem:s18+$0x1C000];
	_ =	sdelay $0x1  }
0x3f8: {  	v4 =	vld [tilespmem:s18+$0x1C010]  }
0x3f9: {  	v1 =	vadd.f32 v1, v2;
	_ =	sdelay $0x1  }
0x3fa: {  	v5 =	vld [tilespmem:s6+$0x0];
	v1 =	vmul.f32 v1, v3  }
0x3fb: {  	v2 =	vld [tilespmem:s6+$0xFFFFF000]  }
0x3fc: {  	v1 =	vadd.f32 v1, v4;
	_ =	sdelay $0x1  }
0x3fd: {  	[tilespmem:s6+$0xFFFFFFF0] =	vst v1  }
0x3fe: {  	v1 =	vld [tilespmem:s18+$0x1C020]  }
0x3ff: {  	v2 =	vadd.f32 v5, v2;
	_ =	sdelay $0x1  }
0x400: {  	v2 =	vmul.f32 v2, v3;
	_ =	sdelay $0x1  }
0x401: {  	s29 =	sld [smem:$0x7F6];
	v1 =	vadd.f32 v2, v1;
	_ =	sdelay $0x1  }
0x402: {  	s18 =	simm.s32 $0x11;
	[tilespmem:s6+$0x0] =	vst v1  }
0x403: {  	[spmem:s29] =	stream.linear.scatter [tilespmem:s21], [sflag:$0x11], $0x1000, $0x38;
	[tilespmem:$0x1E800] =	vst v63  }
0x404: {  	_ =	swait.ge [sflag:s18], $0x1000  }
0x405: {  	s8 =	sld [smem:$0x7F7]  }
0x406: {  	[sflag:s18] =	ssyncset.done $0x0  }
0x407: {  	[sflag:s18] =	ssyncadd.s32 $0xFFFFF000  }
0x408: {  	[spmem:s8] =	stream.linear.scatter [tilespmem:s25], [sflag:$0x11], $0x1000, $0x38;
	[tilespmem:$0x1E800] =	vst v63  }
0x409: {  	_ =	swait.ge [sflag:s18], $0x1000  }
0x40a: {  	s23 =	sld [smem:$0x7F9]  }
0x40b: {  	[sflag:s18] =	ssyncset.done $0x0  }
0x40c: {  	[sflag:s18] =	ssyncadd.s32 $0xFFFFF000  }
0x40d: {  	[tilespmem:s1], [sflag:$0x11] =	stream.linear.gather [spmem:s23], $0x1000, $0x38;
	[tilespmem:$0x1E800] =	vst v63  }
0x40e: {  	_ =	swait.ge [sflag:s18], $0x1000  }
0x40f: {  	s29 =	sld [smem:$0x7F8]  }
0x410: {  	[sflag:s18] =	ssyncset.done $0x0  }
0x411: {  	[sflag:s18] =	ssyncadd.s32 $0xFFFFF000  }
0x412: {  	[tilespmem:s21], [sflag:$0x11] =	stream.linear.gather [spmem:s29], $0x1000, $0x38;
	[tilespmem:$0x1E800] =	vst v63  }
0x413: {  	_ =	swait.ge [sflag:s18], $0x1000  }
0x414: {  	s8 =	simm.s32 $0x0;
	[sflag:s18] =	ssyncset.done $0x0  }
0x415: {  	s23 =	simm.s32 $0x1C000;
	s29 =	rddreg [dreg:$0x11];
	[sflag:s18] =	ssyncadd.s32 $0xFFFFF000  }
0x416: {  	[tilespmem:s23], [sflag:$0x11] =	stream.linear.gather [hbm4b:s29+s8], $0x1800, $0x38;
	[tilespmem:$0x1E800] =	vst v63  }
0x417: {  	_ =	swait.ge [sflag:s18], $0x1800  }
0x418: {  	[sflag:s18] =	ssyncset.done $0x0  }
0x419: {  	s8 =	simm.s32 $0x16010;
	[sflag:s18] =	ssyncadd.s32 $0xFFFFE800  }
0x41a: {  	v1 =	vld [tilespmem:s8+$0xFFFFFFF0]  }
0x41b: {  	v2 =	vld [tilespmem:s8+$0xFFFFEFF0]  }
0x41c: {  	s29 =	simm.s32 $0x0  }
0x41d: {  	v3 =	vld [tilespmem:s29+$0x1C000];
	_ =	sdelay $0x1  }
0x41e: {  	v4 =	vld [tilespmem:s29+$0x1C010]  }
0x41f: {  	v1 =	vadd.f32 v1, v2;
	_ =	sdelay $0x1  }
0x420: {  	v5 =	vld [tilespmem:s8+$0x0];
	v1 =	vmul.f32 v1, v3  }
0x421: {  	v2 =	vld [tilespmem:s8+$0xFFFFF000]  }
0x422: {  	v1 =	vadd.f32 v1, v4;
	_ =	sdelay $0x1  }
0x423: {  	[tilespmem:s8+$0xFFFFFFF0] =	vst v1  }
0x424: {  	v4 =	vld [tilespmem:s29+$0x1C020]  }
0x425: {  	v1 =	vadd.f32 v5, v2;
	_ =	sdelay $0x1  }
0x426: {  	v2 =	vmul.f32 v1, v3  }
0x427: {  	s6 =	simm.s32 $0x16030  }
0x428: {  	v1 =	vld [tilespmem:s6+$0xFFFFFFF0];
	v3 =	vadd.f32 v2, v4  }
0x429: {  	s23 =	simm.s32 $0x180;
	s18 =	simm.s32 $0x30;
	v2 =	vld [tilespmem:s6+$0xFFFFEFF0]  }
.LBB2_25:
0x42a: {  	s29 =	sshra.s32 s23, $0x2;
	p0 =	sne.s32 s23, $0x5F40;
	s23 =	sadd.s32 $0xC0, s23;
	v4 =	vld [tilespmem:s6+$0xFFFFF000];
	[tilespmem:s8+$0x0] =	vst v3  }
0x42b: {  	s8 =	smov.u32 s6;
	v3 =	vld [tilespmem:s18+$0x1C000]  }
0x42c: {  	v5 =	vld [tilespmem:s6+$0x0]  }
0x42d: {  	v6 =	vld [tilespmem:s18+$0x1C010]  }
0x42e: {  	v1 =	vadd.f32 v1, v2;
	_ =	sdelay $0x1  }
0x42f: {  	v1 =	vmul.f32 v1, v3  }
0x430: {  	v2 =	vadd.f32 v5, v4  }
0x431: {  	v1 =	vadd.f32 v1, v6  }
0x432: {  	v2 =	vmul.f32 v2, v3  }
0x433: {  	[tilespmem:s6+$0xFFFFFFF0] =	vst v1  }
0x434: {  	v3 =	vld [tilespmem:s18+$0x1C020];
	s18 =	smov.u32 s29;
	_ =	sdelay $0x1  }
.Ltmp11:
0x435: {  	(pc) =	sbr.rel @p0 .LBB2_25-.Ltmp11, $4  }
0x436: {  	_ = 	snop  }
0x437: {  	s6 =	sadd.s32 $0x20, s6  }
0x438: {  	v1 =	vld [tilespmem:s6+$0xFFFFFFF0];
	v3 =	vadd.f32 v2, v3  }
0x439: {  	v2 =	vld [tilespmem:s6+$0xFFFFEFF0]  }
0x43a: {  	[tilespmem:s8+$0x0] =	vst v3  }
0x43b: {  	v3 =	vld [tilespmem:s18+$0x1C000];
	_ =	sdelay $0x1  }
0x43c: {  	v4 =	vld [tilespmem:s18+$0x1C010]  }
0x43d: {  	v1 =	vadd.f32 v1, v2;
	_ =	sdelay $0x1  }
0x43e: {  	v5 =	vld [tilespmem:s6+$0x0];
	v1 =	vmul.f32 v1, v3  }
0x43f: {  	v2 =	vld [tilespmem:s6+$0xFFFFF000]  }
0x440: {  	v1 =	vadd.f32 v1, v4;
	_ =	sdelay $0x1  }
0x441: {  	[tilespmem:s6+$0xFFFFFFF0] =	vst v1  }
0x442: {  	v1 =	vld [tilespmem:s18+$0x1C020]  }
0x443: {  	v2 =	vadd.f32 v5, v2;
	_ =	sdelay $0x1  }
0x444: {  	v2 =	vmul.f32 v2, v3;
	_ =	sdelay $0x1  }
0x445: {  	s29 =	sld [smem:$0x7F8];
	v1 =	vadd.f32 v2, v1;
	_ =	sdelay $0x1  }
0x446: {  	s18 =	simm.s32 $0x11;
	[tilespmem:s6+$0x0] =	vst v1  }
0x447: {  	[spmem:s29] =	stream.linear.scatter [tilespmem:s21], [sflag:$0x11], $0x1000, $0x38;
	[tilespmem:$0x1E800] =	vst v63  }
0x448: {  	_ =	swait.ge [sflag:s18], $0x1000  }
0x449: {  	s8 =	sld [smem:$0x7F9]  }
0x44a: {  	[sflag:s18] =	ssyncset.done $0x0  }
0x44b: {  	[sflag:s18] =	ssyncadd.s32 $0xFFFFF000  }
0x44c: {  	[spmem:s8] =	stream.linear.scatter [tilespmem:s25], [sflag:$0x11], $0x1000, $0x38;
	[tilespmem:$0x1E800] =	vst v63  }
0x44d: {  	_ =	swait.ge [sflag:s18], $0x1000  }
0x44e: {  	s23 =	sld [smem:$0x7FB]  }
0x44f: {  	[sflag:s18] =	ssyncset.done $0x0  }
0x450: {  	[sflag:s18] =	ssyncadd.s32 $0xFFFFF000  }
0x451: {  	[tilespmem:s1], [sflag:$0x11] =	stream.linear.gather [spmem:s23], $0x1000, $0x38;
	[tilespmem:$0x1E800] =	vst v63  }
0x452: {  	_ =	swait.ge [sflag:s18], $0x1000  }
0x453: {  	s29 =	sld [smem:$0x7FA]  }
0x454: {  	[sflag:s18] =	ssyncset.done $0x0  }
0x455: {  	[sflag:s18] =	ssyncadd.s32 $0xFFFFF000  }
0x456: {  	[tilespmem:s21], [sflag:$0x11] =	stream.linear.gather [spmem:s29], $0x1000, $0x38;
	[tilespmem:$0x1E800] =	vst v63  }
0x457: {  	_ =	swait.ge [sflag:s18], $0x1000  }
0x458: {  	s8 =	simm.s32 $0x0;
	[sflag:s18] =	ssyncset.done $0x0  }
0x459: {  	s23 =	simm.s32 $0x1C000;
	s29 =	rddreg [dreg:$0x12];
	[sflag:s18] =	ssyncadd.s32 $0xFFFFF000  }
0x45a: {  	[tilespmem:s23], [sflag:$0x11] =	stream.linear.gather [hbm4b:s29+s8], $0x1800, $0x38;
	[tilespmem:$0x1E800] =	vst v63  }
0x45b: {  	_ =	swait.ge [sflag:s18], $0x1800  }
0x45c: {  	[sflag:s18] =	ssyncset.done $0x0  }
0x45d: {  	s8 =	simm.s32 $0x16010;
	[sflag:s18] =	ssyncadd.s32 $0xFFFFE800  }
0x45e: {  	v1 =	vld [tilespmem:s8+$0xFFFFFFF0]  }
0x45f: {  	v2 =	vld [tilespmem:s8+$0xFFFFEFF0]  }
0x460: {  	s29 =	simm.s32 $0x0  }
0x461: {  	v3 =	vld [tilespmem:s29+$0x1C000];
	_ =	sdelay $0x1  }
0x462: {  	v4 =	vld [tilespmem:s29+$0x1C010]  }
0x463: {  	v1 =	vadd.f32 v1, v2;
	_ =	sdelay $0x1  }
0x464: {  	v5 =	vld [tilespmem:s8+$0x0];
	v1 =	vmul.f32 v1, v3  }
0x465: {  	v2 =	vld [tilespmem:s8+$0xFFFFF000]  }
0x466: {  	v1 =	vadd.f32 v1, v4;
	_ =	sdelay $0x1  }
0x467: {  	[tilespmem:s8+$0xFFFFFFF0] =	vst v1  }
0x468: {  	v4 =	vld [tilespmem:s29+$0x1C020]  }
0x469: {  	v1 =	vadd.f32 v5, v2;
	_ =	sdelay $0x1  }
0x46a: {  	v2 =	vmul.f32 v1, v3  }
0x46b: {  	s6 =	simm.s32 $0x16030  }
0x46c: {  	v1 =	vld [tilespmem:s6+$0xFFFFFFF0];
	v3 =	vadd.f32 v2, v4  }
0x46d: {  	s23 =	simm.s32 $0x180;
	s18 =	simm.s32 $0x30;
	v2 =	vld [tilespmem:s6+$0xFFFFEFF0]  }
.LBB2_27:
0x46e: {  	s29 =	sshra.s32 s23, $0x2;
	p0 =	sne.s32 s23, $0x5F40;
	s23 =	sadd.s32 $0xC0, s23;
	v4 =	vld [tilespmem:s6+$0xFFFFF000];
	[tilespmem:s8+$0x0] =	vst v3  }
0x46f: {  	s8 =	smov.u32 s6;
	v3 =	vld [tilespmem:s18+$0x1C000]  }
0x470: {  	v5 =	vld [tilespmem:s6+$0x0]  }
0x471: {  	v6 =	vld [tilespmem:s18+$0x1C010]  }
0x472: {  	v1 =	vadd.f32 v1, v2;
	_ =	sdelay $0x1  }
0x473: {  	v1 =	vmul.f32 v1, v3  }
0x474: {  	v2 =	vadd.f32 v5, v4  }
0x475: {  	v1 =	vadd.f32 v1, v6  }
0x476: {  	v2 =	vmul.f32 v2, v3  }
0x477: {  	[tilespmem:s6+$0xFFFFFFF0] =	vst v1  }
0x478: {  	v3 =	vld [tilespmem:s18+$0x1C020];
	s18 =	smov.u32 s29;
	_ =	sdelay $0x1  }
.Ltmp12:
0x479: {  	(pc) =	sbr.rel @p0 .LBB2_27-.Ltmp12, $4  }
0x47a: {  	_ = 	snop  }
0x47b: {  	s6 =	sadd.s32 $0x20, s6  }
0x47c: {  	v1 =	vld [tilespmem:s6+$0xFFFFFFF0];
	v3 =	vadd.f32 v2, v3  }
0x47d: {  	v2 =	vld [tilespmem:s6+$0xFFFFEFF0]  }
0x47e: {  	[tilespmem:s8+$0x0] =	vst v3  }
0x47f: {  	v3 =	vld [tilespmem:s18+$0x1C000];
	_ =	sdelay $0x1  }
0x480: {  	v4 =	vld [tilespmem:s18+$0x1C010]  }
0x481: {  	v1 =	vadd.f32 v1, v2;
	_ =	sdelay $0x1  }
0x482: {  	v5 =	vld [tilespmem:s6+$0x0];
	v1 =	vmul.f32 v1, v3  }
0x483: {  	v2 =	vld [tilespmem:s6+$0xFFFFF000]  }
0x484: {  	v1 =	vadd.f32 v1, v4;
	_ =	sdelay $0x1  }
0x485: {  	[tilespmem:s6+$0xFFFFFFF0] =	vst v1  }
0x486: {  	v1 =	vld [tilespmem:s18+$0x1C020]  }
0x487: {  	v2 =	vadd.f32 v5, v2;
	_ =	sdelay $0x1  }
0x488: {  	v2 =	vmul.f32 v2, v3;
	_ =	sdelay $0x1  }
0x489: {  	s8 =	sld [smem:$0x7FA];
	v1 =	vadd.f32 v2, v1;
	_ =	sdelay $0x1  }
0x48a: {  	s23 =	simm.s32 $0x11;
	[tilespmem:s6+$0x0] =	vst v1  }
0x48b: {  	[spmem:s8] =	stream.linear.scatter [tilespmem:s21], [sflag:$0x11], $0x1000, $0x38;
	[tilespmem:$0x1E800] =	vst v63  }
0x48c: {  	_ =	swait.ge [sflag:s23], $0x1000  }
0x48d: {  	s18 =	sld [smem:$0x7FB]  }
0x48e: {  	[sflag:s23] =	ssyncset.done $0x0  }
0x48f: {  	[sflag:s23] =	ssyncadd.s32 $0xFFFFF000  }
0x490: {  	[spmem:s18] =	stream.linear.scatter [tilespmem:s25], [sflag:$0x11], $0x1000, $0x38;
	[tilespmem:$0x1E800] =	vst v63  }
0x491: {  	_ =	swait.ge [sflag:s23], $0x1000  }
0x492: {  	s29 =	sld [smem:$0x7F1];
	_ =	sdelay $0x2  }
0x493: {  	s29 =	sadd.s32 $0x1, s29  }
0x494: {  	p0 =	sne.s32 s29, $0xA  }
.Ltmp13:
0x495: {  	_ = 	snop;
	(pc) =	sbr.rel @p0 .LBB2_14-.Ltmp13, $3  }
0x496: {  	[sflag:s23] =	ssyncset.done $0x0  }
0x497: {  	[sflag:s23] =	ssyncadd.s32 $0xFFFFF000  }
0x498: {  	[bflag:$0x0] =	sbarrier.arrive $0xFFFF;
	_ =	sdelay $0x1  }
0x499: {  	s6 =	stileid.u32  }
0x49a: {  	s8 =	rddreg [dreg:$0x1f];
	s6 =	sshll.u32 s6, $0x6  }
0x49b: {  	s18 =	rddreg [dreg:$0x19];
	s8 =	sshrl.u32 s8, $0x3;
	s6 =	sor.u32 $0x1C11, s6  }
0x49c: {  	[hbm:s18], [sflag:s6] =	dma.local [spmem:s8], $0x200  }
0x49d: {  	_ =	swait.ge [sflag:s23], $0x200  }
0x49e: {  	s18 =	sld [smem:$0x7F4];
	_ =	sdelay $0x1  }
0x49f: {  	[sflag:s23] =	ssyncset.done $0x0  }
0x4a0: {  	s29 =	rddreg [dreg:$0x1a];
	[sflag:s23] =	ssyncadd.s32 $0xFFFFFE00;
	s8 =	sshrl.u32 s18, $0x3  }
0x4a1: {  	[hbm:s29], [sflag:s6] =	dma.local [spmem:s8], $0x200  }
0x4a2: {  	_ =	swait.ge [sflag:s23], $0x200  }
0x4a3: {  	s18 =	sld [smem:$0x7F6];
	_ =	sdelay $0x1  }
0x4a4: {  	[sflag:s23] =	ssyncset.done $0x0  }
0x4a5: {  	s29 =	rddreg [dreg:$0x1b];
	[sflag:s23] =	ssyncadd.s32 $0xFFFFFE00;
	s8 =	sshrl.u32 s18, $0x3  }
0x4a6: {  	[hbm:s29], [sflag:s6] =	dma.local [spmem:s8], $0x200  }
0x4a7: {  	_ =	swait.ge [sflag:s23], $0x200  }
0x4a8: {  	s18 =	sld [smem:$0x7F8];
	_ =	sdelay $0x1  }
0x4a9: {  	[sflag:s23] =	ssyncset.done $0x0  }
0x4aa: {  	s29 =	rddreg [dreg:$0x1c];
	[sflag:s23] =	ssyncadd.s32 $0xFFFFFE00;
	s8 =	sshrl.u32 s18, $0x3  }
0x4ab: {  	[hbm:s29], [sflag:s6] =	dma.local [spmem:s8], $0x200  }
0x4ac: {  	_ =	swait.ge [sflag:s23], $0x200  }
0x4ad: {  	s18 =	sld [smem:$0x7FA];
	_ =	sdelay $0x1  }
0x4ae: {  	[sflag:s23] =	ssyncset.done $0x0  }
0x4af: {  	s29 =	rddreg [dreg:$0x1d];
	[sflag:s23] =	ssyncadd.s32 $0xFFFFFE00;
	s8 =	sshrl.u32 s18, $0x3  }
0x4b0: {  	[hbm:s29], [sflag:s6] =	dma.local [spmem:s8], $0x200  }
0x4b1: {  	_ =	swait.ge [sflag:s23], $0x200  }
0x4b2: {  	s18 =	sld [smem:$0x7F2]  }
0x4b3: {  	s29 =	sld [smem:$0x7FC];
	_ =	sdelay $0x1  }
0x4b4: {  	s8 =	sadd.s32 $0x1, s18  }
0x4b5: {  	p0 =	sne.s32 s8, s29  }
.Ltmp14:
0x4b6: {  	_ = 	snop;
	(pc) =	sbr.rel @p0 .LBB2_1-.Ltmp14, $3  }
0x4b7: {  	_ =	sdelay $0x1  }
0x4b8: {  	[sflag:s23] =	ssyncset.done $0x0  }
0x4b9: {  	[sflag:s23] =	ssyncadd.s32 $0xFFFFFE00  }
0x4ba: {  	_ =	sfence.sel $0x180000  }
0x4bb: {  	[bflag:$0x0] =	sbarrier.arrive $0xFFFF  }
0x4bc: {  	_ =	strace $0x9000004A  }
0x4bd: {  	s0 =	stileid.u32;
	[bflag:$0x2] =	sbarrier.arrive $0xFFFF  }
0x4be: {  	p0 =	sne.s32 s0, $0x0;
	s0 =	rddreg [dreg:$0x4]  }
0x4bf: {  	s0 =	sadd.s32 @!p0 $0x100000, s0  }
0x4c0: {  	[sflag:s0] =	ssyncadd.tile.s32 @!p0 $0x1;
	_ =	shalt  }
.Lfunc_end2:
_tile_overlayer_lowered:
.L_overlay_start_2:
0x4c1: {  	(tag) =	ssettag $0x2  }
0x4c2: {  	s0 =	rddreg [dreg:$0x0];
	s2 =	stileid.u32  }
0x4c3: {  	s1 =	rddreg [dreg:$0x1];
	p0 =	sne.s32 s2, $0x0  }
0x4c4: {  	s3 =	rddreg [dreg:$0x2];
	[bflag:$0x3] =	sbarrier.arrive $0xFFFF;
	s2 =	simm.s32 @!p0 $0x1C11  }
0x4c5: {  	[timem:s3], [sflag:s2] =	dma.local @!p0 [hbm:s0], s1  }
0x4c6: {  	s0 =	simm.s32 @!p0 $0x11  }
0x4c7: {  	_ =	swait.ge @!p0 [sflag:s0], s1  }
0x4c8: {  	s1 =	ssub.s32 @!p0 $0x0, s1;
	[sflag:s0] =	ssyncset.done @!p0 $0x0  }
0x4c9: {  	[sflag:s0] =	ssyncadd.s32 @!p0 s1  }
0x4ca: {  	[bflag:$0x3] =	sbarrier.arrive $0xFFFF  }
0x4cb: {  	_ =	shalt  }

</sc_bundles>
